<compile_context>
chip_gen: v7x
topology: tpu7x:2x2x1
jax: 0.10.2.dev20260603
libtpu: 0.0.44.dev20260713+nightly
codegen_flags: <defaults>
</compile_context>

<pallas_src>
import functools

import jax
import jax.numpy as jnp
from jax import lax
from jax.experimental import pallas as pl
from jax.experimental.pallas import tpu as pltpu
from jax.experimental.pallas import tpu_sc as plsc

N = 50000
F = 770
K = 4096
E = 1600000

NC = 2
NS = 16
NW = NC * NS

NT = 3136
NPAD = NT * NS
VR = NT // 16

DMAX = 512
DVR = DMAX // 16

EW = 128
ER_W = 392
ER_TOT = ER_W * NW
EPAD = ER_TOT * EW
NH = NPAD + 16

KPW = K // NW

FA = 640
FB = 128
FT = 128
FOUT = 896

_mesh = plsc.VectorSubcoreMesh(core_axis_name="c", subcore_axis_name="s")
_params = pltpu.CompilerParams(needs_layout_passes=False)


_EPB = ER_TOT // 16 * EW


def _edge_prep_body(e_ref, t_ref):
    i = pl.program_id(0)
    v = jnp.reshape(e_ref[1, :], (ER_TOT // 16, EW)).astype(jnp.int32)
    base = i * _EPB
    flat = base + jax.lax.broadcasted_iota(jnp.int32, (ER_TOT // 16, EW), 0) * EW \
        + jax.lax.broadcasted_iota(jnp.int32, (ER_TOT // 16, EW), 1)
    t_ref[...] = jnp.where(flat < E, v, NPAD)


def _edge_prep(edge_index):
    return pl.pallas_call(
        _edge_prep_body,
        grid=(16,),
        in_specs=[pl.BlockSpec((2, _EPB), lambda i: (0, i))],
        out_specs=pl.BlockSpec((ER_TOT // 16, EW), lambda i: (i, 0)),
        out_shape=jax.ShapeDtypeStruct((ER_TOT, EW), jnp.int32),
    )(edge_index)


def _tail_prep_body(x_ref, o_ref):
    v = x_ref[...]
    col = jax.lax.broadcasted_iota(jnp.int32, v.shape, 1)
    o_ref[...] = jnp.where(col < F - FA - FB, v, 0.0)


def _tail_prep(x):
    rows = 5000
    return pl.pallas_call(
        _tail_prep_body,
        grid=(N // rows,),
        in_specs=[pl.BlockSpec((rows, FT), lambda i: (i, (FA + FB) // FT))],
        out_specs=pl.BlockSpec((rows, FT), lambda i: (i, 0)),
        out_shape=jax.ShapeDtypeStruct((N, FT), jnp.float32),
    )(x)


def _out_slice_body(p_ref, o_ref):
    o_ref[...] = p_ref[:, :F]


def _out_slice(padded):
    rows = 512
    return pl.pallas_call(
        _out_slice_body,
        grid=(K // rows,),
        in_specs=[pl.BlockSpec((rows, FOUT), lambda i: (i, 0))],
        out_specs=pl.BlockSpec((rows, F), lambda i: (i, 0)),
        out_shape=jax.ShapeDtypeStruct((K, F), jnp.float32),
    )(padded)



@functools.partial(
    pl.kernel,
    mesh=_mesh,
    out_type=jax.ShapeDtypeStruct((NC * NPAD,), jnp.float32),
    compiler_params=_params,
    scratch_types=[
        pltpu.VMEM((ER_W, EW), jnp.int32),
        pltpu.VMEM((EW,), jnp.float32),
        pltpu.VMEM((NT,), jnp.float32),
        pltpu.VMEM_SHARED((NH,), jnp.float32),
        pltpu.SemaphoreType.DMA,
    ],
)
def _bincount(t_hbm, part_hbm, rows_v, ones_v, zb_v, hist_sh, sem):
    c = lax.axis_index("c")
    s = lax.axis_index("s")
    w = c * NS + s

    ones16 = jnp.ones((16,), jnp.float32)
    zero16 = jnp.zeros((16,), jnp.float32)

    def _fill_ones(i, carry):
        ones_v[pl.ds(i * 16, 16)] = ones16
        return carry

    lax.fori_loop(0, EW // 16, _fill_ones, 0)

    def _fill_zeros(i, carry):
        zb_v[pl.ds(i * 16, 16)] = zero16
        return carry

    lax.fori_loop(0, NT // 16, _fill_zeros, 0)

    pltpu.sync_copy(zb_v, hist_sh.at[pl.ds(s * NT, NT)])

    @pl.when(s == 0)
    def _zero_tail():
        pltpu.sync_copy(zb_v.at[pl.ds(0, 16)], hist_sh.at[pl.ds(NPAD, 16)])

    plsc.subcore_barrier()

    pltpu.sync_copy(t_hbm.at[pl.ds(w * ER_W, ER_W)], rows_v)

    def _fire(j, carry):
        pltpu.async_copy(ones_v, hist_sh.at[rows_v.at[j]], sem, add=True)
        return carry

    lax.fori_loop(0, ER_W, _fire, 0)
    pltpu.make_async_copy(t_hbm.at[pl.ds(w * ER_W, ER_W)], rows_v, sem).wait()

    plsc.subcore_barrier()
    pltpu.sync_copy(hist_sh.at[pl.ds(s * NT, NT)], zb_v)
    pltpu.sync_copy(zb_v, part_hbm.at[pl.ds(c * NPAD + s * NT, NT)])



@functools.partial(
    pl.kernel,
    mesh=_mesh,
    out_type=jax.ShapeDtypeStruct((K, FOUT), jnp.float32),
    compiler_params=_params,
    scratch_types=[
        pltpu.VMEM((NT,), jnp.float32),
        pltpu.VMEM((NT,), jnp.float32),
        pltpu.VMEM((DMAX,), jnp.int32),
        pltpu.VMEM((DMAX,), jnp.int32),
        pltpu.VMEM((DMAX,), jnp.int32),
        pltpu.VMEM((DMAX,), jnp.int32),
        pltpu.VMEM((K,), jnp.int32),
        pltpu.VMEM((256,), jnp.int32),
        pltpu.VMEM((256,), jnp.int32),
        pltpu.VMEM((KPW,), jnp.int32),
        pltpu.VMEM((KPW, 128), jnp.float32),
        pltpu.VMEM((KPW, 128), jnp.float32),
        pltpu.VMEM_SHARED((NS, DMAX), jnp.int32),
        pltpu.VMEM_SHARED((NS, K), jnp.int32),
        pltpu.VMEM_SHARED((K,), jnp.int32),
        pltpu.SemaphoreType.DMA,
        pltpu.SemaphoreType.DMA,
    ],
)
def _select_gather(part_hbm, x_hbm, xt_hbm, out_hbm, p0_v, p1_v, hist_v,
                   row_v, pre_v, tot_v, sel_v, mrg_v, mrw_v, idx_v,
                   ga_v, gb_v, grid_sh, selgrid_sh, outsp_sh, sem, sem2):
    c = lax.axis_index("c")
    s = lax.axis_index("s")

    pltpu.sync_copy(part_hbm.at[pl.ds(s * NT, NT)], p0_v)
    pltpu.sync_copy(part_hbm.at[pl.ds(NPAD + s * NT, NT)], p1_v)

    zero16 = jnp.zeros((16,), jnp.int32)

    def _zero_hist(i, carry):
        hist_v[pl.ds(i * 16, 16)] = zero16
        pre_v[pl.ds(i * 16, 16)] = zero16
        tot_v[pl.ds(i * 16, 16)] = zero16
        return carry

    lax.fori_loop(0, DVR, _zero_hist, 0)

    cap = jnp.float32(DMAX - 1)

    def _hist(k, carry):
        d = p0_v[pl.ds(k * 16, 16)] + p1_v[pl.ds(k * 16, 16)]
        b = jnp.minimum(d, cap).astype(jnp.int32)
        cnt, last = plsc.scan_count(b)
        plsc.addupdate_scatter(hist_v, [b], cnt, mask=last)
        return carry

    lax.fori_loop(0, VR, _hist, 0)

    pltpu.sync_copy(hist_v, grid_sh.at[s])
    plsc.subcore_barrier()

    def _acc(s2, carry):
        pltpu.sync_copy(grid_sh.at[s2], row_v)
        wsel = jnp.where(s2 < s, jnp.int32(1), jnp.int32(0))

        def _acc_inner(i, carry2):
            r = row_v[pl.ds(i * 16, 16)]
            tot_v[pl.ds(i * 16, 16)] = tot_v[pl.ds(i * 16, 16)] + r
            pre_v[pl.ds(i * 16, 16)] = pre_v[pl.ds(i * 16, 16)] + r * wsel
            return carry2

        return lax.fori_loop(0, DVR, _acc_inner, carry)

    lax.fori_loop(0, NS, _acc, 0)

    def _suffix(i, carry):
        q = DVR - 1 - i
        t = tot_v[pl.ds(q * 16, 16)]
        cs = plsc.cumsum(t)
        total = jnp.sum(t)
        start = (carry + total) - cs
        tot_v[pl.ds(q * 16, 16)] = start + pre_v[pl.ds(q * 16, 16)]
        return carry + total

    lax.fori_loop(0, DVR, _suffix, jnp.int32(0))

    def _zero_sel(i, carry):
        sel_v[pl.ds(i * 16, 16)] = zero16
        return carry

    lax.fori_loop(0, K // 16, _zero_sel, 0)

    iota16 = lax.iota(jnp.int32, 16)

    def _scatter(k, carry):
        d = p0_v[pl.ds(k * 16, 16)] + p1_v[pl.ds(k * 16, 16)]
        b = jnp.minimum(d, cap).astype(jnp.int32)
        cnt, last = plsc.scan_count(b)
        base = plsc.load_gather(tot_v, [b])
        pos = base + cnt - 1
        node = s * NT + k * 16 + iota16
        selmask = pos < K
        posw = jnp.where(selmask, pos, 0)
        plsc.store_scatter(sel_v, [posw], node, mask=selmask)
        plsc.addupdate_scatter(tot_v, [b], cnt, mask=last)
        return carry

    lax.fori_loop(0, VR, _scatter, 0)

    pltpu.sync_copy(sel_v, selgrid_sh.at[s])
    plsc.subcore_barrier()

    def _zero_mrg(i, carry):
        mrg_v[pl.ds(i * 16, 16)] = zero16
        return carry

    lax.fori_loop(0, 256 // 16, _zero_mrg, 0)

    def _merge(s2, carry):
        pltpu.sync_copy(selgrid_sh.at[s2, pl.ds(s * 256, 256)], mrw_v)

        def _merge_inner(i, carry2):
            mrg_v[pl.ds(i * 16, 16)] = mrg_v[pl.ds(i * 16, 16)] + mrw_v[pl.ds(i * 16, 16)]
            return carry2

        return lax.fori_loop(0, 256 // 16, _merge_inner, carry)

    lax.fori_loop(0, NS, _merge, 0)

    pltpu.sync_copy(mrg_v, outsp_sh.at[pl.ds(s * 256, 256)])
    plsc.subcore_barrier()

    g0 = c * (NS * KPW) + s * KPW
    pltpu.sync_copy(outsp_sh.at[pl.ds(g0, KPW)], idx_v)
    bufs = (ga_v, gb_v)
    sems = (sem, sem2)
    nblk = FOUT // 128
    dprev = None
    for blk in range(nblk):
        i = blk % 2
        if blk < nblk - 1:
            src = x_hbm.at[:, pl.ds(blk * 128, 128)]
        else:
            src = xt_hbm
        d = pltpu.async_copy(src.at[idx_v], bufs[i], sems[i])
        if dprev is not None:
            dprev.wait()
            pltpu.sync_copy(bufs[1 - i],
                            out_hbm.at[pl.ds(g0, KPW), pl.ds((blk - 1) * 128, 128)])
        dprev = d
    dprev.wait()
    pltpu.sync_copy(bufs[(nblk - 1) % 2],
                    out_hbm.at[pl.ds(g0, KPW), pl.ds((nblk - 1) * 128, 128)])


def kernel(x, edge_index):
    t2d = _edge_prep(edge_index)
    xt = _tail_prep(x)
    part = _bincount(t2d)
    padded = _select_gather(part, x, xt)
    return _out_slice(padded)

# --- scband reference (transcript-rebuilt; emitter-appended) ---
"""Pipeline reference for scband-top-knodes-41016937677119 (READ-ONLY COPY).

The authoritative reference and input builder live on the scoring server;
editing this copy changes nothing except your own understanding.
"""

import jax, jax.numpy as jnp
import numpy as np

NUMBER_EXPECTED_FEATURES_INPUT = 770
K = 4096

def setup_inputs(seed: int = 0) -> dict:
    key = jax.random.key(seed)
    k1, k2 = jax.random.split(key)
    N = 50000
    E = 1600000
    x = jax.random.normal(k1, (N, NUMBER_EXPECTED_FEATURES_INPUT), dtype=jnp.float32)
    edge_index = jax.random.randint(k2, (2, E), 0, N, dtype=jnp.int64)
    return {"x": x, "edge_index": edge_index}

def reference(x, edge_index):
    N = x.shape[0]
    kk = min(K, N)
    node_to = edge_index[1]
    # degree(node_to, N, dtype=x.dtype): scatter-add of ones
    deg = jnp.zeros((N,), dtype=x.dtype).at[node_to].add(jnp.ones((node_to.shape[0],), dtype=x.dtype))
    _, indices = jax.lax.top_k(deg, kk)
    padding = jnp.zeros((max(K - N, 0), NUMBER_EXPECTED_FEATURES_INPUT), dtype=x.dtype)
    return jnp.concatenate((jnp.take(x, indices, axis=0), padding), axis=0)

if __name__ == "__main__":
    import jax
    _d = setup_inputs()
    print(jax.jit(kernel)(*tuple(_d.values())))

</pallas_src>

<mosaic_0001>
#map = affine_map<(d0, d1) -> (0, 0)>
#map1 = affine_map<(d0, d1) -> (0)>
module attributes {stable_mosaic.version = 14 : i64} {
  func.func @_bincount(%arg0: i32, %arg1: i32, %arg2: memref<12544x128xi32, #tpu.memory_space<hbm>>, %arg3: memref<100352xf32, #tpu.memory_space<hbm>>, %arg4: memref<392x128xi32, #tpu.memory_space<vmem>>, %arg5: memref<128xf32, #tpu.memory_space<vmem>>, %arg6: memref<3136xf32, #tpu.memory_space<vmem>>, %arg7: memref<50192xf32, #tpu.memory_space<vmem_shared>>, %arg8: memref<!tpu.dma_semaphore, #tpu.memory_space<semaphore_mem>>) attributes {dimension_semantics = [#tpu.dimension_semantics<core_parallel>, #tpu.dimension_semantics<subcore_parallel>], iteration_bounds = array<i64: 2, 16>, scalar_prefetch = 0 : i64, scratch_operands = 5 : i64, tpu.core_type = #tpu.core_type<sc_vector_subcore>, window_params = [{transform_indices = #map}, {transform_indices = #map1}]} {
    %mul3A = arith.constant 16 : i32
    %mul3A_0 = arith.muli %arg0, %mul3A : i32
    %add3A = arith.addi %mul3A_0, %arg1 : i32
    %broadcast_in_dim3A = arith.constant 1.000000e+00 : f32
    %broadcast_in_dim3A_1 = vector.broadcast %broadcast_in_dim3A : f32 to vector<16xf32>
    %broadcast_in_dim3A_2 = arith.constant 0.000000e+00 : f32
    %broadcast_in_dim3A_3 = vector.broadcast %broadcast_in_dim3A_2 : f32 to vector<16xf32>
    %scan3A = arith.constant 0 : i32
    %scan3A_4 = arith.constant 0 : i32
    %scan3A_5 = arith.constant 8 : i32
    %scan3A_6 = arith.addi %scan3A_4, %scan3A_5 : i32
    %scan3A_7 = arith.constant 1 : i32
    scf.for %scan3A_40 = %scan3A_4 to %scan3A_6 step %scan3A_7  : i32 {
      %mul3A_41 = arith.constant 16 : i32
      %mul3A_42 = arith.muli %scan3A_40, %mul3A_41 : i32
      %swap3A = arith.index_cast %mul3A_42 : i32 to index
      %swap3A_43 = tpu.vector_load %arg5[%swap3A] {strides = array<i32>} : memref<128xf32, #tpu.memory_space<vmem>>, vector<16xf32>,
      tpu.vector_store %arg5[%swap3A], %broadcast_in_dim3A_1 {strides = array<i32>} : memref<128xf32, #tpu.memory_space<vmem>>, vector<16xf32>,
    }
    %scan3A_8 = arith.constant 8 : i32
    %scan3A_9 = arith.constant 0 : i32
    %scan3A_10 = arith.constant 0 : i32
    %scan3A_11 = arith.constant 196 : i32
    %scan3A_12 = arith.addi %scan3A_10, %scan3A_11 : i32
    %scan3A_13 = arith.constant 1 : i32
    scf.for %scan3A_40 = %scan3A_10 to %scan3A_12 step %scan3A_13  : i32 {
      %mul3A_41 = arith.constant 16 : i32
      %mul3A_42 = arith.muli %scan3A_40, %mul3A_41 : i32
      %swap3A = arith.index_cast %mul3A_42 : i32 to index
      %swap3A_43 = tpu.vector_load %arg6[%swap3A] {strides = array<i32>} : memref<3136xf32, #tpu.memory_space<vmem>>, vector<16xf32>,
      tpu.vector_store %arg6[%swap3A], %broadcast_in_dim3A_3 {strides = array<i32>} : memref<3136xf32, #tpu.memory_space<vmem>>, vector<16xf32>,
    }
    %scan3A_14 = arith.constant 196 : i32
    %mul3A_15 = arith.constant 3136 : i32
    %mul3A_16 = arith.muli %arg1, %mul3A_15 : i32
    "tpu.region"() ({
      %run_scoped3A = tpu.sem_alloc : memref<!tpu.dma_semaphore, #tpu.memory_space<semaphore_mem>>
      %dma_start3A = tpu.memref_slice %arg7[%mul3A_16] : memref<50192xf32, #tpu.memory_space<vmem_shared>> -> memref<3136xf32, #tpu.memory_space<vmem_shared>>
      %dma_start3A_40 = tpu.memref_slice %arg7[%mul3A_16] : memref<50192xf32, #tpu.memory_space<vmem_shared>> -> memref<3136xf32, #tpu.memory_space<vmem_shared>>
      tpu.enqueue_dma source(%arg6 : memref<3136xf32, #tpu.memory_space<vmem>>) target(%dma_start3A_40 : memref<3136xf32, #tpu.memory_space<vmem_shared>>) target_semaphore(%run_scoped3A : memref<!tpu.dma_semaphore, #tpu.memory_space<semaphore_mem>>)
      %dma_wait3A_41 = tpu.memref_slice %arg7[%mul3A_16] : memref<50192xf32, #tpu.memory_space<vmem_shared>> -> memref<3136xf32, #tpu.memory_space<vmem_shared>>
      %dma_wait3A_42 = tpu.memref_slice %arg7[%mul3A_16] : memref<50192xf32, #tpu.memory_space<vmem_shared>> -> memref<3136xf32, #tpu.memory_space<vmem_shared>>
      tpu.wait_dma2 semaphore(%run_scoped3A : memref<!tpu.dma_semaphore, #tpu.memory_space<semaphore_mem>>) src(%arg6 : memref<3136xf32, #tpu.memory_space<vmem>>) dst(%dma_wait3A_42 : memref<3136xf32, #tpu.memory_space<vmem_shared>>)
      tpu.yield
    }) : () -> ()
    %eq3A = arith.constant 0 : i32
    %eq3A_17 = arith.cmpi eq, %arg1, %eq3A : i32
    %convert_element_type3A = arith.extui %eq3A_17 : i1 to i32
    %cond3A = arith.constant 0 : i32
    %cond3A_18 = arith.cmpi ne, %convert_element_type3A, %cond3A : i32
    scf.if %cond3A_18 {
      "tpu.region"() ({
        %run_scoped3A = tpu.sem_alloc : memref<!tpu.dma_semaphore, #tpu.memory_space<semaphore_mem>>
        %dma_start3A = arith.constant 0 : i32
        %dma_start3A_40 = tpu.memref_slice %arg6[%dma_start3A] : memref<3136xf32, #tpu.memory_space<vmem>> -> memref<16xf32, #tpu.memory_space<vmem>>
        %dma_start3A_41 = arith.constant 50176 : i32
        %dma_start3A_42 = tpu.memref_slice %arg7[%dma_start3A_41] : memref<50192xf32, #tpu.memory_space<vmem_shared>> -> memref<16xf32, #tpu.memory_space<vmem_shared>>
        %dma_start3A_43 = arith.constant 50176 : i32
        %dma_start3A_44 = tpu.memref_slice %arg7[%dma_start3A_43] : memref<50192xf32, #tpu.memory_space<vmem_shared>> -> memref<16xf32, #tpu.memory_space<vmem_shared>>
        %dma_start3A_45 = arith.constant 0 : i32
        %dma_start3A_46 = tpu.memref_slice %arg6[%dma_start3A_45] : memref<3136xf32, #tpu.memory_space<vmem>> -> memref<16xf32, #tpu.memory_space<vmem>>
        tpu.enqueue_dma source(%dma_start3A_46 : memref<16xf32, #tpu.memory_space<vmem>>) target(%dma_start3A_44 : memref<16xf32, #tpu.memory_space<vmem_shared>>) target_semaphore(%run_scoped3A : memref<!tpu.dma_semaphore, #tpu.memory_space<semaphore_mem>>)
        %dma_wait3A_47 = arith.constant 0 : i32
        %dma_wait3A_48 = tpu.memref_slice %arg6[%dma_wait3A_47] : memref<3136xf32, #tpu.memory_space<vmem>> -> memref<16xf32, #tpu.memory_space<vmem>>
        %dma_wait3A_49 = arith.constant 50176 : i32
        %dma_wait3A_50 = tpu.memref_slice %arg7[%dma_wait3A_49] : memref<50192xf32, #tpu.memory_space<vmem_shared>> -> memref<16xf32, #tpu.memory_space<vmem_shared>>
        %dma_wait3A_51 = arith.constant 50176 : i32
        %dma_wait3A_52 = tpu.memref_slice %arg7[%dma_wait3A_51] : memref<50192xf32, #tpu.memory_space<vmem_shared>> -> memref<16xf32, #tpu.memory_space<vmem_shared>>
        %dma_wait3A_53 = arith.constant 0 : i32
        %dma_wait3A_54 = tpu.memref_slice %arg6[%dma_wait3A_53] : memref<3136xf32, #tpu.memory_space<vmem>> -> memref<16xf32, #tpu.memory_space<vmem>>
        tpu.wait_dma2 semaphore(%run_scoped3A : memref<!tpu.dma_semaphore, #tpu.memory_space<semaphore_mem>>) src(%dma_wait3A_54 : memref<16xf32, #tpu.memory_space<vmem>>) dst(%dma_wait3A_52 : memref<16xf32, #tpu.memory_space<vmem_shared>>)
        tpu.yield
      }) : () -> ()
    } else {
    }
    %barrier3A = arith.constant 0 : index
    tpu.barrier barrier_id(%barrier3A)
    %mul3A_19 = arith.constant 392 : i32
    %mul3A_20 = arith.muli %add3A, %mul3A_19 : i32
    "tpu.region"() ({
      %run_scoped3A = tpu.sem_alloc : memref<!tpu.dma_semaphore, #tpu.memory_space<semaphore_mem>>
      %dma_start3A = arith.constant 0 : i32
      %dma_start3A_40 = tpu.memref_slice %arg2[%mul3A_20, %dma_start3A] : memref<12544x128xi32, #tpu.memory_space<hbm>> -> memref<392x128xi32, #tpu.memory_space<hbm>>
      %dma_start3A_41 = arith.constant 0 : i32
      %dma_start3A_42 = tpu.memref_slice %arg2[%mul3A_20, %dma_start3A_41] : memref<12544x128xi32, #tpu.memory_space<hbm>> -> memref<392x128xi32, #tpu.memory_space<hbm>>
      tpu.enqueue_dma source(%dma_start3A_42 : memref<392x128xi32, #tpu.memory_space<hbm>>) target(%arg4 : memref<392x128xi32, #tpu.memory_space<vmem>>) target_semaphore(%run_scoped3A : memref<!tpu.dma_semaphore, #tpu.memory_space<semaphore_mem>>)
      %dma_wait3A_43 = arith.constant 0 : i32
      %dma_wait3A_44 = tpu.memref_slice %arg2[%mul3A_20, %dma_wait3A_43] : memref<12544x128xi32, #tpu.memory_space<hbm>> -> memref<392x128xi32, #tpu.memory_space<hbm>>
      %dma_wait3A_45 = arith.constant 0 : i32
      %dma_wait3A_46 = tpu.memref_slice %arg2[%mul3A_20, %dma_wait3A_45] : memref<12544x128xi32, #tpu.memory_space<hbm>> -> memref<392x128xi32, #tpu.memory_space<hbm>>
      tpu.wait_dma2 semaphore(%run_scoped3A : memref<!tpu.dma_semaphore, #tpu.memory_space<semaphore_mem>>) src(%dma_wait3A_46 : memref<392x128xi32, #tpu.memory_space<hbm>>) dst(%arg4 : memref<392x128xi32, #tpu.memory_space<vmem>>)
      tpu.yield
    }) : () -> ()
    %scan3A_21 = arith.constant 0 : i32
    %scan3A_22 = arith.constant 0 : i32
    %scan3A_23 = arith.constant 392 : i32
    %scan3A_24 = arith.addi %scan3A_22, %scan3A_23 : i32
    %scan3A_25 = arith.constant 1 : i32
    scf.for %scan3A_40 = %scan3A_22 to %scan3A_24 step %scan3A_25  : i32 {
      %dma_start3A = arith.constant 0 : i32
      %dma_start3A_41 = tpu.memref_slice %arg4[%scan3A_40, %dma_start3A] : memref<392x128xi32, #tpu.memory_space<vmem>> -> memref<1x128xi32, #tpu.memory_space<vmem>>
      %dma_start3A_42 = tpu.memref_squeeze %dma_start3A_41 : memref<1x128xi32, #tpu.memory_space<vmem>> -> memref<128xi32, #tpu.memory_space<vmem>>
      %dma_start3A_43 = arith.constant 0 : i32
      %dma_start3A_44 = tpu.memref_slice %arg7[%dma_start3A_43] : memref<50192xf32, #tpu.memory_space<vmem_shared>> -> memref<50192xf32, #tpu.memory_space<vmem_shared>>
      tpu.enqueue_indirect_dma source(%arg5 : memref<128xf32, #tpu.memory_space<vmem>>) target(%dma_start3A_44 : memref<50192xf32, #tpu.memory_space<vmem_shared>>) offsets(%dma_start3A_42 : memref<128xi32, #tpu.memory_space<vmem>>) semaphore(%arg8 : memref<!tpu.dma_semaphore, #tpu.memory_space<semaphore_mem>>) {add = true}
    }
    %scan3A_26 = arith.constant 392 : i32
    %mul3A_27 = arith.constant 392 : i32
    %mul3A_28 = arith.muli %add3A, %mul3A_27 : i32
    %dma_wait3A = arith.constant 0 : i32
    %dma_wait3A_29 = tpu.memref_slice %arg2[%mul3A_28, %dma_wait3A] : memref<12544x128xi32, #tpu.memory_space<hbm>> -> memref<392x128xi32, #tpu.memory_space<hbm>>
    %dma_wait3A_30 = arith.constant 0 : i32
    %dma_wait3A_31 = tpu.memref_slice %arg2[%mul3A_28, %dma_wait3A_30] : memref<12544x128xi32, #tpu.memory_space<hbm>> -> memref<392x128xi32, #tpu.memory_space<hbm>>
    tpu.wait_dma2 semaphore(%arg8 : memref<!tpu.dma_semaphore, #tpu.memory_space<semaphore_mem>>) src(%dma_wait3A_31 : memref<392x128xi32, #tpu.memory_space<hbm>>) dst(%arg4 : memref<392x128xi32, #tpu.memory_space<vmem>>)
    %barrier3A_32 = arith.constant 0 : index
    tpu.barrier barrier_id(%barrier3A_32)
    %mul3A_33 = arith.constant 3136 : i32
    %mul3A_34 = arith.muli %arg1, %mul3A_33 : i32
    "tpu.region"() ({
      %run_scoped3A = tpu.sem_alloc : memref<!tpu.dma_semaphore, #tpu.memory_space<semaphore_mem>>
      %dma_start3A = tpu.memref_slice %arg7[%mul3A_34] : memref<50192xf32, #tpu.memory_space<vmem_shared>> -> memref<3136xf32, #tpu.memory_space<vmem_shared>>
      %dma_start3A_40 = tpu.memref_slice %arg7[%mul3A_34] : memref<50192xf32, #tpu.memory_space<vmem_shared>> -> memref<3136xf32, #tpu.memory_space<vmem_shared>>
      tpu.enqueue_dma source(%dma_start3A_40 : memref<3136xf32, #tpu.memory_space<vmem_shared>>) target(%arg6 : memref<3136xf32, #tpu.memory_space<vmem>>) target_semaphore(%run_scoped3A : memref<!tpu.dma_semaphore, #tpu.memory_space<semaphore_mem>>)
      %dma_wait3A_41 = tpu.memref_slice %arg7[%mul3A_34] : memref<50192xf32, #tpu.memory_space<vmem_shared>> -> memref<3136xf32, #tpu.memory_space<vmem_shared>>
      %dma_wait3A_42 = tpu.memref_slice %arg7[%mul3A_34] : memref<50192xf32, #tpu.memory_space<vmem_shared>> -> memref<3136xf32, #tpu.memory_space<vmem_shared>>
      tpu.wait_dma2 semaphore(%run_scoped3A : memref<!tpu.dma_semaphore, #tpu.memory_space<semaphore_mem>>) src(%dma_wait3A_42 : memref<3136xf32, #tpu.memory_space<vmem_shared>>) dst(%arg6 : memref<3136xf32, #tpu.memory_space<vmem>>)
      tpu.yield
    }) : () -> ()
    %mul3A_35 = arith.constant 50176 : i32
    %mul3A_36 = arith.muli %arg0, %mul3A_35 : i32
    %mul3A_37 = arith.constant 3136 : i32
    %mul3A_38 = arith.muli %arg1, %mul3A_37 : i32
    %add3A_39 = arith.addi %mul3A_36, %mul3A_38 : i32
    "tpu.region"() ({
      %run_scoped3A = tpu.sem_alloc : memref<!tpu.dma_semaphore, #tpu.memory_space<semaphore_mem>>
      %dma_start3A = tpu.memref_slice %arg3[%add3A_39] : memref<100352xf32, #tpu.memory_space<hbm>> -> memref<3136xf32, #tpu.memory_space<hbm>>
      %dma_start3A_40 = tpu.memref_slice %arg3[%add3A_39] : memref<100352xf32, #tpu.memory_space<hbm>> -> memref<3136xf32, #tpu.memory_space<hbm>>
      tpu.enqueue_dma source(%arg6 : memref<3136xf32, #tpu.memory_space<vmem>>) target(%dma_start3A_40 : memref<3136xf32, #tpu.memory_space<hbm>>) target_semaphore(%run_scoped3A : memref<!tpu.dma_semaphore, #tpu.memory_space<semaphore_mem>>)
      %dma_wait3A_41 = tpu.memref_slice %arg3[%add3A_39] : memref<100352xf32, #tpu.memory_space<hbm>> -> memref<3136xf32, #tpu.memory_space<hbm>>
      %dma_wait3A_42 = tpu.memref_slice %arg3[%add3A_39] : memref<100352xf32, #tpu.memory_space<hbm>> -> memref<3136xf32, #tpu.memory_space<hbm>>
      tpu.wait_dma2 semaphore(%run_scoped3A : memref<!tpu.dma_semaphore, #tpu.memory_space<semaphore_mem>>) src(%arg6 : memref<3136xf32, #tpu.memory_space<vmem>>) dst(%dma_wait3A_42 : memref<3136xf32, #tpu.memory_space<hbm>>)
      tpu.yield
    }) : () -> ()
    return
  }
}

#map = affine_map<(d0, d1) -> (0)>
#map1 = affine_map<(d0, d1) -> (0, 0)>
module attributes {stable_mosaic.version = 14 : i64} {
  func.func @_select_gather(%arg0: i32, %arg1: i32, %arg2: memref<100352xf32, #tpu.memory_space<hbm>>, %arg3: memref<50000x770xf32, #tpu.memory_space<hbm>>, %arg4: memref<50000x128xf32, #tpu.memory_space<hbm>>, %arg5: memref<4096x896xf32, #tpu.memory_space<hbm>>, %arg6: memref<3136xf32, #tpu.memory_space<vmem>>, %arg7: memref<3136xf32, #tpu.memory_space<vmem>>, %arg8: memref<512xi32, #tpu.memory_space<vmem>>, %arg9: memref<512xi32, #tpu.memory_space<vmem>>, %arg10: memref<512xi32, #tpu.memory_space<vmem>>, %arg11: memref<512xi32, #tpu.memory_space<vmem>>, %arg12: memref<4096xi32, #tpu.memory_space<vmem>>, %arg13: memref<256xi32, #tpu.memory_space<vmem>>, %arg14: memref<256xi32, #tpu.memory_space<vmem>>, %arg15: memref<128xi32, #tpu.memory_space<vmem>>, %arg16: memref<128x128xf32, #tpu.memory_space<vmem>>, %arg17: memref<128x128xf32, #tpu.memory_space<vmem>>, %arg18: memref<16x512xi32, #tpu.memory_space<vmem_shared>>, %arg19: memref<16x4096xi32, #tpu.memory_space<vmem_shared>>, %arg20: memref<4096xi32, #tpu.memory_space<vmem_shared>>, %arg21: memref<!tpu.dma_semaphore, #tpu.memory_space<semaphore_mem>>, %arg22: memref<!tpu.dma_semaphore, #tpu.memory_space<semaphore_mem>>) attributes {dimension_semantics = [#tpu.dimension_semantics<core_parallel>, #tpu.dimension_semantics<subcore_parallel>], iteration_bounds = array<i64: 2, 16>, scalar_prefetch = 0 : i64, scratch_operands = 17 : i64, tpu.core_type = #tpu.core_type<sc_vector_subcore>, window_params = [{transform_indices = #map}, {transform_indices = #map1}, {transform_indices = #map1}, {transform_indices = #map1}]} {
    %mul3A = arith.constant 3136 : i32
    %mul3A_0 = arith.muli %arg1, %mul3A : i32
    "tpu.region"() ({
      %run_scoped3A = tpu.sem_alloc : memref<!tpu.dma_semaphore, #tpu.memory_space<semaphore_mem>>
      %dma_start3A_140 = tpu.memref_slice %arg2[%mul3A_0] : memref<100352xf32, #tpu.memory_space<hbm>> -> memref<3136xf32, #tpu.memory_space<hbm>>
      %dma_start3A_141 = tpu.memref_slice %arg2[%mul3A_0] : memref<100352xf32, #tpu.memory_space<hbm>> -> memref<3136xf32, #tpu.memory_space<hbm>>
      tpu.enqueue_dma source(%dma_start3A_141 : memref<3136xf32, #tpu.memory_space<hbm>>) target(%arg6 : memref<3136xf32, #tpu.memory_space<vmem>>) target_semaphore(%run_scoped3A : memref<!tpu.dma_semaphore, #tpu.memory_space<semaphore_mem>>)
      %dma_wait3A_142 = tpu.memref_slice %arg2[%mul3A_0] : memref<100352xf32, #tpu.memory_space<hbm>> -> memref<3136xf32, #tpu.memory_space<hbm>>
      %dma_wait3A_143 = tpu.memref_slice %arg2[%mul3A_0] : memref<100352xf32, #tpu.memory_space<hbm>> -> memref<3136xf32, #tpu.memory_space<hbm>>
      tpu.wait_dma2 semaphore(%run_scoped3A : memref<!tpu.dma_semaphore, #tpu.memory_space<semaphore_mem>>) src(%dma_wait3A_143 : memref<3136xf32, #tpu.memory_space<hbm>>) dst(%arg6 : memref<3136xf32, #tpu.memory_space<vmem>>)
      tpu.yield
    }) : () -> ()
    %mul3A_1 = arith.constant 3136 : i32
    %mul3A_2 = arith.muli %arg1, %mul3A_1 : i32
    %add3A = arith.constant 50176 : i32
    %add3A_3 = arith.addi %add3A, %mul3A_2 : i32
    "tpu.region"() ({
      %run_scoped3A = tpu.sem_alloc : memref<!tpu.dma_semaphore, #tpu.memory_space<semaphore_mem>>
      %dma_start3A_140 = tpu.memref_slice %arg2[%add3A_3] : memref<100352xf32, #tpu.memory_space<hbm>> -> memref<3136xf32, #tpu.memory_space<hbm>>
      %dma_start3A_141 = tpu.memref_slice %arg2[%add3A_3] : memref<100352xf32, #tpu.memory_space<hbm>> -> memref<3136xf32, #tpu.memory_space<hbm>>
      tpu.enqueue_dma source(%dma_start3A_141 : memref<3136xf32, #tpu.memory_space<hbm>>) target(%arg7 : memref<3136xf32, #tpu.memory_space<vmem>>) target_semaphore(%run_scoped3A : memref<!tpu.dma_semaphore, #tpu.memory_space<semaphore_mem>>)
      %dma_wait3A_142 = tpu.memref_slice %arg2[%add3A_3] : memref<100352xf32, #tpu.memory_space<hbm>> -> memref<3136xf32, #tpu.memory_space<hbm>>
      %dma_wait3A_143 = tpu.memref_slice %arg2[%add3A_3] : memref<100352xf32, #tpu.memory_space<hbm>> -> memref<3136xf32, #tpu.memory_space<hbm>>
      tpu.wait_dma2 semaphore(%run_scoped3A : memref<!tpu.dma_semaphore, #tpu.memory_space<semaphore_mem>>) src(%dma_wait3A_143 : memref<3136xf32, #tpu.memory_space<hbm>>) dst(%arg7 : memref<3136xf32, #tpu.memory_space<vmem>>)
      tpu.yield
    }) : () -> ()
    %broadcast_in_dim3A = arith.constant 0 : i32
    %broadcast_in_dim3A_4 = vector.broadcast %broadcast_in_dim3A : i32 to vector<16xi32>
    %scan3A = arith.constant 0 : i32
    %scan3A_5 = arith.constant 0 : i32
    %scan3A_6 = arith.constant 32 : i32
    %scan3A_7 = arith.addi %scan3A_5, %scan3A_6 : i32
    %scan3A_8 = arith.constant 1 : i32
    scf.for %scan3A_140 = %scan3A_5 to %scan3A_7 step %scan3A_8  : i32 {
      %mul3A_141 = arith.constant 16 : i32
      %mul3A_142 = arith.muli %scan3A_140, %mul3A_141 : i32
      %swap3A = arith.index_cast %mul3A_142 : i32 to index
      %swap3A_143 = tpu.vector_load %arg8[%swap3A] {strides = array<i32>} : memref<512xi32, #tpu.memory_space<vmem>>, vector<16xi32>,
      tpu.vector_store %arg8[%swap3A], %broadcast_in_dim3A_4 {strides = array<i32>} : memref<512xi32, #tpu.memory_space<vmem>>, vector<16xi32>,
      %mul3A_144 = arith.constant 16 : i32
      %mul3A_145 = arith.muli %scan3A_140, %mul3A_144 : i32
      %swap3A_146 = arith.index_cast %mul3A_145 : i32 to index
      %swap3A_147 = tpu.vector_load %arg10[%swap3A_146] {strides = array<i32>} : memref<512xi32, #tpu.memory_space<vmem>>, vector<16xi32>,
      tpu.vector_store %arg10[%swap3A_146], %broadcast_in_dim3A_4 {strides = array<i32>} : memref<512xi32, #tpu.memory_space<vmem>>, vector<16xi32>,
      %mul3A_148 = arith.constant 16 : i32
      %mul3A_149 = arith.muli %scan3A_140, %mul3A_148 : i32
      %swap3A_150 = arith.index_cast %mul3A_149 : i32 to index
      %swap3A_151 = tpu.vector_load %arg11[%swap3A_150] {strides = array<i32>} : memref<512xi32, #tpu.memory_space<vmem>>, vector<16xi32>,
      tpu.vector_store %arg11[%swap3A_150], %broadcast_in_dim3A_4 {strides = array<i32>} : memref<512xi32, #tpu.memory_space<vmem>>, vector<16xi32>,
    }
    %scan3A_9 = arith.constant 32 : i32
    %scan3A_10 = arith.constant 0 : i32
    %scan3A_11 = arith.constant 5.110000e+02 : f32
    %scan3A_12 = arith.constant 0 : i32
    %scan3A_13 = arith.constant 196 : i32
    %scan3A_14 = arith.addi %scan3A_12, %scan3A_13 : i32
    %scan3A_15 = arith.constant 1 : i32
    scf.for %scan3A_140 = %scan3A_12 to %scan3A_14 step %scan3A_15  : i32 {
      %mul3A_141 = arith.constant 16 : i32
      %mul3A_142 = arith.muli %scan3A_140, %mul3A_141 : i32
      %get3A = arith.index_cast %mul3A_142 : i32 to index
      %get3A_143 = tpu.vector_load %arg6[%get3A] {strides = array<i32>} : memref<3136xf32, #tpu.memory_space<vmem>>, vector<16xf32>,
      %mul3A_144 = arith.constant 16 : i32
      %mul3A_145 = arith.muli %scan3A_140, %mul3A_144 : i32
      %get3A_146 = arith.index_cast %mul3A_145 : i32 to index
      %get3A_147 = tpu.vector_load %arg7[%get3A_146] {strides = array<i32>} : memref<3136xf32, #tpu.memory_space<vmem>>, vector<16xf32>,
      %add3A_148 = arith.addf %get3A_143, %get3A_147 : vector<16xf32>
      %min3A = vector.broadcast %scan3A_11 : f32 to vector<16xf32>
      %min3A_149 = arith.minimumf %add3A_148, %min3A : vector<16xf32>
      %convert_element_type3A = arith.fptosi %min3A_149 : vector<16xf32> to vector<16xi32>
      %broadcast_in_dim3A_150 = arith.constant true
      %broadcast_in_dim3A_151 = vector.broadcast %broadcast_in_dim3A_150 : i1 to vector<16xi1>
      %unique3A, %unique3A_152 = tpu.scan_count mask(%broadcast_in_dim3A_151 : vector<16xi1>) value(%convert_element_type3A : vector<16xi32>) : vector<16xi1>, vector<16xi32>
      tpu.vector_store_idx %arg8[%convert_element_type3A], %unique3A_152 masked %unique3A {add = true} : memref<512xi32, #tpu.memory_space<vmem>>[vector<16xi32>], vector<16xi32>, vector<16xi1>
    }
    %scan3A_16 = arith.constant 196 : i32
    "tpu.region"() ({
      %run_scoped3A = tpu.sem_alloc : memref<!tpu.dma_semaphore, #tpu.memory_space<semaphore_mem>>
      %dma_start3A_140 = arith.constant 0 : i32
      %dma_start3A_141 = tpu.memref_slice %arg18[%arg1, %dma_start3A_140] : memref<16x512xi32, #tpu.memory_space<vmem_shared>> -> memref<1x512xi32, #tpu.memory_space<vmem_shared>>
      %dma_start3A_142 = tpu.memref_squeeze %dma_start3A_141 : memref<1x512xi32, #tpu.memory_space<vmem_shared>> -> memref<512xi32, #tpu.memory_space<vmem_shared>>
      %dma_start3A_143 = arith.constant 0 : i32
      %dma_start3A_144 = tpu.memref_slice %arg18[%arg1, %dma_start3A_143] : memref<16x512xi32, #tpu.memory_space<vmem_shared>> -> memref<1x512xi32, #tpu.memory_space<vmem_shared>>
      %dma_start3A_145 = tpu.memref_squeeze %dma_start3A_144 : memref<1x512xi32, #tpu.memory_space<vmem_shared>> -> memref<512xi32, #tpu.memory_space<vmem_shared>>
      tpu.enqueue_dma source(%arg8 : memref<512xi32, #tpu.memory_space<vmem>>) target(%dma_start3A_145 : memref<512xi32, #tpu.memory_space<vmem_shared>>) target_semaphore(%run_scoped3A : memref<!tpu.dma_semaphore, #tpu.memory_space<semaphore_mem>>)
      %dma_wait3A_146 = arith.constant 0 : i32
      %dma_wait3A_147 = tpu.memref_slice %arg18[%arg1, %dma_wait3A_146] : memref<16x512xi32, #tpu.memory_space<vmem_shared>> -> memref<1x512xi32, #tpu.memory_space<vmem_shared>>
      %dma_wait3A_148 = tpu.memref_squeeze %dma_wait3A_147 : memref<1x512xi32, #tpu.memory_space<vmem_shared>> -> memref<512xi32, #tpu.memory_space<vmem_shared>>
      %dma_wait3A_149 = arith.constant 0 : i32
      %dma_wait3A_150 = tpu.memref_slice %arg18[%arg1, %dma_wait3A_149] : memref<16x512xi32, #tpu.memory_space<vmem_shared>> -> memref<1x512xi32, #tpu.memory_space<vmem_shared>>
      %dma_wait3A_151 = tpu.memref_squeeze %dma_wait3A_150 : memref<1x512xi32, #tpu.memory_space<vmem_shared>> -> memref<512xi32, #tpu.memory_space<vmem_shared>>
      tpu.wait_dma2 semaphore(%run_scoped3A : memref<!tpu.dma_semaphore, #tpu.memory_space<semaphore_mem>>) src(%arg8 : memref<512xi32, #tpu.memory_space<vmem>>) dst(%dma_wait3A_151 : memref<512xi32, #tpu.memory_space<vmem_shared>>)
      tpu.yield
    }) : () -> ()
    %barrier3A = arith.constant 0 : index
    tpu.barrier barrier_id(%barrier3A)
    %scan3A_17 = arith.constant 0 : i32
    %scan3A_18 = arith.constant 0 : i32
    %scan3A_19 = arith.constant 16 : i32
    %scan3A_20 = arith.addi %scan3A_18, %scan3A_19 : i32
    %scan3A_21 = arith.constant 1 : i32
    scf.for %scan3A_140 = %scan3A_18 to %scan3A_20 step %scan3A_21  : i32 {
      "tpu.region"() ({
        %run_scoped3A = tpu.sem_alloc : memref<!tpu.dma_semaphore, #tpu.memory_space<semaphore_mem>>
        %dma_start3A_147 = arith.constant 0 : i32
        %dma_start3A_148 = tpu.memref_slice %arg18[%scan3A_140, %dma_start3A_147] : memref<16x512xi32, #tpu.memory_space<vmem_shared>> -> memref<1x512xi32, #tpu.memory_space<vmem_shared>>
        %dma_start3A_149 = tpu.memref_squeeze %dma_start3A_148 : memref<1x512xi32, #tpu.memory_space<vmem_shared>> -> memref<512xi32, #tpu.memory_space<vmem_shared>>
        %dma_start3A_150 = arith.constant 0 : i32
        %dma_start3A_151 = tpu.memref_slice %arg18[%scan3A_140, %dma_start3A_150] : memref<16x512xi32, #tpu.memory_space<vmem_shared>> -> memref<1x512xi32, #tpu.memory_space<vmem_shared>>
        %dma_start3A_152 = tpu.memref_squeeze %dma_start3A_151 : memref<1x512xi32, #tpu.memory_space<vmem_shared>> -> memref<512xi32, #tpu.memory_space<vmem_shared>>
        tpu.enqueue_dma source(%dma_start3A_152 : memref<512xi32, #tpu.memory_space<vmem_shared>>) target(%arg9 : memref<512xi32, #tpu.memory_space<vmem>>) target_semaphore(%run_scoped3A : memref<!tpu.dma_semaphore, #tpu.memory_space<semaphore_mem>>)
        %dma_wait3A_153 = arith.constant 0 : i32
        %dma_wait3A_154 = tpu.memref_slice %arg18[%scan3A_140, %dma_wait3A_153] : memref<16x512xi32, #tpu.memory_space<vmem_shared>> -> memref<1x512xi32, #tpu.memory_space<vmem_shared>>
        %dma_wait3A_155 = tpu.memref_squeeze %dma_wait3A_154 : memref<1x512xi32, #tpu.memory_space<vmem_shared>> -> memref<512xi32, #tpu.memory_space<vmem_shared>>
        %dma_wait3A_156 = arith.constant 0 : i32
        %dma_wait3A_157 = tpu.memref_slice %arg18[%scan3A_140, %dma_wait3A_156] : memref<16x512xi32, #tpu.memory_space<vmem_shared>> -> memref<1x512xi32, #tpu.memory_space<vmem_shared>>
        %dma_wait3A_158 = tpu.memref_squeeze %dma_wait3A_157 : memref<1x512xi32, #tpu.memory_space<vmem_shared>> -> memref<512xi32, #tpu.memory_space<vmem_shared>>
        tpu.wait_dma2 semaphore(%run_scoped3A : memref<!tpu.dma_semaphore, #tpu.memory_space<semaphore_mem>>) src(%dma_wait3A_158 : memref<512xi32, #tpu.memory_space<vmem_shared>>) dst(%arg9 : memref<512xi32, #tpu.memory_space<vmem>>)
        tpu.yield
      }) : () -> ()
      %lt3A = arith.cmpi slt, %scan3A_140, %arg1 : i32
      %jit3A = arith.constant 1 : i32
      %jit3A_141 = arith.constant 0 : i32
      %select_n3A = arith.select %lt3A, %jit3A, %jit3A_141 : i32
      %scan3A_142 = arith.constant 0 : i32
      %scan3A_143 = arith.constant 32 : i32
      %scan3A_144 = arith.addi %scan3A_142, %scan3A_143 : i32
      %scan3A_145 = arith.constant 1 : i32
      scf.for %scan3A_147 = %scan3A_142 to %scan3A_144 step %scan3A_145  : i32 {
        %mul3A_148 = arith.constant 16 : i32
        %mul3A_149 = arith.muli %scan3A_147, %mul3A_148 : i32
        %get3A = arith.index_cast %mul3A_149 : i32 to index
        %get3A_150 = tpu.vector_load %arg9[%get3A] {strides = array<i32>} : memref<512xi32, #tpu.memory_space<vmem>>, vector<16xi32>,
        %mul3A_151 = arith.constant 16 : i32
        %mul3A_152 = arith.muli %scan3A_147, %mul3A_151 : i32
        %get3A_153 = arith.index_cast %mul3A_152 : i32 to index
        %get3A_154 = tpu.vector_load %arg11[%get3A_153] {strides = array<i32>} : memref<512xi32, #tpu.memory_space<vmem>>, vector<16xi32>,
        %add3A_155 = arith.addi %get3A_154, %get3A_150 : vector<16xi32>
        %mul3A_156 = arith.constant 16 : i32
        %mul3A_157 = arith.muli %scan3A_147, %mul3A_156 : i32
        %swap3A = arith.index_cast %mul3A_157 : i32 to index
        %swap3A_158 = tpu.vector_load %arg11[%swap3A] {strides = array<i32>} : memref<512xi32, #tpu.memory_space<vmem>>, vector<16xi32>,
        tpu.vector_store %arg11[%swap3A], %add3A_155 {strides = array<i32>} : memref<512xi32, #tpu.memory_space<vmem>>, vector<16xi32>,
        %mul3A_159 = arith.constant 16 : i32
        %mul3A_160 = arith.muli %scan3A_147, %mul3A_159 : i32
        %get3A_161 = arith.index_cast %mul3A_160 : i32 to index
        %get3A_162 = tpu.vector_load %arg10[%get3A_161] {strides = array<i32>} : memref<512xi32, #tpu.memory_space<vmem>>, vector<16xi32>,
        %mul3A_163 = vector.broadcast %select_n3A : i32 to vector<16xi32>
        %mul3A_164 = arith.muli %get3A_150, %mul3A_163 : vector<16xi32>
        %add3A_165 = arith.addi %get3A_162, %mul3A_164 : vector<16xi32>
        %mul3A_166 = arith.constant 16 : i32
        %mul3A_167 = arith.muli %scan3A_147, %mul3A_166 : i32
        %swap3A_168 = arith.index_cast %mul3A_167 : i32 to index
        %swap3A_169 = tpu.vector_load %arg10[%swap3A_168] {strides = array<i32>} : memref<512xi32, #tpu.memory_space<vmem>>, vector<16xi32>,
        tpu.vector_store %arg10[%swap3A_168], %add3A_165 {strides = array<i32>} : memref<512xi32, #tpu.memory_space<vmem>>, vector<16xi32>,
      }
      %scan3A_146 = arith.constant 32 : i32
    }
    %scan3A_22 = arith.constant 16 : i32
    %scan3A_23 = arith.constant 0 : i32
    %scan3A_24 = arith.constant 0 : i32
    %scan3A_25 = arith.constant 32 : i32
    %scan3A_26 = arith.addi %scan3A_24, %scan3A_25 : i32
    %scan3A_27 = arith.constant 1 : i32
    %scan3A_28 = scf.for %scan3A_140 = %scan3A_24 to %scan3A_26 step %scan3A_27 iter_args(%scan3A_141 = %scan3A_23) -> (i32)  : i32 {
      %sub3A = arith.constant 31 : i32
      %sub3A_142 = arith.subi %sub3A, %scan3A_140 : i32
      %mul3A_143 = arith.constant 16 : i32
      %mul3A_144 = arith.muli %sub3A_142, %mul3A_143 : i32
      %get3A = arith.index_cast %mul3A_144 : i32 to index
      %get3A_145 = tpu.vector_load %arg11[%get3A] {strides = array<i32>} : memref<512xi32, #tpu.memory_space<vmem>>, vector<16xi32>,
      %broadcast_in_dim3A_146 = arith.constant true
      %broadcast_in_dim3A_147 = vector.broadcast %broadcast_in_dim3A_146 : i1 to vector<16xi1>
      %masked_cumsum3A = tpu.scan <sum>, %get3A_145 masked %broadcast_in_dim3A_147 : vector<16xi32>, vector<16xi1> -> vector<16xi32>
      %reduce_sum3A = arith.constant true
      %reduce_sum3A_148 = vector.broadcast %reduce_sum3A : i1 to vector<16xi1>
      %reduce_sum3A_149 = tpu.scan <sum>, %get3A_145 masked %reduce_sum3A_148 : vector<16xi32>, vector<16xi1> -> vector<16xi32>
      %reduce_sum3A_150 = vector.extract %reduce_sum3A_149[15] : i32 from vector<16xi32>
      %add3A_151 = arith.addi %scan3A_141, %reduce_sum3A_150 : i32
      %sub3A_152 = vector.broadcast %add3A_151 : i32 to vector<16xi32>
      %sub3A_153 = arith.subi %sub3A_152, %masked_cumsum3A : vector<16xi32>
      %mul3A_154 = arith.constant 16 : i32
      %mul3A_155 = arith.muli %sub3A_142, %mul3A_154 : i32
      %get3A_156 = arith.index_cast %mul3A_155 : i32 to index
      %get3A_157 = tpu.vector_load %arg10[%get3A_156] {strides = array<i32>} : memref<512xi32, #tpu.memory_space<vmem>>, vector<16xi32>,
      %add3A_158 = arith.addi %sub3A_153, %get3A_157 : vector<16xi32>
      %mul3A_159 = arith.constant 16 : i32
      %mul3A_160 = arith.muli %sub3A_142, %mul3A_159 : i32
      %swap3A = arith.index_cast %mul3A_160 : i32 to index
      %swap3A_161 = tpu.vector_load %arg11[%swap3A] {strides = array<i32>} : memref<512xi32, #tpu.memory_space<vmem>>, vector<16xi32>,
      tpu.vector_store %arg11[%swap3A], %add3A_158 {strides = array<i32>} : memref<512xi32, #tpu.memory_space<vmem>>, vector<16xi32>,
      %add3A_162 = arith.addi %scan3A_141, %reduce_sum3A_150 : i32
      scf.yield %add3A_162 : i32
    }
    %scan3A_29 = arith.constant 32 : i32
    %scan3A_30 = arith.constant 0 : i32
    %scan3A_31 = arith.constant 0 : i32
    %scan3A_32 = arith.constant 256 : i32
    %scan3A_33 = arith.addi %scan3A_31, %scan3A_32 : i32
    %scan3A_34 = arith.constant 1 : i32
    scf.for %scan3A_140 = %scan3A_31 to %scan3A_33 step %scan3A_34  : i32 {
      %mul3A_141 = arith.constant 16 : i32
      %mul3A_142 = arith.muli %scan3A_140, %mul3A_141 : i32
      %swap3A = arith.index_cast %mul3A_142 : i32 to index
      %swap3A_143 = tpu.vector_load %arg12[%swap3A] {strides = array<i32>} : memref<4096xi32, #tpu.memory_space<vmem>>, vector<16xi32>,
      tpu.vector_store %arg12[%swap3A], %broadcast_in_dim3A_4 {strides = array<i32>} : memref<4096xi32, #tpu.memory_space<vmem>>, vector<16xi32>,
    }
    %scan3A_35 = arith.constant 256 : i32
    %iota3A = tpu.iota {dimensions = array<i32: 0>} : vector<16xi32>
    %scan3A_36 = arith.constant 0 : i32
    %scan3A_37 = arith.constant 5.110000e+02 : f32
    %scan3A_38 = arith.constant 0 : i32
    %scan3A_39 = arith.constant 196 : i32
    %scan3A_40 = arith.addi %scan3A_38, %scan3A_39 : i32
    %scan3A_41 = arith.constant 1 : i32
    scf.for %scan3A_140 = %scan3A_38 to %scan3A_40 step %scan3A_41  : i32 {
      %mul3A_141 = arith.constant 16 : i32
      %mul3A_142 = arith.muli %scan3A_140, %mul3A_141 : i32
      %get3A = arith.index_cast %mul3A_142 : i32 to index
      %get3A_143 = tpu.vector_load %arg6[%get3A] {strides = array<i32>} : memref<3136xf32, #tpu.memory_space<vmem>>, vector<16xf32>,
      %mul3A_144 = arith.constant 16 : i32
      %mul3A_145 = arith.muli %scan3A_140, %mul3A_144 : i32
      %get3A_146 = arith.index_cast %mul3A_145 : i32 to index
      %get3A_147 = tpu.vector_load %arg7[%get3A_146] {strides = array<i32>} : memref<3136xf32, #tpu.memory_space<vmem>>, vector<16xf32>,
      %add3A_148 = arith.addf %get3A_143, %get3A_147 : vector<16xf32>
      %min3A = vector.broadcast %scan3A_37 : f32 to vector<16xf32>
      %min3A_149 = arith.minimumf %add3A_148, %min3A : vector<16xf32>
      %convert_element_type3A = arith.fptosi %min3A_149 : vector<16xf32> to vector<16xi32>
      %broadcast_in_dim3A_150 = arith.constant true
      %broadcast_in_dim3A_151 = vector.broadcast %broadcast_in_dim3A_150 : i1 to vector<16xi1>
      %unique3A, %unique3A_152 = tpu.scan_count mask(%broadcast_in_dim3A_151 : vector<16xi1>) value(%convert_element_type3A : vector<16xi32>) : vector<16xi1>, vector<16xi32>
      %gather3A = tpu.vector_load_idx %arg11[%convert_element_type3A] : memref<512xi32, #tpu.memory_space<vmem>>[vector<16xi32>], vector<16xi32>,
      %add3A_153 = arith.addi %gather3A, %unique3A_152 : vector<16xi32>
      %sub3A = arith.constant 1 : i32
      %sub3A_154 = vector.broadcast %sub3A : i32 to vector<16xi32>
      %sub3A_155 = arith.subi %add3A_153, %sub3A_154 : vector<16xi32>
      %mul3A_156 = arith.constant 3136 : i32
      %mul3A_157 = arith.muli %arg1, %mul3A_156 : i32
      %mul3A_158 = arith.constant 16 : i32
      %mul3A_159 = arith.muli %scan3A_140, %mul3A_158 : i32
      %add3A_160 = arith.addi %mul3A_157, %mul3A_159 : i32
      %add3A_161 = vector.broadcast %add3A_160 : i32 to vector<16xi32>
      %add3A_162 = arith.addi %add3A_161, %iota3A : vector<16xi32>
      %lt3A = arith.constant 4096 : i32
      %lt3A_163 = vector.broadcast %lt3A : i32 to vector<16xi32>
      %lt3A_164 = arith.cmpi slt, %sub3A_155, %lt3A_163 : vector<16xi32>
      %jit3A = arith.constant 0 : i32
      %broadcast_in_dim3A_165 = vector.broadcast %jit3A : i32 to vector<16xi32>
      %select_n3A = arith.select %lt3A_164, %sub3A_155, %broadcast_in_dim3A_165 : vector<16xi1>, vector<16xi32>
      tpu.vector_store_idx %arg12[%select_n3A], %add3A_162 masked %lt3A_164 : memref<4096xi32, #tpu.memory_space<vmem>>[vector<16xi32>], vector<16xi32>, vector<16xi1>
      tpu.vector_store_idx %arg11[%convert_element_type3A], %unique3A_152 masked %unique3A {add = true} : memref<512xi32, #tpu.memory_space<vmem>>[vector<16xi32>], vector<16xi32>, vector<16xi1>
    }
    %scan3A_42 = arith.constant 196 : i32
    "tpu.region"() ({
      %run_scoped3A = tpu.sem_alloc : memref<!tpu.dma_semaphore, #tpu.memory_space<semaphore_mem>>
      %dma_start3A_140 = arith.constant 0 : i32
      %dma_start3A_141 = tpu.memref_slice %arg19[%arg1, %dma_start3A_140] : memref<16x4096xi32, #tpu.memory_space<vmem_shared>> -> memref<1x4096xi32, #tpu.memory_space<vmem_shared>>
      %dma_start3A_142 = tpu.memref_squeeze %dma_start3A_141 : memref<1x4096xi32, #tpu.memory_space<vmem_shared>> -> memref<4096xi32, #tpu.memory_space<vmem_shared>>
      %dma_start3A_143 = arith.constant 0 : i32
      %dma_start3A_144 = tpu.memref_slice %arg19[%arg1, %dma_start3A_143] : memref<16x4096xi32, #tpu.memory_space<vmem_shared>> -> memref<1x4096xi32, #tpu.memory_space<vmem_shared>>
      %dma_start3A_145 = tpu.memref_squeeze %dma_start3A_144 : memref<1x4096xi32, #tpu.memory_space<vmem_shared>> -> memref<4096xi32, #tpu.memory_space<vmem_shared>>
      tpu.enqueue_dma source(%arg12 : memref<4096xi32, #tpu.memory_space<vmem>>) target(%dma_start3A_145 : memref<4096xi32, #tpu.memory_space<vmem_shared>>) target_semaphore(%run_scoped3A : memref<!tpu.dma_semaphore, #tpu.memory_space<semaphore_mem>>)
      %dma_wait3A_146 = arith.constant 0 : i32
      %dma_wait3A_147 = tpu.memref_slice %arg19[%arg1, %dma_wait3A_146] : memref<16x4096xi32, #tpu.memory_space<vmem_shared>> -> memref<1x4096xi32, #tpu.memory_space<vmem_shared>>
      %dma_wait3A_148 = tpu.memref_squeeze %dma_wait3A_147 : memref<1x4096xi32, #tpu.memory_space<vmem_shared>> -> memref<4096xi32, #tpu.memory_space<vmem_shared>>
      %dma_wait3A_149 = arith.constant 0 : i32
      %dma_wait3A_150 = tpu.memref_slice %arg19[%arg1, %dma_wait3A_149] : memref<16x4096xi32, #tpu.memory_space<vmem_shared>> -> memref<1x4096xi32, #tpu.memory_space<vmem_shared>>
      %dma_wait3A_151 = tpu.memref_squeeze %dma_wait3A_150 : memref<1x4096xi32, #tpu.memory_space<vmem_shared>> -> memref<4096xi32, #tpu.memory_space<vmem_shared>>
      tpu.wait_dma2 semaphore(%run_scoped3A : memref<!tpu.dma_semaphore, #tpu.memory_space<semaphore_mem>>) src(%arg12 : memref<4096xi32, #tpu.memory_space<vmem>>) dst(%dma_wait3A_151 : memref<4096xi32, #tpu.memory_space<vmem_shared>>)
      tpu.yield
    }) : () -> ()
    %barrier3A_43 = arith.constant 0 : index
    tpu.barrier barrier_id(%barrier3A_43)
    %scan3A_44 = arith.constant 0 : i32
    %scan3A_45 = arith.constant 0 : i32
    %scan3A_46 = arith.constant 16 : i32
    %scan3A_47 = arith.addi %scan3A_45, %scan3A_46 : i32
    %scan3A_48 = arith.constant 1 : i32
    scf.for %scan3A_140 = %scan3A_45 to %scan3A_47 step %scan3A_48  : i32 {
      %mul3A_141 = arith.constant 16 : i32
      %mul3A_142 = arith.muli %scan3A_140, %mul3A_141 : i32
      %swap3A = arith.index_cast %mul3A_142 : i32 to index
      %swap3A_143 = tpu.vector_load %arg13[%swap3A] {strides = array<i32>} : memref<256xi32, #tpu.memory_space<vmem>>, vector<16xi32>,
      tpu.vector_store %arg13[%swap3A], %broadcast_in_dim3A_4 {strides = array<i32>} : memref<256xi32, #tpu.memory_space<vmem>>, vector<16xi32>,
    }
    %scan3A_49 = arith.constant 16 : i32
    %scan3A_50 = arith.constant 0 : i32
    %scan3A_51 = arith.constant 0 : i32
    %scan3A_52 = arith.constant 16 : i32
    %scan3A_53 = arith.addi %scan3A_51, %scan3A_52 : i32
    %scan3A_54 = arith.constant 1 : i32
    scf.for %scan3A_140 = %scan3A_51 to %scan3A_53 step %scan3A_54  : i32 {
      %mul3A_141 = arith.constant 256 : i32
      %mul3A_142 = arith.muli %arg1, %mul3A_141 : i32
      "tpu.region"() ({
        %run_scoped3A = tpu.sem_alloc : memref<!tpu.dma_semaphore, #tpu.memory_space<semaphore_mem>>
        %dma_start3A_148 = tpu.memref_slice %arg19[%scan3A_140, %mul3A_142] : memref<16x4096xi32, #tpu.memory_space<vmem_shared>> -> memref<1x256xi32, #tpu.memory_space<vmem_shared>>
        %dma_start3A_149 = tpu.memref_squeeze %dma_start3A_148 : memref<1x256xi32, #tpu.memory_space<vmem_shared>> -> memref<256xi32, #tpu.memory_space<vmem_shared>>
        %dma_start3A_150 = tpu.memref_slice %arg19[%scan3A_140, %mul3A_142] : memref<16x4096xi32, #tpu.memory_space<vmem_shared>> -> memref<1x256xi32, #tpu.memory_space<vmem_shared>>
        %dma_start3A_151 = tpu.memref_squeeze %dma_start3A_150 : memref<1x256xi32, #tpu.memory_space<vmem_shared>> -> memref<256xi32, #tpu.memory_space<vmem_shared>>
        tpu.enqueue_dma source(%dma_start3A_151 : memref<256xi32, #tpu.memory_space<vmem_shared>>) target(%arg14 : memref<256xi32, #tpu.memory_space<vmem>>) target_semaphore(%run_scoped3A : memref<!tpu.dma_semaphore, #tpu.memory_space<semaphore_mem>>)
        %dma_wait3A_152 = tpu.memref_slice %arg19[%scan3A_140, %mul3A_142] : memref<16x4096xi32, #tpu.memory_space<vmem_shared>> -> memref<1x256xi32, #tpu.memory_space<vmem_shared>>
        %dma_wait3A_153 = tpu.memref_squeeze %dma_wait3A_152 : memref<1x256xi32, #tpu.memory_space<vmem_shared>> -> memref<256xi32, #tpu.memory_space<vmem_shared>>
        %dma_wait3A_154 = tpu.memref_slice %arg19[%scan3A_140, %mul3A_142] : memref<16x4096xi32, #tpu.memory_space<vmem_shared>> -> memref<1x256xi32, #tpu.memory_space<vmem_shared>>
        %dma_wait3A_155 = tpu.memref_squeeze %dma_wait3A_154 : memref<1x256xi32, #tpu.memory_space<vmem_shared>> -> memref<256xi32, #tpu.memory_space<vmem_shared>>
        tpu.wait_dma2 semaphore(%run_scoped3A : memref<!tpu.dma_semaphore, #tpu.memory_space<semaphore_mem>>) src(%dma_wait3A_155 : memref<256xi32, #tpu.memory_space<vmem_shared>>) dst(%arg14 : memref<256xi32, #tpu.memory_space<vmem>>)
        tpu.yield
      }) : () -> ()
      %scan3A_143 = arith.constant 0 : i32
      %scan3A_144 = arith.constant 16 : i32
      %scan3A_145 = arith.addi %scan3A_143, %scan3A_144 : i32
      %scan3A_146 = arith.constant 1 : i32
      scf.for %scan3A_148 = %scan3A_143 to %scan3A_145 step %scan3A_146  : i32 {
        %mul3A_149 = arith.constant 16 : i32
        %mul3A_150 = arith.muli %scan3A_148, %mul3A_149 : i32
        %get3A = arith.index_cast %mul3A_150 : i32 to index
        %get3A_151 = tpu.vector_load %arg13[%get3A] {strides = array<i32>} : memref<256xi32, #tpu.memory_space<vmem>>, vector<16xi32>,
        %mul3A_152 = arith.constant 16 : i32
        %mul3A_153 = arith.muli %scan3A_148, %mul3A_152 : i32
        %get3A_154 = arith.index_cast %mul3A_153 : i32 to index
        %get3A_155 = tpu.vector_load %arg14[%get3A_154] {strides = array<i32>} : memref<256xi32, #tpu.memory_space<vmem>>, vector<16xi32>,
        %add3A_156 = arith.addi %get3A_151, %get3A_155 : vector<16xi32>
        %mul3A_157 = arith.constant 16 : i32
        %mul3A_158 = arith.muli %scan3A_148, %mul3A_157 : i32
        %swap3A = arith.index_cast %mul3A_158 : i32 to index
        %swap3A_159 = tpu.vector_load %arg13[%swap3A] {strides = array<i32>} : memref<256xi32, #tpu.memory_space<vmem>>, vector<16xi32>,
        tpu.vector_store %arg13[%swap3A], %add3A_156 {strides = array<i32>} : memref<256xi32, #tpu.memory_space<vmem>>, vector<16xi32>,
      }
      %scan3A_147 = arith.constant 16 : i32
    }
    %scan3A_55 = arith.constant 16 : i32
    %mul3A_56 = arith.constant 256 : i32
    %mul3A_57 = arith.muli %arg1, %mul3A_56 : i32
    "tpu.region"() ({
      %run_scoped3A = tpu.sem_alloc : memref<!tpu.dma_semaphore, #tpu.memory_space<semaphore_mem>>
      %dma_start3A_140 = tpu.memref_slice %arg20[%mul3A_57] : memref<4096xi32, #tpu.memory_space<vmem_shared>> -> memref<256xi32, #tpu.memory_space<vmem_shared>>
      %dma_start3A_141 = tpu.memref_slice %arg20[%mul3A_57] : memref<4096xi32, #tpu.memory_space<vmem_shared>> -> memref<256xi32, #tpu.memory_space<vmem_shared>>
      tpu.enqueue_dma source(%arg13 : memref<256xi32, #tpu.memory_space<vmem>>) target(%dma_start3A_141 : memref<256xi32, #tpu.memory_space<vmem_shared>>) target_semaphore(%run_scoped3A : memref<!tpu.dma_semaphore, #tpu.memory_space<semaphore_mem>>)
      %dma_wait3A_142 = tpu.memref_slice %arg20[%mul3A_57] : memref<4096xi32, #tpu.memory_space<vmem_shared>> -> memref<256xi32, #tpu.memory_space<vmem_shared>>
      %dma_wait3A_143 = tpu.memref_slice %arg20[%mul3A_57] : memref<4096xi32, #tpu.memory_space<vmem_shared>> -> memref<256xi32, #tpu.memory_space<vmem_shared>>
      tpu.wait_dma2 semaphore(%run_scoped3A : memref<!tpu.dma_semaphore, #tpu.memory_space<semaphore_mem>>) src(%arg13 : memref<256xi32, #tpu.memory_space<vmem>>) dst(%dma_wait3A_143 : memref<256xi32, #tpu.memory_space<vmem_shared>>)
      tpu.yield
    }) : () -> ()
    %barrier3A_58 = arith.constant 0 : index
    tpu.barrier barrier_id(%barrier3A_58)
    %mul3A_59 = arith.constant 2048 : i32
    %mul3A_60 = arith.muli %arg0, %mul3A_59 : i32
    %mul3A_61 = arith.constant 128 : i32
    %mul3A_62 = arith.muli %arg1, %mul3A_61 : i32
    %add3A_63 = arith.addi %mul3A_60, %mul3A_62 : i32
    "tpu.region"() ({
      %run_scoped3A = tpu.sem_alloc : memref<!tpu.dma_semaphore, #tpu.memory_space<semaphore_mem>>
      %dma_start3A_140 = tpu.memref_slice %arg20[%add3A_63] : memref<4096xi32, #tpu.memory_space<vmem_shared>> -> memref<128xi32, #tpu.memory_space<vmem_shared>>
      %dma_start3A_141 = tpu.memref_slice %arg20[%add3A_63] : memref<4096xi32, #tpu.memory_space<vmem_shared>> -> memref<128xi32, #tpu.memory_space<vmem_shared>>
      tpu.enqueue_dma source(%dma_start3A_141 : memref<128xi32, #tpu.memory_space<vmem_shared>>) target(%arg15 : memref<128xi32, #tpu.memory_space<vmem>>) target_semaphore(%run_scoped3A : memref<!tpu.dma_semaphore, #tpu.memory_space<semaphore_mem>>)
      %dma_wait3A_142 = tpu.memref_slice %arg20[%add3A_63] : memref<4096xi32, #tpu.memory_space<vmem_shared>> -> memref<128xi32, #tpu.memory_space<vmem_shared>>
      %dma_wait3A_143 = tpu.memref_slice %arg20[%add3A_63] : memref<4096xi32, #tpu.memory_space<vmem_shared>> -> memref<128xi32, #tpu.memory_space<vmem_shared>>
      tpu.wait_dma2 semaphore(%run_scoped3A : memref<!tpu.dma_semaphore, #tpu.memory_space<semaphore_mem>>) src(%dma_wait3A_143 : memref<128xi32, #tpu.memory_space<vmem_shared>>) dst(%arg15 : memref<128xi32, #tpu.memory_space<vmem>>)
      tpu.yield
    }) : () -> ()
    %dma_start3A = arith.constant 0 : i32
    %dma_start3A_64 = arith.constant 0 : i32
    %dma_start3A_65 = tpu.memref_slice %arg3[%dma_start3A, %dma_start3A_64] : memref<50000x770xf32, #tpu.memory_space<hbm>> -> memref<50000x128xf32, #tpu.memory_space<hbm>>
    %dma_start3A_66 = arith.constant 0 : i32
    %dma_start3A_67 = arith.constant 0 : i32
    %dma_start3A_68 = tpu.memref_slice %dma_start3A_65[%dma_start3A_66, %dma_start3A_67] : memref<50000x128xf32, #tpu.memory_space<hbm>> -> memref<50000x128xf32, #tpu.memory_space<hbm>>
    tpu.enqueue_indirect_dma source(%dma_start3A_68 : memref<50000x128xf32, #tpu.memory_space<hbm>>) target(%arg16 : memref<128x128xf32, #tpu.memory_space<vmem>>) offsets(%arg15 : memref<128xi32, #tpu.memory_space<vmem>>) semaphore(%arg21 : memref<!tpu.dma_semaphore, #tpu.memory_space<semaphore_mem>>)
    %dma_start3A_69 = arith.constant 0 : i32
    %dma_start3A_70 = arith.constant 128 : i32
    %dma_start3A_71 = tpu.memref_slice %arg3[%dma_start3A_69, %dma_start3A_70] : memref<50000x770xf32, #tpu.memory_space<hbm>> -> memref<50000x128xf32, #tpu.memory_space<hbm>>
    %dma_start3A_72 = arith.constant 0 : i32
    %dma_start3A_73 = arith.constant 0 : i32
    %dma_start3A_74 = tpu.memref_slice %dma_start3A_71[%dma_start3A_72, %dma_start3A_73] : memref<50000x128xf32, #tpu.memory_space<hbm>> -> memref<50000x128xf32, #tpu.memory_space<hbm>>
    tpu.enqueue_indirect_dma source(%dma_start3A_74 : memref<50000x128xf32, #tpu.memory_space<hbm>>) target(%arg17 : memref<128x128xf32, #tpu.memory_space<vmem>>) offsets(%arg15 : memref<128xi32, #tpu.memory_space<vmem>>) semaphore(%arg22 : memref<!tpu.dma_semaphore, #tpu.memory_space<semaphore_mem>>)
    %dma_wait3A = arith.constant 0 : i32
    %dma_wait3A_75 = arith.constant 0 : i32
    %dma_wait3A_76 = tpu.memref_slice %arg3[%dma_wait3A, %dma_wait3A_75] : memref<50000x770xf32, #tpu.memory_space<hbm>> -> memref<50000x128xf32, #tpu.memory_space<hbm>>
    %dma_wait3A_77 = arith.constant 0 : i32
    %dma_wait3A_78 = arith.constant 0 : i32
    %dma_wait3A_79 = tpu.memref_slice %dma_wait3A_76[%dma_wait3A_77, %dma_wait3A_78] : memref<50000x128xf32, #tpu.memory_space<hbm>> -> memref<50000x128xf32, #tpu.memory_space<hbm>>
    tpu.wait_indirect_dma semaphore(%arg21 : memref<!tpu.dma_semaphore, #tpu.memory_space<semaphore_mem>>) src(%dma_wait3A_79 : memref<50000x128xf32, #tpu.memory_space<hbm>>) dst(%arg16 : memref<128x128xf32, #tpu.memory_space<vmem>>)
    "tpu.region"() ({
      %run_scoped3A = tpu.sem_alloc : memref<!tpu.dma_semaphore, #tpu.memory_space<semaphore_mem>>
      %dma_start3A_140 = arith.constant 0 : i32
      %dma_start3A_141 = tpu.memref_slice %arg5[%add3A_63, %dma_start3A_140] : memref<4096x896xf32, #tpu.memory_space<hbm>> -> memref<128x128xf32, #tpu.memory_space<hbm>>
      %dma_start3A_142 = arith.constant 0 : i32
      %dma_start3A_143 = tpu.memref_slice %arg5[%add3A_63, %dma_start3A_142] : memref<4096x896xf32, #tpu.memory_space<hbm>> -> memref<128x128xf32, #tpu.memory_space<hbm>>
      tpu.enqueue_dma source(%arg16 : memref<128x128xf32, #tpu.memory_space<vmem>>) target(%dma_start3A_143 : memref<128x128xf32, #tpu.memory_space<hbm>>) target_semaphore(%run_scoped3A : memref<!tpu.dma_semaphore, #tpu.memory_space<semaphore_mem>>)
      %dma_wait3A_144 = arith.constant 0 : i32
      %dma_wait3A_145 = tpu.memref_slice %arg5[%add3A_63, %dma_wait3A_144] : memref<4096x896xf32, #tpu.memory_space<hbm>> -> memref<128x128xf32, #tpu.memory_space<hbm>>
      %dma_wait3A_146 = arith.constant 0 : i32
      %dma_wait3A_147 = tpu.memref_slice %arg5[%add3A_63, %dma_wait3A_146] : memref<4096x896xf32, #tpu.memory_space<hbm>> -> memref<128x128xf32, #tpu.memory_space<hbm>>
      tpu.wait_dma2 semaphore(%run_scoped3A : memref<!tpu.dma_semaphore, #tpu.memory_space<semaphore_mem>>) src(%arg16 : memref<128x128xf32, #tpu.memory_space<vmem>>) dst(%dma_wait3A_147 : memref<128x128xf32, #tpu.memory_space<hbm>>)
      tpu.yield
    }) : () -> ()
    %dma_start3A_80 = arith.constant 0 : i32
    %dma_start3A_81 = arith.constant 256 : i32
    %dma_start3A_82 = tpu.memref_slice %arg3[%dma_start3A_80, %dma_start3A_81] : memref<50000x770xf32, #tpu.memory_space<hbm>> -> memref<50000x128xf32, #tpu.memory_space<hbm>>
    %dma_start3A_83 = arith.constant 0 : i32
    %dma_start3A_84 = arith.constant 0 : i32
    %dma_start3A_85 = tpu.memref_slice %dma_start3A_82[%dma_start3A_83, %dma_start3A_84] : memref<50000x128xf32, #tpu.memory_space<hbm>> -> memref<50000x128xf32, #tpu.memory_space<hbm>>
    tpu.enqueue_indirect_dma source(%dma_start3A_85 : memref<50000x128xf32, #tpu.memory_space<hbm>>) target(%arg16 : memref<128x128xf32, #tpu.memory_space<vmem>>) offsets(%arg15 : memref<128xi32, #tpu.memory_space<vmem>>) semaphore(%arg21 : memref<!tpu.dma_semaphore, #tpu.memory_space<semaphore_mem>>)
    %dma_wait3A_86 = arith.constant 0 : i32
    %dma_wait3A_87 = arith.constant 128 : i32
    %dma_wait3A_88 = tpu.memref_slice %arg3[%dma_wait3A_86, %dma_wait3A_87] : memref<50000x770xf32, #tpu.memory_space<hbm>> -> memref<50000x128xf32, #tpu.memory_space<hbm>>
    %dma_wait3A_89 = arith.constant 0 : i32
    %dma_wait3A_90 = arith.constant 0 : i32
    %dma_wait3A_91 = tpu.memref_slice %dma_wait3A_88[%dma_wait3A_89, %dma_wait3A_90] : memref<50000x128xf32, #tpu.memory_space<hbm>> -> memref<50000x128xf32, #tpu.memory_space<hbm>>
    tpu.wait_indirect_dma semaphore(%arg22 : memref<!tpu.dma_semaphore, #tpu.memory_space<semaphore_mem>>) src(%dma_wait3A_91 : memref<50000x128xf32, #tpu.memory_space<hbm>>) dst(%arg17 : memref<128x128xf32, #tpu.memory_space<vmem>>)
    "tpu.region"() ({
      %run_scoped3A = tpu.sem_alloc : memref<!tpu.dma_semaphore, #tpu.memory_space<semaphore_mem>>
      %dma_start3A_140 = arith.constant 128 : i32
      %dma_start3A_141 = tpu.memref_slice %arg5[%add3A_63, %dma_start3A_140] : memref<4096x896xf32, #tpu.memory_space<hbm>> -> memref<128x128xf32, #tpu.memory_space<hbm>>
      %dma_start3A_142 = arith.constant 128 : i32
      %dma_start3A_143 = tpu.memref_slice %arg5[%add3A_63, %dma_start3A_142] : memref<4096x896xf32, #tpu.memory_space<hbm>> -> memref<128x128xf32, #tpu.memory_space<hbm>>
      tpu.enqueue_dma source(%arg17 : memref<128x128xf32, #tpu.memory_space<vmem>>) target(%dma_start3A_143 : memref<128x128xf32, #tpu.memory_space<hbm>>) target_semaphore(%run_scoped3A : memref<!tpu.dma_semaphore, #tpu.memory_space<semaphore_mem>>)
      %dma_wait3A_144 = arith.constant 128 : i32
      %dma_wait3A_145 = tpu.memref_slice %arg5[%add3A_63, %dma_wait3A_144] : memref<4096x896xf32, #tpu.memory_space<hbm>> -> memref<128x128xf32, #tpu.memory_space<hbm>>
      %dma_wait3A_146 = arith.constant 128 : i32
      %dma_wait3A_147 = tpu.memref_slice %arg5[%add3A_63, %dma_wait3A_146] : memref<4096x896xf32, #tpu.memory_space<hbm>> -> memref<128x128xf32, #tpu.memory_space<hbm>>
      tpu.wait_dma2 semaphore(%run_scoped3A : memref<!tpu.dma_semaphore, #tpu.memory_space<semaphore_mem>>) src(%arg17 : memref<128x128xf32, #tpu.memory_space<vmem>>) dst(%dma_wait3A_147 : memref<128x128xf32, #tpu.memory_space<hbm>>)
      tpu.yield
    }) : () -> ()
    %dma_start3A_92 = arith.constant 0 : i32
    %dma_start3A_93 = arith.constant 384 : i32
    %dma_start3A_94 = tpu.memref_slice %arg3[%dma_start3A_92, %dma_start3A_93] : memref<50000x770xf32, #tpu.memory_space<hbm>> -> memref<50000x128xf32, #tpu.memory_space<hbm>>
    %dma_start3A_95 = arith.constant 0 : i32
    %dma_start3A_96 = arith.constant 0 : i32
    %dma_start3A_97 = tpu.memref_slice %dma_start3A_94[%dma_start3A_95, %dma_start3A_96] : memref<50000x128xf32, #tpu.memory_space<hbm>> -> memref<50000x128xf32, #tpu.memory_space<hbm>>
    tpu.enqueue_indirect_dma source(%dma_start3A_97 : memref<50000x128xf32, #tpu.memory_space<hbm>>) target(%arg17 : memref<128x128xf32, #tpu.memory_space<vmem>>) offsets(%arg15 : memref<128xi32, #tpu.memory_space<vmem>>) semaphore(%arg22 : memref<!tpu.dma_semaphore, #tpu.memory_space<semaphore_mem>>)
    %dma_wait3A_98 = arith.constant 0 : i32
    %dma_wait3A_99 = arith.constant 256 : i32
    %dma_wait3A_100 = tpu.memref_slice %arg3[%dma_wait3A_98, %dma_wait3A_99] : memref<50000x770xf32, #tpu.memory_space<hbm>> -> memref<50000x128xf32, #tpu.memory_space<hbm>>
    %dma_wait3A_101 = arith.constant 0 : i32
    %dma_wait3A_102 = arith.constant 0 : i32
    %dma_wait3A_103 = tpu.memref_slice %dma_wait3A_100[%dma_wait3A_101, %dma_wait3A_102] : memref<50000x128xf32, #tpu.memory_space<hbm>> -> memref<50000x128xf32, #tpu.memory_space<hbm>>
    tpu.wait_indirect_dma semaphore(%arg21 : memref<!tpu.dma_semaphore, #tpu.memory_space<semaphore_mem>>) src(%dma_wait3A_103 : memref<50000x128xf32, #tpu.memory_space<hbm>>) dst(%arg16 : memref<128x128xf32, #tpu.memory_space<vmem>>)
    "tpu.region"() ({
      %run_scoped3A = tpu.sem_alloc : memref<!tpu.dma_semaphore, #tpu.memory_space<semaphore_mem>>
      %dma_start3A_140 = arith.constant 256 : i32
      %dma_start3A_141 = tpu.memref_slice %arg5[%add3A_63, %dma_start3A_140] : memref<4096x896xf32, #tpu.memory_space<hbm>> -> memref<128x128xf32, #tpu.memory_space<hbm>>
      %dma_start3A_142 = arith.constant 256 : i32
      %dma_start3A_143 = tpu.memref_slice %arg5[%add3A_63, %dma_start3A_142] : memref<4096x896xf32, #tpu.memory_space<hbm>> -> memref<128x128xf32, #tpu.memory_space<hbm>>
      tpu.enqueue_dma source(%arg16 : memref<128x128xf32, #tpu.memory_space<vmem>>) target(%dma_start3A_143 : memref<128x128xf32, #tpu.memory_space<hbm>>) target_semaphore(%run_scoped3A : memref<!tpu.dma_semaphore, #tpu.memory_space<semaphore_mem>>)
      %dma_wait3A_144 = arith.constant 256 : i32
      %dma_wait3A_145 = tpu.memref_slice %arg5[%add3A_63, %dma_wait3A_144] : memref<4096x896xf32, #tpu.memory_space<hbm>> -> memref<128x128xf32, #tpu.memory_space<hbm>>
      %dma_wait3A_146 = arith.constant 256 : i32
      %dma_wait3A_147 = tpu.memref_slice %arg5[%add3A_63, %dma_wait3A_146] : memref<4096x896xf32, #tpu.memory_space<hbm>> -> memref<128x128xf32, #tpu.memory_space<hbm>>
      tpu.wait_dma2 semaphore(%run_scoped3A : memref<!tpu.dma_semaphore, #tpu.memory_space<semaphore_mem>>) src(%arg16 : memref<128x128xf32, #tpu.memory_space<vmem>>) dst(%dma_wait3A_147 : memref<128x128xf32, #tpu.memory_space<hbm>>)
      tpu.yield
    }) : () -> ()
    %dma_start3A_104 = arith.constant 0 : i32
    %dma_start3A_105 = arith.constant 512 : i32
    %dma_start3A_106 = tpu.memref_slice %arg3[%dma_start3A_104, %dma_start3A_105] : memref<50000x770xf32, #tpu.memory_space<hbm>> -> memref<50000x128xf32, #tpu.memory_space<hbm>>
    %dma_start3A_107 = arith.constant 0 : i32
    %dma_start3A_108 = arith.constant 0 : i32
    %dma_start3A_109 = tpu.memref_slice %dma_start3A_106[%dma_start3A_107, %dma_start3A_108] : memref<50000x128xf32, #tpu.memory_space<hbm>> -> memref<50000x128xf32, #tpu.memory_space<hbm>>
    tpu.enqueue_indirect_dma source(%dma_start3A_109 : memref<50000x128xf32, #tpu.memory_space<hbm>>) target(%arg16 : memref<128x128xf32, #tpu.memory_space<vmem>>) offsets(%arg15 : memref<128xi32, #tpu.memory_space<vmem>>) semaphore(%arg21 : memref<!tpu.dma_semaphore, #tpu.memory_space<semaphore_mem>>)
    %dma_wait3A_110 = arith.constant 0 : i32
    %dma_wait3A_111 = arith.constant 384 : i32
    %dma_wait3A_112 = tpu.memref_slice %arg3[%dma_wait3A_110, %dma_wait3A_111] : memref<50000x770xf32, #tpu.memory_space<hbm>> -> memref<50000x128xf32, #tpu.memory_space<hbm>>
    %dma_wait3A_113 = arith.constant 0 : i32
    %dma_wait3A_114 = arith.constant 0 : i32
    %dma_wait3A_115 = tpu.memref_slice %dma_wait3A_112[%dma_wait3A_113, %dma_wait3A_114] : memref<50000x128xf32, #tpu.memory_space<hbm>> -> memref<50000x128xf32, #tpu.memory_space<hbm>>
    tpu.wait_indirect_dma semaphore(%arg22 : memref<!tpu.dma_semaphore, #tpu.memory_space<semaphore_mem>>) src(%dma_wait3A_115 : memref<50000x128xf32, #tpu.memory_space<hbm>>) dst(%arg17 : memref<128x128xf32, #tpu.memory_space<vmem>>)
    "tpu.region"() ({
      %run_scoped3A = tpu.sem_alloc : memref<!tpu.dma_semaphore, #tpu.memory_space<semaphore_mem>>
      %dma_start3A_140 = arith.constant 384 : i32
      %dma_start3A_141 = tpu.memref_slice %arg5[%add3A_63, %dma_start3A_140] : memref<4096x896xf32, #tpu.memory_space<hbm>> -> memref<128x128xf32, #tpu.memory_space<hbm>>
      %dma_start3A_142 = arith.constant 384 : i32
      %dma_start3A_143 = tpu.memref_slice %arg5[%add3A_63, %dma_start3A_142] : memref<4096x896xf32, #tpu.memory_space<hbm>> -> memref<128x128xf32, #tpu.memory_space<hbm>>
      tpu.enqueue_dma source(%arg17 : memref<128x128xf32, #tpu.memory_space<vmem>>) target(%dma_start3A_143 : memref<128x128xf32, #tpu.memory_space<hbm>>) target_semaphore(%run_scoped3A : memref<!tpu.dma_semaphore, #tpu.memory_space<semaphore_mem>>)
      %dma_wait3A_144 = arith.constant 384 : i32
      %dma_wait3A_145 = tpu.memref_slice %arg5[%add3A_63, %dma_wait3A_144] : memref<4096x896xf32, #tpu.memory_space<hbm>> -> memref<128x128xf32, #tpu.memory_space<hbm>>
      %dma_wait3A_146 = arith.constant 384 : i32
      %dma_wait3A_147 = tpu.memref_slice %arg5[%add3A_63, %dma_wait3A_146] : memref<4096x896xf32, #tpu.memory_space<hbm>> -> memref<128x128xf32, #tpu.memory_space<hbm>>
      tpu.wait_dma2 semaphore(%run_scoped3A : memref<!tpu.dma_semaphore, #tpu.memory_space<semaphore_mem>>) src(%arg17 : memref<128x128xf32, #tpu.memory_space<vmem>>) dst(%dma_wait3A_147 : memref<128x128xf32, #tpu.memory_space<hbm>>)
      tpu.yield
    }) : () -> ()
    %dma_start3A_116 = arith.constant 0 : i32
    %dma_start3A_117 = arith.constant 640 : i32
    %dma_start3A_118 = tpu.memref_slice %arg3[%dma_start3A_116, %dma_start3A_117] : memref<50000x770xf32, #tpu.memory_space<hbm>> -> memref<50000x128xf32, #tpu.memory_space<hbm>>
    %dma_start3A_119 = arith.constant 0 : i32
    %dma_start3A_120 = arith.constant 0 : i32
    %dma_start3A_121 = tpu.memref_slice %dma_start3A_118[%dma_start3A_119, %dma_start3A_120] : memref<50000x128xf32, #tpu.memory_space<hbm>> -> memref<50000x128xf32, #tpu.memory_space<hbm>>
    tpu.enqueue_indirect_dma source(%dma_start3A_121 : memref<50000x128xf32, #tpu.memory_space<hbm>>) target(%arg17 : memref<128x128xf32, #tpu.memory_space<vmem>>) offsets(%arg15 : memref<128xi32, #tpu.memory_space<vmem>>) semaphore(%arg22 : memref<!tpu.dma_semaphore, #tpu.memory_space<semaphore_mem>>)
    %dma_wait3A_122 = arith.constant 0 : i32
    %dma_wait3A_123 = arith.constant 512 : i32
    %dma_wait3A_124 = tpu.memref_slice %arg3[%dma_wait3A_122, %dma_wait3A_123] : memref<50000x770xf32, #tpu.memory_space<hbm>> -> memref<50000x128xf32, #tpu.memory_space<hbm>>
    %dma_wait3A_125 = arith.constant 0 : i32
    %dma_wait3A_126 = arith.constant 0 : i32
    %dma_wait3A_127 = tpu.memref_slice %dma_wait3A_124[%dma_wait3A_125, %dma_wait3A_126] : memref<50000x128xf32, #tpu.memory_space<hbm>> -> memref<50000x128xf32, #tpu.memory_space<hbm>>
    tpu.wait_indirect_dma semaphore(%arg21 : memref<!tpu.dma_semaphore, #tpu.memory_space<semaphore_mem>>) src(%dma_wait3A_127 : memref<50000x128xf32, #tpu.memory_space<hbm>>) dst(%arg16 : memref<128x128xf32, #tpu.memory_space<vmem>>)
    "tpu.region"() ({
      %run_scoped3A = tpu.sem_alloc : memref<!tpu.dma_semaphore, #tpu.memory_space<semaphore_mem>>
      %dma_start3A_140 = arith.constant 512 : i32
      %dma_start3A_141 = tpu.memref_slice %arg5[%add3A_63, %dma_start3A_140] : memref<4096x896xf32, #tpu.memory_space<hbm>> -> memref<128x128xf32, #tpu.memory_space<hbm>>
      %dma_start3A_142 = arith.constant 512 : i32
      %dma_start3A_143 = tpu.memref_slice %arg5[%add3A_63, %dma_start3A_142] : memref<4096x896xf32, #tpu.memory_space<hbm>> -> memref<128x128xf32, #tpu.memory_space<hbm>>
      tpu.enqueue_dma source(%arg16 : memref<128x128xf32, #tpu.memory_space<vmem>>) target(%dma_start3A_143 : memref<128x128xf32, #tpu.memory_space<hbm>>) target_semaphore(%run_scoped3A : memref<!tpu.dma_semaphore, #tpu.memory_space<semaphore_mem>>)
      %dma_wait3A_144 = arith.constant 512 : i32
      %dma_wait3A_145 = tpu.memref_slice %arg5[%add3A_63, %dma_wait3A_144] : memref<4096x896xf32, #tpu.memory_space<hbm>> -> memref<128x128xf32, #tpu.memory_space<hbm>>
      %dma_wait3A_146 = arith.constant 512 : i32
      %dma_wait3A_147 = tpu.memref_slice %arg5[%add3A_63, %dma_wait3A_146] : memref<4096x896xf32, #tpu.memory_space<hbm>> -> memref<128x128xf32, #tpu.memory_space<hbm>>
      tpu.wait_dma2 semaphore(%run_scoped3A : memref<!tpu.dma_semaphore, #tpu.memory_space<semaphore_mem>>) src(%arg16 : memref<128x128xf32, #tpu.memory_space<vmem>>) dst(%dma_wait3A_147 : memref<128x128xf32, #tpu.memory_space<hbm>>)
      tpu.yield
    }) : () -> ()
    %dma_start3A_128 = arith.constant 0 : i32
    %dma_start3A_129 = arith.constant 0 : i32
    %dma_start3A_130 = tpu.memref_slice %arg4[%dma_start3A_128, %dma_start3A_129] : memref<50000x128xf32, #tpu.memory_space<hbm>> -> memref<50000x128xf32, #tpu.memory_space<hbm>>
    tpu.enqueue_indirect_dma source(%dma_start3A_130 : memref<50000x128xf32, #tpu.memory_space<hbm>>) target(%arg16 : memref<128x128xf32, #tpu.memory_space<vmem>>) offsets(%arg15 : memref<128xi32, #tpu.memory_space<vmem>>) semaphore(%arg21 : memref<!tpu.dma_semaphore, #tpu.memory_space<semaphore_mem>>)
    %dma_wait3A_131 = arith.constant 0 : i32
    %dma_wait3A_132 = arith.constant 640 : i32
    %dma_wait3A_133 = tpu.memref_slice %arg3[%dma_wait3A_131, %dma_wait3A_132] : memref<50000x770xf32, #tpu.memory_space<hbm>> -> memref<50000x128xf32, #tpu.memory_space<hbm>>
    %dma_wait3A_134 = arith.constant 0 : i32
    %dma_wait3A_135 = arith.constant 0 : i32
    %dma_wait3A_136 = tpu.memref_slice %dma_wait3A_133[%dma_wait3A_134, %dma_wait3A_135] : memref<50000x128xf32, #tpu.memory_space<hbm>> -> memref<50000x128xf32, #tpu.memory_space<hbm>>
    tpu.wait_indirect_dma semaphore(%arg22 : memref<!tpu.dma_semaphore, #tpu.memory_space<semaphore_mem>>) src(%dma_wait3A_136 : memref<50000x128xf32, #tpu.memory_space<hbm>>) dst(%arg17 : memref<128x128xf32, #tpu.memory_space<vmem>>)
    "tpu.region"() ({
      %run_scoped3A = tpu.sem_alloc : memref<!tpu.dma_semaphore, #tpu.memory_space<semaphore_mem>>
      %dma_start3A_140 = arith.constant 640 : i32
      %dma_start3A_141 = tpu.memref_slice %arg5[%add3A_63, %dma_start3A_140] : memref<4096x896xf32, #tpu.memory_space<hbm>> -> memref<128x128xf32, #tpu.memory_space<hbm>>
      %dma_start3A_142 = arith.constant 640 : i32
      %dma_start3A_143 = tpu.memref_slice %arg5[%add3A_63, %dma_start3A_142] : memref<4096x896xf32, #tpu.memory_space<hbm>> -> memref<128x128xf32, #tpu.memory_space<hbm>>
      tpu.enqueue_dma source(%arg17 : memref<128x128xf32, #tpu.memory_space<vmem>>) target(%dma_start3A_143 : memref<128x128xf32, #tpu.memory_space<hbm>>) target_semaphore(%run_scoped3A : memref<!tpu.dma_semaphore, #tpu.memory_space<semaphore_mem>>)
      %dma_wait3A_144 = arith.constant 640 : i32
      %dma_wait3A_145 = tpu.memref_slice %arg5[%add3A_63, %dma_wait3A_144] : memref<4096x896xf32, #tpu.memory_space<hbm>> -> memref<128x128xf32, #tpu.memory_space<hbm>>
      %dma_wait3A_146 = arith.constant 640 : i32
      %dma_wait3A_147 = tpu.memref_slice %arg5[%add3A_63, %dma_wait3A_146] : memref<4096x896xf32, #tpu.memory_space<hbm>> -> memref<128x128xf32, #tpu.memory_space<hbm>>
      tpu.wait_dma2 semaphore(%run_scoped3A : memref<!tpu.dma_semaphore, #tpu.memory_space<semaphore_mem>>) src(%arg17 : memref<128x128xf32, #tpu.memory_space<vmem>>) dst(%dma_wait3A_147 : memref<128x128xf32, #tpu.memory_space<hbm>>)
      tpu.yield
    }) : () -> ()
    %dma_wait3A_137 = arith.constant 0 : i32
    %dma_wait3A_138 = arith.constant 0 : i32
    %dma_wait3A_139 = tpu.memref_slice %arg4[%dma_wait3A_137, %dma_wait3A_138] : memref<50000x128xf32, #tpu.memory_space<hbm>> -> memref<50000x128xf32, #tpu.memory_space<hbm>>
    tpu.wait_indirect_dma semaphore(%arg21 : memref<!tpu.dma_semaphore, #tpu.memory_space<semaphore_mem>>) src(%dma_wait3A_139 : memref<50000x128xf32, #tpu.memory_space<hbm>>) dst(%arg16 : memref<128x128xf32, #tpu.memory_space<vmem>>)
    "tpu.region"() ({
      %run_scoped3A = tpu.sem_alloc : memref<!tpu.dma_semaphore, #tpu.memory_space<semaphore_mem>>
      %dma_start3A_140 = arith.constant 768 : i32
      %dma_start3A_141 = tpu.memref_slice %arg5[%add3A_63, %dma_start3A_140] : memref<4096x896xf32, #tpu.memory_space<hbm>> -> memref<128x128xf32, #tpu.memory_space<hbm>>
      %dma_start3A_142 = arith.constant 768 : i32
      %dma_start3A_143 = tpu.memref_slice %arg5[%add3A_63, %dma_start3A_142] : memref<4096x896xf32, #tpu.memory_space<hbm>> -> memref<128x128xf32, #tpu.memory_space<hbm>>
      tpu.enqueue_dma source(%arg16 : memref<128x128xf32, #tpu.memory_space<vmem>>) target(%dma_start3A_143 : memref<128x128xf32, #tpu.memory_space<hbm>>) target_semaphore(%run_scoped3A : memref<!tpu.dma_semaphore, #tpu.memory_space<semaphore_mem>>)
      %dma_wait3A_144 = arith.constant 768 : i32
      %dma_wait3A_145 = tpu.memref_slice %arg5[%add3A_63, %dma_wait3A_144] : memref<4096x896xf32, #tpu.memory_space<hbm>> -> memref<128x128xf32, #tpu.memory_space<hbm>>
      %dma_wait3A_146 = arith.constant 768 : i32
      %dma_wait3A_147 = tpu.memref_slice %arg5[%add3A_63, %dma_wait3A_146] : memref<4096x896xf32, #tpu.memory_space<hbm>> -> memref<128x128xf32, #tpu.memory_space<hbm>>
      tpu.wait_dma2 semaphore(%run_scoped3A : memref<!tpu.dma_semaphore, #tpu.memory_space<semaphore_mem>>) src(%arg16 : memref<128x128xf32, #tpu.memory_space<vmem>>) dst(%dma_wait3A_147 : memref<128x128xf32, #tpu.memory_space<hbm>>)
      tpu.yield
    }) : () -> ()
    return
  }
}

module attributes {stable_mosaic.version = 14 : i64} {
  func.func @_tail_prep_body(%arg0: i32, %arg1: memref<5000x128xf32, #tpu.memory_space<vmem>>, %arg2: memref<5000x128xf32, #tpu.memory_space<vmem>>) attributes {dimension_semantics = [#tpu.dimension_semantics<arbitrary>], iteration_bounds = array<i64: 10>, scalar_prefetch = 0 : i64, scratch_operands = 0 : i64, tpu.core_type = #tpu.core_type<tc>, window_params = [{transform_indices = @transform_0, window_bounds = array<i64: 5000, 128>}, {transform_indices = @transform_1, window_bounds = array<i64: 5000, 128>}]} {
    %get3A = arith.constant 0 : index
    %get3A_0 = arith.constant 0 : index
    %get3A_1 = vector.load %arg1[%get3A, %get3A_0] : memref<5000x128xf32, #tpu.memory_space<vmem>>, vector<5000x128xf32>
    %iota3A = tpu.iota {dimensions = array<i32: 1>} : vector<5000x128xi32>
    %lt3A = arith.constant 2 : i32
    %lt3A_2 = vector.broadcast %lt3A : i32 to vector<5000x128xi32>
    %lt3A_3 = arith.cmpi slt, %iota3A, %lt3A_2 : vector<5000x128xi32>
    %jit3A = arith.constant 0.000000e+00 : f32
    %broadcast_in_dim3A = vector.broadcast %jit3A : f32 to vector<5000x128xf32>
    %select_n3A = arith.select %lt3A_3, %get3A_1, %broadcast_in_dim3A : vector<5000x128xi1>, vector<5000x128xf32>
    %swap3A = arith.constant 0 : index
    %swap3A_4 = arith.constant 0 : index
    %swap3A_5 = vector.load %arg2[%swap3A, %swap3A_4] : memref<5000x128xf32, #tpu.memory_space<vmem>>, vector<5000x128xf32>
    tpu.vector_store %arg2[%swap3A, %swap3A_4], %select_n3A {strides = array<i32>} : memref<5000x128xf32, #tpu.memory_space<vmem>>, vector<5000x128xf32>,
    return
  }
  func.func @transform_0(%arg0: i32) -> (i32, i32) {
    %c6_i32 = arith.constant 6 : i32
    %c0_i32 = arith.constant 0 : i32
    return %arg0, %c6_i32 : i32, i32
  }
  func.func @transform_1(%arg0: i32) -> (i32, i32) {
    %c0_i32 = arith.constant 0 : i32
    %c0_i32_0 = arith.constant 0 : i32
    return %arg0, %c0_i32 : i32, i32
  }
}

module attributes {stable_mosaic.version = 14 : i64} {
  func.func @_out_slice_body(%arg0: i32, %arg1: memref<512x896xf32, #tpu.memory_space<vmem>>, %arg2: memref<512x770xf32, #tpu.memory_space<vmem>>) attributes {dimension_semantics = [#tpu.dimension_semantics<arbitrary>], iteration_bounds = array<i64: 8>, scalar_prefetch = 0 : i64, scratch_operands = 0 : i64, tpu.core_type = #tpu.core_type<tc>, window_params = [{transform_indices = @transform_0, window_bounds = array<i64: 512, 896>}, {transform_indices = @transform_1, window_bounds = array<i64: 512, 770>}]} {
    %get3A = arith.constant 0 : index
    %get3A_0 = arith.constant 0 : index
    %get3A_1 = vector.load %arg1[%get3A, %get3A_0] : memref<512x896xf32, #tpu.memory_space<vmem>>, vector<512x770xf32>
    %swap3A = arith.constant 0 : index
    %swap3A_2 = arith.constant 0 : index
    %swap3A_3 = vector.load %arg2[%swap3A, %swap3A_2] : memref<512x770xf32, #tpu.memory_space<vmem>>, vector<512x770xf32>
    tpu.vector_store %arg2[%swap3A, %swap3A_2], %get3A_1 {strides = array<i32>} : memref<512x770xf32, #tpu.memory_space<vmem>>, vector<512x770xf32>,
    return
  }
  func.func @transform_0(%arg0: i32) -> (i32, i32) {
    %c0_i32 = arith.constant 0 : i32
    %c0_i32_0 = arith.constant 0 : i32
    return %arg0, %c0_i32 : i32, i32
  }
  func.func @transform_1(%arg0: i32) -> (i32, i32) {
    %c0_i32 = arith.constant 0 : i32
    %c0_i32_0 = arith.constant 0 : i32
    return %arg0, %c0_i32 : i32, i32
  }
}

module attributes {stable_mosaic.version = 14 : i64} {
  func.func @_edge_prep_body(%arg0: i32, %arg1: memref<2x100352xi32, #tpu.memory_space<vmem>>, %arg2: memref<784x128xi32, #tpu.memory_space<vmem>>) attributes {dimension_semantics = [#tpu.dimension_semantics<arbitrary>], iteration_bounds = array<i64: 16>, scalar_prefetch = 0 : i64, scratch_operands = 0 : i64, tpu.core_type = #tpu.core_type<tc>, window_params = [{transform_indices = @transform_0, window_bounds = array<i64: 2, 100352>}, {transform_indices = @transform_1, window_bounds = array<i64: 784, 128>}]} {
    %get3A = arith.constant 1 : index
    %get3A_0 = arith.constant 0 : index
    %get3A_1 = vector.load %arg1[%get3A, %get3A_0] : memref<2x100352xi32, #tpu.memory_space<vmem>>, vector<1x100352xi32>
    %get3A_2 = vector.shape_cast %get3A_1 : vector<1x100352xi32> to vector<100352xi32>
    %reshape3A = vector.shape_cast %get3A_2 : vector<100352xi32> to vector<784x128xi32>
    %mul3A = arith.constant 100352 : i32
    %mul3A_3 = arith.muli %arg0, %mul3A : i32
    %iota3A = tpu.iota {dimensions = array<i32: 0>} : vector<784x128xi32>
    %mul3A_4 = arith.constant 128 : i32
    %mul3A_5 = vector.broadcast %mul3A_4 : i32 to vector<784x128xi32>
    %mul3A_6 = arith.muli %iota3A, %mul3A_5 : vector<784x128xi32>
    %add3A = vector.broadcast %mul3A_3 : i32 to vector<784x128xi32>
    %add3A_7 = arith.addi %add3A, %mul3A_6 : vector<784x128xi32>
    %iota3A_8 = tpu.iota {dimensions = array<i32: 1>} : vector<784x128xi32>
    %add3A_9 = arith.addi %add3A_7, %iota3A_8 : vector<784x128xi32>
    %lt3A = arith.constant 1600000 : i32
    %lt3A_10 = vector.broadcast %lt3A : i32 to vector<784x128xi32>
    %lt3A_11 = arith.cmpi slt, %add3A_9, %lt3A_10 : vector<784x128xi32>
    %jit3A = arith.constant 50176 : i32
    %broadcast_in_dim3A = vector.broadcast %jit3A : i32 to vector<784x128xi32>
    %select_n3A = arith.select %lt3A_11, %reshape3A, %broadcast_in_dim3A : vector<784x128xi1>, vector<784x128xi32>
    %swap3A = arith.constant 0 : index
    %swap3A_12 = arith.constant 0 : index
    %swap3A_13 = vector.load %arg2[%swap3A, %swap3A_12] : memref<784x128xi32, #tpu.memory_space<vmem>>, vector<784x128xi32>
    tpu.vector_store %arg2[%swap3A, %swap3A_12], %select_n3A {strides = array<i32>} : memref<784x128xi32, #tpu.memory_space<vmem>>, vector<784x128xi32>,
    return
  }
  func.func @transform_0(%arg0: i32) -> (i32, i32) {
    %c0_i32 = arith.constant 0 : i32
    %c0_i32_0 = arith.constant 0 : i32
    return %c0_i32, %arg0 : i32, i32
  }
  func.func @transform_1(%arg0: i32) -> (i32, i32) {
    %c0_i32 = arith.constant 0 : i32
    %c0_i32_0 = arith.constant 0 : i32
    return %arg0, %c0_i32 : i32, i32
  }
}

</mosaic_0001>

<sc_bundles>
// kernel: kernel.10.cloned.1.call-start
scs
__scs_entry_jumppad:
0x0: {  	(pc) =	sbr.rel $0x88, $3  }
0x1: {  	(tag) =	ssettag $0x0;
	lr =	simm.s32 $0x1  }
0x2: {  	[smem:$0x3F9F] =	sst lr;
	_ =	strace $0xD0000000  }
0x3: {  	_ = 	snop  }
0x4: {  	_ = 	snop  }
0x5: {  	_ = 	snop  }
0x6: {  	_ = 	snop  }
0x7: {  	_ = 	snop  }
__scs_overlays_trampoline_lowered:
0x8: {  	[smem:$0x3FAE] =	sst s0  }
0x9: {  	[smem:$0x3FAF] =	sst s1  }
0xa: {  	[smem:$0x3FB0] =	sst s2  }
0xb: {  	[smem:$0x3FB1] =	sst s3  }
0xc: {  	[smem:$0x3FB2] =	sst s4  }
0xd: {  	[smem:$0x3FB3] =	sst s5  }
0xe: {  	[smem:$0x3FB4] =	sst s6  }
0xf: {  	[smem:$0x3FB5] =	sst s7  }
0x10: {  	[smem:$0x3FB6] =	sst s8  }
0x11: {  	[smem:$0x3FB7] =	sst s9;
	s0 =	simm.s32 @!p0 $0x0  }
0x12: {  	s1 =	sld [smem:$0x3F9D];
	s0 =	simm.s32 @p0 $0x1  }
0x13: {  	[smem:$0x3FB8] =	sst s0;
	s0 =	simm.s32 @!p1 $0x0  }
0x14: {  	s2 =	sld [smem:$0x3F9C];
	s0 =	simm.s32 @p1 $0x1  }
0x15: {  	[smem:$0x3FB9] =	sst s0;
	s0 =	simm.s32 @!p2 $0x0  }
0x16: {  	s3 =	sld [smem:$0x3FDB];
	s0 =	simm.s32 @p2 $0x1  }
0x17: {  	s4 =	simm.s32 $0x1BF5;
	[smem:$0x3FBB] =	sst s0  }
0x18: {  	s0 =	sld [smem:$0x3F9E];
	_ =	swait.ge [sflag:s4], $0x0  }
0x19: {  	s7 =	sld [smem:$0x3F9F]  }
0x1a: {  	s8 =	sadd.s32 $0xFFFFE003, lr  }
0x1b: {  	s9 =	sadd.s32 $0xFFFFFEF7, lr;
	s5 =	simm.s32 $0xFFFFFFFF;
	p2 =	slt.u32 s8, $0xFFFFF086  }
0x1c: {  	p1 =	slt.u32 s9, $0xF7A;
	s5 =	simm.s32 @!p2 $0x0  }
0x1d: {  	s5 =	simm.s32 @p1 $0x1;
	p0 =	seq.s32 s7, s2  }
0x1e: {  	s7 =	smul.u32 @!p0 $0xF7A, s2;
	p2 =	seq.s32 @!p0 s5, $0x0  }
0x1f: {  	s9 =	smul.u32 $0xF7A, s1;
	s8 =	simm.s32 @!p0 $0x1BF5;
	p2 =	por !p2, p0  }
0x20: {  	[sflag:s8] =	ssyncset.s32 @!p0 $0xFFFFF086;
	s6 =	sadd.s32 @!p0 s3, s7;
	s7 =	simm.s32 @!p0 $0x108  }
0x21: {  	s3 =	sadd.s32 s3, s9;
	s6 =	sadd.s32 @!p0 $0x88, s6;
	s7 =	simm.s32 @p2 $0x1082  }
0x22: {  	[simem:s7], [sflag:s8] =	dma.local @!p0 [hbm:s6], $0xF7A  }
0x23: {  	s9 =	sor.u32 $0xD0000000, s2;
	s6 =	simm.s32 $0x108;
	_ =	swait.ge @!p0 [sflag:s8], $0x0  }
0x24: {  	s3 =	sadd.s32 $0x88, s3;
	s6 =	simm.s32 @!p1 $0x1082;
	[sflag:s4] =	ssyncset.s32 $0xFFFFF086  }
0x25: {  	[simem:s6], [sflag:s4] =	dma.local [hbm:s3], $0xF7A  }
0x26: {  	[smem:$0x3F9F] =	sst s1;
	(tag) =	ssettag s2;
	_ =	strace s9  }
0x27: {  	s1 =	sld [smem:$0x3FAF]  }
0x28: {  	s2 =	sld [smem:$0x3FB0]  }
0x29: {  	s4 =	sld [smem:$0x3FB2]  }
0x2a: {  	p0 =	seq.s32 s5, $0x0;
	s5 =	sld [smem:$0x3FB3]  }
0x2b: {  	s6 =	sld [smem:$0x3FB4]  }
0x2c: {  	s7 =	sld [smem:$0x3FB5]  }
0x2d: {  	s3 =	simm.s32 $0x108;
	s8 =	sld [smem:$0x3FB6]  }
0x2e: {  	s3 =	simm.s32 @!p0 $0x1082;
	s9 =	sld [smem:$0x3FB7]  }
0x2f: {  	lr =	sadd.s32 s0, s3;
	s0 =	sld [smem:$0x3FAE]  }
0x30: {  	s3 =	sld [smem:$0x3FB1]  }
0x31: {  	[smem:$0x3FBA] =	sst s10  }
0x32: {  	s10 =	sld [smem:$0x3FB8];
	_ =	sdelay $0x3  }
0x33: {  	p0 =	seq.s32 s10, $0x1;
	s10 =	sld [smem:$0x3FBA];
	_ =	sdelay $0x3  }
0x34: {  	[smem:$0x3FBA] =	sst s10  }
0x35: {  	s10 =	sld [smem:$0x3FB9];
	_ =	sdelay $0x3  }
0x36: {  	p1 =	seq.s32 s10, $0x1;
	s10 =	sld [smem:$0x3FBA];
	_ =	sdelay $0x3  }
0x37: {  	[smem:$0x3FBA] =	sst s10  }
0x38: {  	s10 =	sld [smem:$0x3FBB]  }
0x39: {  	_ = 	snop;
	(pc) =	sbr.ind lr, $3  }
0x3a: {  	_ = 	snop  }
0x3b: {  	_ = 	snop  }
0x3c: {  	p2 =	seq.s32 s10, $0x1;
	s10 =	sld [smem:$0x3FBA]  }
0x3d: {  	_ =	shalt  }
0x3e: {  	_ =	shalt  }
0x3f: {  	_ =	shalt  }
0x40: {  	_ =	shalt  }
0x41: {  	_ =	shalt  }
0x42: {  	_ =	shalt  }
0x43: {  	_ =	shalt  }
0x44: {  	_ =	shalt  }
0x45: {  	_ =	shalt  }
0x46: {  	_ =	shalt  }
0x47: {  	_ =	shalt  }
0x48: {  	_ =	shalt  }
0x49: {  	_ =	shalt  }
0x4a: {  	_ =	shalt  }
0x4b: {  	_ =	shalt  }
0x4c: {  	_ =	shalt  }
0x4d: {  	_ =	shalt  }
0x4e: {  	_ =	shalt  }
0x4f: {  	_ =	shalt  }
0x50: {  	_ =	shalt  }
0x51: {  	_ =	shalt  }
0x52: {  	_ =	shalt  }
0x53: {  	_ =	shalt  }
0x54: {  	_ =	shalt  }
0x55: {  	_ =	shalt  }
0x56: {  	_ =	shalt  }
0x57: {  	_ =	shalt  }
0x58: {  	_ =	shalt  }
0x59: {  	_ =	shalt  }
0x5a: {  	_ =	shalt  }
0x5b: {  	_ =	shalt  }
0x5c: {  	_ =	shalt  }
0x5d: {  	_ =	shalt  }
0x5e: {  	_ =	shalt  }
0x5f: {  	_ =	shalt  }
0x60: {  	_ =	shalt  }
0x61: {  	_ =	shalt  }
0x62: {  	_ =	shalt  }
0x63: {  	_ =	shalt  }
0x64: {  	_ =	shalt  }
0x65: {  	_ =	shalt  }
0x66: {  	_ =	shalt  }
0x67: {  	_ =	shalt  }
0x68: {  	_ =	shalt  }
0x69: {  	_ =	shalt  }
0x6a: {  	_ =	shalt  }
0x6b: {  	_ =	shalt  }
0x6c: {  	_ =	shalt  }
0x6d: {  	_ =	shalt  }
0x6e: {  	_ =	shalt  }
0x6f: {  	_ =	shalt  }
0x70: {  	_ =	shalt  }
0x71: {  	_ =	shalt  }
0x72: {  	_ =	shalt  }
0x73: {  	_ =	shalt  }
0x74: {  	_ =	shalt  }
0x75: {  	_ =	shalt  }
0x76: {  	_ =	shalt  }
0x77: {  	_ =	shalt  }
0x78: {  	_ =	shalt  }
0x79: {  	_ =	shalt  }
0x7a: {  	_ =	shalt  }
0x7b: {  	_ =	shalt  }
0x7c: {  	_ =	shalt  }
0x7d: {  	_ =	shalt  }
0x7e: {  	_ =	shalt  }
0x7f: {  	_ =	shalt  }
0x80: {  	_ =	shalt  }
0x81: {  	_ =	shalt  }
0x82: {  	_ =	shalt  }
0x83: {  	_ =	shalt  }
0x84: {  	_ =	shalt  }
0x85: {  	_ =	shalt  }
0x86: {  	_ =	shalt  }
0x87: {  	_ =	shalt  }
.Lfunc_end0:
.L_simem_size_0:
called_computation.1_lowered:
.L_overlay_start_0:
0x88: {  	s2 =	sld [smem:$0x3FD9]  }
0x89: {  	s3 =	sld [smem:$0x3FFE];
	_ =	sdelay $0x1  }
0x8a: {  	s1 =	srdreg.scid  }
0x8b: {  	s0 =	sand.u32 $0x1, s1  }
0x8c: {  	s16 =	sshll.u32 s0, $0xA;
	s2 =	sadd.s32 s3, s2  }
0x8d: {  	s2 =	sadd.s32 s2, s16  }
0x8e: {  	[smem:$0x3FC6] =	sst s2  }
0x8f: {  	_ = 	snop  }
0x90: {  	(tm) =	ssettm $0x1  }
0x91: {  	s17 =	sld [smem:$0x3FFB];
	_ =	sdelay $0x3  }
0x92: {  	_ =	strace s17  }
0x93: {  	s2 =	sld [smem:$0x3FFC];
	_ =	sdelay $0x3  }
0x94: {  	_ =	strace s2  }
0x95: {  	s2 =	sld [smem:$0x3FFD];
	_ =	sdelay $0x3  }
0x96: {  	_ =	strace s2  }
0x97: {  	_ =	strace $0x8FFFFFFF  }
0x98: {  	s18 =	sld [smem:$0x3FDB];
	_ =	sdelay $0x1  }
0x99: {  	s19 =	simm.s32 $_scs_section_size  }
0x9a: {  	s4 =	simm.s32 $_size__tile_overlayer_lowered;
	s5 =	simm.s32 $_tile_overlayer_lowered  }
0x9b: {  	s22 =	simm.s32 $0x1BFF;
	s21 =	sshll.u32 s5, $0x1;
	s2 =	sadd.s32 s19, s18  }
0x9c: {  	s6 =	simm.s32 $0x0;
	s20 =	sshll.u32 s4, $0x1;
	s4 =	sadd.s32 s21, s2  }
0x9d: {  	[timem:s6], [sflag:s22] =	dma.local [hbm:s4], s20  }
0x9e: {  	_ =	swait.ge [sflag:s22], s20  }
0x9f: {  	s3 =	ssub.s32 $0x0, s20;
	[sflag:s22] =	ssyncset.done $0x0  }
0xa0: {  	[sflag:s22] =	ssyncadd.s32 s3;
	_ =	sdelay $0x1  }
0xa1: {  	s23 =	simm.s32 $0x1B8B  }
0xa2: {  	_ =	swait.ge [sflag:s23], $0x1  }
0xa3: {  	[sflag:s23] =	ssyncset.done $0x0  }
0xa4: {  	s25 =	simm.s32 $0x1B8E;
	s24 =	sld [smem:$0x3FFE];
	[sflag:s23] =	ssyncadd.s32 $0xFFFFFFFF  }
0xa5: {  	s26 =	simm.s32 $execute0_lowered;
	[smem:$0x3FD2] =	sst s25  }
0xa6: {  	s4 =	sshll.u32 s26, $0x1;
	_ =	strace $0x80000049;
	[dreg:$0x1] =	wrdreg $0xFFFFFFFF  }
0xa7: {  	s28 =	simm.s32 $_size_execute0_lowered;
	s2 =	sadd.s32 s2, s4;
	[dreg:$0x0] =	wrdreg $0x0  }
0xa8: {  	s4 =	sshll.u32 s28, $0x1;
	[dreg:$0x2] =	wrdreg s2  }
0xa9: {  	[dreg:$0x3] =	wrdreg s4  }
0xaa: {  	[dreg:$0x4] =	wrdreg $0xC0  }
0xab: {  	_ =	task [dreg:s6], $0x5FFFF  }
0xac: {  	[dreg:$0x1] =	wrdreg $0xFFFFFFFF  }
0xad: {  	[dreg:$0x0] =	wrdreg $0x60  }
0xae: {  	[dreg:$0x2] =	wrdreg s24  }
0xaf: {  	[dreg:$0x3] =	wrdreg $0xB3800  }
0xb0: {  	[dreg:$0x4] =	wrdreg $0xB5800  }
0xb1: {  	[dreg:$0x5] =	wrdreg $0xC5800  }
0xb2: {  	[dreg:$0x6] =	wrdreg $0x9  }
0xb3: {  	_ =	task.clear_ibuf [dreg:s6], $0x7FFFF;
	_ =	strace $0x90000049  }
0xb4: {  	s29 =	simm.s32 $0x9;
	_ =	strace $0x8000004B  }
0xb5: {  	_ =	swait.ge [sflag:s29], $0x1  }
0xb6: {  	[sflag:s29] =	ssyncadd.s32 $0xFFFFFFFF  }
0xb7: {  	_ =	strace $0x9000004B  }
0xb8: {  	_ =	sfence  }
0xb9: {  	s30 =	sld [smem:$0x0];
	_ =	sdelay $0x2  }
0xba: {  	s31 =	sshll.u32 s1, $0xD;
	s1 =	sshrl.u32 s1, $0x2  }
0xbb: {  	s3 =	sand.u32 $0x4000, s31;
	s1 =	sadd.s32 s1, s30  }
0xbc: {  	s0 =	sor.u32 s3, s0;
	s1 =	sshll.u32 s1, $0x11  }
0xbd: {  	s0 =	sor.u32 s1, s0  }
0xbe: {  	s0 =	sadd.s32 $0x8F2B, s0  }
0xbf: {  	[sflag:s0] =	ssyncadd.remote.s32 $0x1  }
0xc0: {  	_ =	sfence.sel $0xFFFF  }
0xc1: {  	[dreg:$0x0] =	wrdreg $0xFFFFFFFF;
	(pc) =	sbr.abs _section_cstart, $3  }
0xc2: {  	[dreg:$0x1] =	wrdreg $0xFFFFFFFF  }
0xc3: {  	_ =	task.clear_ibuf [dreg:s6], $0x2FFFF;
	_ =	strace $0x9FFFFFFF  }
0xc4: {  	(tm) =	ssettm $0x7FFFFFFF  }
0xc5: {  	_ =	shalt  }
tec
execute0_lowered:
.L_overlay_start_1:
0x0: {  	(tag) =	ssettag $0x1  }
0x1: {  	s0 =	rddreg [dreg:$0x0]  }
0x2: {  	s2 =	rddreg [dreg:$0x1]  }
0x3: {  	s6 =	rddreg [dreg:$0x2];
	s3 =	srdreg.scid  }
0x4: {  	s7 =	rddreg [dreg:$0x3];
	s1 =	stileid.u32;
	s28 =	simm.s32 $0x3  }
0x5: {  	s30 =	simm.s32 $0x1900;
	s31 =	simm.s32 $0x80;
	s29 =	simm.s32 $0x1B00  }
0x6: {  	s8 =	sand.u32 $0x1, s3;
	s9 =	sshll.u32 s1, $0x7;
	s3 =	simm.s32 $0x0  }
0x7: {  	s4 =	smul.u32 $0xC40, s1;
	s13 =	sadd.s32 $0x55B200, s0;
	s14 =	sshrl.u32 s1, $0x3  }
0x8: {  	s16 =	sshll.u32 s1, $0xB;
	s17 =	sshll.u32 s1, $0x8;
	s5 =	sshll.u32 s8, $0xB  }
0x9: {  	[smem:$0x7FF] =	sst s3;
	s8 =	ssub.s32 $0x2, s8;
	s15 =	sshll.u32 s14, $0xC  }
0xa: {  	s10 =	sor.u32 s9, s5;
	_ =	strace $0x8000004A;
	[dreg:$0x14] =	wrdreg s4  }
0xb: {  	s11 =	sshrl.u32 s4, $0x3;
	[dreg:$0x5] =	wrdreg s13;
	s26 =	sshrl.u32 s8, $0x1  }
0xc: {  	s9 =	sand.u32 $0x380, s9;
	s13 =	simm.s32 $0x2;
	s5 =	sshrl.u32 s10, $0x3  }
0xd: {  	s11 =	sadd.s32 s11, s0;
	s8 =	ssub.s32 s8, s26;
	s22 =	sadd.s32 s10, s7  }
0xe: {  	s12 =	smul.u32 $0x380, s5;
	s4 =	sadd.s32 $0xC00, s11;
	[dreg:$0xf] =	wrdreg s22  }
0xf: {  	s5 =	sadd.s32 $0x3E00, s0;
	s11 =	sadd.s32 $0x2480, s11;
	[dreg:$0x6] =	wrdreg s4  }
0x10: {  	s26 =	smax.u32 s8, $0x1;
	s8 =	simm.s32 $0x2100;
	[dreg:$0x7] =	wrdreg s11  }
0x11: {  	s11 =	sadd.s32 s15, s2;
	s25 =	sadd.s32 s12, s0;
	s12 =	sshll.u32 s14, $0xF  }
0x12: {  	[dreg:$0x13] =	wrdreg s26;
	s11 =	sadd.s32 s9, s11;
	s12 =	sadd.s32 s12, s6  }
0x13: {  	[dreg:$0x8] =	wrdreg s11;
	s11 =	sadd.s32 s16, s6;
	s6 =	sadd.s32 s17, s7  }
0x14: {  	s26 =	simm.s32 $0x3780;
	s18 =	sadd.s32 $0x61E800, s25;
	[dreg:$0xa] =	wrdreg s6  }
0x15: {  	s14 =	simm.s32 $0x0;
	s19 =	sadd.s32 $0x61E880, s25;
	[dreg:$0xb] =	wrdreg s18  }
0x16: {  	s16 =	sadd.s32 $0x3F00, s0;
	s20 =	sadd.s32 $0x61E900, s25;
	[dreg:$0xc] =	wrdreg s19  }
0x17: {  	v0 =	vimm.s32 $0x0;
	s17 =	sadd.s32 $0x3F80, s0;
	s21 =	sadd.s32 $0x61E980, s25;
	[dreg:$0xd] =	wrdreg s20  }
0x18: {  	v1 =	vlaneseq.u32;
	v2 =	vimm.s32 $0x3;
	v3 =	vimm.s32 $0x7;
	s23 =	sadd.s32 $0x61EA00, s25;
	s24 =	sadd.s32 $0x61EA80, s25;
	[dreg:$0xe] =	wrdreg s21  }
0x19: {  	vm0 =	vmmov $0x1;
	v5 =	vimm.s32 $0x1;
	v6 =	vimm.s32 $0x2;
	s25 =	sadd.s32 $0x61EB00, s25;
	s7 =	simm.s32 $0x1F00;
	[dreg:$0x10] =	wrdreg s23  }
0x1a: {  	v7 =	vimm.s32 $0x4;
	v8 =	vimm.s32 $0x5;
	v9 =	vimm.s32 $0x6;
	s9 =	sadd.s32 s9, s12;
	s12 =	sadd.s32 $0x3E80, s0;
	[dreg:$0x11] =	wrdreg s24  }
0x1b: {  	v10 =	vimm.s32 $0x8;
	v11 =	vimm.s32 $0x9;
	v12 =	vimm.s32 $0xA;
	s19 =	sadd.s32 $0x4000, s0;
	s21 =	sadd.s32 $0x4080, s0;
	[dreg:$0x12] =	wrdreg s25  }
0x1c: {  	v13 =	vimm.s32 $0xB;
	v14 =	vimm.s32 $0xC;
	v15 =	vimm.s32 $0xD;
	s0 =	simm.s32 $0x400;
	s6 =	simm.s32 $0x1;
	s24 =	simm.s32 $0x3380  }
0x1d: {  	v16 =	vimm.s32 $0xE;
	v17 =	vimm.s32 $0xF;
	v4 =	vmul.u32 $0x8, v1;
	s25 =	simm.s32 $0x3580;
	[dreg:$0x9] =	wrdreg s9;
	s9 =	simm.s32 $0x3200  }
.LBB2_1:
0x1e: {  	s15 =	rddreg [dreg:$0x6]  }
0x1f: {  	[tilespmem:s3], [sflag:$0x3] =	stream.linear.gather [hbm4b:s15+s3], $0xC40, $0x38;
	[tilespmem:$0xC680] =	vst v63  }
0x20: {  	_ =	swait.ge [sflag:s28], $0xC40  }
0x21: {  	[sflag:s28] =	ssyncset.done $0x0  }
0x22: {  	s18 =	simm.s32 $0xC80;
	s23 =	rddreg [dreg:$0x7];
	[sflag:s28] =	ssyncadd.s32 $0xFFFFF3C0  }
0x23: {  	[tilespmem:s18], [sflag:$0x3] =	stream.linear.gather [hbm4b:s23+s3], $0xC40, $0x38;
	[tilespmem:$0xC680] =	vst v63  }
0x24: {  	_ =	swait.ge [sflag:s28], $0xC40  }
0x25: {  	[sflag:s28] =	ssyncset.done $0x0  }
0x26: {  	s15 =	simm.s32 $0x0;
	[sflag:s28] =	ssyncadd.s32 $0xFFFFF3C0  }
.LBB2_2:
0x27: {  	p0 =	sne.s32 s15, $0x7C0  }
.Ltmp0:
0x28: {  	_ = 	snop;
	(pc) =	sbr.rel @p0 .LBB2_2-.Ltmp0, $4  }
0x29: {  	s18 =	sshra.s32 s15, $0x2  }
0x2a: {  	[tilespmem:s18+$0x1900] =	vst v0  }
0x2b: {  	[tilespmem:s18+$0x1D00] =	vst v0  }
0x2c: {  	s15 =	sadd.s32 $0x40, s15;
	[tilespmem:s18+$0x1F00] =	vst v0  }
0x2d: {  	s18 =	simm.s32 $0x0  }
0x2e: {  	s15 =	simm.s32 $0x40;
	v18 =	vld [tilespmem:s18+$0xC80]  }
.LBB2_4:
0x2f: {  	p0 =	sne.s32 s15, $0x30C0;
	v19 =	vld [tilespmem:s18+$0x0];
	_ =	sdelay $0x4  }
0x30: {  	v18 =	vadd.f32 v18, v19;
	_ =	sdelay $0x1  }
0x31: {  	v18 =	vmin.f32 v18, $5.110000000e+02  }
0x32: {  	v18 =	vtrunc.f32 v18  }
0x33: {  	v18 =	vcvt.f32.s32 v18;
	_ =	sdelay $0x1  }
0x34: {  	(xrf1) =	vunique.msk.u32 $0xffff, v18;
	_ =	sdelay $0xd  }
0x35: {  	_, v19, vm1 =	vpop (xrf1);
	_ =	sdelay $0x2  }
.Ltmp1:
0x36: {  	(pc) =	sbr.rel @p0 .LBB2_4-.Ltmp1, $3  }
0x37: {  	_ =	sdelay $0x1  }
0x38: {  	s18 =	sshra.s32 s15, $0x2;
	[tilespmem:v18+s30+$0x0] =	vst.idx.add.s32.msk vm1, v19  }
0x39: {  	s15 =	sadd.s32 $0x40, s15;
	v18 =	vld [tilespmem:s18+$0xC80]  }
0x3a: {  	v19 =	vld [tilespmem:s18+$0x0];
	_ =	sdelay $0x4  }
0x3b: {  	v18 =	vadd.f32 v18, v19;
	_ =	sdelay $0x1  }
0x3c: {  	v18 =	vmin.f32 v18, $5.110000000e+02  }
0x3d: {  	v18 =	vtrunc.f32 v18  }
0x3e: {  	v18 =	vcvt.f32.s32 v18;
	_ =	sdelay $0x1  }
0x3f: {  	(xrf1) =	vunique.msk.u32 $0xffff, v18;
	_ =	sdelay $0xd  }
0x40: {  	_, v19, vm1 =	vpop (xrf1);
	_ =	sdelay $0x5  }
0x41: {  	s15 =	rddreg [dreg:$0x8];
	[tilespmem:v18+s30+$0x0] =	vst.idx.add.s32.msk vm1, v19  }
0x42: {  	[spmem:s15] =	stream.strided.scatter [tilespmem:s30], [sflag:$0x3], $0x200, s0, s31, $0x38;
	[tilespmem:$0xC680] =	vst v63  }
0x43: {  	_ =	swait.ge [sflag:s28], $0x200  }
0x44: {  	[sflag:s28] =	ssyncset.done $0x0  }
0x45: {  	[sflag:s28] =	ssyncadd.s32 $0xFFFFFE00  }
0x46: {  	s15 =	simm.s32 $0x0;
	[bflag:$0x0] =	sbarrier.arrive $0xFFFF  }
.LBB2_6:
0x47: {  	s18 =	sshll.u32 s15, $0x9  }
0x48: {  	s20 =	sshll.u32 s15, $0x7;
	s18 =	sand.u32 $0x1000, s18  }
0x49: {  	s20 =	sand.u32 $0x380, s20;
	s18 =	sadd.s32 s18, s2  }
0x4a: {  	s18 =	sadd.s32 s20, s18  }
0x4b: {  	[tilespmem:s29], [sflag:$0x3] =	stream.strided.gather [spmem:s18], $0x200, s0, s31, $0x38;
	[tilespmem:$0xC680] =	vst v63  }
0x4c: {  	_ =	swait.ge [sflag:s28], $0x200  }
0x4d: {  	[sflag:s28] =	ssyncset.done $0x0  }
0x4e: {  	s18 =	simm.s32 $0x0;
	[sflag:s28] =	ssyncadd.s32 $0xFFFFFE00  }
0x4f: {  	v21 =	vld [tilespmem:s18+$0x1B00]  }
0x50: {  	v22 =	vld [tilespmem:s18+$0x1F00]  }
0x51: {  	p0 =	slt.u32 s15, s1;
	s20 =	simm.s32 $0x1;
	v19 =	vld [tilespmem:s18+$0x1D00]  }
0x52: {  	s20 =	simm.s32 @!p0 $0x0  }
0x53: {  	v18 =	vmov s20  }
0x54: {  	v20 =	vmul.u32 v18, v21  }
0x55: {  	s22 =	simm.s32 $0x80;
	s20 =	simm.s32 $0x10;
	v21 =	vadd.s32 v21, v22  }
.LBB2_7:
0x56: {  	p0 =	sne.s32 s22, $0x7C0;
	v22 =	vld [tilespmem:s20+$0x1B00];
	[tilespmem:s18+$0x1F00] =	vst v21;
	v19 =	vadd.s32 v20, v19  }
0x57: {  	v21 =	vld [tilespmem:s20+$0x1F00];
	[tilespmem:s18+$0x1D00] =	vst v19;
	s18 =	smov.u32 s20  }
.Ltmp2:
0x58: {  	v19 =	vld [tilespmem:s18+$0x1D00];
	(pc) =	sbr.rel @p0 .LBB2_7-.Ltmp2, $3  }
0x59: {  	_ =	sdelay $0x1  }
0x5a: {  	v20 =	vmul.u32 v18, v22  }
0x5b: {  	s20 =	sshra.s32 s22, $0x2;
	s22 =	sadd.s32 $0x40, s22;
	v21 =	vadd.s32 v22, v21  }
0x5c: {  	v22 =	vld [tilespmem:s20+$0x1B00];
	[tilespmem:s18+$0x1F00] =	vst v21;
	v19 =	vadd.s32 v20, v19  }
0x5d: {  	v63 =	vld [tilespmem:s20+$0x1F00];
	[tilespmem:s18+$0x1D00] =	vst v19  }
0x5e: {  	s15 =	sadd.s32 $0x1, s15;
	v19 =	vld [tilespmem:s20+$0x1D00]  }
0x5f: {  	p0 =	sne.s32 s15, $0x10  }
.Ltmp3:
0x60: {  	_ = 	snop;
	(pc) =	sbr.rel @p0 .LBB2_6-.Ltmp3, $4  }
0x61: {  	v18 =	vmul.u32 v18, v22  }
0x62: {  	v20 =	vadd.s32 v22, v63  }
0x63: {  	[tilespmem:s20+$0x1F00] =	vst v20;
	v18 =	vadd.s32 v18, v19  }
0x64: {  	[tilespmem:s20+$0x1D00] =	vst v18  }
0x65: {  	s15 =	simm.s32 $0x0  }
0x66: {  	s18 =	simm.s32 $0x1F0;
	s22 =	simm.s32 $0x780;
	s20 =	simm.s32 $0x0  }
.LBB2_10:
0x67: {  	p0 =	sne.s32 s22, $0x0;
	v18 =	vld [tilespmem:s18+$0x1F00];
	_ =	sdelay $0x4  }
0x68: {  	(xrf0) =	vadd.scan.msk.s32 $0xffff, v18;
	_ =	sdelay $0x5  }
0x69: {  	v18, _, _ =	vpop (xrf0)  }
0x6a: {  	(v2sf) =	vpush v18, $0xF;
	_ =	sdelay $0xa  }
0x6b: {  	v19 =	vld [tilespmem:s18+$0x1D00];
	_ =	sdelay $0x2  }
.Ltmp4:
0x6c: {  	(pc) =	sbr.rel @p0 .LBB2_10-.Ltmp4, $4  }
0x6d: {  	s23 =	spop (v2sf)  }
0x6e: {  	s20 =	sadd.s32 s20, s23;
	v18 =	vsub.s32 v19, v18  }
0x6f: {  	v18 =	vadd.s32 s20, v18  }
0x70: {  	[tilespmem:s18+$0x1F00] =	vst v18;
	s18 =	sshra.s32 s22, $0x2;
	s22 =	sadd.s32 $0xFFFFFFC0, s22  }
0x71: {  	v18 =	vld [tilespmem:s18+$0x1F00];
	_ =	sdelay $0x4  }
0x72: {  	(xrf0) =	vadd.scan.msk.s32 $0xffff, v18;
	_ =	sdelay $0x5  }
0x73: {  	v18, _, _ =	vpop (xrf0)  }
0x74: {  	(v2sf) =	vpush v18, $0xF;
	_ =	sdelay $0xa  }
0x75: {  	v19 =	vld [tilespmem:s18+$0x1D00];
	_ =	sdelay $0x3  }
0x76: {  	s22 =	spop (v2sf)  }
0x77: {  	v18 =	vsub.s32 v19, v18;
	s20 =	sadd.s32 s20, s22  }
0x78: {  	v18 =	vadd.s32 s20, v18  }
0x79: {  	[tilespmem:s18+$0x1F00] =	vst v18  }
.LBB2_12:
0x7a: {  	p0 =	sne.s32 s15, $0x3FC0  }
.Ltmp5:
0x7b: {  	_ = 	snop;
	(pc) =	sbr.rel @p0 .LBB2_12-.Ltmp5, $3  }
0x7c: {  	_ =	sdelay $0x1  }
0x7d: {  	s18 =	sshra.s32 s15, $0x2  }
0x7e: {  	s15 =	sadd.s32 $0x40, s15;
	[tilespmem:s18+$0x2100] =	vst v0  }
0x7f: {  	s15 =	simm.s32 $0x0  }
0x80: {  	v18 =	vld [tilespmem:s15+$0xC80]  }
0x81: {  	v19 =	vld [tilespmem:s15+$0x0];
	_ =	sdelay $0x4  }
0x82: {  	v18 =	vadd.f32 v18, v19;
	_ =	sdelay $0x1  }
0x83: {  	v18 =	vmin.f32 v18, $5.110000000e+02  }
0x84: {  	v18 =	vtrunc.f32 v18  }
0x85: {  	v18 =	vcvt.f32.s32 v18;
	_ =	sdelay $0x1  }
0x86: {  	(xrf1) =	vunique.msk.u32 $0xffff, v18;
	_ =	sdelay $0x9  }
0x87: {  	v19 =	vld.idx.msk [tilespmem:v18+s7+$0x0], $0xffff;
	_ =	sdelay $0x3  }
0x88: {  	_, v20, vm1 =	vpop (xrf1)  }
0x89: {  	v19 =	vadd.s32 v20, v19  }
0x8a: {  	v19 =	vadd.s32 $0xFFFFFFFF, v19  }
0x8b: {  	vm2 =	vlt.s32 v19, $0x1000  }
0x8c: {  	v19 =	vnsel vm2, $0x0, v19;
	_ =	sdelay $0x2  }
0x8d: {  	s4 =	rddreg [dreg:$0x14]  }
0x8e: {  	v21 =	vor.u32 s4, v1  }
0x8f: {  	[tilespmem:v19+s8+$0x0] =	vst.idx.msk vm2, v21  }
0x90: {  	s23 =	simm.s32 $0x10;
	[tilespmem:v18+s7+$0x0] =	vst.idx.add.s32.msk vm1, v20  }
0x91: {  	v18 =	vld [tilespmem:s23+$0xC80]  }
0x92: {  	s18 =	simm.s32 $0x80;
	s15 =	smov.u32 s4;
	v19 =	vld [tilespmem:s23+$0x0]  }
.LBB2_14:
0x93: {  	p0 =	sne.s32 s18, $0x30C0;
	_ =	sdelay $0x3  }
0x94: {  	v18 =	vadd.f32 v18, v19;
	_ =	sdelay $0x1  }
0x95: {  	v18 =	vmin.f32 v18, $5.110000000e+02  }
0x96: {  	v18 =	vtrunc.f32 v18  }
0x97: {  	v18 =	vcvt.f32.s32 v18;
	_ =	sdelay $0x1  }
0x98: {  	(xrf1) =	vunique.msk.u32 $0xffff, v18;
	_ =	sdelay $0x8  }
0x99: {  	v19 =	vld.idx.msk [tilespmem:v18+s7+$0x0], $0xffff;
	_ =	sdelay $0x4  }
0x9a: {  	_, v20, vm1 =	vpop (xrf1)  }
0x9b: {  	v19 =	vadd.s32 v20, v19  }
0x9c: {  	v19 =	vadd.s32 $0xFFFFFFFF, v19  }
0x9d: {  	vm2 =	vlt.s32 v19, $0x1000  }
0x9e: {  	v19 =	vnsel vm2, $0x0, v19;
	_ =	sdelay $0x2  }
0x9f: {  	s15 =	sadd.s32 $0x10, s15  }
.Ltmp6:
0xa0: {  	v21 =	vor.u32 s15, v1;
	(pc) =	sbr.rel @p0 .LBB2_14-.Ltmp6, $4  }
0xa1: {  	[tilespmem:v19+s8+$0x0] =	vst.idx.msk vm2, v21  }
0xa2: {  	s20 =	sshra.s32 s18, $0x2;
	[tilespmem:v18+s7+$0x0] =	vst.idx.add.s32.msk vm1, v20  }
0xa3: {  	v18 =	vld [tilespmem:s20+$0xC80]  }
0xa4: {  	s18 =	sadd.s32 $0x40, s18;
	v19 =	vld [tilespmem:s20+$0x0]  }
0xa5: {  	_ =	sdelay $0x3  }
0xa6: {  	v18 =	vadd.f32 v18, v19;
	_ =	sdelay $0x1  }
0xa7: {  	v18 =	vmin.f32 v18, $5.110000000e+02  }
0xa8: {  	v18 =	vtrunc.f32 v18  }
0xa9: {  	v18 =	vcvt.f32.s32 v18;
	_ =	sdelay $0x1  }
0xaa: {  	(xrf1) =	vunique.msk.u32 $0xffff, v18;
	_ =	sdelay $0x9  }
0xab: {  	v19 =	vld.idx.msk [tilespmem:v18+s7+$0x0], $0xffff;
	_ =	sdelay $0x3  }
0xac: {  	_, v20, vm1 =	vpop (xrf1)  }
0xad: {  	v19 =	vadd.s32 v20, v19  }
0xae: {  	v19 =	vadd.s32 $0xFFFFFFFF, v19  }
0xaf: {  	vm2 =	vlt.s32 v19, $0x1000  }
0xb0: {  	v19 =	vnsel vm2, $0x0, v19;
	_ =	sdelay $0x2  }
0xb1: {  	s15 =	sadd.s32 $0x10, s15  }
0xb2: {  	v21 =	vor.u32 s15, v1  }
0xb3: {  	[tilespmem:v19+s8+$0x0] =	vst.idx.msk vm2, v21  }
0xb4: {  	s23 =	rddreg [dreg:$0x9];
	[tilespmem:v18+s7+$0x0] =	vst.idx.add.s32.msk vm1, v20  }
0xb5: {  	[spmem:s23] =	stream.strided.scatter [tilespmem:s8], [sflag:$0x3], $0x1000, s0, s31, $0x38;
	[tilespmem:$0xC680] =	vst v63  }
0xb6: {  	_ =	swait.ge [sflag:s28], $0x1000  }
0xb7: {  	[sflag:s28] =	ssyncset.done $0x0  }
0xb8: {  	[sflag:s28] =	ssyncadd.s32 $0xFFFFF000  }
0xb9: {  	[bflag:$0x0] =	sbarrier.arrive $0xFFFF  }
0xba: {  	[tilespmem:$0x3100] =	vst v0  }
0xbb: {  	[tilespmem:$0x3110] =	vst v0  }
0xbc: {  	[tilespmem:$0x3120] =	vst v0  }
0xbd: {  	[tilespmem:$0x3130] =	vst v0  }
0xbe: {  	[tilespmem:$0x3140] =	vst v0  }
0xbf: {  	[tilespmem:$0x3150] =	vst v0  }
0xc0: {  	[tilespmem:$0x3160] =	vst v0  }
0xc1: {  	[tilespmem:$0x3170] =	vst v0  }
0xc2: {  	[tilespmem:$0x3180] =	vst v0  }
0xc3: {  	[tilespmem:$0x3190] =	vst v0  }
0xc4: {  	[tilespmem:$0x31A0] =	vst v0  }
0xc5: {  	[tilespmem:$0x31B0] =	vst v0  }
0xc6: {  	s15 =	simm.s32 $0x0;
	[tilespmem:$0x31C0] =	vst v0  }
0xc7: {  	s18 =	sand.u32 $0x8000, s15;
	[tilespmem:$0x31D0] =	vst v0  }
0xc8: {  	s20 =	sand.u32 $0x380, s15;
	s18 =	sadd.s32 s18, s11;
	[tilespmem:$0x31E0] =	vst v0  }
0xc9: {  	s18 =	sadd.s32 s20, s18;
	[tilespmem:$0x31F0] =	vst v0  }
0xca: {  	[tilespmem:s9], [sflag:$0x3] =	stream.strided.gather [spmem:s18], $0x100, s0, s31, $0x38;
	[tilespmem:$0xC680] =	vst v63  }
0xcb: {  	_ =	swait.ge [sflag:s28], $0x100  }
0xcc: {  	[sflag:s28] =	ssyncset.done $0x0  }
0xcd: {  	[sflag:s28] =	ssyncadd.s32 $0xFFFFFF00  }
0xce: {  	v20 =	vld [tilespmem:$0x32F0]  }
0xcf: {  	v21 =	vld [tilespmem:$0x32B0]  }
0xd0: {  	v22 =	vld [tilespmem:$0x32E0]  }
0xd1: {  	v18 =	vld [tilespmem:$0x3200]  }
0xd2: {  	v19 =	vld [tilespmem:$0x3210]  }
0xd3: {  	s18 =	simm.s32 $0x1000;
	v23 =	vld [tilespmem:$0x32A0]  }
.LBB2_16:
0xd4: {  	p0 =	sne.s32 s18, $0xF000  }
0xd5: {  	v24 =	vld [tilespmem:$0x3290];
	s15 =	sadd.s32 $0x80, s15;
	s20 =	smov.u32 s18;
	s18 =	sadd.s32 $0x1000, s18  }
0xd6: {  	v25 =	vld [tilespmem:$0x3280]  }
0xd7: {  	v26 =	vld [tilespmem:$0x3270]  }
0xd8: {  	v27 =	vld [tilespmem:$0x31A0]  }
0xd9: {  	v28 =	vld [tilespmem:$0x3220]  }
0xda: {  	v29 =	vld [tilespmem:$0x3190]  }
0xdb: {  	v30 =	vld [tilespmem:$0x3260]  }
0xdc: {  	v31 =	vld [tilespmem:$0x32D0]  }
0xdd: {  	v32 =	vld [tilespmem:$0x3250];
	v23 =	vadd.s32 v27, v23  }
0xde: {  	v27 =	vld [tilespmem:$0x3180];
	[tilespmem:$0x31A0] =	vst v23  }
0xdf: {  	v23 =	vld [tilespmem:$0x3170];
	v24 =	vadd.s32 v29, v24  }
0xe0: {  	[tilespmem:$0x3190] =	vst v24;
	v24 =	vld [tilespmem:$0x32C0]  }
0xe1: {  	v29 =	vld [tilespmem:$0x3160]  }
0xe2: {  	v33 =	vld [tilespmem:$0x3230]  }
0xe3: {  	v34 =	vld [tilespmem:$0x3240];
	v25 =	vadd.s32 v27, v25  }
0xe4: {  	v27 =	vld [tilespmem:$0x3150];
	v23 =	vadd.s32 v23, v26;
	[tilespmem:$0x3180] =	vst v25  }
0xe5: {  	v25 =	vld [tilespmem:$0x3140];
	[tilespmem:$0x3170] =	vst v23  }
0xe6: {  	v23 =	vadd.s32 v29, v30;
	v26 =	vld [tilespmem:$0x31E0]  }
0xe7: {  	[tilespmem:$0x3160] =	vst v23;
	v23 =	vld [tilespmem:$0x31B0]  }
0xe8: {  	v29 =	vld [tilespmem:$0x31C0]  }
0xe9: {  	v27 =	vadd.s32 v27, v32;
	v30 =	vld [tilespmem:$0x31D0]  }
0xea: {  	v25 =	vadd.s32 v25, v34;
	[tilespmem:$0x3150] =	vst v27;
	v27 =	vld [tilespmem:$0x31F0]  }
0xeb: {  	v32 =	vld [tilespmem:$0x3120];
	[tilespmem:$0x3140] =	vst v25;
	v22 =	vadd.s32 v26, v22  }
0xec: {  	v25 =	vld [tilespmem:$0x3130];
	v21 =	vadd.s32 v23, v21;
	[tilespmem:$0x31E0] =	vst v22  }
0xed: {  	v22 =	vld [tilespmem:$0x3110];
	[tilespmem:$0x31B0] =	vst v21;
	v21 =	vadd.s32 v29, v24  }
0xee: {  	v23 =	vld [tilespmem:$0x3100];
	[tilespmem:$0x31C0] =	vst v21;
	v21 =	vadd.s32 v30, v31  }
0xef: {  	[tilespmem:$0x31D0] =	vst v21;
	v20 =	vadd.s32 v27, v20  }
0xf0: {  	v21 =	vadd.s32 v32, v28;
	[tilespmem:$0x31F0] =	vst v20  }
0xf1: {  	[tilespmem:$0x3120] =	vst v21;
	v20 =	vadd.s32 v25, v33  }
0xf2: {  	s20 =	sand.u32 $0x8000, s20;
	v19 =	vadd.s32 v22, v19;
	[tilespmem:$0x3130] =	vst v20  }
0xf3: {  	s22 =	sand.u32 $0x380, s15;
	s20 =	sadd.s32 s20, s11;
	v18 =	vadd.s32 v23, v18;
	[tilespmem:$0x3110] =	vst v19  }
0xf4: {  	s20 =	sadd.s32 s22, s20;
	[tilespmem:$0x3100] =	vst v18  }
0xf5: {  	[tilespmem:s9], [sflag:$0x3] =	stream.strided.gather [spmem:s20], $0x100, s0, s31, $0x38;
	[tilespmem:$0xC680] =	vst v63  }
0xf6: {  	_ =	swait.ge [sflag:s28], $0x100  }
0xf7: {  	[sflag:s28] =	ssyncset.done $0x0  }
0xf8: {  	[sflag:s28] =	ssyncadd.s32 $0xFFFFFF00  }
0xf9: {  	v20 =	vld [tilespmem:$0x32F0]  }
.Ltmp7:
0xfa: {  	v21 =	vld [tilespmem:$0x32B0];
	(pc) =	sbr.rel @p0 .LBB2_16-.Ltmp7, $4  }
0xfb: {  	v22 =	vld [tilespmem:$0x32E0]  }
0xfc: {  	v18 =	vld [tilespmem:$0x3200]  }
0xfd: {  	v19 =	vld [tilespmem:$0x3210]  }
0xfe: {  	v23 =	vld [tilespmem:$0x32A0]  }
0xff: {  	v24 =	vld [tilespmem:$0x3290]  }
0x100: {  	v25 =	vld [tilespmem:$0x3280]  }
0x101: {  	v26 =	vld [tilespmem:$0x3270]  }
0x102: {  	v27 =	vld [tilespmem:$0x31A0]  }
0x103: {  	v28 =	vld [tilespmem:$0x3220]  }
0x104: {  	v29 =	vld [tilespmem:$0x3190]  }
0x105: {  	v30 =	vld [tilespmem:$0x3260]  }
0x106: {  	v31 =	vld [tilespmem:$0x32D0]  }
0x107: {  	v32 =	vld [tilespmem:$0x3250]  }
0x108: {  	v33 =	vld [tilespmem:$0x3180]  }
0x109: {  	v34 =	vld [tilespmem:$0x3170]  }
0x10a: {  	v35 =	vld [tilespmem:$0x32C0]  }
0x10b: {  	v36 =	vld [tilespmem:$0x3160]  }
0x10c: {  	v37 =	vld [tilespmem:$0x3230]  }
0x10d: {  	v38 =	vld [tilespmem:$0x3240]  }
0x10e: {  	v57 =	vld [tilespmem:$0x3150];
	v23 =	vadd.s32 v27, v23  }
0x10f: {  	v59 =	vld [tilespmem:$0x3140];
	v58 =	vadd.s32 v29, v24;
	[tilespmem:$0x31A0] =	vst v23  }
0x110: {  	v61 =	vld [tilespmem:$0x31E0];
	v60 =	vadd.s32 v33, v25;
	[tilespmem:$0x3190] =	vst v58  }
0x111: {  	v62 =	vld [tilespmem:$0x31B0];
	v26 =	vadd.s32 v34, v26;
	[tilespmem:$0x3180] =	vst v60  }
0x112: {  	v39 =	vld [tilespmem:$0x31F0];
	v63 =	vadd.s32 v36, v30;
	[tilespmem:$0x3170] =	vst v26  }
0x113: {  	v40 =	vld [tilespmem:$0x3120];
	v34 =	vadd.s32 v57, v32;
	[tilespmem:$0x3160] =	vst v63  }
0x114: {  	v41 =	vld [tilespmem:$0x3130];
	v24 =	vadd.s32 v59, v38;
	[tilespmem:$0x3150] =	vst v34  }
0x115: {  	v42 =	vld [tilespmem:$0x3110];
	v22 =	vadd.s32 v61, v22;
	[tilespmem:$0x3140] =	vst v24  }
0x116: {  	v44 =	vld [tilespmem:$0x3100];
	v21 =	vadd.s32 v62, v21;
	[tilespmem:$0x31E0] =	vst v22  }
0x117: {  	v33 =	vld [tilespmem:$0x31C0];
	v20 =	vadd.s32 v39, v20;
	[tilespmem:$0x31B0] =	vst v21  }
0x118: {  	v36 =	vld [tilespmem:$0x31D0];
	v46 =	vadd.s32 v40, v28;
	[tilespmem:$0x31F0] =	vst v20  }
0x119: {  	v47 =	vadd.s32 v41, v37;
	[tilespmem:$0x3120] =	vst v46  }
0x11a: {  	v19 =	vadd.s32 v42, v19;
	[tilespmem:$0x3130] =	vst v47  }
0x11b: {  	v18 =	vadd.s32 v44, v18;
	[tilespmem:$0x3110] =	vst v19  }
0x11c: {  	[tilespmem:$0x3100] =	vst v18;
	v43 =	vadd.s32 v33, v35  }
0x11d: {  	v45 =	vadd.s32 v36, v31;
	[tilespmem:$0x31C0] =	vst v43  }
0x11e: {  	s15 =	rddreg [dreg:$0xa];
	s18 =	simm.s32 $0x3100;
	[tilespmem:$0x31D0] =	vst v45  }
0x11f: {  	[spmem:s15] =	stream.linear.scatter [tilespmem:s18], [sflag:$0x3], $0x100, $0x38;
	[tilespmem:$0xC680] =	vst v63  }
0x120: {  	_ =	swait.ge [sflag:s28], $0x100  }
0x121: {  	[sflag:s28] =	ssyncset.done $0x0  }
0x122: {  	[sflag:s28] =	ssyncadd.s32 $0xFFFFFF00  }
0x123: {  	[bflag:$0x0] =	sbarrier.arrive $0xFFFF  }
0x124: {  	s4 =	simm.s32 $0x3300;
	s23 =	rddreg [dreg:$0xf]  }
0x125: {  	[tilespmem:s4], [sflag:$0x3] =	stream.linear.gather [spmem:s23], $0x80, $0x38;
	[tilespmem:$0xC680] =	vst v63  }
0x126: {  	_ =	swait.ge [sflag:s28], $0x80  }
0x127: {  	[sflag:s28] =	ssyncset.done $0x0  }
0x128: {  	[sflag:s28] =	ssyncadd.s32 $0xFFFFFF80  }
0x129: {  	v18 =	vld [tilespmem:$0x3300];
	_ =	sdelay $0x4  }
0x12a: {  	v19 =	vshrl.u32 v18, $0x3  }
0x12b: {  	v19 =	vmul.u32 $0x38, v19  }
0x12c: {  	v18 =	vand.u32 $0x7, v18  }
0x12d: {  	v18 =	vor.u32 v18, v19  }
0x12e: {  	v19 =	vperm.xlane v18, v0;
	_ =	sdelay $0x1  }
0x12f: {  	v48 =	vperm.xlane v18, v5;
	v19 =	vadd.s32 v4, v19;
	_ =	sdelay $0x1  }
0x130: {  	v49 =	vperm.xlane v18, v6;
	v20 =	vadd.s32 v4, v48;
	_ =	sdelay $0x1  }
0x131: {  	v50 =	vperm.xlane v18, v2;
	v21 =	vadd.s32 v4, v49  }
0x132: {  	[tilespmem:s24], [sflag:$0x1] =	stream.indirect_vreg.gather [hbm4b:s5+s3], $0x80, v19, vm0, $0xb8;
	[tilespmem:$0xC680] =	vst v63  }
0x133: {  	s20 =	simm.s32 $0x3400;
	v51 =	vperm.xlane v18, v7;
	v19 =	vadd.s32 v4, v50  }
0x134: {  	[tilespmem:s20], [sflag:$0x1] =	stream.indirect_vreg.gather [hbm4b:s5+s3], $0x80, v20, vm0, $0xb8;
	[tilespmem:$0xC680] =	vst v63  }
0x135: {  	s22 =	simm.s32 $0x3480;
	v53 =	vperm.xlane v18, v8;
	v52 =	vadd.s32 v4, v51  }
0x136: {  	[tilespmem:s22], [sflag:$0x1] =	stream.indirect_vreg.gather [hbm4b:s5+s3], $0x80, v21, vm0, $0xb8;
	[tilespmem:$0xC680] =	vst v63  }
0x137: {  	s23 =	simm.s32 $0x3500;
	v55 =	vperm.xlane v18, v9;
	v54 =	vadd.s32 v4, v53  }
0x138: {  	[tilespmem:s23], [sflag:$0x1] =	stream.indirect_vreg.gather [hbm4b:s5+s3], $0x80, v19, vm0, $0xb8;
	[tilespmem:$0xC680] =	vst v63  }
0x139: {  	v56 =	vperm.xlane v18, v3;
	v19 =	vadd.s32 v4, v55  }
0x13a: {  	[tilespmem:s25], [sflag:$0x1] =	stream.indirect_vreg.gather [hbm4b:s5+s3], $0x80, v52, vm0, $0xb8;
	[tilespmem:$0xC680] =	vst v63  }
0x13b: {  	s10 =	simm.s32 $0x3600;
	v58 =	vperm.xlane v18, v10;
	v57 =	vadd.s32 v4, v56  }
0x13c: {  	[tilespmem:s10], [sflag:$0x1] =	stream.indirect_vreg.gather [hbm4b:s5+s3], $0x80, v54, vm0, $0xb8;
	[tilespmem:$0xC680] =	vst v63  }
0x13d: {  	s18 =	simm.s32 $0x3680;
	v60 =	vperm.xlane v18, v11;
	v59 =	vadd.s32 v4, v58  }
0x13e: {  	[tilespmem:s18], [sflag:$0x1] =	stream.indirect_vreg.gather [hbm4b:s5+s3], $0x80, v19, vm0, $0xb8;
	[tilespmem:$0xC680] =	vst v63  }
0x13f: {  	s15 =	simm.s32 $0x3700;
	v61 =	vperm.xlane v18, v12;
	v19 =	vadd.s32 v4, v60  }
0x140: {  	[tilespmem:s15], [sflag:$0x1] =	stream.indirect_vreg.gather [hbm4b:s5+s3], $0x80, v57, vm0, $0xb8;
	[tilespmem:$0xC680] =	vst v63  }
0x141: {  	v63 =	vperm.xlane v18, v13;
	v62 =	vadd.s32 v4, v61  }
0x142: {  	[tilespmem:s26], [sflag:$0x1] =	stream.indirect_vreg.gather [hbm4b:s5+s3], $0x80, v59, vm0, $0xb8;
	[tilespmem:$0xC680] =	vst v63  }
0x143: {  	v25 =	vperm.xlane v18, v14;
	v24 =	vadd.s32 v4, v63;
	s10 =	simm.s32 $0x3800  }
0x144: {  	[tilespmem:s10], [sflag:$0x1] =	stream.indirect_vreg.gather [hbm4b:s5+s3], $0x80, v19, vm0, $0xb8;
	[tilespmem:$0xC680] =	vst v63  }
0x145: {  	v26 =	vperm.xlane v18, v15;
	s15 =	simm.s32 $0x3880;
	v19 =	vadd.s32 v4, v25  }
0x146: {  	[tilespmem:s15], [sflag:$0x1] =	stream.indirect_vreg.gather [hbm4b:s5+s3], $0x80, v62, vm0, $0xb8;
	[tilespmem:$0xC680] =	vst v63  }
0x147: {  	v28 =	vperm.xlane v18, v16;
	v27 =	vadd.s32 v4, v26;
	s10 =	simm.s32 $0x3900  }
0x148: {  	[tilespmem:s10], [sflag:$0x1] =	stream.indirect_vreg.gather [hbm4b:s5+s3], $0x80, v24, vm0, $0xb8;
	[tilespmem:$0xC680] =	vst v63  }
0x149: {  	v18 =	vperm.xlane v18, v17;
	v29 =	vadd.s32 v4, v28;
	s15 =	simm.s32 $0x3980  }
0x14a: {  	[tilespmem:s15], [sflag:$0x1] =	stream.indirect_vreg.gather [hbm4b:s5+s3], $0x80, v19, vm0, $0xb8;
	[tilespmem:$0xC680] =	vst v63  }
0x14b: {  	v18 =	vadd.s32 v4, v18;
	s10 =	simm.s32 $0x3A00  }
0x14c: {  	[tilespmem:s10], [sflag:$0x1] =	stream.indirect_vreg.gather [hbm4b:s5+s3], $0x80, v27, vm0, $0xb8;
	[tilespmem:$0xC680] =	vst v63  }
0x14d: {  	s15 =	simm.s32 $0x3A80  }
0x14e: {  	[tilespmem:s15], [sflag:$0x1] =	stream.indirect_vreg.gather [hbm4b:s5+s3], $0x80, v29, vm0, $0xb8;
	[tilespmem:$0xC680] =	vst v63  }
0x14f: {  	s10 =	simm.s32 $0x3B00  }
0x150: {  	[tilespmem:s10], [sflag:$0x1] =	stream.indirect_vreg.gather [hbm4b:s5+s3], $0x80, v18, vm0, $0xb8;
	[tilespmem:$0xC680] =	vst v63  }
0x151: {  	v18 =	vld [tilespmem:$0x3310];
	_ =	sdelay $0x4  }
0x152: {  	v19 =	vshrl.u32 v18, $0x3  }
0x153: {  	v19 =	vmul.u32 $0x38, v19  }
0x154: {  	v18 =	vand.u32 $0x7, v18  }
0x155: {  	v18 =	vor.u32 v18, v19  }
0x156: {  	v19 =	vperm.xlane v18, v0;
	_ =	sdelay $0x1  }
0x157: {  	v30 =	vperm.xlane v18, v5;
	v19 =	vadd.s32 v4, v19;
	_ =	sdelay $0x1  }
0x158: {  	v31 =	vperm.xlane v18, v6;
	v20 =	vadd.s32 v4, v30;
	_ =	sdelay $0x1  }
0x159: {  	s15 =	simm.s32 $0x3B80;
	v32 =	vperm.xlane v18, v2;
	v21 =	vadd.s32 v4, v31  }
0x15a: {  	[tilespmem:s15], [sflag:$0x1] =	stream.indirect_vreg.gather [hbm4b:s5+s3], $0x80, v19, vm0, $0xb8;
	[tilespmem:$0xC680] =	vst v63  }
0x15b: {  	s10 =	simm.s32 $0x3C00;
	v33 =	vperm.xlane v18, v7;
	v19 =	vadd.s32 v4, v32  }
0x15c: {  	[tilespmem:s10], [sflag:$0x1] =	stream.indirect_vreg.gather [hbm4b:s5+s3], $0x80, v20, vm0, $0xb8;
	[tilespmem:$0xC680] =	vst v63  }
0x15d: {  	v35 =	vperm.xlane v18, v8;
	v34 =	vadd.s32 v4, v33;
	s15 =	simm.s32 $0x3C80  }
0x15e: {  	[tilespmem:s15], [sflag:$0x1] =	stream.indirect_vreg.gather [hbm4b:s5+s3], $0x80, v21, vm0, $0xb8;
	[tilespmem:$0xC680] =	vst v63  }
0x15f: {  	v37 =	vperm.xlane v18, v9;
	v36 =	vadd.s32 v4, v35;
	s10 =	simm.s32 $0x3D00  }
0x160: {  	[tilespmem:s10], [sflag:$0x1] =	stream.indirect_vreg.gather [hbm4b:s5+s3], $0x80, v19, vm0, $0xb8;
	[tilespmem:$0xC680] =	vst v63  }
0x161: {  	v38 =	vperm.xlane v18, v3;
	s15 =	simm.s32 $0x3D80;
	v19 =	vadd.s32 v4, v37  }
0x162: {  	[tilespmem:s15], [sflag:$0x1] =	stream.indirect_vreg.gather [hbm4b:s5+s3], $0x80, v34, vm0, $0xb8;
	[tilespmem:$0xC680] =	vst v63  }
0x163: {  	v40 =	vperm.xlane v18, v10;
	v39 =	vadd.s32 v4, v38;
	s10 =	simm.s32 $0x3E00  }
0x164: {  	[tilespmem:s10], [sflag:$0x1] =	stream.indirect_vreg.gather [hbm4b:s5+s3], $0x80, v36, vm0, $0xb8;
	[tilespmem:$0xC680] =	vst v63  }
0x165: {  	v42 =	vperm.xlane v18, v11;
	v41 =	vadd.s32 v4, v40;
	s15 =	simm.s32 $0x3E80  }
0x166: {  	[tilespmem:s15], [sflag:$0x1] =	stream.indirect_vreg.gather [hbm4b:s5+s3], $0x80, v19, vm0, $0xb8;
	[tilespmem:$0xC680] =	vst v63  }
0x167: {  	v43 =	vperm.xlane v18, v12;
	s10 =	simm.s32 $0x3F00;
	v19 =	vadd.s32 v4, v42  }
0x168: {  	[tilespmem:s10], [sflag:$0x1] =	stream.indirect_vreg.gather [hbm4b:s5+s3], $0x80, v39, vm0, $0xb8;
	[tilespmem:$0xC680] =	vst v63  }
0x169: {  	v45 =	vperm.xlane v18, v13;
	v44 =	vadd.s32 v4, v43;
	s15 =	simm.s32 $0x3F80  }
0x16a: {  	[tilespmem:s15], [sflag:$0x1] =	stream.indirect_vreg.gather [hbm4b:s5+s3], $0x80, v41, vm0, $0xb8;
	[tilespmem:$0xC680] =	vst v63  }
0x16b: {  	v47 =	vperm.xlane v18, v14;
	v46 =	vadd.s32 v4, v45;
	s10 =	simm.s32 $0x4000  }
0x16c: {  	[tilespmem:s10], [sflag:$0x1] =	stream.indirect_vreg.gather [hbm4b:s5+s3], $0x80, v19, vm0, $0xb8;
	[tilespmem:$0xC680] =	vst v63  }
0x16d: {  	v48 =	vperm.xlane v18, v15;
	s15 =	simm.s32 $0x4080;
	v19 =	vadd.s32 v4, v47  }
0x16e: {  	[tilespmem:s15], [sflag:$0x1] =	stream.indirect_vreg.gather [hbm4b:s5+s3], $0x80, v44, vm0, $0xb8;
	[tilespmem:$0xC680] =	vst v63  }
0x16f: {  	v50 =	vperm.xlane v18, v16;
	v49 =	vadd.s32 v4, v48;
	s10 =	simm.s32 $0x4100  }
0x170: {  	[tilespmem:s10], [sflag:$0x1] =	stream.indirect_vreg.gather [hbm4b:s5+s3], $0x80, v46, vm0, $0xb8;
	[tilespmem:$0xC680] =	vst v63  }
0x171: {  	v18 =	vperm.xlane v18, v17;
	v51 =	vadd.s32 v4, v50;
	s15 =	simm.s32 $0x4180  }
0x172: {  	[tilespmem:s15], [sflag:$0x1] =	stream.indirect_vreg.gather [hbm4b:s5+s3], $0x80, v19, vm0, $0xb8;
	[tilespmem:$0xC680] =	vst v63  }
0x173: {  	v18 =	vadd.s32 v4, v18;
	s10 =	simm.s32 $0x4200  }
0x174: {  	[tilespmem:s10], [sflag:$0x1] =	stream.indirect_vreg.gather [hbm4b:s5+s3], $0x80, v49, vm0, $0xb8;
	[tilespmem:$0xC680] =	vst v63  }
0x175: {  	s15 =	simm.s32 $0x4280  }
0x176: {  	[tilespmem:s15], [sflag:$0x1] =	stream.indirect_vreg.gather [hbm4b:s5+s3], $0x80, v51, vm0, $0xb8;
	[tilespmem:$0xC680] =	vst v63  }
0x177: {  	s10 =	simm.s32 $0x4300  }
0x178: {  	[tilespmem:s10], [sflag:$0x1] =	stream.indirect_vreg.gather [hbm4b:s5+s3], $0x80, v18, vm0, $0xb8;
	[tilespmem:$0xC680] =	vst v63  }
0x179: {  	v18 =	vld [tilespmem:$0x3320];
	_ =	sdelay $0x4  }
0x17a: {  	v19 =	vshrl.u32 v18, $0x3  }
0x17b: {  	v19 =	vmul.u32 $0x38, v19  }
0x17c: {  	v18 =	vand.u32 $0x7, v18  }
0x17d: {  	v18 =	vor.u32 v18, v19  }
0x17e: {  	v19 =	vperm.xlane v18, v0;
	_ =	sdelay $0x1  }
0x17f: {  	v52 =	vperm.xlane v18, v5;
	v19 =	vadd.s32 v4, v19;
	_ =	sdelay $0x1  }
0x180: {  	v53 =	vperm.xlane v18, v6;
	v20 =	vadd.s32 v4, v52;
	_ =	sdelay $0x1  }
0x181: {  	s15 =	simm.s32 $0x4380;
	v54 =	vperm.xlane v18, v2;
	v21 =	vadd.s32 v4, v53  }
0x182: {  	[tilespmem:s15], [sflag:$0x1] =	stream.indirect_vreg.gather [hbm4b:s5+s3], $0x80, v19, vm0, $0xb8;
	[tilespmem:$0xC680] =	vst v63  }
0x183: {  	s10 =	simm.s32 $0x4400;
	v55 =	vperm.xlane v18, v7;
	v19 =	vadd.s32 v4, v54  }
0x184: {  	[tilespmem:s10], [sflag:$0x1] =	stream.indirect_vreg.gather [hbm4b:s5+s3], $0x80, v20, vm0, $0xb8;
	[tilespmem:$0xC680] =	vst v63  }
0x185: {  	v57 =	vperm.xlane v18, v8;
	v56 =	vadd.s32 v4, v55;
	s15 =	simm.s32 $0x4480  }
0x186: {  	[tilespmem:s15], [sflag:$0x1] =	stream.indirect_vreg.gather [hbm4b:s5+s3], $0x80, v21, vm0, $0xb8;
	[tilespmem:$0xC680] =	vst v63  }
0x187: {  	v59 =	vperm.xlane v18, v9;
	v58 =	vadd.s32 v4, v57;
	s10 =	simm.s32 $0x4500  }
0x188: {  	[tilespmem:s10], [sflag:$0x1] =	stream.indirect_vreg.gather [hbm4b:s5+s3], $0x80, v19, vm0, $0xb8;
	[tilespmem:$0xC680] =	vst v63  }
0x189: {  	v60 =	vperm.xlane v18, v3;
	s15 =	simm.s32 $0x4580;
	v19 =	vadd.s32 v4, v59  }
0x18a: {  	[tilespmem:s15], [sflag:$0x1] =	stream.indirect_vreg.gather [hbm4b:s5+s3], $0x80, v56, vm0, $0xb8;
	[tilespmem:$0xC680] =	vst v63  }
0x18b: {  	v62 =	vperm.xlane v18, v10;
	v61 =	vadd.s32 v4, v60;
	s10 =	simm.s32 $0x4600  }
0x18c: {  	[tilespmem:s10], [sflag:$0x1] =	stream.indirect_vreg.gather [hbm4b:s5+s3], $0x80, v58, vm0, $0xb8;
	[tilespmem:$0xC680] =	vst v63  }
0x18d: {  	v24 =	vperm.xlane v18, v11;
	v63 =	vadd.s32 v4, v62;
	s15 =	simm.s32 $0x4680  }
0x18e: {  	[tilespmem:s15], [sflag:$0x1] =	stream.indirect_vreg.gather [hbm4b:s5+s3], $0x80, v19, vm0, $0xb8;
	[tilespmem:$0xC680] =	vst v63  }
0x18f: {  	v25 =	vperm.xlane v18, v12;
	s10 =	simm.s32 $0x4700;
	v19 =	vadd.s32 v4, v24  }
0x190: {  	[tilespmem:s10], [sflag:$0x1] =	stream.indirect_vreg.gather [hbm4b:s5+s3], $0x80, v61, vm0, $0xb8;
	[tilespmem:$0xC680] =	vst v63  }
0x191: {  	v27 =	vperm.xlane v18, v13;
	v26 =	vadd.s32 v4, v25;
	s15 =	simm.s32 $0x4780  }
0x192: {  	[tilespmem:s15], [sflag:$0x1] =	stream.indirect_vreg.gather [hbm4b:s5+s3], $0x80, v63, vm0, $0xb8;
	[tilespmem:$0xC680] =	vst v63  }
0x193: {  	v29 =	vperm.xlane v18, v14;
	v28 =	vadd.s32 v4, v27;
	s10 =	simm.s32 $0x4800  }
0x194: {  	[tilespmem:s10], [sflag:$0x1] =	stream.indirect_vreg.gather [hbm4b:s5+s3], $0x80, v19, vm0, $0xb8;
	[tilespmem:$0xC680] =	vst v63  }
0x195: {  	v30 =	vperm.xlane v18, v15;
	s15 =	simm.s32 $0x4880;
	v19 =	vadd.s32 v4, v29  }
0x196: {  	[tilespmem:s15], [sflag:$0x1] =	stream.indirect_vreg.gather [hbm4b:s5+s3], $0x80, v26, vm0, $0xb8;
	[tilespmem:$0xC680] =	vst v63  }
0x197: {  	v32 =	vperm.xlane v18, v16;
	v31 =	vadd.s32 v4, v30;
	s10 =	simm.s32 $0x4900  }
0x198: {  	[tilespmem:s10], [sflag:$0x1] =	stream.indirect_vreg.gather [hbm4b:s5+s3], $0x80, v28, vm0, $0xb8;
	[tilespmem:$0xC680] =	vst v63  }
0x199: {  	v18 =	vperm.xlane v18, v17;
	v33 =	vadd.s32 v4, v32;
	s15 =	simm.s32 $0x4980  }
0x19a: {  	[tilespmem:s15], [sflag:$0x1] =	stream.indirect_vreg.gather [hbm4b:s5+s3], $0x80, v19, vm0, $0xb8;
	[tilespmem:$0xC680] =	vst v63  }
0x19b: {  	v18 =	vadd.s32 v4, v18;
	s10 =	simm.s32 $0x4A00  }
0x19c: {  	[tilespmem:s10], [sflag:$0x1] =	stream.indirect_vreg.gather [hbm4b:s5+s3], $0x80, v31, vm0, $0xb8;
	[tilespmem:$0xC680] =	vst v63  }
0x19d: {  	s15 =	simm.s32 $0x4A80  }
0x19e: {  	[tilespmem:s15], [sflag:$0x1] =	stream.indirect_vreg.gather [hbm4b:s5+s3], $0x80, v33, vm0, $0xb8;
	[tilespmem:$0xC680] =	vst v63  }
0x19f: {  	s10 =	simm.s32 $0x4B00  }
0x1a0: {  	[tilespmem:s10], [sflag:$0x1] =	stream.indirect_vreg.gather [hbm4b:s5+s3], $0x80, v18, vm0, $0xb8;
	[tilespmem:$0xC680] =	vst v63  }
0x1a1: {  	v18 =	vld [tilespmem:$0x3330];
	_ =	sdelay $0x4  }
0x1a2: {  	v19 =	vshrl.u32 v18, $0x3  }
0x1a3: {  	v19 =	vmul.u32 $0x38, v19  }
0x1a4: {  	v18 =	vand.u32 $0x7, v18  }
0x1a5: {  	v18 =	vor.u32 v18, v19  }
0x1a6: {  	v19 =	vperm.xlane v18, v0;
	_ =	sdelay $0x1  }
0x1a7: {  	v34 =	vperm.xlane v18, v5;
	v19 =	vadd.s32 v4, v19;
	_ =	sdelay $0x1  }
0x1a8: {  	v35 =	vperm.xlane v18, v6;
	v20 =	vadd.s32 v4, v34;
	_ =	sdelay $0x1  }
0x1a9: {  	s15 =	simm.s32 $0x4B80;
	v36 =	vperm.xlane v18, v2;
	v21 =	vadd.s32 v4, v35  }
0x1aa: {  	[tilespmem:s15], [sflag:$0x1] =	stream.indirect_vreg.gather [hbm4b:s5+s3], $0x80, v19, vm0, $0xb8;
	[tilespmem:$0xC680] =	vst v63  }
0x1ab: {  	s10 =	simm.s32 $0x4C00;
	v37 =	vperm.xlane v18, v7;
	v19 =	vadd.s32 v4, v36  }
0x1ac: {  	[tilespmem:s10], [sflag:$0x1] =	stream.indirect_vreg.gather [hbm4b:s5+s3], $0x80, v20, vm0, $0xb8;
	[tilespmem:$0xC680] =	vst v63  }
0x1ad: {  	v39 =	vperm.xlane v18, v8;
	v38 =	vadd.s32 v4, v37;
	s15 =	simm.s32 $0x4C80  }
0x1ae: {  	[tilespmem:s15], [sflag:$0x1] =	stream.indirect_vreg.gather [hbm4b:s5+s3], $0x80, v21, vm0, $0xb8;
	[tilespmem:$0xC680] =	vst v63  }
0x1af: {  	v41 =	vperm.xlane v18, v9;
	v40 =	vadd.s32 v4, v39;
	s10 =	simm.s32 $0x4D00  }
0x1b0: {  	[tilespmem:s10], [sflag:$0x1] =	stream.indirect_vreg.gather [hbm4b:s5+s3], $0x80, v19, vm0, $0xb8;
	[tilespmem:$0xC680] =	vst v63  }
0x1b1: {  	v42 =	vperm.xlane v18, v3;
	s15 =	simm.s32 $0x4D80;
	v19 =	vadd.s32 v4, v41  }
0x1b2: {  	[tilespmem:s15], [sflag:$0x1] =	stream.indirect_vreg.gather [hbm4b:s5+s3], $0x80, v38, vm0, $0xb8;
	[tilespmem:$0xC680] =	vst v63  }
0x1b3: {  	v44 =	vperm.xlane v18, v10;
	v43 =	vadd.s32 v4, v42;
	s10 =	simm.s32 $0x4E00  }
0x1b4: {  	[tilespmem:s10], [sflag:$0x1] =	stream.indirect_vreg.gather [hbm4b:s5+s3], $0x80, v40, vm0, $0xb8;
	[tilespmem:$0xC680] =	vst v63  }
0x1b5: {  	v46 =	vperm.xlane v18, v11;
	v45 =	vadd.s32 v4, v44;
	s15 =	simm.s32 $0x4E80  }
0x1b6: {  	[tilespmem:s15], [sflag:$0x1] =	stream.indirect_vreg.gather [hbm4b:s5+s3], $0x80, v19, vm0, $0xb8;
	[tilespmem:$0xC680] =	vst v63  }
0x1b7: {  	v47 =	vperm.xlane v18, v12;
	s10 =	simm.s32 $0x4F00;
	v19 =	vadd.s32 v4, v46  }
0x1b8: {  	[tilespmem:s10], [sflag:$0x1] =	stream.indirect_vreg.gather [hbm4b:s5+s3], $0x80, v43, vm0, $0xb8;
	[tilespmem:$0xC680] =	vst v63  }
0x1b9: {  	v49 =	vperm.xlane v18, v13;
	v48 =	vadd.s32 v4, v47;
	s15 =	simm.s32 $0x4F80  }
0x1ba: {  	[tilespmem:s15], [sflag:$0x1] =	stream.indirect_vreg.gather [hbm4b:s5+s3], $0x80, v45, vm0, $0xb8;
	[tilespmem:$0xC680] =	vst v63  }
0x1bb: {  	v51 =	vperm.xlane v18, v14;
	v50 =	vadd.s32 v4, v49;
	s10 =	simm.s32 $0x5000  }
0x1bc: {  	[tilespmem:s10], [sflag:$0x1] =	stream.indirect_vreg.gather [hbm4b:s5+s3], $0x80, v19, vm0, $0xb8;
	[tilespmem:$0xC680] =	vst v63  }
0x1bd: {  	v52 =	vperm.xlane v18, v15;
	s15 =	simm.s32 $0x5080;
	v19 =	vadd.s32 v4, v51  }
0x1be: {  	[tilespmem:s15], [sflag:$0x1] =	stream.indirect_vreg.gather [hbm4b:s5+s3], $0x80, v48, vm0, $0xb8;
	[tilespmem:$0xC680] =	vst v63  }
0x1bf: {  	v54 =	vperm.xlane v18, v16;
	v53 =	vadd.s32 v4, v52;
	s10 =	simm.s32 $0x5100  }
0x1c0: {  	[tilespmem:s10], [sflag:$0x1] =	stream.indirect_vreg.gather [hbm4b:s5+s3], $0x80, v50, vm0, $0xb8;
	[tilespmem:$0xC680] =	vst v63  }
0x1c1: {  	v18 =	vperm.xlane v18, v17;
	v55 =	vadd.s32 v4, v54;
	s15 =	simm.s32 $0x5180  }
0x1c2: {  	[tilespmem:s15], [sflag:$0x1] =	stream.indirect_vreg.gather [hbm4b:s5+s3], $0x80, v19, vm0, $0xb8;
	[tilespmem:$0xC680] =	vst v63  }
0x1c3: {  	v18 =	vadd.s32 v4, v18;
	s10 =	simm.s32 $0x5200  }
0x1c4: {  	[tilespmem:s10], [sflag:$0x1] =	stream.indirect_vreg.gather [hbm4b:s5+s3], $0x80, v53, vm0, $0xb8;
	[tilespmem:$0xC680] =	vst v63  }
0x1c5: {  	s15 =	simm.s32 $0x5280  }
0x1c6: {  	[tilespmem:s15], [sflag:$0x1] =	stream.indirect_vreg.gather [hbm4b:s5+s3], $0x80, v55, vm0, $0xb8;
	[tilespmem:$0xC680] =	vst v63  }
0x1c7: {  	s10 =	simm.s32 $0x5300  }
0x1c8: {  	[tilespmem:s10], [sflag:$0x1] =	stream.indirect_vreg.gather [hbm4b:s5+s3], $0x80, v18, vm0, $0xb8;
	[tilespmem:$0xC680] =	vst v63  }
0x1c9: {  	v18 =	vld [tilespmem:$0x3340];
	_ =	sdelay $0x4  }
0x1ca: {  	v19 =	vshrl.u32 v18, $0x3  }
0x1cb: {  	v19 =	vmul.u32 $0x38, v19  }
0x1cc: {  	v18 =	vand.u32 $0x7, v18  }
0x1cd: {  	v18 =	vor.u32 v18, v19  }
0x1ce: {  	v19 =	vperm.xlane v18, v0;
	_ =	sdelay $0x1  }
0x1cf: {  	v56 =	vperm.xlane v18, v5;
	v19 =	vadd.s32 v4, v19;
	_ =	sdelay $0x1  }
0x1d0: {  	v57 =	vperm.xlane v18, v6;
	v20 =	vadd.s32 v4, v56;
	_ =	sdelay $0x1  }
0x1d1: {  	s15 =	simm.s32 $0x5380;
	v58 =	vperm.xlane v18, v2;
	v21 =	vadd.s32 v4, v57  }
0x1d2: {  	[tilespmem:s15], [sflag:$0x1] =	stream.indirect_vreg.gather [hbm4b:s5+s3], $0x80, v19, vm0, $0xb8;
	[tilespmem:$0xC680] =	vst v63  }
0x1d3: {  	s10 =	simm.s32 $0x5400;
	v59 =	vperm.xlane v18, v7;
	v19 =	vadd.s32 v4, v58  }
0x1d4: {  	[tilespmem:s10], [sflag:$0x1] =	stream.indirect_vreg.gather [hbm4b:s5+s3], $0x80, v20, vm0, $0xb8;
	[tilespmem:$0xC680] =	vst v63  }
0x1d5: {  	v61 =	vperm.xlane v18, v8;
	v60 =	vadd.s32 v4, v59;
	s15 =	simm.s32 $0x5480  }
0x1d6: {  	[tilespmem:s15], [sflag:$0x1] =	stream.indirect_vreg.gather [hbm4b:s5+s3], $0x80, v21, vm0, $0xb8;
	[tilespmem:$0xC680] =	vst v63  }
0x1d7: {  	v63 =	vperm.xlane v18, v9;
	v62 =	vadd.s32 v4, v61;
	s10 =	simm.s32 $0x5500  }
0x1d8: {  	[tilespmem:s10], [sflag:$0x1] =	stream.indirect_vreg.gather [hbm4b:s5+s3], $0x80, v19, vm0, $0xb8;
	[tilespmem:$0xC680] =	vst v63  }
0x1d9: {  	v24 =	vperm.xlane v18, v3;
	s15 =	simm.s32 $0x5580;
	v19 =	vadd.s32 v4, v63  }
0x1da: {  	[tilespmem:s15], [sflag:$0x1] =	stream.indirect_vreg.gather [hbm4b:s5+s3], $0x80, v60, vm0, $0xb8;
	[tilespmem:$0xC680] =	vst v63  }
0x1db: {  	v26 =	vperm.xlane v18, v10;
	v25 =	vadd.s32 v4, v24;
	s10 =	simm.s32 $0x5600  }
0x1dc: {  	[tilespmem:s10], [sflag:$0x1] =	stream.indirect_vreg.gather [hbm4b:s5+s3], $0x80, v62, vm0, $0xb8;
	[tilespmem:$0xC680] =	vst v63  }
0x1dd: {  	v28 =	vperm.xlane v18, v11;
	v27 =	vadd.s32 v4, v26;
	s15 =	simm.s32 $0x5680  }
0x1de: {  	[tilespmem:s15], [sflag:$0x1] =	stream.indirect_vreg.gather [hbm4b:s5+s3], $0x80, v19, vm0, $0xb8;
	[tilespmem:$0xC680] =	vst v63  }
0x1df: {  	v29 =	vperm.xlane v18, v12;
	s10 =	simm.s32 $0x5700;
	v19 =	vadd.s32 v4, v28  }
0x1e0: {  	[tilespmem:s10], [sflag:$0x1] =	stream.indirect_vreg.gather [hbm4b:s5+s3], $0x80, v25, vm0, $0xb8;
	[tilespmem:$0xC680] =	vst v63  }
0x1e1: {  	v31 =	vperm.xlane v18, v13;
	v30 =	vadd.s32 v4, v29;
	s15 =	simm.s32 $0x5780  }
0x1e2: {  	[tilespmem:s15], [sflag:$0x1] =	stream.indirect_vreg.gather [hbm4b:s5+s3], $0x80, v27, vm0, $0xb8;
	[tilespmem:$0xC680] =	vst v63  }
0x1e3: {  	v33 =	vperm.xlane v18, v14;
	v32 =	vadd.s32 v4, v31;
	s10 =	simm.s32 $0x5800  }
0x1e4: {  	[tilespmem:s10], [sflag:$0x1] =	stream.indirect_vreg.gather [hbm4b:s5+s3], $0x80, v19, vm0, $0xb8;
	[tilespmem:$0xC680] =	vst v63  }
0x1e5: {  	v34 =	vperm.xlane v18, v15;
	s15 =	simm.s32 $0x5880;
	v19 =	vadd.s32 v4, v33  }
0x1e6: {  	[tilespmem:s15], [sflag:$0x1] =	stream.indirect_vreg.gather [hbm4b:s5+s3], $0x80, v30, vm0, $0xb8;
	[tilespmem:$0xC680] =	vst v63  }
0x1e7: {  	v36 =	vperm.xlane v18, v16;
	v35 =	vadd.s32 v4, v34;
	s10 =	simm.s32 $0x5900  }
0x1e8: {  	[tilespmem:s10], [sflag:$0x1] =	stream.indirect_vreg.gather [hbm4b:s5+s3], $0x80, v32, vm0, $0xb8;
	[tilespmem:$0xC680] =	vst v63  }
0x1e9: {  	v18 =	vperm.xlane v18, v17;
	v37 =	vadd.s32 v4, v36;
	s15 =	simm.s32 $0x5980  }
0x1ea: {  	[tilespmem:s15], [sflag:$0x1] =	stream.indirect_vreg.gather [hbm4b:s5+s3], $0x80, v19, vm0, $0xb8;
	[tilespmem:$0xC680] =	vst v63  }
0x1eb: {  	v18 =	vadd.s32 v4, v18;
	s10 =	simm.s32 $0x5A00  }
0x1ec: {  	[tilespmem:s10], [sflag:$0x1] =	stream.indirect_vreg.gather [hbm4b:s5+s3], $0x80, v35, vm0, $0xb8;
	[tilespmem:$0xC680] =	vst v63  }
0x1ed: {  	s15 =	simm.s32 $0x5A80  }
0x1ee: {  	[tilespmem:s15], [sflag:$0x1] =	stream.indirect_vreg.gather [hbm4b:s5+s3], $0x80, v37, vm0, $0xb8;
	[tilespmem:$0xC680] =	vst v63  }
0x1ef: {  	s10 =	simm.s32 $0x5B00  }
0x1f0: {  	[tilespmem:s10], [sflag:$0x1] =	stream.indirect_vreg.gather [hbm4b:s5+s3], $0x80, v18, vm0, $0xb8;
	[tilespmem:$0xC680] =	vst v63  }
0x1f1: {  	v18 =	vld [tilespmem:$0x3350];
	_ =	sdelay $0x4  }
0x1f2: {  	v19 =	vshrl.u32 v18, $0x3  }
0x1f3: {  	v19 =	vmul.u32 $0x38, v19  }
0x1f4: {  	v18 =	vand.u32 $0x7, v18  }
0x1f5: {  	v18 =	vor.u32 v18, v19  }
0x1f6: {  	v19 =	vperm.xlane v18, v0;
	_ =	sdelay $0x1  }
0x1f7: {  	v38 =	vperm.xlane v18, v5;
	v19 =	vadd.s32 v4, v19;
	_ =	sdelay $0x1  }
0x1f8: {  	v39 =	vperm.xlane v18, v6;
	v20 =	vadd.s32 v4, v38;
	_ =	sdelay $0x1  }
0x1f9: {  	s15 =	simm.s32 $0x5B80;
	v40 =	vperm.xlane v18, v2;
	v21 =	vadd.s32 v4, v39  }
0x1fa: {  	[tilespmem:s15], [sflag:$0x1] =	stream.indirect_vreg.gather [hbm4b:s5+s3], $0x80, v19, vm0, $0xb8;
	[tilespmem:$0xC680] =	vst v63  }
0x1fb: {  	s10 =	simm.s32 $0x5C00;
	v41 =	vperm.xlane v18, v7;
	v19 =	vadd.s32 v4, v40  }
0x1fc: {  	[tilespmem:s10], [sflag:$0x1] =	stream.indirect_vreg.gather [hbm4b:s5+s3], $0x80, v20, vm0, $0xb8;
	[tilespmem:$0xC680] =	vst v63  }
0x1fd: {  	v43 =	vperm.xlane v18, v8;
	v42 =	vadd.s32 v4, v41;
	s15 =	simm.s32 $0x5C80  }
0x1fe: {  	[tilespmem:s15], [sflag:$0x1] =	stream.indirect_vreg.gather [hbm4b:s5+s3], $0x80, v21, vm0, $0xb8;
	[tilespmem:$0xC680] =	vst v63  }
0x1ff: {  	v45 =	vperm.xlane v18, v9;
	v44 =	vadd.s32 v4, v43;
	s10 =	simm.s32 $0x5D00  }
0x200: {  	[tilespmem:s10], [sflag:$0x1] =	stream.indirect_vreg.gather [hbm4b:s5+s3], $0x80, v19, vm0, $0xb8;
	[tilespmem:$0xC680] =	vst v63  }
0x201: {  	v46 =	vperm.xlane v18, v3;
	s15 =	simm.s32 $0x5D80;
	v19 =	vadd.s32 v4, v45  }
0x202: {  	[tilespmem:s15], [sflag:$0x1] =	stream.indirect_vreg.gather [hbm4b:s5+s3], $0x80, v42, vm0, $0xb8;
	[tilespmem:$0xC680] =	vst v63  }
0x203: {  	v48 =	vperm.xlane v18, v10;
	v47 =	vadd.s32 v4, v46;
	s10 =	simm.s32 $0x5E00  }
0x204: {  	[tilespmem:s10], [sflag:$0x1] =	stream.indirect_vreg.gather [hbm4b:s5+s3], $0x80, v44, vm0, $0xb8;
	[tilespmem:$0xC680] =	vst v63  }
0x205: {  	v50 =	vperm.xlane v18, v11;
	v49 =	vadd.s32 v4, v48;
	s15 =	simm.s32 $0x5E80  }
0x206: {  	[tilespmem:s15], [sflag:$0x1] =	stream.indirect_vreg.gather [hbm4b:s5+s3], $0x80, v19, vm0, $0xb8;
	[tilespmem:$0xC680] =	vst v63  }
0x207: {  	v51 =	vperm.xlane v18, v12;
	s10 =	simm.s32 $0x5F00;
	v19 =	vadd.s32 v4, v50  }
0x208: {  	[tilespmem:s10], [sflag:$0x1] =	stream.indirect_vreg.gather [hbm4b:s5+s3], $0x80, v47, vm0, $0xb8;
	[tilespmem:$0xC680] =	vst v63  }
0x209: {  	v53 =	vperm.xlane v18, v13;
	v52 =	vadd.s32 v4, v51;
	s15 =	simm.s32 $0x5F80  }
0x20a: {  	[tilespmem:s15], [sflag:$0x1] =	stream.indirect_vreg.gather [hbm4b:s5+s3], $0x80, v49, vm0, $0xb8;
	[tilespmem:$0xC680] =	vst v63  }
0x20b: {  	v55 =	vperm.xlane v18, v14;
	v54 =	vadd.s32 v4, v53;
	s10 =	simm.s32 $0x6000  }
0x20c: {  	[tilespmem:s10], [sflag:$0x1] =	stream.indirect_vreg.gather [hbm4b:s5+s3], $0x80, v19, vm0, $0xb8;
	[tilespmem:$0xC680] =	vst v63  }
0x20d: {  	v56 =	vperm.xlane v18, v15;
	s15 =	simm.s32 $0x6080;
	v19 =	vadd.s32 v4, v55  }
0x20e: {  	[tilespmem:s15], [sflag:$0x1] =	stream.indirect_vreg.gather [hbm4b:s5+s3], $0x80, v52, vm0, $0xb8;
	[tilespmem:$0xC680] =	vst v63  }
0x20f: {  	v58 =	vperm.xlane v18, v16;
	v57 =	vadd.s32 v4, v56;
	s10 =	simm.s32 $0x6100  }
0x210: {  	[tilespmem:s10], [sflag:$0x1] =	stream.indirect_vreg.gather [hbm4b:s5+s3], $0x80, v54, vm0, $0xb8;
	[tilespmem:$0xC680] =	vst v63  }
0x211: {  	v18 =	vperm.xlane v18, v17;
	v59 =	vadd.s32 v4, v58;
	s15 =	simm.s32 $0x6180  }
0x212: {  	[tilespmem:s15], [sflag:$0x1] =	stream.indirect_vreg.gather [hbm4b:s5+s3], $0x80, v19, vm0, $0xb8;
	[tilespmem:$0xC680] =	vst v63  }
0x213: {  	v18 =	vadd.s32 v4, v18;
	s10 =	simm.s32 $0x6200  }
0x214: {  	[tilespmem:s10], [sflag:$0x1] =	stream.indirect_vreg.gather [hbm4b:s5+s3], $0x80, v57, vm0, $0xb8;
	[tilespmem:$0xC680] =	vst v63  }
0x215: {  	s15 =	simm.s32 $0x6280  }
0x216: {  	[tilespmem:s15], [sflag:$0x1] =	stream.indirect_vreg.gather [hbm4b:s5+s3], $0x80, v59, vm0, $0xb8;
	[tilespmem:$0xC680] =	vst v63  }
0x217: {  	s10 =	simm.s32 $0x6300  }
0x218: {  	[tilespmem:s10], [sflag:$0x1] =	stream.indirect_vreg.gather [hbm4b:s5+s3], $0x80, v18, vm0, $0xb8;
	[tilespmem:$0xC680] =	vst v63  }
0x219: {  	v18 =	vld [tilespmem:$0x3360];
	_ =	sdelay $0x4  }
0x21a: {  	v19 =	vshrl.u32 v18, $0x3  }
0x21b: {  	v19 =	vmul.u32 $0x38, v19  }
0x21c: {  	v18 =	vand.u32 $0x7, v18  }
0x21d: {  	v18 =	vor.u32 v18, v19  }
0x21e: {  	v19 =	vperm.xlane v18, v0;
	_ =	sdelay $0x1  }
0x21f: {  	v60 =	vperm.xlane v18, v5;
	v19 =	vadd.s32 v4, v19;
	_ =	sdelay $0x1  }
0x220: {  	v61 =	vperm.xlane v18, v6;
	v20 =	vadd.s32 v4, v60;
	_ =	sdelay $0x1  }
0x221: {  	s15 =	simm.s32 $0x6380;
	v62 =	vperm.xlane v18, v2;
	v21 =	vadd.s32 v4, v61  }
0x222: {  	[tilespmem:s15], [sflag:$0x1] =	stream.indirect_vreg.gather [hbm4b:s5+s3], $0x80, v19, vm0, $0xb8;
	[tilespmem:$0xC680] =	vst v63  }
0x223: {  	s10 =	simm.s32 $0x6400;
	v63 =	vperm.xlane v18, v7;
	v19 =	vadd.s32 v4, v62  }
0x224: {  	[tilespmem:s10], [sflag:$0x1] =	stream.indirect_vreg.gather [hbm4b:s5+s3], $0x80, v20, vm0, $0xb8;
	[tilespmem:$0xC680] =	vst v63  }
0x225: {  	v25 =	vperm.xlane v18, v8;
	v24 =	vadd.s32 v4, v63;
	s15 =	simm.s32 $0x6480  }
0x226: {  	[tilespmem:s15], [sflag:$0x1] =	stream.indirect_vreg.gather [hbm4b:s5+s3], $0x80, v21, vm0, $0xb8;
	[tilespmem:$0xC680] =	vst v63  }
0x227: {  	v27 =	vperm.xlane v18, v9;
	v26 =	vadd.s32 v4, v25;
	s10 =	simm.s32 $0x6500  }
0x228: {  	[tilespmem:s10], [sflag:$0x1] =	stream.indirect_vreg.gather [hbm4b:s5+s3], $0x80, v19, vm0, $0xb8;
	[tilespmem:$0xC680] =	vst v63  }
0x229: {  	v28 =	vperm.xlane v18, v3;
	s15 =	simm.s32 $0x6580;
	v19 =	vadd.s32 v4, v27  }
0x22a: {  	[tilespmem:s15], [sflag:$0x1] =	stream.indirect_vreg.gather [hbm4b:s5+s3], $0x80, v24, vm0, $0xb8;
	[tilespmem:$0xC680] =	vst v63  }
0x22b: {  	v30 =	vperm.xlane v18, v10;
	v29 =	vadd.s32 v4, v28;
	s10 =	simm.s32 $0x6600  }
0x22c: {  	[tilespmem:s10], [sflag:$0x1] =	stream.indirect_vreg.gather [hbm4b:s5+s3], $0x80, v26, vm0, $0xb8;
	[tilespmem:$0xC680] =	vst v63  }
0x22d: {  	v32 =	vperm.xlane v18, v11;
	v31 =	vadd.s32 v4, v30;
	s15 =	simm.s32 $0x6680  }
0x22e: {  	[tilespmem:s15], [sflag:$0x1] =	stream.indirect_vreg.gather [hbm4b:s5+s3], $0x80, v19, vm0, $0xb8;
	[tilespmem:$0xC680] =	vst v63  }
0x22f: {  	v33 =	vperm.xlane v18, v12;
	s10 =	simm.s32 $0x6700;
	v19 =	vadd.s32 v4, v32  }
0x230: {  	[tilespmem:s10], [sflag:$0x1] =	stream.indirect_vreg.gather [hbm4b:s5+s3], $0x80, v29, vm0, $0xb8;
	[tilespmem:$0xC680] =	vst v63  }
0x231: {  	v35 =	vperm.xlane v18, v13;
	v34 =	vadd.s32 v4, v33;
	s15 =	simm.s32 $0x6780  }
0x232: {  	[tilespmem:s15], [sflag:$0x1] =	stream.indirect_vreg.gather [hbm4b:s5+s3], $0x80, v31, vm0, $0xb8;
	[tilespmem:$0xC680] =	vst v63  }
0x233: {  	v37 =	vperm.xlane v18, v14;
	v36 =	vadd.s32 v4, v35;
	s10 =	simm.s32 $0x6800  }
0x234: {  	[tilespmem:s10], [sflag:$0x1] =	stream.indirect_vreg.gather [hbm4b:s5+s3], $0x80, v19, vm0, $0xb8;
	[tilespmem:$0xC680] =	vst v63  }
0x235: {  	v38 =	vperm.xlane v18, v15;
	s15 =	simm.s32 $0x6880;
	v19 =	vadd.s32 v4, v37  }
0x236: {  	[tilespmem:s15], [sflag:$0x1] =	stream.indirect_vreg.gather [hbm4b:s5+s3], $0x80, v34, vm0, $0xb8;
	[tilespmem:$0xC680] =	vst v63  }
0x237: {  	v40 =	vperm.xlane v18, v16;
	v39 =	vadd.s32 v4, v38;
	s10 =	simm.s32 $0x6900  }
0x238: {  	[tilespmem:s10], [sflag:$0x1] =	stream.indirect_vreg.gather [hbm4b:s5+s3], $0x80, v36, vm0, $0xb8;
	[tilespmem:$0xC680] =	vst v63  }
0x239: {  	v18 =	vperm.xlane v18, v17;
	v41 =	vadd.s32 v4, v40;
	s15 =	simm.s32 $0x6980  }
0x23a: {  	[tilespmem:s15], [sflag:$0x1] =	stream.indirect_vreg.gather [hbm4b:s5+s3], $0x80, v19, vm0, $0xb8;
	[tilespmem:$0xC680] =	vst v63  }
0x23b: {  	v18 =	vadd.s32 v4, v18;
	s10 =	simm.s32 $0x6A00  }
0x23c: {  	[tilespmem:s10], [sflag:$0x1] =	stream.indirect_vreg.gather [hbm4b:s5+s3], $0x80, v39, vm0, $0xb8;
	[tilespmem:$0xC680] =	vst v63  }
0x23d: {  	s15 =	simm.s32 $0x6A80  }
0x23e: {  	[tilespmem:s15], [sflag:$0x1] =	stream.indirect_vreg.gather [hbm4b:s5+s3], $0x80, v41, vm0, $0xb8;
	[tilespmem:$0xC680] =	vst v63  }
0x23f: {  	s10 =	simm.s32 $0x6B00  }
0x240: {  	[tilespmem:s10], [sflag:$0x1] =	stream.indirect_vreg.gather [hbm4b:s5+s3], $0x80, v18, vm0, $0xb8;
	[tilespmem:$0xC680] =	vst v63  }
0x241: {  	v18 =	vld [tilespmem:$0x3370];
	_ =	sdelay $0x4  }
0x242: {  	v19 =	vshrl.u32 v18, $0x3  }
0x243: {  	v19 =	vmul.u32 $0x38, v19  }
0x244: {  	v18 =	vand.u32 $0x7, v18  }
0x245: {  	v18 =	vor.u32 v18, v19  }
0x246: {  	v19 =	vperm.xlane v18, v0;
	_ =	sdelay $0x1  }
0x247: {  	v42 =	vperm.xlane v18, v5;
	v19 =	vadd.s32 v4, v19;
	_ =	sdelay $0x1  }
0x248: {  	v43 =	vperm.xlane v18, v6;
	v20 =	vadd.s32 v4, v42;
	_ =	sdelay $0x1  }
0x249: {  	s15 =	simm.s32 $0x6B80;
	v44 =	vperm.xlane v18, v2;
	v21 =	vadd.s32 v4, v43  }
0x24a: {  	[tilespmem:s15], [sflag:$0x1] =	stream.indirect_vreg.gather [hbm4b:s5+s3], $0x80, v19, vm0, $0xb8;
	[tilespmem:$0xC680] =	vst v63  }
0x24b: {  	s10 =	simm.s32 $0x6C00;
	v45 =	vperm.xlane v18, v7;
	v19 =	vadd.s32 v4, v44  }
0x24c: {  	[tilespmem:s10], [sflag:$0x1] =	stream.indirect_vreg.gather [hbm4b:s5+s3], $0x80, v20, vm0, $0xb8;
	[tilespmem:$0xC680] =	vst v63  }
0x24d: {  	v47 =	vperm.xlane v18, v8;
	v46 =	vadd.s32 v4, v45;
	s15 =	simm.s32 $0x6C80  }
0x24e: {  	[tilespmem:s15], [sflag:$0x1] =	stream.indirect_vreg.gather [hbm4b:s5+s3], $0x80, v21, vm0, $0xb8;
	[tilespmem:$0xC680] =	vst v63  }
0x24f: {  	v49 =	vperm.xlane v18, v9;
	v48 =	vadd.s32 v4, v47;
	s10 =	simm.s32 $0x6D00  }
0x250: {  	[tilespmem:s10], [sflag:$0x1] =	stream.indirect_vreg.gather [hbm4b:s5+s3], $0x80, v19, vm0, $0xb8;
	[tilespmem:$0xC680] =	vst v63  }
0x251: {  	v50 =	vperm.xlane v18, v3;
	s15 =	simm.s32 $0x6D80;
	v19 =	vadd.s32 v4, v49  }
0x252: {  	[tilespmem:s15], [sflag:$0x1] =	stream.indirect_vreg.gather [hbm4b:s5+s3], $0x80, v46, vm0, $0xb8;
	[tilespmem:$0xC680] =	vst v63  }
0x253: {  	v52 =	vperm.xlane v18, v10;
	v51 =	vadd.s32 v4, v50;
	s10 =	simm.s32 $0x6E00  }
0x254: {  	[tilespmem:s10], [sflag:$0x1] =	stream.indirect_vreg.gather [hbm4b:s5+s3], $0x80, v48, vm0, $0xb8;
	[tilespmem:$0xC680] =	vst v63  }
0x255: {  	v54 =	vperm.xlane v18, v11;
	v53 =	vadd.s32 v4, v52;
	s15 =	simm.s32 $0x6E80  }
0x256: {  	[tilespmem:s15], [sflag:$0x1] =	stream.indirect_vreg.gather [hbm4b:s5+s3], $0x80, v19, vm0, $0xb8;
	[tilespmem:$0xC680] =	vst v63  }
0x257: {  	v55 =	vperm.xlane v18, v12;
	s10 =	simm.s32 $0x6F00;
	v19 =	vadd.s32 v4, v54  }
0x258: {  	[tilespmem:s10], [sflag:$0x1] =	stream.indirect_vreg.gather [hbm4b:s5+s3], $0x80, v51, vm0, $0xb8;
	[tilespmem:$0xC680] =	vst v63  }
0x259: {  	v57 =	vperm.xlane v18, v13;
	v56 =	vadd.s32 v4, v55;
	s15 =	simm.s32 $0x6F80  }
0x25a: {  	[tilespmem:s15], [sflag:$0x1] =	stream.indirect_vreg.gather [hbm4b:s5+s3], $0x80, v53, vm0, $0xb8;
	[tilespmem:$0xC680] =	vst v63  }
0x25b: {  	v59 =	vperm.xlane v18, v14;
	v58 =	vadd.s32 v4, v57;
	s10 =	simm.s32 $0x7000  }
0x25c: {  	[tilespmem:s10], [sflag:$0x1] =	stream.indirect_vreg.gather [hbm4b:s5+s3], $0x80, v19, vm0, $0xb8;
	[tilespmem:$0xC680] =	vst v63  }
0x25d: {  	v60 =	vperm.xlane v18, v15;
	s15 =	simm.s32 $0x7080;
	v19 =	vadd.s32 v4, v59  }
0x25e: {  	[tilespmem:s15], [sflag:$0x1] =	stream.indirect_vreg.gather [hbm4b:s5+s3], $0x80, v56, vm0, $0xb8;
	[tilespmem:$0xC680] =	vst v63  }
0x25f: {  	v62 =	vperm.xlane v18, v16;
	v61 =	vadd.s32 v4, v60;
	s10 =	simm.s32 $0x7100  }
0x260: {  	[tilespmem:s10], [sflag:$0x1] =	stream.indirect_vreg.gather [hbm4b:s5+s3], $0x80, v58, vm0, $0xb8;
	[tilespmem:$0xC680] =	vst v63  }
0x261: {  	v18 =	vperm.xlane v18, v17;
	v63 =	vadd.s32 v4, v62;
	s15 =	simm.s32 $0x7180  }
0x262: {  	[tilespmem:s15], [sflag:$0x1] =	stream.indirect_vreg.gather [hbm4b:s5+s3], $0x80, v19, vm0, $0xb8;
	[tilespmem:$0xC680] =	vst v63  }
0x263: {  	v18 =	vadd.s32 v4, v18;
	s10 =	simm.s32 $0x7200  }
0x264: {  	[tilespmem:s10], [sflag:$0x1] =	stream.indirect_vreg.gather [hbm4b:s5+s3], $0x80, v61, vm0, $0xb8;
	[tilespmem:$0xC680] =	vst v63  }
0x265: {  	s15 =	simm.s32 $0x7280  }
0x266: {  	[tilespmem:s15], [sflag:$0x1] =	stream.indirect_vreg.gather [hbm4b:s5+s3], $0x80, v63, vm0, $0xb8;
	[tilespmem:$0xC680] =	vst v63  }
0x267: {  	s10 =	simm.s32 $0x7300  }
0x268: {  	[tilespmem:s10], [sflag:$0x1] =	stream.indirect_vreg.gather [hbm4b:s5+s3], $0x80, v18, vm0, $0xb8;
	[tilespmem:$0xC680] =	vst v63  }
0x269: {  	v18 =	vld [tilespmem:$0x3300];
	_ =	sdelay $0x4  }
0x26a: {  	v19 =	vshrl.u32 v18, $0x3  }
0x26b: {  	v19 =	vmul.u32 $0x38, v19  }
0x26c: {  	v18 =	vand.u32 $0x7, v18  }
0x26d: {  	v18 =	vor.u32 v18, v19  }
0x26e: {  	v19 =	vperm.xlane v18, v0;
	_ =	sdelay $0x1  }
0x26f: {  	v24 =	vperm.xlane v18, v5;
	v19 =	vadd.s32 v4, v19;
	_ =	sdelay $0x1  }
0x270: {  	v25 =	vperm.xlane v18, v6;
	v20 =	vadd.s32 v4, v24;
	_ =	sdelay $0x1  }
0x271: {  	s4 =	simm.s32 $0x7380;
	v26 =	vperm.xlane v18, v2;
	v21 =	vadd.s32 v4, v25  }
0x272: {  	[tilespmem:s4], [sflag:$0x2] =	stream.indirect_vreg.gather [hbm4b:s12+s3], $0x80, v19, vm0, $0xb8;
	[tilespmem:$0xC680] =	vst v63  }
0x273: {  	s10 =	simm.s32 $0x7400;
	v27 =	vperm.xlane v18, v7;
	v19 =	vadd.s32 v4, v26  }
0x274: {  	[tilespmem:s10], [sflag:$0x2] =	stream.indirect_vreg.gather [hbm4b:s12+s3], $0x80, v20, vm0, $0xb8;
	[tilespmem:$0xC680] =	vst v63  }
0x275: {  	s15 =	simm.s32 $0x7480;
	v29 =	vperm.xlane v18, v8;
	v28 =	vadd.s32 v4, v27  }
0x276: {  	[tilespmem:s15], [sflag:$0x2] =	stream.indirect_vreg.gather [hbm4b:s12+s3], $0x80, v21, vm0, $0xb8;
	[tilespmem:$0xC680] =	vst v63  }
0x277: {  	v31 =	vperm.xlane v18, v9;
	v30 =	vadd.s32 v4, v29;
	s15 =	simm.s32 $0x7500  }
0x278: {  	[tilespmem:s15], [sflag:$0x2] =	stream.indirect_vreg.gather [hbm4b:s12+s3], $0x80, v19, vm0, $0xb8;
	[tilespmem:$0xC680] =	vst v63  }
0x279: {  	v32 =	vperm.xlane v18, v3;
	v19 =	vadd.s32 v4, v31;
	s15 =	simm.s32 $0x7580  }
0x27a: {  	[tilespmem:s15], [sflag:$0x2] =	stream.indirect_vreg.gather [hbm4b:s12+s3], $0x80, v28, vm0, $0xb8;
	[tilespmem:$0xC680] =	vst v63  }
0x27b: {  	v34 =	vperm.xlane v18, v10;
	v33 =	vadd.s32 v4, v32;
	s15 =	simm.s32 $0x7600  }
0x27c: {  	[tilespmem:s15], [sflag:$0x2] =	stream.indirect_vreg.gather [hbm4b:s12+s3], $0x80, v30, vm0, $0xb8;
	[tilespmem:$0xC680] =	vst v63  }
0x27d: {  	v36 =	vperm.xlane v18, v11;
	v35 =	vadd.s32 v4, v34;
	s15 =	simm.s32 $0x7680  }
0x27e: {  	[tilespmem:s15], [sflag:$0x2] =	stream.indirect_vreg.gather [hbm4b:s12+s3], $0x80, v19, vm0, $0xb8;
	[tilespmem:$0xC680] =	vst v63  }
0x27f: {  	v37 =	vperm.xlane v18, v12;
	v19 =	vadd.s32 v4, v36;
	s15 =	simm.s32 $0x7700  }
0x280: {  	[tilespmem:s15], [sflag:$0x2] =	stream.indirect_vreg.gather [hbm4b:s12+s3], $0x80, v33, vm0, $0xb8;
	[tilespmem:$0xC680] =	vst v63  }
0x281: {  	v39 =	vperm.xlane v18, v13;
	v38 =	vadd.s32 v4, v37;
	s15 =	simm.s32 $0x7780  }
0x282: {  	[tilespmem:s15], [sflag:$0x2] =	stream.indirect_vreg.gather [hbm4b:s12+s3], $0x80, v35, vm0, $0xb8;
	[tilespmem:$0xC680] =	vst v63  }
0x283: {  	v41 =	vperm.xlane v18, v14;
	v40 =	vadd.s32 v4, v39;
	s15 =	simm.s32 $0x7800  }
0x284: {  	[tilespmem:s15], [sflag:$0x2] =	stream.indirect_vreg.gather [hbm4b:s12+s3], $0x80, v19, vm0, $0xb8;
	[tilespmem:$0xC680] =	vst v63  }
0x285: {  	v42 =	vperm.xlane v18, v15;
	v19 =	vadd.s32 v4, v41;
	s15 =	simm.s32 $0x7880  }
0x286: {  	[tilespmem:s15], [sflag:$0x2] =	stream.indirect_vreg.gather [hbm4b:s12+s3], $0x80, v38, vm0, $0xb8;
	[tilespmem:$0xC680] =	vst v63  }
0x287: {  	v44 =	vperm.xlane v18, v16;
	v43 =	vadd.s32 v4, v42;
	s15 =	simm.s32 $0x7900  }
0x288: {  	[tilespmem:s15], [sflag:$0x2] =	stream.indirect_vreg.gather [hbm4b:s12+s3], $0x80, v40, vm0, $0xb8;
	[tilespmem:$0xC680] =	vst v63  }
0x289: {  	v18 =	vperm.xlane v18, v17;
	v45 =	vadd.s32 v4, v44;
	s15 =	simm.s32 $0x7980  }
0x28a: {  	[tilespmem:s15], [sflag:$0x2] =	stream.indirect_vreg.gather [hbm4b:s12+s3], $0x80, v19, vm0, $0xb8;
	[tilespmem:$0xC680] =	vst v63  }
0x28b: {  	v18 =	vadd.s32 v4, v18;
	s15 =	simm.s32 $0x7A00  }
0x28c: {  	[tilespmem:s15], [sflag:$0x2] =	stream.indirect_vreg.gather [hbm4b:s12+s3], $0x80, v43, vm0, $0xb8;
	[tilespmem:$0xC680] =	vst v63  }
0x28d: {  	s15 =	simm.s32 $0x7A80  }
0x28e: {  	[tilespmem:s15], [sflag:$0x2] =	stream.indirect_vreg.gather [hbm4b:s12+s3], $0x80, v45, vm0, $0xb8;
	[tilespmem:$0xC680] =	vst v63  }
0x28f: {  	s15 =	simm.s32 $0x7B00  }
0x290: {  	[tilespmem:s15], [sflag:$0x2] =	stream.indirect_vreg.gather [hbm4b:s12+s3], $0x80, v18, vm0, $0xb8;
	[tilespmem:$0xC680] =	vst v63  }
0x291: {  	v18 =	vld [tilespmem:$0x3310];
	_ =	sdelay $0x4  }
0x292: {  	v19 =	vshrl.u32 v18, $0x3  }
0x293: {  	v19 =	vmul.u32 $0x38, v19  }
0x294: {  	v18 =	vand.u32 $0x7, v18  }
0x295: {  	v18 =	vor.u32 v18, v19  }
0x296: {  	v19 =	vperm.xlane v18, v0;
	_ =	sdelay $0x1  }
0x297: {  	v46 =	vperm.xlane v18, v5;
	v19 =	vadd.s32 v4, v19;
	_ =	sdelay $0x1  }
0x298: {  	v47 =	vperm.xlane v18, v6;
	v20 =	vadd.s32 v4, v46;
	_ =	sdelay $0x1  }
0x299: {  	s15 =	simm.s32 $0x7B80;
	v48 =	vperm.xlane v18, v2;
	v21 =	vadd.s32 v4, v47  }
0x29a: {  	[tilespmem:s15], [sflag:$0x2] =	stream.indirect_vreg.gather [hbm4b:s12+s3], $0x80, v19, vm0, $0xb8;
	[tilespmem:$0xC680] =	vst v63  }
0x29b: {  	v49 =	vperm.xlane v18, v7;
	v19 =	vadd.s32 v4, v48;
	s15 =	simm.s32 $0x7C00  }
0x29c: {  	[tilespmem:s15], [sflag:$0x2] =	stream.indirect_vreg.gather [hbm4b:s12+s3], $0x80, v20, vm0, $0xb8;
	[tilespmem:$0xC680] =	vst v63  }
0x29d: {  	v51 =	vperm.xlane v18, v8;
	v50 =	vadd.s32 v4, v49;
	s15 =	simm.s32 $0x7C80  }
0x29e: {  	[tilespmem:s15], [sflag:$0x2] =	stream.indirect_vreg.gather [hbm4b:s12+s3], $0x80, v21, vm0, $0xb8;
	[tilespmem:$0xC680] =	vst v63  }
0x29f: {  	v53 =	vperm.xlane v18, v9;
	v52 =	vadd.s32 v4, v51;
	s15 =	simm.s32 $0x7D00  }
0x2a0: {  	[tilespmem:s15], [sflag:$0x2] =	stream.indirect_vreg.gather [hbm4b:s12+s3], $0x80, v19, vm0, $0xb8;
	[tilespmem:$0xC680] =	vst v63  }
0x2a1: {  	v54 =	vperm.xlane v18, v3;
	v19 =	vadd.s32 v4, v53;
	s15 =	simm.s32 $0x7D80  }
0x2a2: {  	[tilespmem:s15], [sflag:$0x2] =	stream.indirect_vreg.gather [hbm4b:s12+s3], $0x80, v50, vm0, $0xb8;
	[tilespmem:$0xC680] =	vst v63  }
0x2a3: {  	v56 =	vperm.xlane v18, v10;
	v55 =	vadd.s32 v4, v54;
	s15 =	simm.s32 $0x7E00  }
0x2a4: {  	[tilespmem:s15], [sflag:$0x2] =	stream.indirect_vreg.gather [hbm4b:s12+s3], $0x80, v52, vm0, $0xb8;
	[tilespmem:$0xC680] =	vst v63  }
0x2a5: {  	v58 =	vperm.xlane v18, v11;
	v57 =	vadd.s32 v4, v56;
	s15 =	simm.s32 $0x7E80  }
0x2a6: {  	[tilespmem:s15], [sflag:$0x2] =	stream.indirect_vreg.gather [hbm4b:s12+s3], $0x80, v19, vm0, $0xb8;
	[tilespmem:$0xC680] =	vst v63  }
0x2a7: {  	v59 =	vperm.xlane v18, v12;
	v19 =	vadd.s32 v4, v58;
	s15 =	simm.s32 $0x7F00  }
0x2a8: {  	[tilespmem:s15], [sflag:$0x2] =	stream.indirect_vreg.gather [hbm4b:s12+s3], $0x80, v55, vm0, $0xb8;
	[tilespmem:$0xC680] =	vst v63  }
0x2a9: {  	v61 =	vperm.xlane v18, v13;
	v60 =	vadd.s32 v4, v59;
	s15 =	simm.s32 $0x7F80  }
0x2aa: {  	[tilespmem:s15], [sflag:$0x2] =	stream.indirect_vreg.gather [hbm4b:s12+s3], $0x80, v57, vm0, $0xb8;
	[tilespmem:$0xC680] =	vst v63  }
0x2ab: {  	v63 =	vperm.xlane v18, v14;
	v62 =	vadd.s32 v4, v61;
	s15 =	simm.s32 $0x8000  }
0x2ac: {  	[tilespmem:s15], [sflag:$0x2] =	stream.indirect_vreg.gather [hbm4b:s12+s3], $0x80, v19, vm0, $0xb8;
	[tilespmem:$0xC680] =	vst v63  }
0x2ad: {  	v24 =	vperm.xlane v18, v15;
	v19 =	vadd.s32 v4, v63;
	s15 =	simm.s32 $0x8080  }
0x2ae: {  	[tilespmem:s15], [sflag:$0x2] =	stream.indirect_vreg.gather [hbm4b:s12+s3], $0x80, v60, vm0, $0xb8;
	[tilespmem:$0xC680] =	vst v63  }
0x2af: {  	v26 =	vperm.xlane v18, v16;
	v25 =	vadd.s32 v4, v24;
	s15 =	simm.s32 $0x8100  }
0x2b0: {  	[tilespmem:s15], [sflag:$0x2] =	stream.indirect_vreg.gather [hbm4b:s12+s3], $0x80, v62, vm0, $0xb8;
	[tilespmem:$0xC680] =	vst v63  }
0x2b1: {  	v18 =	vperm.xlane v18, v17;
	v27 =	vadd.s32 v4, v26;
	s15 =	simm.s32 $0x8180  }
0x2b2: {  	[tilespmem:s15], [sflag:$0x2] =	stream.indirect_vreg.gather [hbm4b:s12+s3], $0x80, v19, vm0, $0xb8;
	[tilespmem:$0xC680] =	vst v63  }
0x2b3: {  	v18 =	vadd.s32 v4, v18;
	s15 =	simm.s32 $0x8200  }
0x2b4: {  	[tilespmem:s15], [sflag:$0x2] =	stream.indirect_vreg.gather [hbm4b:s12+s3], $0x80, v25, vm0, $0xb8;
	[tilespmem:$0xC680] =	vst v63  }
0x2b5: {  	s15 =	simm.s32 $0x8280  }
0x2b6: {  	[tilespmem:s15], [sflag:$0x2] =	stream.indirect_vreg.gather [hbm4b:s12+s3], $0x80, v27, vm0, $0xb8;
	[tilespmem:$0xC680] =	vst v63  }
0x2b7: {  	s15 =	simm.s32 $0x8300  }
0x2b8: {  	[tilespmem:s15], [sflag:$0x2] =	stream.indirect_vreg.gather [hbm4b:s12+s3], $0x80, v18, vm0, $0xb8;
	[tilespmem:$0xC680] =	vst v63  }
0x2b9: {  	v18 =	vld [tilespmem:$0x3320];
	_ =	sdelay $0x4  }
0x2ba: {  	v19 =	vshrl.u32 v18, $0x3  }
0x2bb: {  	v19 =	vmul.u32 $0x38, v19  }
0x2bc: {  	v18 =	vand.u32 $0x7, v18  }
0x2bd: {  	v18 =	vor.u32 v18, v19  }
0x2be: {  	v19 =	vperm.xlane v18, v0;
	_ =	sdelay $0x1  }
0x2bf: {  	v28 =	vperm.xlane v18, v5;
	v19 =	vadd.s32 v4, v19;
	_ =	sdelay $0x1  }
0x2c0: {  	v29 =	vperm.xlane v18, v6;
	v20 =	vadd.s32 v4, v28;
	_ =	sdelay $0x1  }
0x2c1: {  	s15 =	simm.s32 $0x8380;
	v30 =	vperm.xlane v18, v2;
	v21 =	vadd.s32 v4, v29  }
0x2c2: {  	[tilespmem:s15], [sflag:$0x2] =	stream.indirect_vreg.gather [hbm4b:s12+s3], $0x80, v19, vm0, $0xb8;
	[tilespmem:$0xC680] =	vst v63  }
0x2c3: {  	v31 =	vperm.xlane v18, v7;
	v19 =	vadd.s32 v4, v30;
	s15 =	simm.s32 $0x8400  }
0x2c4: {  	[tilespmem:s15], [sflag:$0x2] =	stream.indirect_vreg.gather [hbm4b:s12+s3], $0x80, v20, vm0, $0xb8;
	[tilespmem:$0xC680] =	vst v63  }
0x2c5: {  	v33 =	vperm.xlane v18, v8;
	v32 =	vadd.s32 v4, v31;
	s15 =	simm.s32 $0x8480  }
0x2c6: {  	[tilespmem:s15], [sflag:$0x2] =	stream.indirect_vreg.gather [hbm4b:s12+s3], $0x80, v21, vm0, $0xb8;
	[tilespmem:$0xC680] =	vst v63  }
0x2c7: {  	v35 =	vperm.xlane v18, v9;
	v34 =	vadd.s32 v4, v33;
	s15 =	simm.s32 $0x8500  }
0x2c8: {  	[tilespmem:s15], [sflag:$0x2] =	stream.indirect_vreg.gather [hbm4b:s12+s3], $0x80, v19, vm0, $0xb8;
	[tilespmem:$0xC680] =	vst v63  }
0x2c9: {  	v36 =	vperm.xlane v18, v3;
	v19 =	vadd.s32 v4, v35;
	s15 =	simm.s32 $0x8580  }
0x2ca: {  	[tilespmem:s15], [sflag:$0x2] =	stream.indirect_vreg.gather [hbm4b:s12+s3], $0x80, v32, vm0, $0xb8;
	[tilespmem:$0xC680] =	vst v63  }
0x2cb: {  	v38 =	vperm.xlane v18, v10;
	v37 =	vadd.s32 v4, v36;
	s15 =	simm.s32 $0x8600  }
0x2cc: {  	[tilespmem:s15], [sflag:$0x2] =	stream.indirect_vreg.gather [hbm4b:s12+s3], $0x80, v34, vm0, $0xb8;
	[tilespmem:$0xC680] =	vst v63  }
0x2cd: {  	v40 =	vperm.xlane v18, v11;
	v39 =	vadd.s32 v4, v38;
	s15 =	simm.s32 $0x8680  }
0x2ce: {  	[tilespmem:s15], [sflag:$0x2] =	stream.indirect_vreg.gather [hbm4b:s12+s3], $0x80, v19, vm0, $0xb8;
	[tilespmem:$0xC680] =	vst v63  }
0x2cf: {  	v41 =	vperm.xlane v18, v12;
	v19 =	vadd.s32 v4, v40;
	s15 =	simm.s32 $0x8700  }
0x2d0: {  	[tilespmem:s15], [sflag:$0x2] =	stream.indirect_vreg.gather [hbm4b:s12+s3], $0x80, v37, vm0, $0xb8;
	[tilespmem:$0xC680] =	vst v63  }
0x2d1: {  	v43 =	vperm.xlane v18, v13;
	v42 =	vadd.s32 v4, v41;
	s15 =	simm.s32 $0x8780  }
0x2d2: {  	[tilespmem:s15], [sflag:$0x2] =	stream.indirect_vreg.gather [hbm4b:s12+s3], $0x80, v39, vm0, $0xb8;
	[tilespmem:$0xC680] =	vst v63  }
0x2d3: {  	v45 =	vperm.xlane v18, v14;
	v44 =	vadd.s32 v4, v43;
	s15 =	simm.s32 $0x8800  }
0x2d4: {  	[tilespmem:s15], [sflag:$0x2] =	stream.indirect_vreg.gather [hbm4b:s12+s3], $0x80, v19, vm0, $0xb8;
	[tilespmem:$0xC680] =	vst v63  }
0x2d5: {  	v46 =	vperm.xlane v18, v15;
	v19 =	vadd.s32 v4, v45;
	s15 =	simm.s32 $0x8880  }
0x2d6: {  	[tilespmem:s15], [sflag:$0x2] =	stream.indirect_vreg.gather [hbm4b:s12+s3], $0x80, v42, vm0, $0xb8;
	[tilespmem:$0xC680] =	vst v63  }
0x2d7: {  	v48 =	vperm.xlane v18, v16;
	v47 =	vadd.s32 v4, v46;
	s15 =	simm.s32 $0x8900  }
0x2d8: {  	[tilespmem:s15], [sflag:$0x2] =	stream.indirect_vreg.gather [hbm4b:s12+s3], $0x80, v44, vm0, $0xb8;
	[tilespmem:$0xC680] =	vst v63  }
0x2d9: {  	v18 =	vperm.xlane v18, v17;
	v49 =	vadd.s32 v4, v48;
	s15 =	simm.s32 $0x8980  }
0x2da: {  	[tilespmem:s15], [sflag:$0x2] =	stream.indirect_vreg.gather [hbm4b:s12+s3], $0x80, v19, vm0, $0xb8;
	[tilespmem:$0xC680] =	vst v63  }
0x2db: {  	v18 =	vadd.s32 v4, v18;
	s15 =	simm.s32 $0x8A00  }
0x2dc: {  	[tilespmem:s15], [sflag:$0x2] =	stream.indirect_vreg.gather [hbm4b:s12+s3], $0x80, v47, vm0, $0xb8;
	[tilespmem:$0xC680] =	vst v63  }
0x2dd: {  	s15 =	simm.s32 $0x8A80  }
0x2de: {  	[tilespmem:s15], [sflag:$0x2] =	stream.indirect_vreg.gather [hbm4b:s12+s3], $0x80, v49, vm0, $0xb8;
	[tilespmem:$0xC680] =	vst v63  }
0x2df: {  	s15 =	simm.s32 $0x8B00  }
0x2e0: {  	[tilespmem:s15], [sflag:$0x2] =	stream.indirect_vreg.gather [hbm4b:s12+s3], $0x80, v18, vm0, $0xb8;
	[tilespmem:$0xC680] =	vst v63  }
0x2e1: {  	v18 =	vld [tilespmem:$0x3330];
	_ =	sdelay $0x4  }
0x2e2: {  	v19 =	vshrl.u32 v18, $0x3  }
0x2e3: {  	v19 =	vmul.u32 $0x38, v19  }
0x2e4: {  	v18 =	vand.u32 $0x7, v18  }
0x2e5: {  	v18 =	vor.u32 v18, v19  }
0x2e6: {  	v19 =	vperm.xlane v18, v0;
	_ =	sdelay $0x1  }
0x2e7: {  	v50 =	vperm.xlane v18, v5;
	v19 =	vadd.s32 v4, v19;
	_ =	sdelay $0x1  }
0x2e8: {  	v51 =	vperm.xlane v18, v6;
	v20 =	vadd.s32 v4, v50;
	_ =	sdelay $0x1  }
0x2e9: {  	s15 =	simm.s32 $0x8B80;
	v52 =	vperm.xlane v18, v2;
	v21 =	vadd.s32 v4, v51  }
0x2ea: {  	[tilespmem:s15], [sflag:$0x2] =	stream.indirect_vreg.gather [hbm4b:s12+s3], $0x80, v19, vm0, $0xb8;
	[tilespmem:$0xC680] =	vst v63  }
0x2eb: {  	v53 =	vperm.xlane v18, v7;
	v19 =	vadd.s32 v4, v52;
	s15 =	simm.s32 $0x8C00  }
0x2ec: {  	[tilespmem:s15], [sflag:$0x2] =	stream.indirect_vreg.gather [hbm4b:s12+s3], $0x80, v20, vm0, $0xb8;
	[tilespmem:$0xC680] =	vst v63  }
0x2ed: {  	v55 =	vperm.xlane v18, v8;
	v54 =	vadd.s32 v4, v53;
	s15 =	simm.s32 $0x8C80  }
0x2ee: {  	[tilespmem:s15], [sflag:$0x2] =	stream.indirect_vreg.gather [hbm4b:s12+s3], $0x80, v21, vm0, $0xb8;
	[tilespmem:$0xC680] =	vst v63  }
0x2ef: {  	v57 =	vperm.xlane v18, v9;
	v56 =	vadd.s32 v4, v55;
	s15 =	simm.s32 $0x8D00  }
0x2f0: {  	[tilespmem:s15], [sflag:$0x2] =	stream.indirect_vreg.gather [hbm4b:s12+s3], $0x80, v19, vm0, $0xb8;
	[tilespmem:$0xC680] =	vst v63  }
0x2f1: {  	v58 =	vperm.xlane v18, v3;
	v19 =	vadd.s32 v4, v57;
	s15 =	simm.s32 $0x8D80  }
0x2f2: {  	[tilespmem:s15], [sflag:$0x2] =	stream.indirect_vreg.gather [hbm4b:s12+s3], $0x80, v54, vm0, $0xb8;
	[tilespmem:$0xC680] =	vst v63  }
0x2f3: {  	v60 =	vperm.xlane v18, v10;
	v59 =	vadd.s32 v4, v58;
	s15 =	simm.s32 $0x8E00  }
0x2f4: {  	[tilespmem:s15], [sflag:$0x2] =	stream.indirect_vreg.gather [hbm4b:s12+s3], $0x80, v56, vm0, $0xb8;
	[tilespmem:$0xC680] =	vst v63  }
0x2f5: {  	v62 =	vperm.xlane v18, v11;
	v61 =	vadd.s32 v4, v60;
	s15 =	simm.s32 $0x8E80  }
0x2f6: {  	[tilespmem:s15], [sflag:$0x2] =	stream.indirect_vreg.gather [hbm4b:s12+s3], $0x80, v19, vm0, $0xb8;
	[tilespmem:$0xC680] =	vst v63  }
0x2f7: {  	v63 =	vperm.xlane v18, v12;
	v19 =	vadd.s32 v4, v62;
	s15 =	simm.s32 $0x8F00  }
0x2f8: {  	[tilespmem:s15], [sflag:$0x2] =	stream.indirect_vreg.gather [hbm4b:s12+s3], $0x80, v59, vm0, $0xb8;
	[tilespmem:$0xC680] =	vst v63  }
0x2f9: {  	v25 =	vperm.xlane v18, v13;
	v24 =	vadd.s32 v4, v63;
	s15 =	simm.s32 $0x8F80  }
0x2fa: {  	[tilespmem:s15], [sflag:$0x2] =	stream.indirect_vreg.gather [hbm4b:s12+s3], $0x80, v61, vm0, $0xb8;
	[tilespmem:$0xC680] =	vst v63  }
0x2fb: {  	v27 =	vperm.xlane v18, v14;
	v26 =	vadd.s32 v4, v25;
	s15 =	simm.s32 $0x9000  }
0x2fc: {  	[tilespmem:s15], [sflag:$0x2] =	stream.indirect_vreg.gather [hbm4b:s12+s3], $0x80, v19, vm0, $0xb8;
	[tilespmem:$0xC680] =	vst v63  }
0x2fd: {  	v28 =	vperm.xlane v18, v15;
	v19 =	vadd.s32 v4, v27;
	s15 =	simm.s32 $0x9080  }
0x2fe: {  	[tilespmem:s15], [sflag:$0x2] =	stream.indirect_vreg.gather [hbm4b:s12+s3], $0x80, v24, vm0, $0xb8;
	[tilespmem:$0xC680] =	vst v63  }
0x2ff: {  	v30 =	vperm.xlane v18, v16;
	v29 =	vadd.s32 v4, v28;
	s15 =	simm.s32 $0x9100  }
0x300: {  	[tilespmem:s15], [sflag:$0x2] =	stream.indirect_vreg.gather [hbm4b:s12+s3], $0x80, v26, vm0, $0xb8;
	[tilespmem:$0xC680] =	vst v63  }
0x301: {  	v18 =	vperm.xlane v18, v17;
	v31 =	vadd.s32 v4, v30;
	s15 =	simm.s32 $0x9180  }
0x302: {  	[tilespmem:s15], [sflag:$0x2] =	stream.indirect_vreg.gather [hbm4b:s12+s3], $0x80, v19, vm0, $0xb8;
	[tilespmem:$0xC680] =	vst v63  }
0x303: {  	v18 =	vadd.s32 v4, v18;
	s15 =	simm.s32 $0x9200  }
0x304: {  	[tilespmem:s15], [sflag:$0x2] =	stream.indirect_vreg.gather [hbm4b:s12+s3], $0x80, v29, vm0, $0xb8;
	[tilespmem:$0xC680] =	vst v63  }
0x305: {  	s15 =	simm.s32 $0x9280  }
0x306: {  	[tilespmem:s15], [sflag:$0x2] =	stream.indirect_vreg.gather [hbm4b:s12+s3], $0x80, v31, vm0, $0xb8;
	[tilespmem:$0xC680] =	vst v63  }
0x307: {  	s15 =	simm.s32 $0x9300  }
0x308: {  	[tilespmem:s15], [sflag:$0x2] =	stream.indirect_vreg.gather [hbm4b:s12+s3], $0x80, v18, vm0, $0xb8;
	[tilespmem:$0xC680] =	vst v63  }
0x309: {  	v18 =	vld [tilespmem:$0x3340];
	_ =	sdelay $0x4  }
0x30a: {  	v19 =	vshrl.u32 v18, $0x3  }
0x30b: {  	v19 =	vmul.u32 $0x38, v19  }
0x30c: {  	v18 =	vand.u32 $0x7, v18  }
0x30d: {  	v18 =	vor.u32 v18, v19  }
0x30e: {  	v19 =	vperm.xlane v18, v0;
	_ =	sdelay $0x1  }
0x30f: {  	v32 =	vperm.xlane v18, v5;
	v19 =	vadd.s32 v4, v19;
	_ =	sdelay $0x1  }
0x310: {  	v33 =	vperm.xlane v18, v6;
	v20 =	vadd.s32 v4, v32;
	_ =	sdelay $0x1  }
0x311: {  	s15 =	simm.s32 $0x9380;
	v34 =	vperm.xlane v18, v2;
	v21 =	vadd.s32 v4, v33  }
0x312: {  	[tilespmem:s15], [sflag:$0x2] =	stream.indirect_vreg.gather [hbm4b:s12+s3], $0x80, v19, vm0, $0xb8;
	[tilespmem:$0xC680] =	vst v63  }
0x313: {  	v35 =	vperm.xlane v18, v7;
	v19 =	vadd.s32 v4, v34;
	s15 =	simm.s32 $0x9400  }
0x314: {  	[tilespmem:s15], [sflag:$0x2] =	stream.indirect_vreg.gather [hbm4b:s12+s3], $0x80, v20, vm0, $0xb8;
	[tilespmem:$0xC680] =	vst v63  }
0x315: {  	v37 =	vperm.xlane v18, v8;
	v36 =	vadd.s32 v4, v35;
	s15 =	simm.s32 $0x9480  }
0x316: {  	[tilespmem:s15], [sflag:$0x2] =	stream.indirect_vreg.gather [hbm4b:s12+s3], $0x80, v21, vm0, $0xb8;
	[tilespmem:$0xC680] =	vst v63  }
0x317: {  	v39 =	vperm.xlane v18, v9;
	v38 =	vadd.s32 v4, v37;
	s15 =	simm.s32 $0x9500  }
0x318: {  	[tilespmem:s15], [sflag:$0x2] =	stream.indirect_vreg.gather [hbm4b:s12+s3], $0x80, v19, vm0, $0xb8;
	[tilespmem:$0xC680] =	vst v63  }
0x319: {  	v40 =	vperm.xlane v18, v3;
	v19 =	vadd.s32 v4, v39;
	s15 =	simm.s32 $0x9580  }
0x31a: {  	[tilespmem:s15], [sflag:$0x2] =	stream.indirect_vreg.gather [hbm4b:s12+s3], $0x80, v36, vm0, $0xb8;
	[tilespmem:$0xC680] =	vst v63  }
0x31b: {  	v42 =	vperm.xlane v18, v10;
	v41 =	vadd.s32 v4, v40;
	s15 =	simm.s32 $0x9600  }
0x31c: {  	[tilespmem:s15], [sflag:$0x2] =	stream.indirect_vreg.gather [hbm4b:s12+s3], $0x80, v38, vm0, $0xb8;
	[tilespmem:$0xC680] =	vst v63  }
0x31d: {  	v44 =	vperm.xlane v18, v11;
	v43 =	vadd.s32 v4, v42;
	s15 =	simm.s32 $0x9680  }
0x31e: {  	[tilespmem:s15], [sflag:$0x2] =	stream.indirect_vreg.gather [hbm4b:s12+s3], $0x80, v19, vm0, $0xb8;
	[tilespmem:$0xC680] =	vst v63  }
0x31f: {  	v45 =	vperm.xlane v18, v12;
	v19 =	vadd.s32 v4, v44;
	s15 =	simm.s32 $0x9700  }
0x320: {  	[tilespmem:s15], [sflag:$0x2] =	stream.indirect_vreg.gather [hbm4b:s12+s3], $0x80, v41, vm0, $0xb8;
	[tilespmem:$0xC680] =	vst v63  }
0x321: {  	v47 =	vperm.xlane v18, v13;
	v46 =	vadd.s32 v4, v45;
	s15 =	simm.s32 $0x9780  }
0x322: {  	[tilespmem:s15], [sflag:$0x2] =	stream.indirect_vreg.gather [hbm4b:s12+s3], $0x80, v43, vm0, $0xb8;
	[tilespmem:$0xC680] =	vst v63  }
0x323: {  	v49 =	vperm.xlane v18, v14;
	v48 =	vadd.s32 v4, v47;
	s15 =	simm.s32 $0x9800  }
0x324: {  	[tilespmem:s15], [sflag:$0x2] =	stream.indirect_vreg.gather [hbm4b:s12+s3], $0x80, v19, vm0, $0xb8;
	[tilespmem:$0xC680] =	vst v63  }
0x325: {  	v50 =	vperm.xlane v18, v15;
	v19 =	vadd.s32 v4, v49;
	s15 =	simm.s32 $0x9880  }
0x326: {  	[tilespmem:s15], [sflag:$0x2] =	stream.indirect_vreg.gather [hbm4b:s12+s3], $0x80, v46, vm0, $0xb8;
	[tilespmem:$0xC680] =	vst v63  }
0x327: {  	v52 =	vperm.xlane v18, v16;
	v51 =	vadd.s32 v4, v50;
	s15 =	simm.s32 $0x9900  }
0x328: {  	[tilespmem:s15], [sflag:$0x2] =	stream.indirect_vreg.gather [hbm4b:s12+s3], $0x80, v48, vm0, $0xb8;
	[tilespmem:$0xC680] =	vst v63  }
0x329: {  	v18 =	vperm.xlane v18, v17;
	v53 =	vadd.s32 v4, v52;
	s15 =	simm.s32 $0x9980  }
0x32a: {  	[tilespmem:s15], [sflag:$0x2] =	stream.indirect_vreg.gather [hbm4b:s12+s3], $0x80, v19, vm0, $0xb8;
	[tilespmem:$0xC680] =	vst v63  }
0x32b: {  	v18 =	vadd.s32 v4, v18;
	s15 =	simm.s32 $0x9A00  }
0x32c: {  	[tilespmem:s15], [sflag:$0x2] =	stream.indirect_vreg.gather [hbm4b:s12+s3], $0x80, v51, vm0, $0xb8;
	[tilespmem:$0xC680] =	vst v63  }
0x32d: {  	s15 =	simm.s32 $0x9A80  }
0x32e: {  	[tilespmem:s15], [sflag:$0x2] =	stream.indirect_vreg.gather [hbm4b:s12+s3], $0x80, v53, vm0, $0xb8;
	[tilespmem:$0xC680] =	vst v63  }
0x32f: {  	s15 =	simm.s32 $0x9B00  }
0x330: {  	[tilespmem:s15], [sflag:$0x2] =	stream.indirect_vreg.gather [hbm4b:s12+s3], $0x80, v18, vm0, $0xb8;
	[tilespmem:$0xC680] =	vst v63  }
0x331: {  	v18 =	vld [tilespmem:$0x3350];
	_ =	sdelay $0x4  }
0x332: {  	v19 =	vshrl.u32 v18, $0x3  }
0x333: {  	v19 =	vmul.u32 $0x38, v19  }
0x334: {  	v18 =	vand.u32 $0x7, v18  }
0x335: {  	v18 =	vor.u32 v18, v19  }
0x336: {  	v19 =	vperm.xlane v18, v0;
	_ =	sdelay $0x1  }
0x337: {  	v54 =	vperm.xlane v18, v5;
	v19 =	vadd.s32 v4, v19;
	_ =	sdelay $0x1  }
0x338: {  	v55 =	vperm.xlane v18, v6;
	v20 =	vadd.s32 v4, v54;
	_ =	sdelay $0x1  }
0x339: {  	s15 =	simm.s32 $0x9B80;
	v56 =	vperm.xlane v18, v2;
	v21 =	vadd.s32 v4, v55  }
0x33a: {  	[tilespmem:s15], [sflag:$0x2] =	stream.indirect_vreg.gather [hbm4b:s12+s3], $0x80, v19, vm0, $0xb8;
	[tilespmem:$0xC680] =	vst v63  }
0x33b: {  	v57 =	vperm.xlane v18, v7;
	v19 =	vadd.s32 v4, v56;
	s15 =	simm.s32 $0x9C00  }
0x33c: {  	[tilespmem:s15], [sflag:$0x2] =	stream.indirect_vreg.gather [hbm4b:s12+s3], $0x80, v20, vm0, $0xb8;
	[tilespmem:$0xC680] =	vst v63  }
0x33d: {  	v59 =	vperm.xlane v18, v8;
	v58 =	vadd.s32 v4, v57;
	s15 =	simm.s32 $0x9C80  }
0x33e: {  	[tilespmem:s15], [sflag:$0x2] =	stream.indirect_vreg.gather [hbm4b:s12+s3], $0x80, v21, vm0, $0xb8;
	[tilespmem:$0xC680] =	vst v63  }
0x33f: {  	v61 =	vperm.xlane v18, v9;
	v60 =	vadd.s32 v4, v59;
	s15 =	simm.s32 $0x9D00  }
0x340: {  	[tilespmem:s15], [sflag:$0x2] =	stream.indirect_vreg.gather [hbm4b:s12+s3], $0x80, v19, vm0, $0xb8;
	[tilespmem:$0xC680] =	vst v63  }
0x341: {  	v62 =	vperm.xlane v18, v3;
	v19 =	vadd.s32 v4, v61;
	s15 =	simm.s32 $0x9D80  }
0x342: {  	[tilespmem:s15], [sflag:$0x2] =	stream.indirect_vreg.gather [hbm4b:s12+s3], $0x80, v58, vm0, $0xb8;
	[tilespmem:$0xC680] =	vst v63  }
0x343: {  	v24 =	vperm.xlane v18, v10;
	v63 =	vadd.s32 v4, v62;
	s15 =	simm.s32 $0x9E00  }
0x344: {  	[tilespmem:s15], [sflag:$0x2] =	stream.indirect_vreg.gather [hbm4b:s12+s3], $0x80, v60, vm0, $0xb8;
	[tilespmem:$0xC680] =	vst v63  }
0x345: {  	v26 =	vperm.xlane v18, v11;
	v25 =	vadd.s32 v4, v24;
	s15 =	simm.s32 $0x9E80  }
0x346: {  	[tilespmem:s15], [sflag:$0x2] =	stream.indirect_vreg.gather [hbm4b:s12+s3], $0x80, v19, vm0, $0xb8;
	[tilespmem:$0xC680] =	vst v63  }
0x347: {  	v27 =	vperm.xlane v18, v12;
	v19 =	vadd.s32 v4, v26;
	s15 =	simm.s32 $0x9F00  }
0x348: {  	[tilespmem:s15], [sflag:$0x2] =	stream.indirect_vreg.gather [hbm4b:s12+s3], $0x80, v63, vm0, $0xb8;
	[tilespmem:$0xC680] =	vst v63  }
0x349: {  	v29 =	vperm.xlane v18, v13;
	v28 =	vadd.s32 v4, v27;
	s15 =	simm.s32 $0x9F80  }
0x34a: {  	[tilespmem:s15], [sflag:$0x2] =	stream.indirect_vreg.gather [hbm4b:s12+s3], $0x80, v25, vm0, $0xb8;
	[tilespmem:$0xC680] =	vst v63  }
0x34b: {  	v31 =	vperm.xlane v18, v14;
	v30 =	vadd.s32 v4, v29;
	s15 =	simm.s32 $0xA000  }
0x34c: {  	[tilespmem:s15], [sflag:$0x2] =	stream.indirect_vreg.gather [hbm4b:s12+s3], $0x80, v19, vm0, $0xb8;
	[tilespmem:$0xC680] =	vst v63  }
0x34d: {  	v32 =	vperm.xlane v18, v15;
	v19 =	vadd.s32 v4, v31;
	s15 =	simm.s32 $0xA080  }
0x34e: {  	[tilespmem:s15], [sflag:$0x2] =	stream.indirect_vreg.gather [hbm4b:s12+s3], $0x80, v28, vm0, $0xb8;
	[tilespmem:$0xC680] =	vst v63  }
0x34f: {  	v34 =	vperm.xlane v18, v16;
	v33 =	vadd.s32 v4, v32;
	s15 =	simm.s32 $0xA100  }
0x350: {  	[tilespmem:s15], [sflag:$0x2] =	stream.indirect_vreg.gather [hbm4b:s12+s3], $0x80, v30, vm0, $0xb8;
	[tilespmem:$0xC680] =	vst v63  }
0x351: {  	v18 =	vperm.xlane v18, v17;
	v35 =	vadd.s32 v4, v34;
	s15 =	simm.s32 $0xA180  }
0x352: {  	[tilespmem:s15], [sflag:$0x2] =	stream.indirect_vreg.gather [hbm4b:s12+s3], $0x80, v19, vm0, $0xb8;
	[tilespmem:$0xC680] =	vst v63  }
0x353: {  	v18 =	vadd.s32 v4, v18;
	s15 =	simm.s32 $0xA200  }
0x354: {  	[tilespmem:s15], [sflag:$0x2] =	stream.indirect_vreg.gather [hbm4b:s12+s3], $0x80, v33, vm0, $0xb8;
	[tilespmem:$0xC680] =	vst v63  }
0x355: {  	s15 =	simm.s32 $0xA280  }
0x356: {  	[tilespmem:s15], [sflag:$0x2] =	stream.indirect_vreg.gather [hbm4b:s12+s3], $0x80, v35, vm0, $0xb8;
	[tilespmem:$0xC680] =	vst v63  }
0x357: {  	s15 =	simm.s32 $0xA300  }
0x358: {  	[tilespmem:s15], [sflag:$0x2] =	stream.indirect_vreg.gather [hbm4b:s12+s3], $0x80, v18, vm0, $0xb8;
	[tilespmem:$0xC680] =	vst v63  }
0x359: {  	v18 =	vld [tilespmem:$0x3360];
	_ =	sdelay $0x4  }
0x35a: {  	v19 =	vshrl.u32 v18, $0x3  }
0x35b: {  	v19 =	vmul.u32 $0x38, v19  }
0x35c: {  	v18 =	vand.u32 $0x7, v18  }
0x35d: {  	v18 =	vor.u32 v18, v19  }
0x35e: {  	v19 =	vperm.xlane v18, v0;
	_ =	sdelay $0x1  }
0x35f: {  	v36 =	vperm.xlane v18, v5;
	v19 =	vadd.s32 v4, v19;
	_ =	sdelay $0x1  }
0x360: {  	v37 =	vperm.xlane v18, v6;
	v20 =	vadd.s32 v4, v36;
	_ =	sdelay $0x1  }
0x361: {  	s15 =	simm.s32 $0xA380;
	v38 =	vperm.xlane v18, v2;
	v21 =	vadd.s32 v4, v37  }
0x362: {  	[tilespmem:s15], [sflag:$0x2] =	stream.indirect_vreg.gather [hbm4b:s12+s3], $0x80, v19, vm0, $0xb8;
	[tilespmem:$0xC680] =	vst v63  }
0x363: {  	v39 =	vperm.xlane v18, v7;
	v19 =	vadd.s32 v4, v38;
	s15 =	simm.s32 $0xA400  }
0x364: {  	[tilespmem:s15], [sflag:$0x2] =	stream.indirect_vreg.gather [hbm4b:s12+s3], $0x80, v20, vm0, $0xb8;
	[tilespmem:$0xC680] =	vst v63  }
0x365: {  	v41 =	vperm.xlane v18, v8;
	v40 =	vadd.s32 v4, v39;
	s15 =	simm.s32 $0xA480  }
0x366: {  	[tilespmem:s15], [sflag:$0x2] =	stream.indirect_vreg.gather [hbm4b:s12+s3], $0x80, v21, vm0, $0xb8;
	[tilespmem:$0xC680] =	vst v63  }
0x367: {  	v43 =	vperm.xlane v18, v9;
	v42 =	vadd.s32 v4, v41;
	s15 =	simm.s32 $0xA500  }
0x368: {  	[tilespmem:s15], [sflag:$0x2] =	stream.indirect_vreg.gather [hbm4b:s12+s3], $0x80, v19, vm0, $0xb8;
	[tilespmem:$0xC680] =	vst v63  }
0x369: {  	v44 =	vperm.xlane v18, v3;
	v19 =	vadd.s32 v4, v43;
	s15 =	simm.s32 $0xA580  }
0x36a: {  	[tilespmem:s15], [sflag:$0x2] =	stream.indirect_vreg.gather [hbm4b:s12+s3], $0x80, v40, vm0, $0xb8;
	[tilespmem:$0xC680] =	vst v63  }
0x36b: {  	v46 =	vperm.xlane v18, v10;
	v45 =	vadd.s32 v4, v44;
	s15 =	simm.s32 $0xA600  }
0x36c: {  	[tilespmem:s15], [sflag:$0x2] =	stream.indirect_vreg.gather [hbm4b:s12+s3], $0x80, v42, vm0, $0xb8;
	[tilespmem:$0xC680] =	vst v63  }
0x36d: {  	v48 =	vperm.xlane v18, v11;
	v47 =	vadd.s32 v4, v46;
	s15 =	simm.s32 $0xA680  }
0x36e: {  	[tilespmem:s15], [sflag:$0x2] =	stream.indirect_vreg.gather [hbm4b:s12+s3], $0x80, v19, vm0, $0xb8;
	[tilespmem:$0xC680] =	vst v63  }
0x36f: {  	v49 =	vperm.xlane v18, v12;
	v19 =	vadd.s32 v4, v48;
	s15 =	simm.s32 $0xA700  }
0x370: {  	[tilespmem:s15], [sflag:$0x2] =	stream.indirect_vreg.gather [hbm4b:s12+s3], $0x80, v45, vm0, $0xb8;
	[tilespmem:$0xC680] =	vst v63  }
0x371: {  	v51 =	vperm.xlane v18, v13;
	v50 =	vadd.s32 v4, v49;
	s15 =	simm.s32 $0xA780  }
0x372: {  	[tilespmem:s15], [sflag:$0x2] =	stream.indirect_vreg.gather [hbm4b:s12+s3], $0x80, v47, vm0, $0xb8;
	[tilespmem:$0xC680] =	vst v63  }
0x373: {  	v53 =	vperm.xlane v18, v14;
	v52 =	vadd.s32 v4, v51;
	s15 =	simm.s32 $0xA800  }
0x374: {  	[tilespmem:s15], [sflag:$0x2] =	stream.indirect_vreg.gather [hbm4b:s12+s3], $0x80, v19, vm0, $0xb8;
	[tilespmem:$0xC680] =	vst v63  }
0x375: {  	v54 =	vperm.xlane v18, v15;
	v19 =	vadd.s32 v4, v53;
	s15 =	simm.s32 $0xA880  }
0x376: {  	[tilespmem:s15], [sflag:$0x2] =	stream.indirect_vreg.gather [hbm4b:s12+s3], $0x80, v50, vm0, $0xb8;
	[tilespmem:$0xC680] =	vst v63  }
0x377: {  	v56 =	vperm.xlane v18, v16;
	v55 =	vadd.s32 v4, v54;
	s15 =	simm.s32 $0xA900  }
0x378: {  	[tilespmem:s15], [sflag:$0x2] =	stream.indirect_vreg.gather [hbm4b:s12+s3], $0x80, v52, vm0, $0xb8;
	[tilespmem:$0xC680] =	vst v63  }
0x379: {  	v18 =	vperm.xlane v18, v17;
	v57 =	vadd.s32 v4, v56;
	s15 =	simm.s32 $0xA980  }
0x37a: {  	[tilespmem:s15], [sflag:$0x2] =	stream.indirect_vreg.gather [hbm4b:s12+s3], $0x80, v19, vm0, $0xb8;
	[tilespmem:$0xC680] =	vst v63  }
0x37b: {  	v18 =	vadd.s32 v4, v18;
	s15 =	simm.s32 $0xAA00  }
0x37c: {  	[tilespmem:s15], [sflag:$0x2] =	stream.indirect_vreg.gather [hbm4b:s12+s3], $0x80, v55, vm0, $0xb8;
	[tilespmem:$0xC680] =	vst v63  }
0x37d: {  	s15 =	simm.s32 $0xAA80  }
0x37e: {  	[tilespmem:s15], [sflag:$0x2] =	stream.indirect_vreg.gather [hbm4b:s12+s3], $0x80, v57, vm0, $0xb8;
	[tilespmem:$0xC680] =	vst v63  }
0x37f: {  	s15 =	simm.s32 $0xAB00  }
0x380: {  	[tilespmem:s15], [sflag:$0x2] =	stream.indirect_vreg.gather [hbm4b:s12+s3], $0x80, v18, vm0, $0xb8;
	[tilespmem:$0xC680] =	vst v63  }
0x381: {  	v18 =	vld [tilespmem:$0x3370];
	_ =	sdelay $0x4  }
0x382: {  	v19 =	vshrl.u32 v18, $0x3  }
0x383: {  	v19 =	vmul.u32 $0x38, v19  }
0x384: {  	v18 =	vand.u32 $0x7, v18  }
0x385: {  	v18 =	vor.u32 v18, v19  }
0x386: {  	v19 =	vperm.xlane v18, v0;
	_ =	sdelay $0x1  }
0x387: {  	v58 =	vperm.xlane v18, v5;
	v19 =	vadd.s32 v4, v19;
	_ =	sdelay $0x1  }
0x388: {  	v59 =	vperm.xlane v18, v6;
	v20 =	vadd.s32 v4, v58;
	_ =	sdelay $0x1  }
0x389: {  	s15 =	simm.s32 $0xAB80;
	v60 =	vperm.xlane v18, v2;
	v21 =	vadd.s32 v4, v59  }
0x38a: {  	[tilespmem:s15], [sflag:$0x2] =	stream.indirect_vreg.gather [hbm4b:s12+s3], $0x80, v19, vm0, $0xb8;
	[tilespmem:$0xC680] =	vst v63  }
0x38b: {  	v61 =	vperm.xlane v18, v7;
	v19 =	vadd.s32 v4, v60;
	s15 =	simm.s32 $0xAC00  }
0x38c: {  	[tilespmem:s15], [sflag:$0x2] =	stream.indirect_vreg.gather [hbm4b:s12+s3], $0x80, v20, vm0, $0xb8;
	[tilespmem:$0xC680] =	vst v63  }
0x38d: {  	v63 =	vperm.xlane v18, v8;
	v62 =	vadd.s32 v4, v61;
	s15 =	simm.s32 $0xAC80  }
0x38e: {  	[tilespmem:s15], [sflag:$0x2] =	stream.indirect_vreg.gather [hbm4b:s12+s3], $0x80, v21, vm0, $0xb8;
	[tilespmem:$0xC680] =	vst v63  }
0x38f: {  	v25 =	vperm.xlane v18, v9;
	v24 =	vadd.s32 v4, v63;
	s15 =	simm.s32 $0xAD00  }
0x390: {  	[tilespmem:s15], [sflag:$0x2] =	stream.indirect_vreg.gather [hbm4b:s12+s3], $0x80, v19, vm0, $0xb8;
	[tilespmem:$0xC680] =	vst v63  }
0x391: {  	v26 =	vperm.xlane v18, v3;
	v19 =	vadd.s32 v4, v25;
	s15 =	simm.s32 $0xAD80  }
0x392: {  	[tilespmem:s15], [sflag:$0x2] =	stream.indirect_vreg.gather [hbm4b:s12+s3], $0x80, v62, vm0, $0xb8;
	[tilespmem:$0xC680] =	vst v63  }
0x393: {  	v28 =	vperm.xlane v18, v10;
	v27 =	vadd.s32 v4, v26;
	s15 =	simm.s32 $0xAE00  }
0x394: {  	[tilespmem:s15], [sflag:$0x2] =	stream.indirect_vreg.gather [hbm4b:s12+s3], $0x80, v24, vm0, $0xb8;
	[tilespmem:$0xC680] =	vst v63  }
0x395: {  	v30 =	vperm.xlane v18, v11;
	v29 =	vadd.s32 v4, v28;
	s15 =	simm.s32 $0xAE80  }
0x396: {  	[tilespmem:s15], [sflag:$0x2] =	stream.indirect_vreg.gather [hbm4b:s12+s3], $0x80, v19, vm0, $0xb8;
	[tilespmem:$0xC680] =	vst v63  }
0x397: {  	v31 =	vperm.xlane v18, v12;
	v19 =	vadd.s32 v4, v30;
	s15 =	simm.s32 $0xAF00  }
0x398: {  	[tilespmem:s15], [sflag:$0x2] =	stream.indirect_vreg.gather [hbm4b:s12+s3], $0x80, v27, vm0, $0xb8;
	[tilespmem:$0xC680] =	vst v63  }
0x399: {  	v33 =	vperm.xlane v18, v13;
	v32 =	vadd.s32 v4, v31;
	s15 =	simm.s32 $0xAF80  }
0x39a: {  	[tilespmem:s15], [sflag:$0x2] =	stream.indirect_vreg.gather [hbm4b:s12+s3], $0x80, v29, vm0, $0xb8;
	[tilespmem:$0xC680] =	vst v63  }
0x39b: {  	v35 =	vperm.xlane v18, v14;
	v34 =	vadd.s32 v4, v33;
	s15 =	simm.s32 $0xB000  }
0x39c: {  	[tilespmem:s15], [sflag:$0x2] =	stream.indirect_vreg.gather [hbm4b:s12+s3], $0x80, v19, vm0, $0xb8;
	[tilespmem:$0xC680] =	vst v63  }
0x39d: {  	v36 =	vperm.xlane v18, v15;
	v19 =	vadd.s32 v4, v35;
	s15 =	simm.s32 $0xB080  }
0x39e: {  	[tilespmem:s15], [sflag:$0x2] =	stream.indirect_vreg.gather [hbm4b:s12+s3], $0x80, v32, vm0, $0xb8;
	[tilespmem:$0xC680] =	vst v63  }
0x39f: {  	v38 =	vperm.xlane v18, v16;
	v37 =	vadd.s32 v4, v36;
	s15 =	simm.s32 $0xB100  }
0x3a0: {  	[tilespmem:s15], [sflag:$0x2] =	stream.indirect_vreg.gather [hbm4b:s12+s3], $0x80, v34, vm0, $0xb8;
	[tilespmem:$0xC680] =	vst v63  }
0x3a1: {  	v18 =	vperm.xlane v18, v17;
	v39 =	vadd.s32 v4, v38;
	s15 =	simm.s32 $0xB180  }
0x3a2: {  	[tilespmem:s15], [sflag:$0x2] =	stream.indirect_vreg.gather [hbm4b:s12+s3], $0x80, v19, vm0, $0xb8;
	[tilespmem:$0xC680] =	vst v63  }
0x3a3: {  	v18 =	vadd.s32 v4, v18;
	s15 =	simm.s32 $0xB200  }
0x3a4: {  	[tilespmem:s15], [sflag:$0x2] =	stream.indirect_vreg.gather [hbm4b:s12+s3], $0x80, v37, vm0, $0xb8;
	[tilespmem:$0xC680] =	vst v63  }
0x3a5: {  	s15 =	simm.s32 $0xB280  }
0x3a6: {  	[tilespmem:s15], [sflag:$0x2] =	stream.indirect_vreg.gather [hbm4b:s12+s3], $0x80, v39, vm0, $0xb8;
	[tilespmem:$0xC680] =	vst v63  }
0x3a7: {  	s15 =	simm.s32 $0xB300  }
0x3a8: {  	[tilespmem:s15], [sflag:$0x2] =	stream.indirect_vreg.gather [hbm4b:s12+s3], $0x80, v18, vm0, $0xb8;
	[tilespmem:$0xC680] =	vst v63  }
0x3a9: {  	_ =	swait.ge [sflag:s6], $0x4000  }
0x3aa: {  	[sflag:s6] =	ssyncset.done $0x0  }
0x3ab: {  	s10 =	simm.s32 $0x1C00;
	s15 =	rddreg [dreg:$0xb];
	[sflag:s6] =	ssyncadd.s32 $0xFFFFC000  }
0x3ac: {  	[hbm4b:s15+s0] =	stream.strided.scatter [tilespmem:s24], [sflag:$0x3], $0x4000, s10, s0, $0x38;
	[tilespmem:$0xC680] =	vst v63  }
0x3ad: {  	_ =	swait.ge [sflag:s28], $0x4000  }
0x3ae: {  	[sflag:s28] =	ssyncset.done $0x0  }
0x3af: {  	[sflag:s28] =	ssyncadd.s32 $0xFFFFC000  }
0x3b0: {  	v18 =	vld [tilespmem:$0x3300];
	_ =	sdelay $0x4  }
0x3b1: {  	v19 =	vshrl.u32 v18, $0x3  }
0x3b2: {  	v19 =	vmul.u32 $0x38, v19  }
0x3b3: {  	v18 =	vand.u32 $0x7, v18  }
0x3b4: {  	v18 =	vor.u32 v18, v19  }
0x3b5: {  	v19 =	vperm.xlane v18, v0;
	_ =	sdelay $0x1  }
0x3b6: {  	v40 =	vperm.xlane v18, v5;
	v19 =	vadd.s32 v4, v19;
	_ =	sdelay $0x1  }
0x3b7: {  	v41 =	vperm.xlane v18, v6;
	v20 =	vadd.s32 v4, v40;
	_ =	sdelay $0x1  }
0x3b8: {  	v42 =	vperm.xlane v18, v2;
	v21 =	vadd.s32 v4, v41  }
0x3b9: {  	[tilespmem:s24], [sflag:$0x1] =	stream.indirect_vreg.gather [hbm4b:s16+s3], $0x80, v19, vm0, $0xb8;
	[tilespmem:$0xC680] =	vst v63  }
0x3ba: {  	v43 =	vperm.xlane v18, v7;
	v19 =	vadd.s32 v4, v42  }
0x3bb: {  	[tilespmem:s20], [sflag:$0x1] =	stream.indirect_vreg.gather [hbm4b:s16+s3], $0x80, v20, vm0, $0xb8;
	[tilespmem:$0xC680] =	vst v63  }
0x3bc: {  	v45 =	vperm.xlane v18, v8;
	v44 =	vadd.s32 v4, v43  }
0x3bd: {  	[tilespmem:s22], [sflag:$0x1] =	stream.indirect_vreg.gather [hbm4b:s16+s3], $0x80, v21, vm0, $0xb8;
	[tilespmem:$0xC680] =	vst v63  }
0x3be: {  	v47 =	vperm.xlane v18, v9;
	v46 =	vadd.s32 v4, v45  }
0x3bf: {  	[tilespmem:s23], [sflag:$0x1] =	stream.indirect_vreg.gather [hbm4b:s16+s3], $0x80, v19, vm0, $0xb8;
	[tilespmem:$0xC680] =	vst v63  }
0x3c0: {  	v48 =	vperm.xlane v18, v3;
	v19 =	vadd.s32 v4, v47  }
0x3c1: {  	[tilespmem:s25], [sflag:$0x1] =	stream.indirect_vreg.gather [hbm4b:s16+s3], $0x80, v44, vm0, $0xb8;
	[tilespmem:$0xC680] =	vst v63  }
0x3c2: {  	s15 =	simm.s32 $0x3600;
	v50 =	vperm.xlane v18, v10;
	v49 =	vadd.s32 v4, v48  }
0x3c3: {  	[tilespmem:s15], [sflag:$0x1] =	stream.indirect_vreg.gather [hbm4b:s16+s3], $0x80, v46, vm0, $0xb8;
	[tilespmem:$0xC680] =	vst v63  }
0x3c4: {  	v52 =	vperm.xlane v18, v11;
	v51 =	vadd.s32 v4, v50  }
0x3c5: {  	[tilespmem:s18], [sflag:$0x1] =	stream.indirect_vreg.gather [hbm4b:s16+s3], $0x80, v19, vm0, $0xb8;
	[tilespmem:$0xC680] =	vst v63  }
0x3c6: {  	v53 =	vperm.xlane v18, v12;
	s15 =	simm.s32 $0x3700;
	v19 =	vadd.s32 v4, v52  }
0x3c7: {  	[tilespmem:s15], [sflag:$0x1] =	stream.indirect_vreg.gather [hbm4b:s16+s3], $0x80, v49, vm0, $0xb8;
	[tilespmem:$0xC680] =	vst v63  }
0x3c8: {  	v55 =	vperm.xlane v18, v13;
	v54 =	vadd.s32 v4, v53  }
0x3c9: {  	[tilespmem:s26], [sflag:$0x1] =	stream.indirect_vreg.gather [hbm4b:s16+s3], $0x80, v51, vm0, $0xb8;
	[tilespmem:$0xC680] =	vst v63  }
0x3ca: {  	v57 =	vperm.xlane v18, v14;
	v56 =	vadd.s32 v4, v55;
	s15 =	simm.s32 $0x3800  }
0x3cb: {  	[tilespmem:s15], [sflag:$0x1] =	stream.indirect_vreg.gather [hbm4b:s16+s3], $0x80, v19, vm0, $0xb8;
	[tilespmem:$0xC680] =	vst v63  }
0x3cc: {  	v58 =	vperm.xlane v18, v15;
	v19 =	vadd.s32 v4, v57;
	s15 =	simm.s32 $0x3880  }
0x3cd: {  	[tilespmem:s15], [sflag:$0x1] =	stream.indirect_vreg.gather [hbm4b:s16+s3], $0x80, v54, vm0, $0xb8;
	[tilespmem:$0xC680] =	vst v63  }
0x3ce: {  	v60 =	vperm.xlane v18, v16;
	v59 =	vadd.s32 v4, v58;
	s15 =	simm.s32 $0x3900  }
0x3cf: {  	[tilespmem:s15], [sflag:$0x1] =	stream.indirect_vreg.gather [hbm4b:s16+s3], $0x80, v56, vm0, $0xb8;
	[tilespmem:$0xC680] =	vst v63  }
0x3d0: {  	v18 =	vperm.xlane v18, v17;
	v61 =	vadd.s32 v4, v60;
	s15 =	simm.s32 $0x3980  }
0x3d1: {  	[tilespmem:s15], [sflag:$0x1] =	stream.indirect_vreg.gather [hbm4b:s16+s3], $0x80, v19, vm0, $0xb8;
	[tilespmem:$0xC680] =	vst v63  }
0x3d2: {  	v18 =	vadd.s32 v4, v18;
	s15 =	simm.s32 $0x3A00  }
0x3d3: {  	[tilespmem:s15], [sflag:$0x1] =	stream.indirect_vreg.gather [hbm4b:s16+s3], $0x80, v59, vm0, $0xb8;
	[tilespmem:$0xC680] =	vst v63  }
0x3d4: {  	s15 =	simm.s32 $0x3A80  }
0x3d5: {  	[tilespmem:s15], [sflag:$0x1] =	stream.indirect_vreg.gather [hbm4b:s16+s3], $0x80, v61, vm0, $0xb8;
	[tilespmem:$0xC680] =	vst v63  }
0x3d6: {  	s15 =	simm.s32 $0x3B00  }
0x3d7: {  	[tilespmem:s15], [sflag:$0x1] =	stream.indirect_vreg.gather [hbm4b:s16+s3], $0x80, v18, vm0, $0xb8;
	[tilespmem:$0xC680] =	vst v63  }
0x3d8: {  	v18 =	vld [tilespmem:$0x3310];
	_ =	sdelay $0x4  }
0x3d9: {  	v19 =	vshrl.u32 v18, $0x3  }
0x3da: {  	v19 =	vmul.u32 $0x38, v19  }
0x3db: {  	v18 =	vand.u32 $0x7, v18  }
0x3dc: {  	v18 =	vor.u32 v18, v19  }
0x3dd: {  	v19 =	vperm.xlane v18, v0;
	_ =	sdelay $0x1  }
0x3de: {  	v62 =	vperm.xlane v18, v5;
	v19 =	vadd.s32 v4, v19;
	_ =	sdelay $0x1  }
0x3df: {  	v63 =	vperm.xlane v18, v6;
	v20 =	vadd.s32 v4, v62;
	_ =	sdelay $0x1  }
0x3e0: {  	s15 =	simm.s32 $0x3B80;
	v24 =	vperm.xlane v18, v2;
	v21 =	vadd.s32 v4, v63  }
0x3e1: {  	[tilespmem:s15], [sflag:$0x1] =	stream.indirect_vreg.gather [hbm4b:s16+s3], $0x80, v19, vm0, $0xb8;
	[tilespmem:$0xC680] =	vst v63  }
0x3e2: {  	v25 =	vperm.xlane v18, v7;
	v19 =	vadd.s32 v4, v24;
	s15 =	simm.s32 $0x3C00  }
0x3e3: {  	[tilespmem:s15], [sflag:$0x1] =	stream.indirect_vreg.gather [hbm4b:s16+s3], $0x80, v20, vm0, $0xb8;
	[tilespmem:$0xC680] =	vst v63  }
0x3e4: {  	v27 =	vperm.xlane v18, v8;
	v26 =	vadd.s32 v4, v25;
	s15 =	simm.s32 $0x3C80  }
0x3e5: {  	[tilespmem:s15], [sflag:$0x1] =	stream.indirect_vreg.gather [hbm4b:s16+s3], $0x80, v21, vm0, $0xb8;
	[tilespmem:$0xC680] =	vst v63  }
0x3e6: {  	v29 =	vperm.xlane v18, v9;
	v28 =	vadd.s32 v4, v27;
	s15 =	simm.s32 $0x3D00  }
0x3e7: {  	[tilespmem:s15], [sflag:$0x1] =	stream.indirect_vreg.gather [hbm4b:s16+s3], $0x80, v19, vm0, $0xb8;
	[tilespmem:$0xC680] =	vst v63  }
0x3e8: {  	v30 =	vperm.xlane v18, v3;
	v19 =	vadd.s32 v4, v29;
	s15 =	simm.s32 $0x3D80  }
0x3e9: {  	[tilespmem:s15], [sflag:$0x1] =	stream.indirect_vreg.gather [hbm4b:s16+s3], $0x80, v26, vm0, $0xb8;
	[tilespmem:$0xC680] =	vst v63  }
0x3ea: {  	v32 =	vperm.xlane v18, v10;
	v31 =	vadd.s32 v4, v30;
	s15 =	simm.s32 $0x3E00  }
0x3eb: {  	[tilespmem:s15], [sflag:$0x1] =	stream.indirect_vreg.gather [hbm4b:s16+s3], $0x80, v28, vm0, $0xb8;
	[tilespmem:$0xC680] =	vst v63  }
0x3ec: {  	v34 =	vperm.xlane v18, v11;
	v33 =	vadd.s32 v4, v32;
	s15 =	simm.s32 $0x3E80  }
0x3ed: {  	[tilespmem:s15], [sflag:$0x1] =	stream.indirect_vreg.gather [hbm4b:s16+s3], $0x80, v19, vm0, $0xb8;
	[tilespmem:$0xC680] =	vst v63  }
0x3ee: {  	v35 =	vperm.xlane v18, v12;
	v19 =	vadd.s32 v4, v34;
	s15 =	simm.s32 $0x3F00  }
0x3ef: {  	[tilespmem:s15], [sflag:$0x1] =	stream.indirect_vreg.gather [hbm4b:s16+s3], $0x80, v31, vm0, $0xb8;
	[tilespmem:$0xC680] =	vst v63  }
0x3f0: {  	v37 =	vperm.xlane v18, v13;
	v36 =	vadd.s32 v4, v35;
	s15 =	simm.s32 $0x3F80  }
0x3f1: {  	[tilespmem:s15], [sflag:$0x1] =	stream.indirect_vreg.gather [hbm4b:s16+s3], $0x80, v33, vm0, $0xb8;
	[tilespmem:$0xC680] =	vst v63  }
0x3f2: {  	v39 =	vperm.xlane v18, v14;
	v38 =	vadd.s32 v4, v37;
	s15 =	simm.s32 $0x4000  }
0x3f3: {  	[tilespmem:s15], [sflag:$0x1] =	stream.indirect_vreg.gather [hbm4b:s16+s3], $0x80, v19, vm0, $0xb8;
	[tilespmem:$0xC680] =	vst v63  }
0x3f4: {  	v40 =	vperm.xlane v18, v15;
	v19 =	vadd.s32 v4, v39;
	s15 =	simm.s32 $0x4080  }
0x3f5: {  	[tilespmem:s15], [sflag:$0x1] =	stream.indirect_vreg.gather [hbm4b:s16+s3], $0x80, v36, vm0, $0xb8;
	[tilespmem:$0xC680] =	vst v63  }
0x3f6: {  	v42 =	vperm.xlane v18, v16;
	v41 =	vadd.s32 v4, v40;
	s15 =	simm.s32 $0x4100  }
0x3f7: {  	[tilespmem:s15], [sflag:$0x1] =	stream.indirect_vreg.gather [hbm4b:s16+s3], $0x80, v38, vm0, $0xb8;
	[tilespmem:$0xC680] =	vst v63  }
0x3f8: {  	v18 =	vperm.xlane v18, v17;
	v43 =	vadd.s32 v4, v42;
	s15 =	simm.s32 $0x4180  }
0x3f9: {  	[tilespmem:s15], [sflag:$0x1] =	stream.indirect_vreg.gather [hbm4b:s16+s3], $0x80, v19, vm0, $0xb8;
	[tilespmem:$0xC680] =	vst v63  }
0x3fa: {  	v18 =	vadd.s32 v4, v18;
	s15 =	simm.s32 $0x4200  }
0x3fb: {  	[tilespmem:s15], [sflag:$0x1] =	stream.indirect_vreg.gather [hbm4b:s16+s3], $0x80, v41, vm0, $0xb8;
	[tilespmem:$0xC680] =	vst v63  }
0x3fc: {  	s15 =	simm.s32 $0x4280  }
0x3fd: {  	[tilespmem:s15], [sflag:$0x1] =	stream.indirect_vreg.gather [hbm4b:s16+s3], $0x80, v43, vm0, $0xb8;
	[tilespmem:$0xC680] =	vst v63  }
0x3fe: {  	s15 =	simm.s32 $0x4300  }
0x3ff: {  	[tilespmem:s15], [sflag:$0x1] =	stream.indirect_vreg.gather [hbm4b:s16+s3], $0x80, v18, vm0, $0xb8;
	[tilespmem:$0xC680] =	vst v63  }
0x400: {  	v18 =	vld [tilespmem:$0x3320];
	_ =	sdelay $0x4  }
0x401: {  	v19 =	vshrl.u32 v18, $0x3  }
0x402: {  	v19 =	vmul.u32 $0x38, v19  }
0x403: {  	v18 =	vand.u32 $0x7, v18  }
0x404: {  	v18 =	vor.u32 v18, v19  }
0x405: {  	v19 =	vperm.xlane v18, v0;
	_ =	sdelay $0x1  }
0x406: {  	v44 =	vperm.xlane v18, v5;
	v19 =	vadd.s32 v4, v19;
	_ =	sdelay $0x1  }
0x407: {  	v45 =	vperm.xlane v18, v6;
	v20 =	vadd.s32 v4, v44;
	_ =	sdelay $0x1  }
0x408: {  	s15 =	simm.s32 $0x4380;
	v46 =	vperm.xlane v18, v2;
	v21 =	vadd.s32 v4, v45  }
0x409: {  	[tilespmem:s15], [sflag:$0x1] =	stream.indirect_vreg.gather [hbm4b:s16+s3], $0x80, v19, vm0, $0xb8;
	[tilespmem:$0xC680] =	vst v63  }
0x40a: {  	v47 =	vperm.xlane v18, v7;
	v19 =	vadd.s32 v4, v46;
	s15 =	simm.s32 $0x4400  }
0x40b: {  	[tilespmem:s15], [sflag:$0x1] =	stream.indirect_vreg.gather [hbm4b:s16+s3], $0x80, v20, vm0, $0xb8;
	[tilespmem:$0xC680] =	vst v63  }
0x40c: {  	v49 =	vperm.xlane v18, v8;
	v48 =	vadd.s32 v4, v47;
	s15 =	simm.s32 $0x4480  }
0x40d: {  	[tilespmem:s15], [sflag:$0x1] =	stream.indirect_vreg.gather [hbm4b:s16+s3], $0x80, v21, vm0, $0xb8;
	[tilespmem:$0xC680] =	vst v63  }
0x40e: {  	v51 =	vperm.xlane v18, v9;
	v50 =	vadd.s32 v4, v49;
	s15 =	simm.s32 $0x4500  }
0x40f: {  	[tilespmem:s15], [sflag:$0x1] =	stream.indirect_vreg.gather [hbm4b:s16+s3], $0x80, v19, vm0, $0xb8;
	[tilespmem:$0xC680] =	vst v63  }
0x410: {  	v52 =	vperm.xlane v18, v3;
	v19 =	vadd.s32 v4, v51;
	s15 =	simm.s32 $0x4580  }
0x411: {  	[tilespmem:s15], [sflag:$0x1] =	stream.indirect_vreg.gather [hbm4b:s16+s3], $0x80, v48, vm0, $0xb8;
	[tilespmem:$0xC680] =	vst v63  }
0x412: {  	v54 =	vperm.xlane v18, v10;
	v53 =	vadd.s32 v4, v52;
	s15 =	simm.s32 $0x4600  }
0x413: {  	[tilespmem:s15], [sflag:$0x1] =	stream.indirect_vreg.gather [hbm4b:s16+s3], $0x80, v50, vm0, $0xb8;
	[tilespmem:$0xC680] =	vst v63  }
0x414: {  	v56 =	vperm.xlane v18, v11;
	v55 =	vadd.s32 v4, v54;
	s15 =	simm.s32 $0x4680  }
0x415: {  	[tilespmem:s15], [sflag:$0x1] =	stream.indirect_vreg.gather [hbm4b:s16+s3], $0x80, v19, vm0, $0xb8;
	[tilespmem:$0xC680] =	vst v63  }
0x416: {  	v57 =	vperm.xlane v18, v12;
	v19 =	vadd.s32 v4, v56;
	s15 =	simm.s32 $0x4700  }
0x417: {  	[tilespmem:s15], [sflag:$0x1] =	stream.indirect_vreg.gather [hbm4b:s16+s3], $0x80, v53, vm0, $0xb8;
	[tilespmem:$0xC680] =	vst v63  }
0x418: {  	v59 =	vperm.xlane v18, v13;
	v58 =	vadd.s32 v4, v57;
	s15 =	simm.s32 $0x4780  }
0x419: {  	[tilespmem:s15], [sflag:$0x1] =	stream.indirect_vreg.gather [hbm4b:s16+s3], $0x80, v55, vm0, $0xb8;
	[tilespmem:$0xC680] =	vst v63  }
0x41a: {  	v61 =	vperm.xlane v18, v14;
	v60 =	vadd.s32 v4, v59;
	s15 =	simm.s32 $0x4800  }
0x41b: {  	[tilespmem:s15], [sflag:$0x1] =	stream.indirect_vreg.gather [hbm4b:s16+s3], $0x80, v19, vm0, $0xb8;
	[tilespmem:$0xC680] =	vst v63  }
0x41c: {  	v62 =	vperm.xlane v18, v15;
	v19 =	vadd.s32 v4, v61;
	s15 =	simm.s32 $0x4880  }
0x41d: {  	[tilespmem:s15], [sflag:$0x1] =	stream.indirect_vreg.gather [hbm4b:s16+s3], $0x80, v58, vm0, $0xb8;
	[tilespmem:$0xC680] =	vst v63  }
0x41e: {  	v24 =	vperm.xlane v18, v16;
	v63 =	vadd.s32 v4, v62;
	s15 =	simm.s32 $0x4900  }
0x41f: {  	[tilespmem:s15], [sflag:$0x1] =	stream.indirect_vreg.gather [hbm4b:s16+s3], $0x80, v60, vm0, $0xb8;
	[tilespmem:$0xC680] =	vst v63  }
0x420: {  	v18 =	vperm.xlane v18, v17;
	v25 =	vadd.s32 v4, v24;
	s15 =	simm.s32 $0x4980  }
0x421: {  	[tilespmem:s15], [sflag:$0x1] =	stream.indirect_vreg.gather [hbm4b:s16+s3], $0x80, v19, vm0, $0xb8;
	[tilespmem:$0xC680] =	vst v63  }
0x422: {  	v18 =	vadd.s32 v4, v18;
	s15 =	simm.s32 $0x4A00  }
0x423: {  	[tilespmem:s15], [sflag:$0x1] =	stream.indirect_vreg.gather [hbm4b:s16+s3], $0x80, v63, vm0, $0xb8;
	[tilespmem:$0xC680] =	vst v63  }
0x424: {  	s15 =	simm.s32 $0x4A80  }
0x425: {  	[tilespmem:s15], [sflag:$0x1] =	stream.indirect_vreg.gather [hbm4b:s16+s3], $0x80, v25, vm0, $0xb8;
	[tilespmem:$0xC680] =	vst v63  }
0x426: {  	s15 =	simm.s32 $0x4B00  }
0x427: {  	[tilespmem:s15], [sflag:$0x1] =	stream.indirect_vreg.gather [hbm4b:s16+s3], $0x80, v18, vm0, $0xb8;
	[tilespmem:$0xC680] =	vst v63  }
0x428: {  	v18 =	vld [tilespmem:$0x3330];
	_ =	sdelay $0x4  }
0x429: {  	v19 =	vshrl.u32 v18, $0x3  }
0x42a: {  	v19 =	vmul.u32 $0x38, v19  }
0x42b: {  	v18 =	vand.u32 $0x7, v18  }
0x42c: {  	v18 =	vor.u32 v18, v19  }
0x42d: {  	v19 =	vperm.xlane v18, v0;
	_ =	sdelay $0x1  }
0x42e: {  	v26 =	vperm.xlane v18, v5;
	v19 =	vadd.s32 v4, v19;
	_ =	sdelay $0x1  }
0x42f: {  	v27 =	vperm.xlane v18, v6;
	v20 =	vadd.s32 v4, v26;
	_ =	sdelay $0x1  }
0x430: {  	s15 =	simm.s32 $0x4B80;
	v28 =	vperm.xlane v18, v2;
	v21 =	vadd.s32 v4, v27  }
0x431: {  	[tilespmem:s15], [sflag:$0x1] =	stream.indirect_vreg.gather [hbm4b:s16+s3], $0x80, v19, vm0, $0xb8;
	[tilespmem:$0xC680] =	vst v63  }
0x432: {  	v29 =	vperm.xlane v18, v7;
	v19 =	vadd.s32 v4, v28;
	s15 =	simm.s32 $0x4C00  }
0x433: {  	[tilespmem:s15], [sflag:$0x1] =	stream.indirect_vreg.gather [hbm4b:s16+s3], $0x80, v20, vm0, $0xb8;
	[tilespmem:$0xC680] =	vst v63  }
0x434: {  	v31 =	vperm.xlane v18, v8;
	v30 =	vadd.s32 v4, v29;
	s15 =	simm.s32 $0x4C80  }
0x435: {  	[tilespmem:s15], [sflag:$0x1] =	stream.indirect_vreg.gather [hbm4b:s16+s3], $0x80, v21, vm0, $0xb8;
	[tilespmem:$0xC680] =	vst v63  }
0x436: {  	v33 =	vperm.xlane v18, v9;
	v32 =	vadd.s32 v4, v31;
	s15 =	simm.s32 $0x4D00  }
0x437: {  	[tilespmem:s15], [sflag:$0x1] =	stream.indirect_vreg.gather [hbm4b:s16+s3], $0x80, v19, vm0, $0xb8;
	[tilespmem:$0xC680] =	vst v63  }
0x438: {  	v34 =	vperm.xlane v18, v3;
	v19 =	vadd.s32 v4, v33;
	s15 =	simm.s32 $0x4D80  }
0x439: {  	[tilespmem:s15], [sflag:$0x1] =	stream.indirect_vreg.gather [hbm4b:s16+s3], $0x80, v30, vm0, $0xb8;
	[tilespmem:$0xC680] =	vst v63  }
0x43a: {  	v36 =	vperm.xlane v18, v10;
	v35 =	vadd.s32 v4, v34;
	s15 =	simm.s32 $0x4E00  }
0x43b: {  	[tilespmem:s15], [sflag:$0x1] =	stream.indirect_vreg.gather [hbm4b:s16+s3], $0x80, v32, vm0, $0xb8;
	[tilespmem:$0xC680] =	vst v63  }
0x43c: {  	v38 =	vperm.xlane v18, v11;
	v37 =	vadd.s32 v4, v36;
	s15 =	simm.s32 $0x4E80  }
0x43d: {  	[tilespmem:s15], [sflag:$0x1] =	stream.indirect_vreg.gather [hbm4b:s16+s3], $0x80, v19, vm0, $0xb8;
	[tilespmem:$0xC680] =	vst v63  }
0x43e: {  	v39 =	vperm.xlane v18, v12;
	v19 =	vadd.s32 v4, v38;
	s15 =	simm.s32 $0x4F00  }
0x43f: {  	[tilespmem:s15], [sflag:$0x1] =	stream.indirect_vreg.gather [hbm4b:s16+s3], $0x80, v35, vm0, $0xb8;
	[tilespmem:$0xC680] =	vst v63  }
0x440: {  	v41 =	vperm.xlane v18, v13;
	v40 =	vadd.s32 v4, v39;
	s15 =	simm.s32 $0x4F80  }
0x441: {  	[tilespmem:s15], [sflag:$0x1] =	stream.indirect_vreg.gather [hbm4b:s16+s3], $0x80, v37, vm0, $0xb8;
	[tilespmem:$0xC680] =	vst v63  }
0x442: {  	v43 =	vperm.xlane v18, v14;
	v42 =	vadd.s32 v4, v41;
	s15 =	simm.s32 $0x5000  }
0x443: {  	[tilespmem:s15], [sflag:$0x1] =	stream.indirect_vreg.gather [hbm4b:s16+s3], $0x80, v19, vm0, $0xb8;
	[tilespmem:$0xC680] =	vst v63  }
0x444: {  	v44 =	vperm.xlane v18, v15;
	v19 =	vadd.s32 v4, v43;
	s15 =	simm.s32 $0x5080  }
0x445: {  	[tilespmem:s15], [sflag:$0x1] =	stream.indirect_vreg.gather [hbm4b:s16+s3], $0x80, v40, vm0, $0xb8;
	[tilespmem:$0xC680] =	vst v63  }
0x446: {  	v46 =	vperm.xlane v18, v16;
	v45 =	vadd.s32 v4, v44;
	s15 =	simm.s32 $0x5100  }
0x447: {  	[tilespmem:s15], [sflag:$0x1] =	stream.indirect_vreg.gather [hbm4b:s16+s3], $0x80, v42, vm0, $0xb8;
	[tilespmem:$0xC680] =	vst v63  }
0x448: {  	v18 =	vperm.xlane v18, v17;
	v47 =	vadd.s32 v4, v46;
	s15 =	simm.s32 $0x5180  }
0x449: {  	[tilespmem:s15], [sflag:$0x1] =	stream.indirect_vreg.gather [hbm4b:s16+s3], $0x80, v19, vm0, $0xb8;
	[tilespmem:$0xC680] =	vst v63  }
0x44a: {  	v18 =	vadd.s32 v4, v18;
	s15 =	simm.s32 $0x5200  }
0x44b: {  	[tilespmem:s15], [sflag:$0x1] =	stream.indirect_vreg.gather [hbm4b:s16+s3], $0x80, v45, vm0, $0xb8;
	[tilespmem:$0xC680] =	vst v63  }
0x44c: {  	s15 =	simm.s32 $0x5280  }
0x44d: {  	[tilespmem:s15], [sflag:$0x1] =	stream.indirect_vreg.gather [hbm4b:s16+s3], $0x80, v47, vm0, $0xb8;
	[tilespmem:$0xC680] =	vst v63  }
0x44e: {  	s15 =	simm.s32 $0x5300  }
0x44f: {  	[tilespmem:s15], [sflag:$0x1] =	stream.indirect_vreg.gather [hbm4b:s16+s3], $0x80, v18, vm0, $0xb8;
	[tilespmem:$0xC680] =	vst v63  }
0x450: {  	v18 =	vld [tilespmem:$0x3340];
	_ =	sdelay $0x4  }
0x451: {  	v19 =	vshrl.u32 v18, $0x3  }
0x452: {  	v19 =	vmul.u32 $0x38, v19  }
0x453: {  	v18 =	vand.u32 $0x7, v18  }
0x454: {  	v18 =	vor.u32 v18, v19  }
0x455: {  	v19 =	vperm.xlane v18, v0;
	_ =	sdelay $0x1  }
0x456: {  	v48 =	vperm.xlane v18, v5;
	v19 =	vadd.s32 v4, v19;
	_ =	sdelay $0x1  }
0x457: {  	v49 =	vperm.xlane v18, v6;
	v20 =	vadd.s32 v4, v48;
	_ =	sdelay $0x1  }
0x458: {  	s15 =	simm.s32 $0x5380;
	v50 =	vperm.xlane v18, v2;
	v21 =	vadd.s32 v4, v49  }
0x459: {  	[tilespmem:s15], [sflag:$0x1] =	stream.indirect_vreg.gather [hbm4b:s16+s3], $0x80, v19, vm0, $0xb8;
	[tilespmem:$0xC680] =	vst v63  }
0x45a: {  	v51 =	vperm.xlane v18, v7;
	v19 =	vadd.s32 v4, v50;
	s15 =	simm.s32 $0x5400  }
0x45b: {  	[tilespmem:s15], [sflag:$0x1] =	stream.indirect_vreg.gather [hbm4b:s16+s3], $0x80, v20, vm0, $0xb8;
	[tilespmem:$0xC680] =	vst v63  }
0x45c: {  	v53 =	vperm.xlane v18, v8;
	v52 =	vadd.s32 v4, v51;
	s15 =	simm.s32 $0x5480  }
0x45d: {  	[tilespmem:s15], [sflag:$0x1] =	stream.indirect_vreg.gather [hbm4b:s16+s3], $0x80, v21, vm0, $0xb8;
	[tilespmem:$0xC680] =	vst v63  }
0x45e: {  	v55 =	vperm.xlane v18, v9;
	v54 =	vadd.s32 v4, v53;
	s15 =	simm.s32 $0x5500  }
0x45f: {  	[tilespmem:s15], [sflag:$0x1] =	stream.indirect_vreg.gather [hbm4b:s16+s3], $0x80, v19, vm0, $0xb8;
	[tilespmem:$0xC680] =	vst v63  }
0x460: {  	v56 =	vperm.xlane v18, v3;
	v19 =	vadd.s32 v4, v55;
	s15 =	simm.s32 $0x5580  }
0x461: {  	[tilespmem:s15], [sflag:$0x1] =	stream.indirect_vreg.gather [hbm4b:s16+s3], $0x80, v52, vm0, $0xb8;
	[tilespmem:$0xC680] =	vst v63  }
0x462: {  	v58 =	vperm.xlane v18, v10;
	v57 =	vadd.s32 v4, v56;
	s15 =	simm.s32 $0x5600  }
0x463: {  	[tilespmem:s15], [sflag:$0x1] =	stream.indirect_vreg.gather [hbm4b:s16+s3], $0x80, v54, vm0, $0xb8;
	[tilespmem:$0xC680] =	vst v63  }
0x464: {  	v60 =	vperm.xlane v18, v11;
	v59 =	vadd.s32 v4, v58;
	s15 =	simm.s32 $0x5680  }
0x465: {  	[tilespmem:s15], [sflag:$0x1] =	stream.indirect_vreg.gather [hbm4b:s16+s3], $0x80, v19, vm0, $0xb8;
	[tilespmem:$0xC680] =	vst v63  }
0x466: {  	v61 =	vperm.xlane v18, v12;
	v19 =	vadd.s32 v4, v60;
	s15 =	simm.s32 $0x5700  }
0x467: {  	[tilespmem:s15], [sflag:$0x1] =	stream.indirect_vreg.gather [hbm4b:s16+s3], $0x80, v57, vm0, $0xb8;
	[tilespmem:$0xC680] =	vst v63  }
0x468: {  	v63 =	vperm.xlane v18, v13;
	v62 =	vadd.s32 v4, v61;
	s15 =	simm.s32 $0x5780  }
0x469: {  	[tilespmem:s15], [sflag:$0x1] =	stream.indirect_vreg.gather [hbm4b:s16+s3], $0x80, v59, vm0, $0xb8;
	[tilespmem:$0xC680] =	vst v63  }
0x46a: {  	v25 =	vperm.xlane v18, v14;
	v24 =	vadd.s32 v4, v63;
	s15 =	simm.s32 $0x5800  }
0x46b: {  	[tilespmem:s15], [sflag:$0x1] =	stream.indirect_vreg.gather [hbm4b:s16+s3], $0x80, v19, vm0, $0xb8;
	[tilespmem:$0xC680] =	vst v63  }
0x46c: {  	v26 =	vperm.xlane v18, v15;
	v19 =	vadd.s32 v4, v25;
	s15 =	simm.s32 $0x5880  }
0x46d: {  	[tilespmem:s15], [sflag:$0x1] =	stream.indirect_vreg.gather [hbm4b:s16+s3], $0x80, v62, vm0, $0xb8;
	[tilespmem:$0xC680] =	vst v63  }
0x46e: {  	v28 =	vperm.xlane v18, v16;
	v27 =	vadd.s32 v4, v26;
	s15 =	simm.s32 $0x5900  }
0x46f: {  	[tilespmem:s15], [sflag:$0x1] =	stream.indirect_vreg.gather [hbm4b:s16+s3], $0x80, v24, vm0, $0xb8;
	[tilespmem:$0xC680] =	vst v63  }
0x470: {  	v18 =	vperm.xlane v18, v17;
	v29 =	vadd.s32 v4, v28;
	s15 =	simm.s32 $0x5980  }
0x471: {  	[tilespmem:s15], [sflag:$0x1] =	stream.indirect_vreg.gather [hbm4b:s16+s3], $0x80, v19, vm0, $0xb8;
	[tilespmem:$0xC680] =	vst v63  }
0x472: {  	v18 =	vadd.s32 v4, v18;
	s15 =	simm.s32 $0x5A00  }
0x473: {  	[tilespmem:s15], [sflag:$0x1] =	stream.indirect_vreg.gather [hbm4b:s16+s3], $0x80, v27, vm0, $0xb8;
	[tilespmem:$0xC680] =	vst v63  }
0x474: {  	s15 =	simm.s32 $0x5A80  }
0x475: {  	[tilespmem:s15], [sflag:$0x1] =	stream.indirect_vreg.gather [hbm4b:s16+s3], $0x80, v29, vm0, $0xb8;
	[tilespmem:$0xC680] =	vst v63  }
0x476: {  	s15 =	simm.s32 $0x5B00  }
0x477: {  	[tilespmem:s15], [sflag:$0x1] =	stream.indirect_vreg.gather [hbm4b:s16+s3], $0x80, v18, vm0, $0xb8;
	[tilespmem:$0xC680] =	vst v63  }
0x478: {  	v18 =	vld [tilespmem:$0x3350];
	_ =	sdelay $0x4  }
0x479: {  	v19 =	vshrl.u32 v18, $0x3  }
0x47a: {  	v19 =	vmul.u32 $0x38, v19  }
0x47b: {  	v18 =	vand.u32 $0x7, v18  }
0x47c: {  	v18 =	vor.u32 v18, v19  }
0x47d: {  	v19 =	vperm.xlane v18, v0;
	_ =	sdelay $0x1  }
0x47e: {  	v30 =	vperm.xlane v18, v5;
	v19 =	vadd.s32 v4, v19;
	_ =	sdelay $0x1  }
0x47f: {  	v31 =	vperm.xlane v18, v6;
	v20 =	vadd.s32 v4, v30;
	_ =	sdelay $0x1  }
0x480: {  	s15 =	simm.s32 $0x5B80;
	v32 =	vperm.xlane v18, v2;
	v21 =	vadd.s32 v4, v31  }
0x481: {  	[tilespmem:s15], [sflag:$0x1] =	stream.indirect_vreg.gather [hbm4b:s16+s3], $0x80, v19, vm0, $0xb8;
	[tilespmem:$0xC680] =	vst v63  }
0x482: {  	v33 =	vperm.xlane v18, v7;
	v19 =	vadd.s32 v4, v32;
	s15 =	simm.s32 $0x5C00  }
0x483: {  	[tilespmem:s15], [sflag:$0x1] =	stream.indirect_vreg.gather [hbm4b:s16+s3], $0x80, v20, vm0, $0xb8;
	[tilespmem:$0xC680] =	vst v63  }
0x484: {  	v35 =	vperm.xlane v18, v8;
	v34 =	vadd.s32 v4, v33;
	s15 =	simm.s32 $0x5C80  }
0x485: {  	[tilespmem:s15], [sflag:$0x1] =	stream.indirect_vreg.gather [hbm4b:s16+s3], $0x80, v21, vm0, $0xb8;
	[tilespmem:$0xC680] =	vst v63  }
0x486: {  	v37 =	vperm.xlane v18, v9;
	v36 =	vadd.s32 v4, v35;
	s15 =	simm.s32 $0x5D00  }
0x487: {  	[tilespmem:s15], [sflag:$0x1] =	stream.indirect_vreg.gather [hbm4b:s16+s3], $0x80, v19, vm0, $0xb8;
	[tilespmem:$0xC680] =	vst v63  }
0x488: {  	v38 =	vperm.xlane v18, v3;
	v19 =	vadd.s32 v4, v37;
	s15 =	simm.s32 $0x5D80  }
0x489: {  	[tilespmem:s15], [sflag:$0x1] =	stream.indirect_vreg.gather [hbm4b:s16+s3], $0x80, v34, vm0, $0xb8;
	[tilespmem:$0xC680] =	vst v63  }
0x48a: {  	v40 =	vperm.xlane v18, v10;
	v39 =	vadd.s32 v4, v38;
	s15 =	simm.s32 $0x5E00  }
0x48b: {  	[tilespmem:s15], [sflag:$0x1] =	stream.indirect_vreg.gather [hbm4b:s16+s3], $0x80, v36, vm0, $0xb8;
	[tilespmem:$0xC680] =	vst v63  }
0x48c: {  	v42 =	vperm.xlane v18, v11;
	v41 =	vadd.s32 v4, v40;
	s15 =	simm.s32 $0x5E80  }
0x48d: {  	[tilespmem:s15], [sflag:$0x1] =	stream.indirect_vreg.gather [hbm4b:s16+s3], $0x80, v19, vm0, $0xb8;
	[tilespmem:$0xC680] =	vst v63  }
0x48e: {  	v43 =	vperm.xlane v18, v12;
	v19 =	vadd.s32 v4, v42;
	s15 =	simm.s32 $0x5F00  }
0x48f: {  	[tilespmem:s15], [sflag:$0x1] =	stream.indirect_vreg.gather [hbm4b:s16+s3], $0x80, v39, vm0, $0xb8;
	[tilespmem:$0xC680] =	vst v63  }
0x490: {  	v45 =	vperm.xlane v18, v13;
	v44 =	vadd.s32 v4, v43;
	s15 =	simm.s32 $0x5F80  }
0x491: {  	[tilespmem:s15], [sflag:$0x1] =	stream.indirect_vreg.gather [hbm4b:s16+s3], $0x80, v41, vm0, $0xb8;
	[tilespmem:$0xC680] =	vst v63  }
0x492: {  	v47 =	vperm.xlane v18, v14;
	v46 =	vadd.s32 v4, v45;
	s15 =	simm.s32 $0x6000  }
0x493: {  	[tilespmem:s15], [sflag:$0x1] =	stream.indirect_vreg.gather [hbm4b:s16+s3], $0x80, v19, vm0, $0xb8;
	[tilespmem:$0xC680] =	vst v63  }
0x494: {  	v48 =	vperm.xlane v18, v15;
	v19 =	vadd.s32 v4, v47;
	s15 =	simm.s32 $0x6080  }
0x495: {  	[tilespmem:s15], [sflag:$0x1] =	stream.indirect_vreg.gather [hbm4b:s16+s3], $0x80, v44, vm0, $0xb8;
	[tilespmem:$0xC680] =	vst v63  }
0x496: {  	v50 =	vperm.xlane v18, v16;
	v49 =	vadd.s32 v4, v48;
	s15 =	simm.s32 $0x6100  }
0x497: {  	[tilespmem:s15], [sflag:$0x1] =	stream.indirect_vreg.gather [hbm4b:s16+s3], $0x80, v46, vm0, $0xb8;
	[tilespmem:$0xC680] =	vst v63  }
0x498: {  	v18 =	vperm.xlane v18, v17;
	v51 =	vadd.s32 v4, v50;
	s15 =	simm.s32 $0x6180  }
0x499: {  	[tilespmem:s15], [sflag:$0x1] =	stream.indirect_vreg.gather [hbm4b:s16+s3], $0x80, v19, vm0, $0xb8;
	[tilespmem:$0xC680] =	vst v63  }
0x49a: {  	v18 =	vadd.s32 v4, v18;
	s15 =	simm.s32 $0x6200  }
0x49b: {  	[tilespmem:s15], [sflag:$0x1] =	stream.indirect_vreg.gather [hbm4b:s16+s3], $0x80, v49, vm0, $0xb8;
	[tilespmem:$0xC680] =	vst v63  }
0x49c: {  	s15 =	simm.s32 $0x6280  }
0x49d: {  	[tilespmem:s15], [sflag:$0x1] =	stream.indirect_vreg.gather [hbm4b:s16+s3], $0x80, v51, vm0, $0xb8;
	[tilespmem:$0xC680] =	vst v63  }
0x49e: {  	s15 =	simm.s32 $0x6300  }
0x49f: {  	[tilespmem:s15], [sflag:$0x1] =	stream.indirect_vreg.gather [hbm4b:s16+s3], $0x80, v18, vm0, $0xb8;
	[tilespmem:$0xC680] =	vst v63  }
0x4a0: {  	v18 =	vld [tilespmem:$0x3360];
	_ =	sdelay $0x4  }
0x4a1: {  	v19 =	vshrl.u32 v18, $0x3  }
0x4a2: {  	v19 =	vmul.u32 $0x38, v19  }
0x4a3: {  	v18 =	vand.u32 $0x7, v18  }
0x4a4: {  	v18 =	vor.u32 v18, v19  }
0x4a5: {  	v19 =	vperm.xlane v18, v0;
	_ =	sdelay $0x1  }
0x4a6: {  	v52 =	vperm.xlane v18, v5;
	v19 =	vadd.s32 v4, v19;
	_ =	sdelay $0x1  }
0x4a7: {  	v53 =	vperm.xlane v18, v6;
	v20 =	vadd.s32 v4, v52;
	_ =	sdelay $0x1  }
0x4a8: {  	s15 =	simm.s32 $0x6380;
	v54 =	vperm.xlane v18, v2;
	v21 =	vadd.s32 v4, v53  }
0x4a9: {  	[tilespmem:s15], [sflag:$0x1] =	stream.indirect_vreg.gather [hbm4b:s16+s3], $0x80, v19, vm0, $0xb8;
	[tilespmem:$0xC680] =	vst v63  }
0x4aa: {  	v55 =	vperm.xlane v18, v7;
	v19 =	vadd.s32 v4, v54;
	s15 =	simm.s32 $0x6400  }
0x4ab: {  	[tilespmem:s15], [sflag:$0x1] =	stream.indirect_vreg.gather [hbm4b:s16+s3], $0x80, v20, vm0, $0xb8;
	[tilespmem:$0xC680] =	vst v63  }
0x4ac: {  	v57 =	vperm.xlane v18, v8;
	v56 =	vadd.s32 v4, v55;
	s15 =	simm.s32 $0x6480  }
0x4ad: {  	[tilespmem:s15], [sflag:$0x1] =	stream.indirect_vreg.gather [hbm4b:s16+s3], $0x80, v21, vm0, $0xb8;
	[tilespmem:$0xC680] =	vst v63  }
0x4ae: {  	v59 =	vperm.xlane v18, v9;
	v58 =	vadd.s32 v4, v57;
	s15 =	simm.s32 $0x6500  }
0x4af: {  	[tilespmem:s15], [sflag:$0x1] =	stream.indirect_vreg.gather [hbm4b:s16+s3], $0x80, v19, vm0, $0xb8;
	[tilespmem:$0xC680] =	vst v63  }
0x4b0: {  	v60 =	vperm.xlane v18, v3;
	v19 =	vadd.s32 v4, v59;
	s15 =	simm.s32 $0x6580  }
0x4b1: {  	[tilespmem:s15], [sflag:$0x1] =	stream.indirect_vreg.gather [hbm4b:s16+s3], $0x80, v56, vm0, $0xb8;
	[tilespmem:$0xC680] =	vst v63  }
0x4b2: {  	v62 =	vperm.xlane v18, v10;
	v61 =	vadd.s32 v4, v60;
	s15 =	simm.s32 $0x6600  }
0x4b3: {  	[tilespmem:s15], [sflag:$0x1] =	stream.indirect_vreg.gather [hbm4b:s16+s3], $0x80, v58, vm0, $0xb8;
	[tilespmem:$0xC680] =	vst v63  }
0x4b4: {  	v24 =	vperm.xlane v18, v11;
	v63 =	vadd.s32 v4, v62;
	s15 =	simm.s32 $0x6680  }
0x4b5: {  	[tilespmem:s15], [sflag:$0x1] =	stream.indirect_vreg.gather [hbm4b:s16+s3], $0x80, v19, vm0, $0xb8;
	[tilespmem:$0xC680] =	vst v63  }
0x4b6: {  	v25 =	vperm.xlane v18, v12;
	v19 =	vadd.s32 v4, v24;
	s15 =	simm.s32 $0x6700  }
0x4b7: {  	[tilespmem:s15], [sflag:$0x1] =	stream.indirect_vreg.gather [hbm4b:s16+s3], $0x80, v61, vm0, $0xb8;
	[tilespmem:$0xC680] =	vst v63  }
0x4b8: {  	v27 =	vperm.xlane v18, v13;
	v26 =	vadd.s32 v4, v25;
	s15 =	simm.s32 $0x6780  }
0x4b9: {  	[tilespmem:s15], [sflag:$0x1] =	stream.indirect_vreg.gather [hbm4b:s16+s3], $0x80, v63, vm0, $0xb8;
	[tilespmem:$0xC680] =	vst v63  }
0x4ba: {  	v29 =	vperm.xlane v18, v14;
	v28 =	vadd.s32 v4, v27;
	s15 =	simm.s32 $0x6800  }
0x4bb: {  	[tilespmem:s15], [sflag:$0x1] =	stream.indirect_vreg.gather [hbm4b:s16+s3], $0x80, v19, vm0, $0xb8;
	[tilespmem:$0xC680] =	vst v63  }
0x4bc: {  	v30 =	vperm.xlane v18, v15;
	v19 =	vadd.s32 v4, v29;
	s15 =	simm.s32 $0x6880  }
0x4bd: {  	[tilespmem:s15], [sflag:$0x1] =	stream.indirect_vreg.gather [hbm4b:s16+s3], $0x80, v26, vm0, $0xb8;
	[tilespmem:$0xC680] =	vst v63  }
0x4be: {  	v32 =	vperm.xlane v18, v16;
	v31 =	vadd.s32 v4, v30;
	s15 =	simm.s32 $0x6900  }
0x4bf: {  	[tilespmem:s15], [sflag:$0x1] =	stream.indirect_vreg.gather [hbm4b:s16+s3], $0x80, v28, vm0, $0xb8;
	[tilespmem:$0xC680] =	vst v63  }
0x4c0: {  	v18 =	vperm.xlane v18, v17;
	v33 =	vadd.s32 v4, v32;
	s15 =	simm.s32 $0x6980  }
0x4c1: {  	[tilespmem:s15], [sflag:$0x1] =	stream.indirect_vreg.gather [hbm4b:s16+s3], $0x80, v19, vm0, $0xb8;
	[tilespmem:$0xC680] =	vst v63  }
0x4c2: {  	v18 =	vadd.s32 v4, v18;
	s15 =	simm.s32 $0x6A00  }
0x4c3: {  	[tilespmem:s15], [sflag:$0x1] =	stream.indirect_vreg.gather [hbm4b:s16+s3], $0x80, v31, vm0, $0xb8;
	[tilespmem:$0xC680] =	vst v63  }
0x4c4: {  	s15 =	simm.s32 $0x6A80  }
0x4c5: {  	[tilespmem:s15], [sflag:$0x1] =	stream.indirect_vreg.gather [hbm4b:s16+s3], $0x80, v33, vm0, $0xb8;
	[tilespmem:$0xC680] =	vst v63  }
0x4c6: {  	s15 =	simm.s32 $0x6B00  }
0x4c7: {  	[tilespmem:s15], [sflag:$0x1] =	stream.indirect_vreg.gather [hbm4b:s16+s3], $0x80, v18, vm0, $0xb8;
	[tilespmem:$0xC680] =	vst v63  }
0x4c8: {  	v18 =	vld [tilespmem:$0x3370];
	_ =	sdelay $0x4  }
0x4c9: {  	v19 =	vshrl.u32 v18, $0x3  }
0x4ca: {  	v19 =	vmul.u32 $0x38, v19  }
0x4cb: {  	v18 =	vand.u32 $0x7, v18  }
0x4cc: {  	v18 =	vor.u32 v18, v19  }
0x4cd: {  	v19 =	vperm.xlane v18, v0;
	_ =	sdelay $0x1  }
0x4ce: {  	v34 =	vperm.xlane v18, v5;
	v19 =	vadd.s32 v4, v19;
	_ =	sdelay $0x1  }
0x4cf: {  	v35 =	vperm.xlane v18, v6;
	v20 =	vadd.s32 v4, v34;
	_ =	sdelay $0x1  }
0x4d0: {  	s15 =	simm.s32 $0x6B80;
	v36 =	vperm.xlane v18, v2;
	v21 =	vadd.s32 v4, v35  }
0x4d1: {  	[tilespmem:s15], [sflag:$0x1] =	stream.indirect_vreg.gather [hbm4b:s16+s3], $0x80, v19, vm0, $0xb8;
	[tilespmem:$0xC680] =	vst v63  }
0x4d2: {  	v37 =	vperm.xlane v18, v7;
	v19 =	vadd.s32 v4, v36;
	s15 =	simm.s32 $0x6C00  }
0x4d3: {  	[tilespmem:s15], [sflag:$0x1] =	stream.indirect_vreg.gather [hbm4b:s16+s3], $0x80, v20, vm0, $0xb8;
	[tilespmem:$0xC680] =	vst v63  }
0x4d4: {  	v39 =	vperm.xlane v18, v8;
	v38 =	vadd.s32 v4, v37;
	s15 =	simm.s32 $0x6C80  }
0x4d5: {  	[tilespmem:s15], [sflag:$0x1] =	stream.indirect_vreg.gather [hbm4b:s16+s3], $0x80, v21, vm0, $0xb8;
	[tilespmem:$0xC680] =	vst v63  }
0x4d6: {  	v41 =	vperm.xlane v18, v9;
	v40 =	vadd.s32 v4, v39;
	s15 =	simm.s32 $0x6D00  }
0x4d7: {  	[tilespmem:s15], [sflag:$0x1] =	stream.indirect_vreg.gather [hbm4b:s16+s3], $0x80, v19, vm0, $0xb8;
	[tilespmem:$0xC680] =	vst v63  }
0x4d8: {  	v42 =	vperm.xlane v18, v3;
	v19 =	vadd.s32 v4, v41;
	s15 =	simm.s32 $0x6D80  }
0x4d9: {  	[tilespmem:s15], [sflag:$0x1] =	stream.indirect_vreg.gather [hbm4b:s16+s3], $0x80, v38, vm0, $0xb8;
	[tilespmem:$0xC680] =	vst v63  }
0x4da: {  	v44 =	vperm.xlane v18, v10;
	v43 =	vadd.s32 v4, v42;
	s15 =	simm.s32 $0x6E00  }
0x4db: {  	[tilespmem:s15], [sflag:$0x1] =	stream.indirect_vreg.gather [hbm4b:s16+s3], $0x80, v40, vm0, $0xb8;
	[tilespmem:$0xC680] =	vst v63  }
0x4dc: {  	v46 =	vperm.xlane v18, v11;
	v45 =	vadd.s32 v4, v44;
	s15 =	simm.s32 $0x6E80  }
0x4dd: {  	[tilespmem:s15], [sflag:$0x1] =	stream.indirect_vreg.gather [hbm4b:s16+s3], $0x80, v19, vm0, $0xb8;
	[tilespmem:$0xC680] =	vst v63  }
0x4de: {  	v47 =	vperm.xlane v18, v12;
	v19 =	vadd.s32 v4, v46;
	s15 =	simm.s32 $0x6F00  }
0x4df: {  	[tilespmem:s15], [sflag:$0x1] =	stream.indirect_vreg.gather [hbm4b:s16+s3], $0x80, v43, vm0, $0xb8;
	[tilespmem:$0xC680] =	vst v63  }
0x4e0: {  	v49 =	vperm.xlane v18, v13;
	v48 =	vadd.s32 v4, v47;
	s15 =	simm.s32 $0x6F80  }
0x4e1: {  	[tilespmem:s15], [sflag:$0x1] =	stream.indirect_vreg.gather [hbm4b:s16+s3], $0x80, v45, vm0, $0xb8;
	[tilespmem:$0xC680] =	vst v63  }
0x4e2: {  	v51 =	vperm.xlane v18, v14;
	v50 =	vadd.s32 v4, v49;
	s15 =	simm.s32 $0x7000  }
0x4e3: {  	[tilespmem:s15], [sflag:$0x1] =	stream.indirect_vreg.gather [hbm4b:s16+s3], $0x80, v19, vm0, $0xb8;
	[tilespmem:$0xC680] =	vst v63  }
0x4e4: {  	v52 =	vperm.xlane v18, v15;
	v19 =	vadd.s32 v4, v51;
	s15 =	simm.s32 $0x7080  }
0x4e5: {  	[tilespmem:s15], [sflag:$0x1] =	stream.indirect_vreg.gather [hbm4b:s16+s3], $0x80, v48, vm0, $0xb8;
	[tilespmem:$0xC680] =	vst v63  }
0x4e6: {  	v54 =	vperm.xlane v18, v16;
	v53 =	vadd.s32 v4, v52;
	s15 =	simm.s32 $0x7100  }
0x4e7: {  	[tilespmem:s15], [sflag:$0x1] =	stream.indirect_vreg.gather [hbm4b:s16+s3], $0x80, v50, vm0, $0xb8;
	[tilespmem:$0xC680] =	vst v63  }
0x4e8: {  	v18 =	vperm.xlane v18, v17;
	v55 =	vadd.s32 v4, v54;
	s15 =	simm.s32 $0x7180  }
0x4e9: {  	[tilespmem:s15], [sflag:$0x1] =	stream.indirect_vreg.gather [hbm4b:s16+s3], $0x80, v19, vm0, $0xb8;
	[tilespmem:$0xC680] =	vst v63  }
0x4ea: {  	v18 =	vadd.s32 v4, v18;
	s15 =	simm.s32 $0x7200  }
0x4eb: {  	[tilespmem:s15], [sflag:$0x1] =	stream.indirect_vreg.gather [hbm4b:s16+s3], $0x80, v53, vm0, $0xb8;
	[tilespmem:$0xC680] =	vst v63  }
0x4ec: {  	s15 =	simm.s32 $0x7280  }
0x4ed: {  	[tilespmem:s15], [sflag:$0x1] =	stream.indirect_vreg.gather [hbm4b:s16+s3], $0x80, v55, vm0, $0xb8;
	[tilespmem:$0xC680] =	vst v63  }
0x4ee: {  	s15 =	simm.s32 $0x7300  }
0x4ef: {  	[tilespmem:s15], [sflag:$0x1] =	stream.indirect_vreg.gather [hbm4b:s16+s3], $0x80, v18, vm0, $0xb8;
	[tilespmem:$0xC680] =	vst v63  }
0x4f0: {  	_ =	swait.ge [sflag:s13], $0x4000  }
0x4f1: {  	[sflag:s13] =	ssyncset.done $0x0  }
0x4f2: {  	s15 =	rddreg [dreg:$0xc];
	[sflag:s13] =	ssyncadd.s32 $0xFFFFC000  }
0x4f3: {  	[hbm4b:s15+s0] =	stream.strided.scatter [tilespmem:s4], [sflag:$0x3], $0x4000, s10, s0, $0x38;
	[tilespmem:$0xC680] =	vst v63  }
0x4f4: {  	_ =	swait.ge [sflag:s28], $0x4000  }
0x4f5: {  	[sflag:s28] =	ssyncset.done $0x0  }
0x4f6: {  	[sflag:s28] =	ssyncadd.s32 $0xFFFFC000  }
0x4f7: {  	v18 =	vld [tilespmem:$0x3300];
	_ =	sdelay $0x4  }
0x4f8: {  	v19 =	vshrl.u32 v18, $0x3  }
0x4f9: {  	v19 =	vmul.u32 $0x38, v19  }
0x4fa: {  	v18 =	vand.u32 $0x7, v18  }
0x4fb: {  	v18 =	vor.u32 v18, v19  }
0x4fc: {  	v19 =	vperm.xlane v18, v0;
	_ =	sdelay $0x1  }
0x4fd: {  	v56 =	vperm.xlane v18, v5;
	v19 =	vadd.s32 v4, v19;
	_ =	sdelay $0x1  }
0x4fe: {  	v57 =	vperm.xlane v18, v6;
	v20 =	vadd.s32 v4, v56;
	_ =	sdelay $0x1  }
0x4ff: {  	v58 =	vperm.xlane v18, v2;
	v21 =	vadd.s32 v4, v57  }
0x500: {  	[tilespmem:s4], [sflag:$0x2] =	stream.indirect_vreg.gather [hbm4b:s17+s3], $0x80, v19, vm0, $0xb8;
	[tilespmem:$0xC680] =	vst v63  }
0x501: {  	s15 =	simm.s32 $0x7400;
	v59 =	vperm.xlane v18, v7;
	v19 =	vadd.s32 v4, v58  }
0x502: {  	[tilespmem:s15], [sflag:$0x2] =	stream.indirect_vreg.gather [hbm4b:s17+s3], $0x80, v20, vm0, $0xb8;
	[tilespmem:$0xC680] =	vst v63  }
0x503: {  	v61 =	vperm.xlane v18, v8;
	v60 =	vadd.s32 v4, v59;
	s15 =	simm.s32 $0x7480  }
0x504: {  	[tilespmem:s15], [sflag:$0x2] =	stream.indirect_vreg.gather [hbm4b:s17+s3], $0x80, v21, vm0, $0xb8;
	[tilespmem:$0xC680] =	vst v63  }
0x505: {  	v63 =	vperm.xlane v18, v9;
	v62 =	vadd.s32 v4, v61;
	s15 =	simm.s32 $0x7500  }
0x506: {  	[tilespmem:s15], [sflag:$0x2] =	stream.indirect_vreg.gather [hbm4b:s17+s3], $0x80, v19, vm0, $0xb8;
	[tilespmem:$0xC680] =	vst v63  }
0x507: {  	v24 =	vperm.xlane v18, v3;
	v19 =	vadd.s32 v4, v63;
	s15 =	simm.s32 $0x7580  }
0x508: {  	[tilespmem:s15], [sflag:$0x2] =	stream.indirect_vreg.gather [hbm4b:s17+s3], $0x80, v60, vm0, $0xb8;
	[tilespmem:$0xC680] =	vst v63  }
0x509: {  	v26 =	vperm.xlane v18, v10;
	v25 =	vadd.s32 v4, v24;
	s15 =	simm.s32 $0x7600  }
0x50a: {  	[tilespmem:s15], [sflag:$0x2] =	stream.indirect_vreg.gather [hbm4b:s17+s3], $0x80, v62, vm0, $0xb8;
	[tilespmem:$0xC680] =	vst v63  }
0x50b: {  	v28 =	vperm.xlane v18, v11;
	v27 =	vadd.s32 v4, v26;
	s15 =	simm.s32 $0x7680  }
0x50c: {  	[tilespmem:s15], [sflag:$0x2] =	stream.indirect_vreg.gather [hbm4b:s17+s3], $0x80, v19, vm0, $0xb8;
	[tilespmem:$0xC680] =	vst v63  }
0x50d: {  	v29 =	vperm.xlane v18, v12;
	v19 =	vadd.s32 v4, v28;
	s15 =	simm.s32 $0x7700  }
0x50e: {  	[tilespmem:s15], [sflag:$0x2] =	stream.indirect_vreg.gather [hbm4b:s17+s3], $0x80, v25, vm0, $0xb8;
	[tilespmem:$0xC680] =	vst v63  }
0x50f: {  	v31 =	vperm.xlane v18, v13;
	v30 =	vadd.s32 v4, v29;
	s15 =	simm.s32 $0x7780  }
0x510: {  	[tilespmem:s15], [sflag:$0x2] =	stream.indirect_vreg.gather [hbm4b:s17+s3], $0x80, v27, vm0, $0xb8;
	[tilespmem:$0xC680] =	vst v63  }
0x511: {  	v33 =	vperm.xlane v18, v14;
	v32 =	vadd.s32 v4, v31;
	s15 =	simm.s32 $0x7800  }
0x512: {  	[tilespmem:s15], [sflag:$0x2] =	stream.indirect_vreg.gather [hbm4b:s17+s3], $0x80, v19, vm0, $0xb8;
	[tilespmem:$0xC680] =	vst v63  }
0x513: {  	v34 =	vperm.xlane v18, v15;
	v19 =	vadd.s32 v4, v33;
	s15 =	simm.s32 $0x7880  }
0x514: {  	[tilespmem:s15], [sflag:$0x2] =	stream.indirect_vreg.gather [hbm4b:s17+s3], $0x80, v30, vm0, $0xb8;
	[tilespmem:$0xC680] =	vst v63  }
0x515: {  	v36 =	vperm.xlane v18, v16;
	v35 =	vadd.s32 v4, v34;
	s15 =	simm.s32 $0x7900  }
0x516: {  	[tilespmem:s15], [sflag:$0x2] =	stream.indirect_vreg.gather [hbm4b:s17+s3], $0x80, v32, vm0, $0xb8;
	[tilespmem:$0xC680] =	vst v63  }
0x517: {  	v18 =	vperm.xlane v18, v17;
	v37 =	vadd.s32 v4, v36;
	s15 =	simm.s32 $0x7980  }
0x518: {  	[tilespmem:s15], [sflag:$0x2] =	stream.indirect_vreg.gather [hbm4b:s17+s3], $0x80, v19, vm0, $0xb8;
	[tilespmem:$0xC680] =	vst v63  }
0x519: {  	v18 =	vadd.s32 v4, v18;
	s15 =	simm.s32 $0x7A00  }
0x51a: {  	[tilespmem:s15], [sflag:$0x2] =	stream.indirect_vreg.gather [hbm4b:s17+s3], $0x80, v35, vm0, $0xb8;
	[tilespmem:$0xC680] =	vst v63  }
0x51b: {  	s15 =	simm.s32 $0x7A80  }
0x51c: {  	[tilespmem:s15], [sflag:$0x2] =	stream.indirect_vreg.gather [hbm4b:s17+s3], $0x80, v37, vm0, $0xb8;
	[tilespmem:$0xC680] =	vst v63  }
0x51d: {  	s15 =	simm.s32 $0x7B00  }
0x51e: {  	[tilespmem:s15], [sflag:$0x2] =	stream.indirect_vreg.gather [hbm4b:s17+s3], $0x80, v18, vm0, $0xb8;
	[tilespmem:$0xC680] =	vst v63  }
0x51f: {  	v18 =	vld [tilespmem:$0x3310];
	_ =	sdelay $0x4  }
0x520: {  	v19 =	vshrl.u32 v18, $0x3  }
0x521: {  	v19 =	vmul.u32 $0x38, v19  }
0x522: {  	v18 =	vand.u32 $0x7, v18  }
0x523: {  	v18 =	vor.u32 v18, v19  }
0x524: {  	v19 =	vperm.xlane v18, v0;
	_ =	sdelay $0x1  }
0x525: {  	v38 =	vperm.xlane v18, v5;
	v19 =	vadd.s32 v4, v19;
	_ =	sdelay $0x1  }
0x526: {  	v39 =	vperm.xlane v18, v6;
	v20 =	vadd.s32 v4, v38;
	_ =	sdelay $0x1  }
0x527: {  	s15 =	simm.s32 $0x7B80;
	v40 =	vperm.xlane v18, v2;
	v21 =	vadd.s32 v4, v39  }
0x528: {  	[tilespmem:s15], [sflag:$0x2] =	stream.indirect_vreg.gather [hbm4b:s17+s3], $0x80, v19, vm0, $0xb8;
	[tilespmem:$0xC680] =	vst v63  }
0x529: {  	v41 =	vperm.xlane v18, v7;
	v19 =	vadd.s32 v4, v40;
	s15 =	simm.s32 $0x7C00  }
0x52a: {  	[tilespmem:s15], [sflag:$0x2] =	stream.indirect_vreg.gather [hbm4b:s17+s3], $0x80, v20, vm0, $0xb8;
	[tilespmem:$0xC680] =	vst v63  }
0x52b: {  	v43 =	vperm.xlane v18, v8;
	v42 =	vadd.s32 v4, v41;
	s15 =	simm.s32 $0x7C80  }
0x52c: {  	[tilespmem:s15], [sflag:$0x2] =	stream.indirect_vreg.gather [hbm4b:s17+s3], $0x80, v21, vm0, $0xb8;
	[tilespmem:$0xC680] =	vst v63  }
0x52d: {  	v45 =	vperm.xlane v18, v9;
	v44 =	vadd.s32 v4, v43;
	s15 =	simm.s32 $0x7D00  }
0x52e: {  	[tilespmem:s15], [sflag:$0x2] =	stream.indirect_vreg.gather [hbm4b:s17+s3], $0x80, v19, vm0, $0xb8;
	[tilespmem:$0xC680] =	vst v63  }
0x52f: {  	v46 =	vperm.xlane v18, v3;
	v19 =	vadd.s32 v4, v45;
	s15 =	simm.s32 $0x7D80  }
0x530: {  	[tilespmem:s15], [sflag:$0x2] =	stream.indirect_vreg.gather [hbm4b:s17+s3], $0x80, v42, vm0, $0xb8;
	[tilespmem:$0xC680] =	vst v63  }
0x531: {  	v48 =	vperm.xlane v18, v10;
	v47 =	vadd.s32 v4, v46;
	s15 =	simm.s32 $0x7E00  }
0x532: {  	[tilespmem:s15], [sflag:$0x2] =	stream.indirect_vreg.gather [hbm4b:s17+s3], $0x80, v44, vm0, $0xb8;
	[tilespmem:$0xC680] =	vst v63  }
0x533: {  	v50 =	vperm.xlane v18, v11;
	v49 =	vadd.s32 v4, v48;
	s15 =	simm.s32 $0x7E80  }
0x534: {  	[tilespmem:s15], [sflag:$0x2] =	stream.indirect_vreg.gather [hbm4b:s17+s3], $0x80, v19, vm0, $0xb8;
	[tilespmem:$0xC680] =	vst v63  }
0x535: {  	v51 =	vperm.xlane v18, v12;
	v19 =	vadd.s32 v4, v50;
	s15 =	simm.s32 $0x7F00  }
0x536: {  	[tilespmem:s15], [sflag:$0x2] =	stream.indirect_vreg.gather [hbm4b:s17+s3], $0x80, v47, vm0, $0xb8;
	[tilespmem:$0xC680] =	vst v63  }
0x537: {  	v53 =	vperm.xlane v18, v13;
	v52 =	vadd.s32 v4, v51;
	s15 =	simm.s32 $0x7F80  }
0x538: {  	[tilespmem:s15], [sflag:$0x2] =	stream.indirect_vreg.gather [hbm4b:s17+s3], $0x80, v49, vm0, $0xb8;
	[tilespmem:$0xC680] =	vst v63  }
0x539: {  	v55 =	vperm.xlane v18, v14;
	v54 =	vadd.s32 v4, v53;
	s15 =	simm.s32 $0x8000  }
0x53a: {  	[tilespmem:s15], [sflag:$0x2] =	stream.indirect_vreg.gather [hbm4b:s17+s3], $0x80, v19, vm0, $0xb8;
	[tilespmem:$0xC680] =	vst v63  }
0x53b: {  	v56 =	vperm.xlane v18, v15;
	v19 =	vadd.s32 v4, v55;
	s15 =	simm.s32 $0x8080  }
0x53c: {  	[tilespmem:s15], [sflag:$0x2] =	stream.indirect_vreg.gather [hbm4b:s17+s3], $0x80, v52, vm0, $0xb8;
	[tilespmem:$0xC680] =	vst v63  }
0x53d: {  	v58 =	vperm.xlane v18, v16;
	v57 =	vadd.s32 v4, v56;
	s15 =	simm.s32 $0x8100  }
0x53e: {  	[tilespmem:s15], [sflag:$0x2] =	stream.indirect_vreg.gather [hbm4b:s17+s3], $0x80, v54, vm0, $0xb8;
	[tilespmem:$0xC680] =	vst v63  }
0x53f: {  	v18 =	vperm.xlane v18, v17;
	v59 =	vadd.s32 v4, v58;
	s15 =	simm.s32 $0x8180  }
0x540: {  	[tilespmem:s15], [sflag:$0x2] =	stream.indirect_vreg.gather [hbm4b:s17+s3], $0x80, v19, vm0, $0xb8;
	[tilespmem:$0xC680] =	vst v63  }
0x541: {  	v18 =	vadd.s32 v4, v18;
	s15 =	simm.s32 $0x8200  }
0x542: {  	[tilespmem:s15], [sflag:$0x2] =	stream.indirect_vreg.gather [hbm4b:s17+s3], $0x80, v57, vm0, $0xb8;
	[tilespmem:$0xC680] =	vst v63  }
0x543: {  	s15 =	simm.s32 $0x8280  }
0x544: {  	[tilespmem:s15], [sflag:$0x2] =	stream.indirect_vreg.gather [hbm4b:s17+s3], $0x80, v59, vm0, $0xb8;
	[tilespmem:$0xC680] =	vst v63  }
0x545: {  	s15 =	simm.s32 $0x8300  }
0x546: {  	[tilespmem:s15], [sflag:$0x2] =	stream.indirect_vreg.gather [hbm4b:s17+s3], $0x80, v18, vm0, $0xb8;
	[tilespmem:$0xC680] =	vst v63  }
0x547: {  	v18 =	vld [tilespmem:$0x3320];
	_ =	sdelay $0x4  }
0x548: {  	v19 =	vshrl.u32 v18, $0x3  }
0x549: {  	v19 =	vmul.u32 $0x38, v19  }
0x54a: {  	v18 =	vand.u32 $0x7, v18  }
0x54b: {  	v18 =	vor.u32 v18, v19  }
0x54c: {  	v19 =	vperm.xlane v18, v0;
	_ =	sdelay $0x1  }
0x54d: {  	v60 =	vperm.xlane v18, v5;
	v19 =	vadd.s32 v4, v19;
	_ =	sdelay $0x1  }
0x54e: {  	v61 =	vperm.xlane v18, v6;
	v20 =	vadd.s32 v4, v60;
	_ =	sdelay $0x1  }
0x54f: {  	s15 =	simm.s32 $0x8380;
	v62 =	vperm.xlane v18, v2;
	v21 =	vadd.s32 v4, v61  }
0x550: {  	[tilespmem:s15], [sflag:$0x2] =	stream.indirect_vreg.gather [hbm4b:s17+s3], $0x80, v19, vm0, $0xb8;
	[tilespmem:$0xC680] =	vst v63  }
0x551: {  	v63 =	vperm.xlane v18, v7;
	v19 =	vadd.s32 v4, v62;
	s15 =	simm.s32 $0x8400  }
0x552: {  	[tilespmem:s15], [sflag:$0x2] =	stream.indirect_vreg.gather [hbm4b:s17+s3], $0x80, v20, vm0, $0xb8;
	[tilespmem:$0xC680] =	vst v63  }
0x553: {  	v25 =	vperm.xlane v18, v8;
	v24 =	vadd.s32 v4, v63;
	s15 =	simm.s32 $0x8480  }
0x554: {  	[tilespmem:s15], [sflag:$0x2] =	stream.indirect_vreg.gather [hbm4b:s17+s3], $0x80, v21, vm0, $0xb8;
	[tilespmem:$0xC680] =	vst v63  }
0x555: {  	v27 =	vperm.xlane v18, v9;
	v26 =	vadd.s32 v4, v25;
	s15 =	simm.s32 $0x8500  }
0x556: {  	[tilespmem:s15], [sflag:$0x2] =	stream.indirect_vreg.gather [hbm4b:s17+s3], $0x80, v19, vm0, $0xb8;
	[tilespmem:$0xC680] =	vst v63  }
0x557: {  	v28 =	vperm.xlane v18, v3;
	v19 =	vadd.s32 v4, v27;
	s15 =	simm.s32 $0x8580  }
0x558: {  	[tilespmem:s15], [sflag:$0x2] =	stream.indirect_vreg.gather [hbm4b:s17+s3], $0x80, v24, vm0, $0xb8;
	[tilespmem:$0xC680] =	vst v63  }
0x559: {  	v30 =	vperm.xlane v18, v10;
	v29 =	vadd.s32 v4, v28;
	s15 =	simm.s32 $0x8600  }
0x55a: {  	[tilespmem:s15], [sflag:$0x2] =	stream.indirect_vreg.gather [hbm4b:s17+s3], $0x80, v26, vm0, $0xb8;
	[tilespmem:$0xC680] =	vst v63  }
0x55b: {  	v32 =	vperm.xlane v18, v11;
	v31 =	vadd.s32 v4, v30;
	s15 =	simm.s32 $0x8680  }
0x55c: {  	[tilespmem:s15], [sflag:$0x2] =	stream.indirect_vreg.gather [hbm4b:s17+s3], $0x80, v19, vm0, $0xb8;
	[tilespmem:$0xC680] =	vst v63  }
0x55d: {  	v33 =	vperm.xlane v18, v12;
	v19 =	vadd.s32 v4, v32;
	s15 =	simm.s32 $0x8700  }
0x55e: {  	[tilespmem:s15], [sflag:$0x2] =	stream.indirect_vreg.gather [hbm4b:s17+s3], $0x80, v29, vm0, $0xb8;
	[tilespmem:$0xC680] =	vst v63  }
0x55f: {  	v35 =	vperm.xlane v18, v13;
	v34 =	vadd.s32 v4, v33;
	s15 =	simm.s32 $0x8780  }
0x560: {  	[tilespmem:s15], [sflag:$0x2] =	stream.indirect_vreg.gather [hbm4b:s17+s3], $0x80, v31, vm0, $0xb8;
	[tilespmem:$0xC680] =	vst v63  }
0x561: {  	v37 =	vperm.xlane v18, v14;
	v36 =	vadd.s32 v4, v35;
	s15 =	simm.s32 $0x8800  }
0x562: {  	[tilespmem:s15], [sflag:$0x2] =	stream.indirect_vreg.gather [hbm4b:s17+s3], $0x80, v19, vm0, $0xb8;
	[tilespmem:$0xC680] =	vst v63  }
0x563: {  	v38 =	vperm.xlane v18, v15;
	v19 =	vadd.s32 v4, v37;
	s15 =	simm.s32 $0x8880  }
0x564: {  	[tilespmem:s15], [sflag:$0x2] =	stream.indirect_vreg.gather [hbm4b:s17+s3], $0x80, v34, vm0, $0xb8;
	[tilespmem:$0xC680] =	vst v63  }
0x565: {  	v40 =	vperm.xlane v18, v16;
	v39 =	vadd.s32 v4, v38;
	s15 =	simm.s32 $0x8900  }
0x566: {  	[tilespmem:s15], [sflag:$0x2] =	stream.indirect_vreg.gather [hbm4b:s17+s3], $0x80, v36, vm0, $0xb8;
	[tilespmem:$0xC680] =	vst v63  }
0x567: {  	v18 =	vperm.xlane v18, v17;
	v41 =	vadd.s32 v4, v40;
	s15 =	simm.s32 $0x8980  }
0x568: {  	[tilespmem:s15], [sflag:$0x2] =	stream.indirect_vreg.gather [hbm4b:s17+s3], $0x80, v19, vm0, $0xb8;
	[tilespmem:$0xC680] =	vst v63  }
0x569: {  	v18 =	vadd.s32 v4, v18;
	s15 =	simm.s32 $0x8A00  }
0x56a: {  	[tilespmem:s15], [sflag:$0x2] =	stream.indirect_vreg.gather [hbm4b:s17+s3], $0x80, v39, vm0, $0xb8;
	[tilespmem:$0xC680] =	vst v63  }
0x56b: {  	s15 =	simm.s32 $0x8A80  }
0x56c: {  	[tilespmem:s15], [sflag:$0x2] =	stream.indirect_vreg.gather [hbm4b:s17+s3], $0x80, v41, vm0, $0xb8;
	[tilespmem:$0xC680] =	vst v63  }
0x56d: {  	s15 =	simm.s32 $0x8B00  }
0x56e: {  	[tilespmem:s15], [sflag:$0x2] =	stream.indirect_vreg.gather [hbm4b:s17+s3], $0x80, v18, vm0, $0xb8;
	[tilespmem:$0xC680] =	vst v63  }
0x56f: {  	v18 =	vld [tilespmem:$0x3330];
	_ =	sdelay $0x4  }
0x570: {  	v19 =	vshrl.u32 v18, $0x3  }
0x571: {  	v19 =	vmul.u32 $0x38, v19  }
0x572: {  	v18 =	vand.u32 $0x7, v18  }
0x573: {  	v18 =	vor.u32 v18, v19  }
0x574: {  	v19 =	vperm.xlane v18, v0;
	_ =	sdelay $0x1  }
0x575: {  	v42 =	vperm.xlane v18, v5;
	v19 =	vadd.s32 v4, v19;
	_ =	sdelay $0x1  }
0x576: {  	v43 =	vperm.xlane v18, v6;
	v20 =	vadd.s32 v4, v42;
	_ =	sdelay $0x1  }
0x577: {  	s15 =	simm.s32 $0x8B80;
	v44 =	vperm.xlane v18, v2;
	v21 =	vadd.s32 v4, v43  }
0x578: {  	[tilespmem:s15], [sflag:$0x2] =	stream.indirect_vreg.gather [hbm4b:s17+s3], $0x80, v19, vm0, $0xb8;
	[tilespmem:$0xC680] =	vst v63  }
0x579: {  	v45 =	vperm.xlane v18, v7;
	v19 =	vadd.s32 v4, v44;
	s15 =	simm.s32 $0x8C00  }
0x57a: {  	[tilespmem:s15], [sflag:$0x2] =	stream.indirect_vreg.gather [hbm4b:s17+s3], $0x80, v20, vm0, $0xb8;
	[tilespmem:$0xC680] =	vst v63  }
0x57b: {  	v47 =	vperm.xlane v18, v8;
	v46 =	vadd.s32 v4, v45;
	s15 =	simm.s32 $0x8C80  }
0x57c: {  	[tilespmem:s15], [sflag:$0x2] =	stream.indirect_vreg.gather [hbm4b:s17+s3], $0x80, v21, vm0, $0xb8;
	[tilespmem:$0xC680] =	vst v63  }
0x57d: {  	v49 =	vperm.xlane v18, v9;
	v48 =	vadd.s32 v4, v47;
	s15 =	simm.s32 $0x8D00  }
0x57e: {  	[tilespmem:s15], [sflag:$0x2] =	stream.indirect_vreg.gather [hbm4b:s17+s3], $0x80, v19, vm0, $0xb8;
	[tilespmem:$0xC680] =	vst v63  }
0x57f: {  	v50 =	vperm.xlane v18, v3;
	v19 =	vadd.s32 v4, v49;
	s15 =	simm.s32 $0x8D80  }
0x580: {  	[tilespmem:s15], [sflag:$0x2] =	stream.indirect_vreg.gather [hbm4b:s17+s3], $0x80, v46, vm0, $0xb8;
	[tilespmem:$0xC680] =	vst v63  }
0x581: {  	v52 =	vperm.xlane v18, v10;
	v51 =	vadd.s32 v4, v50;
	s15 =	simm.s32 $0x8E00  }
0x582: {  	[tilespmem:s15], [sflag:$0x2] =	stream.indirect_vreg.gather [hbm4b:s17+s3], $0x80, v48, vm0, $0xb8;
	[tilespmem:$0xC680] =	vst v63  }
0x583: {  	v54 =	vperm.xlane v18, v11;
	v53 =	vadd.s32 v4, v52;
	s15 =	simm.s32 $0x8E80  }
0x584: {  	[tilespmem:s15], [sflag:$0x2] =	stream.indirect_vreg.gather [hbm4b:s17+s3], $0x80, v19, vm0, $0xb8;
	[tilespmem:$0xC680] =	vst v63  }
0x585: {  	v55 =	vperm.xlane v18, v12;
	v19 =	vadd.s32 v4, v54;
	s15 =	simm.s32 $0x8F00  }
0x586: {  	[tilespmem:s15], [sflag:$0x2] =	stream.indirect_vreg.gather [hbm4b:s17+s3], $0x80, v51, vm0, $0xb8;
	[tilespmem:$0xC680] =	vst v63  }
0x587: {  	v57 =	vperm.xlane v18, v13;
	v56 =	vadd.s32 v4, v55;
	s15 =	simm.s32 $0x8F80  }
0x588: {  	[tilespmem:s15], [sflag:$0x2] =	stream.indirect_vreg.gather [hbm4b:s17+s3], $0x80, v53, vm0, $0xb8;
	[tilespmem:$0xC680] =	vst v63  }
0x589: {  	v59 =	vperm.xlane v18, v14;
	v58 =	vadd.s32 v4, v57;
	s15 =	simm.s32 $0x9000  }
0x58a: {  	[tilespmem:s15], [sflag:$0x2] =	stream.indirect_vreg.gather [hbm4b:s17+s3], $0x80, v19, vm0, $0xb8;
	[tilespmem:$0xC680] =	vst v63  }
0x58b: {  	v60 =	vperm.xlane v18, v15;
	v19 =	vadd.s32 v4, v59;
	s15 =	simm.s32 $0x9080  }
0x58c: {  	[tilespmem:s15], [sflag:$0x2] =	stream.indirect_vreg.gather [hbm4b:s17+s3], $0x80, v56, vm0, $0xb8;
	[tilespmem:$0xC680] =	vst v63  }
0x58d: {  	v62 =	vperm.xlane v18, v16;
	v61 =	vadd.s32 v4, v60;
	s15 =	simm.s32 $0x9100  }
0x58e: {  	[tilespmem:s15], [sflag:$0x2] =	stream.indirect_vreg.gather [hbm4b:s17+s3], $0x80, v58, vm0, $0xb8;
	[tilespmem:$0xC680] =	vst v63  }
0x58f: {  	v18 =	vperm.xlane v18, v17;
	v63 =	vadd.s32 v4, v62;
	s15 =	simm.s32 $0x9180  }
0x590: {  	[tilespmem:s15], [sflag:$0x2] =	stream.indirect_vreg.gather [hbm4b:s17+s3], $0x80, v19, vm0, $0xb8;
	[tilespmem:$0xC680] =	vst v63  }
0x591: {  	v18 =	vadd.s32 v4, v18;
	s15 =	simm.s32 $0x9200  }
0x592: {  	[tilespmem:s15], [sflag:$0x2] =	stream.indirect_vreg.gather [hbm4b:s17+s3], $0x80, v61, vm0, $0xb8;
	[tilespmem:$0xC680] =	vst v63  }
0x593: {  	s15 =	simm.s32 $0x9280  }
0x594: {  	[tilespmem:s15], [sflag:$0x2] =	stream.indirect_vreg.gather [hbm4b:s17+s3], $0x80, v63, vm0, $0xb8;
	[tilespmem:$0xC680] =	vst v63  }
0x595: {  	s15 =	simm.s32 $0x9300  }
0x596: {  	[tilespmem:s15], [sflag:$0x2] =	stream.indirect_vreg.gather [hbm4b:s17+s3], $0x80, v18, vm0, $0xb8;
	[tilespmem:$0xC680] =	vst v63  }
0x597: {  	v18 =	vld [tilespmem:$0x3340];
	_ =	sdelay $0x4  }
0x598: {  	v19 =	vshrl.u32 v18, $0x3  }
0x599: {  	v19 =	vmul.u32 $0x38, v19  }
0x59a: {  	v18 =	vand.u32 $0x7, v18  }
0x59b: {  	v18 =	vor.u32 v18, v19  }
0x59c: {  	v19 =	vperm.xlane v18, v0;
	_ =	sdelay $0x1  }
0x59d: {  	v24 =	vperm.xlane v18, v5;
	v19 =	vadd.s32 v4, v19;
	_ =	sdelay $0x1  }
0x59e: {  	v25 =	vperm.xlane v18, v6;
	v20 =	vadd.s32 v4, v24;
	_ =	sdelay $0x1  }
0x59f: {  	s15 =	simm.s32 $0x9380;
	v26 =	vperm.xlane v18, v2;
	v21 =	vadd.s32 v4, v25  }
0x5a0: {  	[tilespmem:s15], [sflag:$0x2] =	stream.indirect_vreg.gather [hbm4b:s17+s3], $0x80, v19, vm0, $0xb8;
	[tilespmem:$0xC680] =	vst v63  }
0x5a1: {  	v27 =	vperm.xlane v18, v7;
	v19 =	vadd.s32 v4, v26;
	s15 =	simm.s32 $0x9400  }
0x5a2: {  	[tilespmem:s15], [sflag:$0x2] =	stream.indirect_vreg.gather [hbm4b:s17+s3], $0x80, v20, vm0, $0xb8;
	[tilespmem:$0xC680] =	vst v63  }
0x5a3: {  	v29 =	vperm.xlane v18, v8;
	v28 =	vadd.s32 v4, v27;
	s15 =	simm.s32 $0x9480  }
0x5a4: {  	[tilespmem:s15], [sflag:$0x2] =	stream.indirect_vreg.gather [hbm4b:s17+s3], $0x80, v21, vm0, $0xb8;
	[tilespmem:$0xC680] =	vst v63  }
0x5a5: {  	v31 =	vperm.xlane v18, v9;
	v30 =	vadd.s32 v4, v29;
	s15 =	simm.s32 $0x9500  }
0x5a6: {  	[tilespmem:s15], [sflag:$0x2] =	stream.indirect_vreg.gather [hbm4b:s17+s3], $0x80, v19, vm0, $0xb8;
	[tilespmem:$0xC680] =	vst v63  }
0x5a7: {  	v32 =	vperm.xlane v18, v3;
	v19 =	vadd.s32 v4, v31;
	s15 =	simm.s32 $0x9580  }
0x5a8: {  	[tilespmem:s15], [sflag:$0x2] =	stream.indirect_vreg.gather [hbm4b:s17+s3], $0x80, v28, vm0, $0xb8;
	[tilespmem:$0xC680] =	vst v63  }
0x5a9: {  	v34 =	vperm.xlane v18, v10;
	v33 =	vadd.s32 v4, v32;
	s15 =	simm.s32 $0x9600  }
0x5aa: {  	[tilespmem:s15], [sflag:$0x2] =	stream.indirect_vreg.gather [hbm4b:s17+s3], $0x80, v30, vm0, $0xb8;
	[tilespmem:$0xC680] =	vst v63  }
0x5ab: {  	v36 =	vperm.xlane v18, v11;
	v35 =	vadd.s32 v4, v34;
	s15 =	simm.s32 $0x9680  }
0x5ac: {  	[tilespmem:s15], [sflag:$0x2] =	stream.indirect_vreg.gather [hbm4b:s17+s3], $0x80, v19, vm0, $0xb8;
	[tilespmem:$0xC680] =	vst v63  }
0x5ad: {  	v37 =	vperm.xlane v18, v12;
	v19 =	vadd.s32 v4, v36;
	s15 =	simm.s32 $0x9700  }
0x5ae: {  	[tilespmem:s15], [sflag:$0x2] =	stream.indirect_vreg.gather [hbm4b:s17+s3], $0x80, v33, vm0, $0xb8;
	[tilespmem:$0xC680] =	vst v63  }
0x5af: {  	v39 =	vperm.xlane v18, v13;
	v38 =	vadd.s32 v4, v37;
	s15 =	simm.s32 $0x9780  }
0x5b0: {  	[tilespmem:s15], [sflag:$0x2] =	stream.indirect_vreg.gather [hbm4b:s17+s3], $0x80, v35, vm0, $0xb8;
	[tilespmem:$0xC680] =	vst v63  }
0x5b1: {  	v41 =	vperm.xlane v18, v14;
	v40 =	vadd.s32 v4, v39;
	s15 =	simm.s32 $0x9800  }
0x5b2: {  	[tilespmem:s15], [sflag:$0x2] =	stream.indirect_vreg.gather [hbm4b:s17+s3], $0x80, v19, vm0, $0xb8;
	[tilespmem:$0xC680] =	vst v63  }
0x5b3: {  	v42 =	vperm.xlane v18, v15;
	v19 =	vadd.s32 v4, v41;
	s15 =	simm.s32 $0x9880  }
0x5b4: {  	[tilespmem:s15], [sflag:$0x2] =	stream.indirect_vreg.gather [hbm4b:s17+s3], $0x80, v38, vm0, $0xb8;
	[tilespmem:$0xC680] =	vst v63  }
0x5b5: {  	v44 =	vperm.xlane v18, v16;
	v43 =	vadd.s32 v4, v42;
	s15 =	simm.s32 $0x9900  }
0x5b6: {  	[tilespmem:s15], [sflag:$0x2] =	stream.indirect_vreg.gather [hbm4b:s17+s3], $0x80, v40, vm0, $0xb8;
	[tilespmem:$0xC680] =	vst v63  }
0x5b7: {  	v18 =	vperm.xlane v18, v17;
	v45 =	vadd.s32 v4, v44;
	s15 =	simm.s32 $0x9980  }
0x5b8: {  	[tilespmem:s15], [sflag:$0x2] =	stream.indirect_vreg.gather [hbm4b:s17+s3], $0x80, v19, vm0, $0xb8;
	[tilespmem:$0xC680] =	vst v63  }
0x5b9: {  	v18 =	vadd.s32 v4, v18;
	s15 =	simm.s32 $0x9A00  }
0x5ba: {  	[tilespmem:s15], [sflag:$0x2] =	stream.indirect_vreg.gather [hbm4b:s17+s3], $0x80, v43, vm0, $0xb8;
	[tilespmem:$0xC680] =	vst v63  }
0x5bb: {  	s15 =	simm.s32 $0x9A80  }
0x5bc: {  	[tilespmem:s15], [sflag:$0x2] =	stream.indirect_vreg.gather [hbm4b:s17+s3], $0x80, v45, vm0, $0xb8;
	[tilespmem:$0xC680] =	vst v63  }
0x5bd: {  	s15 =	simm.s32 $0x9B00  }
0x5be: {  	[tilespmem:s15], [sflag:$0x2] =	stream.indirect_vreg.gather [hbm4b:s17+s3], $0x80, v18, vm0, $0xb8;
	[tilespmem:$0xC680] =	vst v63  }
0x5bf: {  	v18 =	vld [tilespmem:$0x3350];
	_ =	sdelay $0x4  }
0x5c0: {  	v19 =	vshrl.u32 v18, $0x3  }
0x5c1: {  	v19 =	vmul.u32 $0x38, v19  }
0x5c2: {  	v18 =	vand.u32 $0x7, v18  }
0x5c3: {  	v18 =	vor.u32 v18, v19  }
0x5c4: {  	v19 =	vperm.xlane v18, v0;
	_ =	sdelay $0x1  }
0x5c5: {  	v46 =	vperm.xlane v18, v5;
	v19 =	vadd.s32 v4, v19;
	_ =	sdelay $0x1  }
0x5c6: {  	v47 =	vperm.xlane v18, v6;
	v20 =	vadd.s32 v4, v46;
	_ =	sdelay $0x1  }
0x5c7: {  	s15 =	simm.s32 $0x9B80;
	v48 =	vperm.xlane v18, v2;
	v21 =	vadd.s32 v4, v47  }
0x5c8: {  	[tilespmem:s15], [sflag:$0x2] =	stream.indirect_vreg.gather [hbm4b:s17+s3], $0x80, v19, vm0, $0xb8;
	[tilespmem:$0xC680] =	vst v63  }
0x5c9: {  	v49 =	vperm.xlane v18, v7;
	v19 =	vadd.s32 v4, v48;
	s15 =	simm.s32 $0x9C00  }
0x5ca: {  	[tilespmem:s15], [sflag:$0x2] =	stream.indirect_vreg.gather [hbm4b:s17+s3], $0x80, v20, vm0, $0xb8;
	[tilespmem:$0xC680] =	vst v63  }
0x5cb: {  	v51 =	vperm.xlane v18, v8;
	v50 =	vadd.s32 v4, v49;
	s15 =	simm.s32 $0x9C80  }
0x5cc: {  	[tilespmem:s15], [sflag:$0x2] =	stream.indirect_vreg.gather [hbm4b:s17+s3], $0x80, v21, vm0, $0xb8;
	[tilespmem:$0xC680] =	vst v63  }
0x5cd: {  	v53 =	vperm.xlane v18, v9;
	v52 =	vadd.s32 v4, v51;
	s15 =	simm.s32 $0x9D00  }
0x5ce: {  	[tilespmem:s15], [sflag:$0x2] =	stream.indirect_vreg.gather [hbm4b:s17+s3], $0x80, v19, vm0, $0xb8;
	[tilespmem:$0xC680] =	vst v63  }
0x5cf: {  	v54 =	vperm.xlane v18, v3;
	v19 =	vadd.s32 v4, v53;
	s15 =	simm.s32 $0x9D80  }
0x5d0: {  	[tilespmem:s15], [sflag:$0x2] =	stream.indirect_vreg.gather [hbm4b:s17+s3], $0x80, v50, vm0, $0xb8;
	[tilespmem:$0xC680] =	vst v63  }
0x5d1: {  	v56 =	vperm.xlane v18, v10;
	v55 =	vadd.s32 v4, v54;
	s15 =	simm.s32 $0x9E00  }
0x5d2: {  	[tilespmem:s15], [sflag:$0x2] =	stream.indirect_vreg.gather [hbm4b:s17+s3], $0x80, v52, vm0, $0xb8;
	[tilespmem:$0xC680] =	vst v63  }
0x5d3: {  	v58 =	vperm.xlane v18, v11;
	v57 =	vadd.s32 v4, v56;
	s15 =	simm.s32 $0x9E80  }
0x5d4: {  	[tilespmem:s15], [sflag:$0x2] =	stream.indirect_vreg.gather [hbm4b:s17+s3], $0x80, v19, vm0, $0xb8;
	[tilespmem:$0xC680] =	vst v63  }
0x5d5: {  	v59 =	vperm.xlane v18, v12;
	v19 =	vadd.s32 v4, v58;
	s15 =	simm.s32 $0x9F00  }
0x5d6: {  	[tilespmem:s15], [sflag:$0x2] =	stream.indirect_vreg.gather [hbm4b:s17+s3], $0x80, v55, vm0, $0xb8;
	[tilespmem:$0xC680] =	vst v63  }
0x5d7: {  	v61 =	vperm.xlane v18, v13;
	v60 =	vadd.s32 v4, v59;
	s15 =	simm.s32 $0x9F80  }
0x5d8: {  	[tilespmem:s15], [sflag:$0x2] =	stream.indirect_vreg.gather [hbm4b:s17+s3], $0x80, v57, vm0, $0xb8;
	[tilespmem:$0xC680] =	vst v63  }
0x5d9: {  	v63 =	vperm.xlane v18, v14;
	v62 =	vadd.s32 v4, v61;
	s15 =	simm.s32 $0xA000  }
0x5da: {  	[tilespmem:s15], [sflag:$0x2] =	stream.indirect_vreg.gather [hbm4b:s17+s3], $0x80, v19, vm0, $0xb8;
	[tilespmem:$0xC680] =	vst v63  }
0x5db: {  	v24 =	vperm.xlane v18, v15;
	v19 =	vadd.s32 v4, v63;
	s15 =	simm.s32 $0xA080  }
0x5dc: {  	[tilespmem:s15], [sflag:$0x2] =	stream.indirect_vreg.gather [hbm4b:s17+s3], $0x80, v60, vm0, $0xb8;
	[tilespmem:$0xC680] =	vst v63  }
0x5dd: {  	v26 =	vperm.xlane v18, v16;
	v25 =	vadd.s32 v4, v24;
	s15 =	simm.s32 $0xA100  }
0x5de: {  	[tilespmem:s15], [sflag:$0x2] =	stream.indirect_vreg.gather [hbm4b:s17+s3], $0x80, v62, vm0, $0xb8;
	[tilespmem:$0xC680] =	vst v63  }
0x5df: {  	v18 =	vperm.xlane v18, v17;
	v27 =	vadd.s32 v4, v26;
	s15 =	simm.s32 $0xA180  }
0x5e0: {  	[tilespmem:s15], [sflag:$0x2] =	stream.indirect_vreg.gather [hbm4b:s17+s3], $0x80, v19, vm0, $0xb8;
	[tilespmem:$0xC680] =	vst v63  }
0x5e1: {  	v18 =	vadd.s32 v4, v18;
	s15 =	simm.s32 $0xA200  }
0x5e2: {  	[tilespmem:s15], [sflag:$0x2] =	stream.indirect_vreg.gather [hbm4b:s17+s3], $0x80, v25, vm0, $0xb8;
	[tilespmem:$0xC680] =	vst v63  }
0x5e3: {  	s15 =	simm.s32 $0xA280  }
0x5e4: {  	[tilespmem:s15], [sflag:$0x2] =	stream.indirect_vreg.gather [hbm4b:s17+s3], $0x80, v27, vm0, $0xb8;
	[tilespmem:$0xC680] =	vst v63  }
0x5e5: {  	s15 =	simm.s32 $0xA300  }
0x5e6: {  	[tilespmem:s15], [sflag:$0x2] =	stream.indirect_vreg.gather [hbm4b:s17+s3], $0x80, v18, vm0, $0xb8;
	[tilespmem:$0xC680] =	vst v63  }
0x5e7: {  	v18 =	vld [tilespmem:$0x3360];
	_ =	sdelay $0x4  }
0x5e8: {  	v19 =	vshrl.u32 v18, $0x3  }
0x5e9: {  	v19 =	vmul.u32 $0x38, v19  }
0x5ea: {  	v18 =	vand.u32 $0x7, v18  }
0x5eb: {  	v18 =	vor.u32 v18, v19  }
0x5ec: {  	v19 =	vperm.xlane v18, v0;
	_ =	sdelay $0x1  }
0x5ed: {  	v28 =	vperm.xlane v18, v5;
	v19 =	vadd.s32 v4, v19;
	_ =	sdelay $0x1  }
0x5ee: {  	v29 =	vperm.xlane v18, v6;
	v20 =	vadd.s32 v4, v28;
	_ =	sdelay $0x1  }
0x5ef: {  	s15 =	simm.s32 $0xA380;
	v30 =	vperm.xlane v18, v2;
	v21 =	vadd.s32 v4, v29  }
0x5f0: {  	[tilespmem:s15], [sflag:$0x2] =	stream.indirect_vreg.gather [hbm4b:s17+s3], $0x80, v19, vm0, $0xb8;
	[tilespmem:$0xC680] =	vst v63  }
0x5f1: {  	v31 =	vperm.xlane v18, v7;
	v19 =	vadd.s32 v4, v30;
	s15 =	simm.s32 $0xA400  }
0x5f2: {  	[tilespmem:s15], [sflag:$0x2] =	stream.indirect_vreg.gather [hbm4b:s17+s3], $0x80, v20, vm0, $0xb8;
	[tilespmem:$0xC680] =	vst v63  }
0x5f3: {  	v33 =	vperm.xlane v18, v8;
	v32 =	vadd.s32 v4, v31;
	s15 =	simm.s32 $0xA480  }
0x5f4: {  	[tilespmem:s15], [sflag:$0x2] =	stream.indirect_vreg.gather [hbm4b:s17+s3], $0x80, v21, vm0, $0xb8;
	[tilespmem:$0xC680] =	vst v63  }
0x5f5: {  	v35 =	vperm.xlane v18, v9;
	v34 =	vadd.s32 v4, v33;
	s15 =	simm.s32 $0xA500  }
0x5f6: {  	[tilespmem:s15], [sflag:$0x2] =	stream.indirect_vreg.gather [hbm4b:s17+s3], $0x80, v19, vm0, $0xb8;
	[tilespmem:$0xC680] =	vst v63  }
0x5f7: {  	v36 =	vperm.xlane v18, v3;
	v19 =	vadd.s32 v4, v35;
	s15 =	simm.s32 $0xA580  }
0x5f8: {  	[tilespmem:s15], [sflag:$0x2] =	stream.indirect_vreg.gather [hbm4b:s17+s3], $0x80, v32, vm0, $0xb8;
	[tilespmem:$0xC680] =	vst v63  }
0x5f9: {  	v38 =	vperm.xlane v18, v10;
	v37 =	vadd.s32 v4, v36;
	s15 =	simm.s32 $0xA600  }
0x5fa: {  	[tilespmem:s15], [sflag:$0x2] =	stream.indirect_vreg.gather [hbm4b:s17+s3], $0x80, v34, vm0, $0xb8;
	[tilespmem:$0xC680] =	vst v63  }
0x5fb: {  	v40 =	vperm.xlane v18, v11;
	v39 =	vadd.s32 v4, v38;
	s15 =	simm.s32 $0xA680  }
0x5fc: {  	[tilespmem:s15], [sflag:$0x2] =	stream.indirect_vreg.gather [hbm4b:s17+s3], $0x80, v19, vm0, $0xb8;
	[tilespmem:$0xC680] =	vst v63  }
0x5fd: {  	v41 =	vperm.xlane v18, v12;
	v19 =	vadd.s32 v4, v40;
	s15 =	simm.s32 $0xA700  }
0x5fe: {  	[tilespmem:s15], [sflag:$0x2] =	stream.indirect_vreg.gather [hbm4b:s17+s3], $0x80, v37, vm0, $0xb8;
	[tilespmem:$0xC680] =	vst v63  }
0x5ff: {  	v43 =	vperm.xlane v18, v13;
	v42 =	vadd.s32 v4, v41;
	s15 =	simm.s32 $0xA780  }
0x600: {  	[tilespmem:s15], [sflag:$0x2] =	stream.indirect_vreg.gather [hbm4b:s17+s3], $0x80, v39, vm0, $0xb8;
	[tilespmem:$0xC680] =	vst v63  }
0x601: {  	v45 =	vperm.xlane v18, v14;
	v44 =	vadd.s32 v4, v43;
	s15 =	simm.s32 $0xA800  }
0x602: {  	[tilespmem:s15], [sflag:$0x2] =	stream.indirect_vreg.gather [hbm4b:s17+s3], $0x80, v19, vm0, $0xb8;
	[tilespmem:$0xC680] =	vst v63  }
0x603: {  	v46 =	vperm.xlane v18, v15;
	v19 =	vadd.s32 v4, v45;
	s15 =	simm.s32 $0xA880  }
0x604: {  	[tilespmem:s15], [sflag:$0x2] =	stream.indirect_vreg.gather [hbm4b:s17+s3], $0x80, v42, vm0, $0xb8;
	[tilespmem:$0xC680] =	vst v63  }
0x605: {  	v48 =	vperm.xlane v18, v16;
	v47 =	vadd.s32 v4, v46;
	s15 =	simm.s32 $0xA900  }
0x606: {  	[tilespmem:s15], [sflag:$0x2] =	stream.indirect_vreg.gather [hbm4b:s17+s3], $0x80, v44, vm0, $0xb8;
	[tilespmem:$0xC680] =	vst v63  }
0x607: {  	v18 =	vperm.xlane v18, v17;
	v49 =	vadd.s32 v4, v48;
	s15 =	simm.s32 $0xA980  }
0x608: {  	[tilespmem:s15], [sflag:$0x2] =	stream.indirect_vreg.gather [hbm4b:s17+s3], $0x80, v19, vm0, $0xb8;
	[tilespmem:$0xC680] =	vst v63  }
0x609: {  	v18 =	vadd.s32 v4, v18;
	s15 =	simm.s32 $0xAA00  }
0x60a: {  	[tilespmem:s15], [sflag:$0x2] =	stream.indirect_vreg.gather [hbm4b:s17+s3], $0x80, v47, vm0, $0xb8;
	[tilespmem:$0xC680] =	vst v63  }
0x60b: {  	s15 =	simm.s32 $0xAA80  }
0x60c: {  	[tilespmem:s15], [sflag:$0x2] =	stream.indirect_vreg.gather [hbm4b:s17+s3], $0x80, v49, vm0, $0xb8;
	[tilespmem:$0xC680] =	vst v63  }
0x60d: {  	s15 =	simm.s32 $0xAB00  }
0x60e: {  	[tilespmem:s15], [sflag:$0x2] =	stream.indirect_vreg.gather [hbm4b:s17+s3], $0x80, v18, vm0, $0xb8;
	[tilespmem:$0xC680] =	vst v63  }
0x60f: {  	v18 =	vld [tilespmem:$0x3370];
	_ =	sdelay $0x4  }
0x610: {  	v19 =	vshrl.u32 v18, $0x3  }
0x611: {  	v19 =	vmul.u32 $0x38, v19  }
0x612: {  	v18 =	vand.u32 $0x7, v18  }
0x613: {  	v18 =	vor.u32 v18, v19  }
0x614: {  	v19 =	vperm.xlane v18, v0;
	_ =	sdelay $0x1  }
0x615: {  	v50 =	vperm.xlane v18, v5;
	v19 =	vadd.s32 v4, v19;
	_ =	sdelay $0x1  }
0x616: {  	v51 =	vperm.xlane v18, v6;
	v20 =	vadd.s32 v4, v50;
	_ =	sdelay $0x1  }
0x617: {  	s15 =	simm.s32 $0xAB80;
	v52 =	vperm.xlane v18, v2;
	v21 =	vadd.s32 v4, v51  }
0x618: {  	[tilespmem:s15], [sflag:$0x2] =	stream.indirect_vreg.gather [hbm4b:s17+s3], $0x80, v19, vm0, $0xb8;
	[tilespmem:$0xC680] =	vst v63  }
0x619: {  	v53 =	vperm.xlane v18, v7;
	v19 =	vadd.s32 v4, v52;
	s15 =	simm.s32 $0xAC00  }
0x61a: {  	[tilespmem:s15], [sflag:$0x2] =	stream.indirect_vreg.gather [hbm4b:s17+s3], $0x80, v20, vm0, $0xb8;
	[tilespmem:$0xC680] =	vst v63  }
0x61b: {  	v55 =	vperm.xlane v18, v8;
	v54 =	vadd.s32 v4, v53;
	s15 =	simm.s32 $0xAC80  }
0x61c: {  	[tilespmem:s15], [sflag:$0x2] =	stream.indirect_vreg.gather [hbm4b:s17+s3], $0x80, v21, vm0, $0xb8;
	[tilespmem:$0xC680] =	vst v63  }
0x61d: {  	v57 =	vperm.xlane v18, v9;
	v56 =	vadd.s32 v4, v55;
	s15 =	simm.s32 $0xAD00  }
0x61e: {  	[tilespmem:s15], [sflag:$0x2] =	stream.indirect_vreg.gather [hbm4b:s17+s3], $0x80, v19, vm0, $0xb8;
	[tilespmem:$0xC680] =	vst v63  }
0x61f: {  	v58 =	vperm.xlane v18, v3;
	v19 =	vadd.s32 v4, v57;
	s15 =	simm.s32 $0xAD80  }
0x620: {  	[tilespmem:s15], [sflag:$0x2] =	stream.indirect_vreg.gather [hbm4b:s17+s3], $0x80, v54, vm0, $0xb8;
	[tilespmem:$0xC680] =	vst v63  }
0x621: {  	v60 =	vperm.xlane v18, v10;
	v59 =	vadd.s32 v4, v58;
	s15 =	simm.s32 $0xAE00  }
0x622: {  	[tilespmem:s15], [sflag:$0x2] =	stream.indirect_vreg.gather [hbm4b:s17+s3], $0x80, v56, vm0, $0xb8;
	[tilespmem:$0xC680] =	vst v63  }
0x623: {  	v62 =	vperm.xlane v18, v11;
	v61 =	vadd.s32 v4, v60;
	s15 =	simm.s32 $0xAE80  }
0x624: {  	[tilespmem:s15], [sflag:$0x2] =	stream.indirect_vreg.gather [hbm4b:s17+s3], $0x80, v19, vm0, $0xb8;
	[tilespmem:$0xC680] =	vst v63  }
0x625: {  	v63 =	vperm.xlane v18, v12;
	v19 =	vadd.s32 v4, v62;
	s15 =	simm.s32 $0xAF00  }
0x626: {  	[tilespmem:s15], [sflag:$0x2] =	stream.indirect_vreg.gather [hbm4b:s17+s3], $0x80, v59, vm0, $0xb8;
	[tilespmem:$0xC680] =	vst v63  }
0x627: {  	v25 =	vperm.xlane v18, v13;
	v24 =	vadd.s32 v4, v63;
	s15 =	simm.s32 $0xAF80  }
0x628: {  	[tilespmem:s15], [sflag:$0x2] =	stream.indirect_vreg.gather [hbm4b:s17+s3], $0x80, v61, vm0, $0xb8;
	[tilespmem:$0xC680] =	vst v63  }
0x629: {  	v27 =	vperm.xlane v18, v14;
	v26 =	vadd.s32 v4, v25;
	s15 =	simm.s32 $0xB000  }
0x62a: {  	[tilespmem:s15], [sflag:$0x2] =	stream.indirect_vreg.gather [hbm4b:s17+s3], $0x80, v19, vm0, $0xb8;
	[tilespmem:$0xC680] =	vst v63  }
0x62b: {  	v28 =	vperm.xlane v18, v15;
	v19 =	vadd.s32 v4, v27;
	s15 =	simm.s32 $0xB080  }
0x62c: {  	[tilespmem:s15], [sflag:$0x2] =	stream.indirect_vreg.gather [hbm4b:s17+s3], $0x80, v24, vm0, $0xb8;
	[tilespmem:$0xC680] =	vst v63  }
0x62d: {  	v30 =	vperm.xlane v18, v16;
	v29 =	vadd.s32 v4, v28;
	s15 =	simm.s32 $0xB100  }
0x62e: {  	[tilespmem:s15], [sflag:$0x2] =	stream.indirect_vreg.gather [hbm4b:s17+s3], $0x80, v26, vm0, $0xb8;
	[tilespmem:$0xC680] =	vst v63  }
0x62f: {  	v18 =	vperm.xlane v18, v17;
	v31 =	vadd.s32 v4, v30;
	s15 =	simm.s32 $0xB180  }
0x630: {  	[tilespmem:s15], [sflag:$0x2] =	stream.indirect_vreg.gather [hbm4b:s17+s3], $0x80, v19, vm0, $0xb8;
	[tilespmem:$0xC680] =	vst v63  }
0x631: {  	v18 =	vadd.s32 v4, v18;
	s15 =	simm.s32 $0xB200  }
0x632: {  	[tilespmem:s15], [sflag:$0x2] =	stream.indirect_vreg.gather [hbm4b:s17+s3], $0x80, v29, vm0, $0xb8;
	[tilespmem:$0xC680] =	vst v63  }
0x633: {  	s15 =	simm.s32 $0xB280  }
0x634: {  	[tilespmem:s15], [sflag:$0x2] =	stream.indirect_vreg.gather [hbm4b:s17+s3], $0x80, v31, vm0, $0xb8;
	[tilespmem:$0xC680] =	vst v63  }
0x635: {  	s15 =	simm.s32 $0xB300  }
0x636: {  	[tilespmem:s15], [sflag:$0x2] =	stream.indirect_vreg.gather [hbm4b:s17+s3], $0x80, v18, vm0, $0xb8;
	[tilespmem:$0xC680] =	vst v63  }
0x637: {  	_ =	swait.ge [sflag:s6], $0x4000  }
0x638: {  	[sflag:s6] =	ssyncset.done $0x0  }
0x639: {  	s15 =	rddreg [dreg:$0xd];
	[sflag:s6] =	ssyncadd.s32 $0xFFFFC000  }
0x63a: {  	[hbm4b:s15+s0] =	stream.strided.scatter [tilespmem:s24], [sflag:$0x3], $0x4000, s10, s0, $0x38;
	[tilespmem:$0xC680] =	vst v63  }
0x63b: {  	_ =	swait.ge [sflag:s28], $0x4000  }
0x63c: {  	[sflag:s28] =	ssyncset.done $0x0  }
0x63d: {  	[sflag:s28] =	ssyncadd.s32 $0xFFFFC000  }
0x63e: {  	v18 =	vld [tilespmem:$0x3300];
	_ =	sdelay $0x4  }
0x63f: {  	v19 =	vshrl.u32 v18, $0x3  }
0x640: {  	v19 =	vmul.u32 $0x38, v19  }
0x641: {  	v18 =	vand.u32 $0x7, v18  }
0x642: {  	v18 =	vor.u32 v18, v19  }
0x643: {  	v19 =	vperm.xlane v18, v0;
	_ =	sdelay $0x1  }
0x644: {  	v32 =	vperm.xlane v18, v5;
	v19 =	vadd.s32 v4, v19;
	_ =	sdelay $0x1  }
0x645: {  	v33 =	vperm.xlane v18, v6;
	v20 =	vadd.s32 v4, v32;
	_ =	sdelay $0x1  }
0x646: {  	v34 =	vperm.xlane v18, v2;
	v21 =	vadd.s32 v4, v33  }
0x647: {  	[tilespmem:s24], [sflag:$0x1] =	stream.indirect_vreg.gather [hbm4b:s19+s3], $0x80, v19, vm0, $0xb8;
	[tilespmem:$0xC680] =	vst v63  }
0x648: {  	v35 =	vperm.xlane v18, v7;
	v19 =	vadd.s32 v4, v34  }
0x649: {  	[tilespmem:s20], [sflag:$0x1] =	stream.indirect_vreg.gather [hbm4b:s19+s3], $0x80, v20, vm0, $0xb8;
	[tilespmem:$0xC680] =	vst v63  }
0x64a: {  	v37 =	vperm.xlane v18, v8;
	v36 =	vadd.s32 v4, v35  }
0x64b: {  	[tilespmem:s22], [sflag:$0x1] =	stream.indirect_vreg.gather [hbm4b:s19+s3], $0x80, v21, vm0, $0xb8;
	[tilespmem:$0xC680] =	vst v63  }
0x64c: {  	v39 =	vperm.xlane v18, v9;
	v38 =	vadd.s32 v4, v37  }
0x64d: {  	[tilespmem:s23], [sflag:$0x1] =	stream.indirect_vreg.gather [hbm4b:s19+s3], $0x80, v19, vm0, $0xb8;
	[tilespmem:$0xC680] =	vst v63  }
0x64e: {  	v40 =	vperm.xlane v18, v3;
	v19 =	vadd.s32 v4, v39  }
0x64f: {  	[tilespmem:s25], [sflag:$0x1] =	stream.indirect_vreg.gather [hbm4b:s19+s3], $0x80, v36, vm0, $0xb8;
	[tilespmem:$0xC680] =	vst v63  }
0x650: {  	v42 =	vperm.xlane v18, v10;
	v41 =	vadd.s32 v4, v40;
	s23 =	simm.s32 $0x3600  }
0x651: {  	[tilespmem:s23], [sflag:$0x1] =	stream.indirect_vreg.gather [hbm4b:s19+s3], $0x80, v38, vm0, $0xb8;
	[tilespmem:$0xC680] =	vst v63  }
0x652: {  	v44 =	vperm.xlane v18, v11;
	v43 =	vadd.s32 v4, v42  }
0x653: {  	[tilespmem:s18], [sflag:$0x1] =	stream.indirect_vreg.gather [hbm4b:s19+s3], $0x80, v19, vm0, $0xb8;
	[tilespmem:$0xC680] =	vst v63  }
0x654: {  	v45 =	vperm.xlane v18, v12;
	s20 =	simm.s32 $0x3700;
	v19 =	vadd.s32 v4, v44  }
0x655: {  	[tilespmem:s20], [sflag:$0x1] =	stream.indirect_vreg.gather [hbm4b:s19+s3], $0x80, v41, vm0, $0xb8;
	[tilespmem:$0xC680] =	vst v63  }
0x656: {  	v47 =	vperm.xlane v18, v13;
	v46 =	vadd.s32 v4, v45  }
0x657: {  	[tilespmem:s26], [sflag:$0x1] =	stream.indirect_vreg.gather [hbm4b:s19+s3], $0x80, v43, vm0, $0xb8;
	[tilespmem:$0xC680] =	vst v63  }
0x658: {  	v49 =	vperm.xlane v18, v14;
	v48 =	vadd.s32 v4, v47;
	s22 =	simm.s32 $0x3800  }
0x659: {  	[tilespmem:s22], [sflag:$0x1] =	stream.indirect_vreg.gather [hbm4b:s19+s3], $0x80, v19, vm0, $0xb8;
	[tilespmem:$0xC680] =	vst v63  }
0x65a: {  	v50 =	vperm.xlane v18, v15;
	s23 =	simm.s32 $0x3880;
	v19 =	vadd.s32 v4, v49  }
0x65b: {  	[tilespmem:s23], [sflag:$0x1] =	stream.indirect_vreg.gather [hbm4b:s19+s3], $0x80, v46, vm0, $0xb8;
	[tilespmem:$0xC680] =	vst v63  }
0x65c: {  	v52 =	vperm.xlane v18, v16;
	v51 =	vadd.s32 v4, v50;
	s18 =	simm.s32 $0x3900  }
0x65d: {  	[tilespmem:s18], [sflag:$0x1] =	stream.indirect_vreg.gather [hbm4b:s19+s3], $0x80, v48, vm0, $0xb8;
	[tilespmem:$0xC680] =	vst v63  }
0x65e: {  	v18 =	vperm.xlane v18, v17;
	v53 =	vadd.s32 v4, v52;
	s20 =	simm.s32 $0x3980  }
0x65f: {  	[tilespmem:s20], [sflag:$0x1] =	stream.indirect_vreg.gather [hbm4b:s19+s3], $0x80, v19, vm0, $0xb8;
	[tilespmem:$0xC680] =	vst v63  }
0x660: {  	v18 =	vadd.s32 v4, v18;
	s22 =	simm.s32 $0x3A00  }
0x661: {  	[tilespmem:s22], [sflag:$0x1] =	stream.indirect_vreg.gather [hbm4b:s19+s3], $0x80, v51, vm0, $0xb8;
	[tilespmem:$0xC680] =	vst v63  }
0x662: {  	s23 =	simm.s32 $0x3A80  }
0x663: {  	[tilespmem:s23], [sflag:$0x1] =	stream.indirect_vreg.gather [hbm4b:s19+s3], $0x80, v53, vm0, $0xb8;
	[tilespmem:$0xC680] =	vst v63  }
0x664: {  	s18 =	simm.s32 $0x3B00  }
0x665: {  	[tilespmem:s18], [sflag:$0x1] =	stream.indirect_vreg.gather [hbm4b:s19+s3], $0x80, v18, vm0, $0xb8;
	[tilespmem:$0xC680] =	vst v63  }
0x666: {  	v18 =	vld [tilespmem:$0x3310];
	_ =	sdelay $0x4  }
0x667: {  	v19 =	vshrl.u32 v18, $0x3  }
0x668: {  	v19 =	vmul.u32 $0x38, v19  }
0x669: {  	v18 =	vand.u32 $0x7, v18  }
0x66a: {  	v18 =	vor.u32 v18, v19  }
0x66b: {  	v19 =	vperm.xlane v18, v0;
	_ =	sdelay $0x1  }
0x66c: {  	v54 =	vperm.xlane v18, v5;
	v19 =	vadd.s32 v4, v19;
	_ =	sdelay $0x1  }
0x66d: {  	v55 =	vperm.xlane v18, v6;
	v20 =	vadd.s32 v4, v54;
	_ =	sdelay $0x1  }
0x66e: {  	s20 =	simm.s32 $0x3B80;
	v56 =	vperm.xlane v18, v2;
	v21 =	vadd.s32 v4, v55  }
0x66f: {  	[tilespmem:s20], [sflag:$0x1] =	stream.indirect_vreg.gather [hbm4b:s19+s3], $0x80, v19, vm0, $0xb8;
	[tilespmem:$0xC680] =	vst v63  }
0x670: {  	s22 =	simm.s32 $0x3C00;
	v57 =	vperm.xlane v18, v7;
	v19 =	vadd.s32 v4, v56  }
0x671: {  	[tilespmem:s22], [sflag:$0x1] =	stream.indirect_vreg.gather [hbm4b:s19+s3], $0x80, v20, vm0, $0xb8;
	[tilespmem:$0xC680] =	vst v63  }
0x672: {  	s23 =	simm.s32 $0x3C80;
	v59 =	vperm.xlane v18, v8;
	v58 =	vadd.s32 v4, v57  }
0x673: {  	[tilespmem:s23], [sflag:$0x1] =	stream.indirect_vreg.gather [hbm4b:s19+s3], $0x80, v21, vm0, $0xb8;
	[tilespmem:$0xC680] =	vst v63  }
0x674: {  	s18 =	simm.s32 $0x3D00;
	v61 =	vperm.xlane v18, v9;
	v60 =	vadd.s32 v4, v59  }
0x675: {  	[tilespmem:s18], [sflag:$0x1] =	stream.indirect_vreg.gather [hbm4b:s19+s3], $0x80, v19, vm0, $0xb8;
	[tilespmem:$0xC680] =	vst v63  }
0x676: {  	v62 =	vperm.xlane v18, v3;
	s20 =	simm.s32 $0x3D80;
	v19 =	vadd.s32 v4, v61  }
0x677: {  	[tilespmem:s20], [sflag:$0x1] =	stream.indirect_vreg.gather [hbm4b:s19+s3], $0x80, v58, vm0, $0xb8;
	[tilespmem:$0xC680] =	vst v63  }
0x678: {  	v24 =	vperm.xlane v18, v10;
	v63 =	vadd.s32 v4, v62;
	s22 =	simm.s32 $0x3E00  }
0x679: {  	[tilespmem:s22], [sflag:$0x1] =	stream.indirect_vreg.gather [hbm4b:s19+s3], $0x80, v60, vm0, $0xb8;
	[tilespmem:$0xC680] =	vst v63  }
0x67a: {  	v26 =	vperm.xlane v18, v11;
	v25 =	vadd.s32 v4, v24;
	s23 =	simm.s32 $0x3E80  }
0x67b: {  	[tilespmem:s23], [sflag:$0x1] =	stream.indirect_vreg.gather [hbm4b:s19+s3], $0x80, v19, vm0, $0xb8;
	[tilespmem:$0xC680] =	vst v63  }
0x67c: {  	v27 =	vperm.xlane v18, v12;
	s18 =	simm.s32 $0x3F00;
	v19 =	vadd.s32 v4, v26  }
0x67d: {  	[tilespmem:s18], [sflag:$0x1] =	stream.indirect_vreg.gather [hbm4b:s19+s3], $0x80, v63, vm0, $0xb8;
	[tilespmem:$0xC680] =	vst v63  }
0x67e: {  	v29 =	vperm.xlane v18, v13;
	v28 =	vadd.s32 v4, v27;
	s20 =	simm.s32 $0x3F80  }
0x67f: {  	[tilespmem:s20], [sflag:$0x1] =	stream.indirect_vreg.gather [hbm4b:s19+s3], $0x80, v25, vm0, $0xb8;
	[tilespmem:$0xC680] =	vst v63  }
0x680: {  	v31 =	vperm.xlane v18, v14;
	v30 =	vadd.s32 v4, v29;
	s22 =	simm.s32 $0x4000  }
0x681: {  	[tilespmem:s22], [sflag:$0x1] =	stream.indirect_vreg.gather [hbm4b:s19+s3], $0x80, v19, vm0, $0xb8;
	[tilespmem:$0xC680] =	vst v63  }
0x682: {  	v32 =	vperm.xlane v18, v15;
	s23 =	simm.s32 $0x4080;
	v19 =	vadd.s32 v4, v31  }
0x683: {  	[tilespmem:s23], [sflag:$0x1] =	stream.indirect_vreg.gather [hbm4b:s19+s3], $0x80, v28, vm0, $0xb8;
	[tilespmem:$0xC680] =	vst v63  }
0x684: {  	v34 =	vperm.xlane v18, v16;
	v33 =	vadd.s32 v4, v32;
	s18 =	simm.s32 $0x4100  }
0x685: {  	[tilespmem:s18], [sflag:$0x1] =	stream.indirect_vreg.gather [hbm4b:s19+s3], $0x80, v30, vm0, $0xb8;
	[tilespmem:$0xC680] =	vst v63  }
0x686: {  	v18 =	vperm.xlane v18, v17;
	v35 =	vadd.s32 v4, v34;
	s20 =	simm.s32 $0x4180  }
0x687: {  	[tilespmem:s20], [sflag:$0x1] =	stream.indirect_vreg.gather [hbm4b:s19+s3], $0x80, v19, vm0, $0xb8;
	[tilespmem:$0xC680] =	vst v63  }
0x688: {  	v18 =	vadd.s32 v4, v18;
	s22 =	simm.s32 $0x4200  }
0x689: {  	[tilespmem:s22], [sflag:$0x1] =	stream.indirect_vreg.gather [hbm4b:s19+s3], $0x80, v33, vm0, $0xb8;
	[tilespmem:$0xC680] =	vst v63  }
0x68a: {  	s23 =	simm.s32 $0x4280  }
0x68b: {  	[tilespmem:s23], [sflag:$0x1] =	stream.indirect_vreg.gather [hbm4b:s19+s3], $0x80, v35, vm0, $0xb8;
	[tilespmem:$0xC680] =	vst v63  }
0x68c: {  	s18 =	simm.s32 $0x4300  }
0x68d: {  	[tilespmem:s18], [sflag:$0x1] =	stream.indirect_vreg.gather [hbm4b:s19+s3], $0x80, v18, vm0, $0xb8;
	[tilespmem:$0xC680] =	vst v63  }
0x68e: {  	v18 =	vld [tilespmem:$0x3320];
	_ =	sdelay $0x4  }
0x68f: {  	v19 =	vshrl.u32 v18, $0x3  }
0x690: {  	v19 =	vmul.u32 $0x38, v19  }
0x691: {  	v18 =	vand.u32 $0x7, v18  }
0x692: {  	v18 =	vor.u32 v18, v19  }
0x693: {  	v19 =	vperm.xlane v18, v0;
	_ =	sdelay $0x1  }
0x694: {  	v36 =	vperm.xlane v18, v5;
	v19 =	vadd.s32 v4, v19;
	_ =	sdelay $0x1  }
0x695: {  	v37 =	vperm.xlane v18, v6;
	v20 =	vadd.s32 v4, v36;
	_ =	sdelay $0x1  }
0x696: {  	s20 =	simm.s32 $0x4380;
	v38 =	vperm.xlane v18, v2;
	v21 =	vadd.s32 v4, v37  }
0x697: {  	[tilespmem:s20], [sflag:$0x1] =	stream.indirect_vreg.gather [hbm4b:s19+s3], $0x80, v19, vm0, $0xb8;
	[tilespmem:$0xC680] =	vst v63  }
0x698: {  	s22 =	simm.s32 $0x4400;
	v39 =	vperm.xlane v18, v7;
	v19 =	vadd.s32 v4, v38  }
0x699: {  	[tilespmem:s22], [sflag:$0x1] =	stream.indirect_vreg.gather [hbm4b:s19+s3], $0x80, v20, vm0, $0xb8;
	[tilespmem:$0xC680] =	vst v63  }
0x69a: {  	s23 =	simm.s32 $0x4480;
	v41 =	vperm.xlane v18, v8;
	v40 =	vadd.s32 v4, v39  }
0x69b: {  	[tilespmem:s23], [sflag:$0x1] =	stream.indirect_vreg.gather [hbm4b:s19+s3], $0x80, v21, vm0, $0xb8;
	[tilespmem:$0xC680] =	vst v63  }
0x69c: {  	s18 =	simm.s32 $0x4500;
	v43 =	vperm.xlane v18, v9;
	v42 =	vadd.s32 v4, v41  }
0x69d: {  	[tilespmem:s18], [sflag:$0x1] =	stream.indirect_vreg.gather [hbm4b:s19+s3], $0x80, v19, vm0, $0xb8;
	[tilespmem:$0xC680] =	vst v63  }
0x69e: {  	v44 =	vperm.xlane v18, v3;
	s20 =	simm.s32 $0x4580;
	v19 =	vadd.s32 v4, v43  }
0x69f: {  	[tilespmem:s20], [sflag:$0x1] =	stream.indirect_vreg.gather [hbm4b:s19+s3], $0x80, v40, vm0, $0xb8;
	[tilespmem:$0xC680] =	vst v63  }
0x6a0: {  	v46 =	vperm.xlane v18, v10;
	v45 =	vadd.s32 v4, v44;
	s22 =	simm.s32 $0x4600  }
0x6a1: {  	[tilespmem:s22], [sflag:$0x1] =	stream.indirect_vreg.gather [hbm4b:s19+s3], $0x80, v42, vm0, $0xb8;
	[tilespmem:$0xC680] =	vst v63  }
0x6a2: {  	v48 =	vperm.xlane v18, v11;
	v47 =	vadd.s32 v4, v46;
	s23 =	simm.s32 $0x4680  }
0x6a3: {  	[tilespmem:s23], [sflag:$0x1] =	stream.indirect_vreg.gather [hbm4b:s19+s3], $0x80, v19, vm0, $0xb8;
	[tilespmem:$0xC680] =	vst v63  }
0x6a4: {  	v49 =	vperm.xlane v18, v12;
	s18 =	simm.s32 $0x4700;
	v19 =	vadd.s32 v4, v48  }
0x6a5: {  	[tilespmem:s18], [sflag:$0x1] =	stream.indirect_vreg.gather [hbm4b:s19+s3], $0x80, v45, vm0, $0xb8;
	[tilespmem:$0xC680] =	vst v63  }
0x6a6: {  	v51 =	vperm.xlane v18, v13;
	v50 =	vadd.s32 v4, v49;
	s20 =	simm.s32 $0x4780  }
0x6a7: {  	[tilespmem:s20], [sflag:$0x1] =	stream.indirect_vreg.gather [hbm4b:s19+s3], $0x80, v47, vm0, $0xb8;
	[tilespmem:$0xC680] =	vst v63  }
0x6a8: {  	v53 =	vperm.xlane v18, v14;
	v52 =	vadd.s32 v4, v51;
	s22 =	simm.s32 $0x4800  }
0x6a9: {  	[tilespmem:s22], [sflag:$0x1] =	stream.indirect_vreg.gather [hbm4b:s19+s3], $0x80, v19, vm0, $0xb8;
	[tilespmem:$0xC680] =	vst v63  }
0x6aa: {  	v54 =	vperm.xlane v18, v15;
	s23 =	simm.s32 $0x4880;
	v19 =	vadd.s32 v4, v53  }
0x6ab: {  	[tilespmem:s23], [sflag:$0x1] =	stream.indirect_vreg.gather [hbm4b:s19+s3], $0x80, v50, vm0, $0xb8;
	[tilespmem:$0xC680] =	vst v63  }
0x6ac: {  	v56 =	vperm.xlane v18, v16;
	v55 =	vadd.s32 v4, v54;
	s18 =	simm.s32 $0x4900  }
0x6ad: {  	[tilespmem:s18], [sflag:$0x1] =	stream.indirect_vreg.gather [hbm4b:s19+s3], $0x80, v52, vm0, $0xb8;
	[tilespmem:$0xC680] =	vst v63  }
0x6ae: {  	v18 =	vperm.xlane v18, v17;
	v57 =	vadd.s32 v4, v56;
	s20 =	simm.s32 $0x4980  }
0x6af: {  	[tilespmem:s20], [sflag:$0x1] =	stream.indirect_vreg.gather [hbm4b:s19+s3], $0x80, v19, vm0, $0xb8;
	[tilespmem:$0xC680] =	vst v63  }
0x6b0: {  	v18 =	vadd.s32 v4, v18;
	s22 =	simm.s32 $0x4A00  }
0x6b1: {  	[tilespmem:s22], [sflag:$0x1] =	stream.indirect_vreg.gather [hbm4b:s19+s3], $0x80, v55, vm0, $0xb8;
	[tilespmem:$0xC680] =	vst v63  }
0x6b2: {  	s23 =	simm.s32 $0x4A80  }
0x6b3: {  	[tilespmem:s23], [sflag:$0x1] =	stream.indirect_vreg.gather [hbm4b:s19+s3], $0x80, v57, vm0, $0xb8;
	[tilespmem:$0xC680] =	vst v63  }
0x6b4: {  	s18 =	simm.s32 $0x4B00  }
0x6b5: {  	[tilespmem:s18], [sflag:$0x1] =	stream.indirect_vreg.gather [hbm4b:s19+s3], $0x80, v18, vm0, $0xb8;
	[tilespmem:$0xC680] =	vst v63  }
0x6b6: {  	v18 =	vld [tilespmem:$0x3330];
	_ =	sdelay $0x4  }
0x6b7: {  	v19 =	vshrl.u32 v18, $0x3  }
0x6b8: {  	v19 =	vmul.u32 $0x38, v19  }
0x6b9: {  	v18 =	vand.u32 $0x7, v18  }
0x6ba: {  	v18 =	vor.u32 v18, v19  }
0x6bb: {  	v19 =	vperm.xlane v18, v0;
	_ =	sdelay $0x1  }
0x6bc: {  	v58 =	vperm.xlane v18, v5;
	v19 =	vadd.s32 v4, v19;
	_ =	sdelay $0x1  }
0x6bd: {  	v59 =	vperm.xlane v18, v6;
	v20 =	vadd.s32 v4, v58;
	_ =	sdelay $0x1  }
0x6be: {  	s20 =	simm.s32 $0x4B80;
	v60 =	vperm.xlane v18, v2;
	v21 =	vadd.s32 v4, v59  }
0x6bf: {  	[tilespmem:s20], [sflag:$0x1] =	stream.indirect_vreg.gather [hbm4b:s19+s3], $0x80, v19, vm0, $0xb8;
	[tilespmem:$0xC680] =	vst v63  }
0x6c0: {  	s22 =	simm.s32 $0x4C00;
	v61 =	vperm.xlane v18, v7;
	v19 =	vadd.s32 v4, v60  }
0x6c1: {  	[tilespmem:s22], [sflag:$0x1] =	stream.indirect_vreg.gather [hbm4b:s19+s3], $0x80, v20, vm0, $0xb8;
	[tilespmem:$0xC680] =	vst v63  }
0x6c2: {  	s23 =	simm.s32 $0x4C80;
	v63 =	vperm.xlane v18, v8;
	v62 =	vadd.s32 v4, v61  }
0x6c3: {  	[tilespmem:s23], [sflag:$0x1] =	stream.indirect_vreg.gather [hbm4b:s19+s3], $0x80, v21, vm0, $0xb8;
	[tilespmem:$0xC680] =	vst v63  }
0x6c4: {  	s18 =	simm.s32 $0x4D00;
	v25 =	vperm.xlane v18, v9;
	v24 =	vadd.s32 v4, v63  }
0x6c5: {  	[tilespmem:s18], [sflag:$0x1] =	stream.indirect_vreg.gather [hbm4b:s19+s3], $0x80, v19, vm0, $0xb8;
	[tilespmem:$0xC680] =	vst v63  }
0x6c6: {  	v26 =	vperm.xlane v18, v3;
	s20 =	simm.s32 $0x4D80;
	v19 =	vadd.s32 v4, v25  }
0x6c7: {  	[tilespmem:s20], [sflag:$0x1] =	stream.indirect_vreg.gather [hbm4b:s19+s3], $0x80, v62, vm0, $0xb8;
	[tilespmem:$0xC680] =	vst v63  }
0x6c8: {  	v28 =	vperm.xlane v18, v10;
	v27 =	vadd.s32 v4, v26;
	s22 =	simm.s32 $0x4E00  }
0x6c9: {  	[tilespmem:s22], [sflag:$0x1] =	stream.indirect_vreg.gather [hbm4b:s19+s3], $0x80, v24, vm0, $0xb8;
	[tilespmem:$0xC680] =	vst v63  }
0x6ca: {  	v30 =	vperm.xlane v18, v11;
	v29 =	vadd.s32 v4, v28;
	s23 =	simm.s32 $0x4E80  }
0x6cb: {  	[tilespmem:s23], [sflag:$0x1] =	stream.indirect_vreg.gather [hbm4b:s19+s3], $0x80, v19, vm0, $0xb8;
	[tilespmem:$0xC680] =	vst v63  }
0x6cc: {  	v31 =	vperm.xlane v18, v12;
	s18 =	simm.s32 $0x4F00;
	v19 =	vadd.s32 v4, v30  }
0x6cd: {  	[tilespmem:s18], [sflag:$0x1] =	stream.indirect_vreg.gather [hbm4b:s19+s3], $0x80, v27, vm0, $0xb8;
	[tilespmem:$0xC680] =	vst v63  }
0x6ce: {  	v33 =	vperm.xlane v18, v13;
	v32 =	vadd.s32 v4, v31;
	s20 =	simm.s32 $0x4F80  }
0x6cf: {  	[tilespmem:s20], [sflag:$0x1] =	stream.indirect_vreg.gather [hbm4b:s19+s3], $0x80, v29, vm0, $0xb8;
	[tilespmem:$0xC680] =	vst v63  }
0x6d0: {  	v35 =	vperm.xlane v18, v14;
	v34 =	vadd.s32 v4, v33;
	s22 =	simm.s32 $0x5000  }
0x6d1: {  	[tilespmem:s22], [sflag:$0x1] =	stream.indirect_vreg.gather [hbm4b:s19+s3], $0x80, v19, vm0, $0xb8;
	[tilespmem:$0xC680] =	vst v63  }
0x6d2: {  	v36 =	vperm.xlane v18, v15;
	s23 =	simm.s32 $0x5080;
	v19 =	vadd.s32 v4, v35  }
0x6d3: {  	[tilespmem:s23], [sflag:$0x1] =	stream.indirect_vreg.gather [hbm4b:s19+s3], $0x80, v32, vm0, $0xb8;
	[tilespmem:$0xC680] =	vst v63  }
0x6d4: {  	v38 =	vperm.xlane v18, v16;
	v37 =	vadd.s32 v4, v36;
	s18 =	simm.s32 $0x5100  }
0x6d5: {  	[tilespmem:s18], [sflag:$0x1] =	stream.indirect_vreg.gather [hbm4b:s19+s3], $0x80, v34, vm0, $0xb8;
	[tilespmem:$0xC680] =	vst v63  }
0x6d6: {  	v18 =	vperm.xlane v18, v17;
	v39 =	vadd.s32 v4, v38;
	s20 =	simm.s32 $0x5180  }
0x6d7: {  	[tilespmem:s20], [sflag:$0x1] =	stream.indirect_vreg.gather [hbm4b:s19+s3], $0x80, v19, vm0, $0xb8;
	[tilespmem:$0xC680] =	vst v63  }
0x6d8: {  	v18 =	vadd.s32 v4, v18;
	s22 =	simm.s32 $0x5200  }
0x6d9: {  	[tilespmem:s22], [sflag:$0x1] =	stream.indirect_vreg.gather [hbm4b:s19+s3], $0x80, v37, vm0, $0xb8;
	[tilespmem:$0xC680] =	vst v63  }
0x6da: {  	s23 =	simm.s32 $0x5280  }
0x6db: {  	[tilespmem:s23], [sflag:$0x1] =	stream.indirect_vreg.gather [hbm4b:s19+s3], $0x80, v39, vm0, $0xb8;
	[tilespmem:$0xC680] =	vst v63  }
0x6dc: {  	s18 =	simm.s32 $0x5300  }
0x6dd: {  	[tilespmem:s18], [sflag:$0x1] =	stream.indirect_vreg.gather [hbm4b:s19+s3], $0x80, v18, vm0, $0xb8;
	[tilespmem:$0xC680] =	vst v63  }
0x6de: {  	v18 =	vld [tilespmem:$0x3340];
	_ =	sdelay $0x4  }
0x6df: {  	v19 =	vshrl.u32 v18, $0x3  }
0x6e0: {  	v19 =	vmul.u32 $0x38, v19  }
0x6e1: {  	v18 =	vand.u32 $0x7, v18  }
0x6e2: {  	v18 =	vor.u32 v18, v19  }
0x6e3: {  	v19 =	vperm.xlane v18, v0;
	_ =	sdelay $0x1  }
0x6e4: {  	v40 =	vperm.xlane v18, v5;
	v19 =	vadd.s32 v4, v19;
	_ =	sdelay $0x1  }
0x6e5: {  	v41 =	vperm.xlane v18, v6;
	v20 =	vadd.s32 v4, v40;
	_ =	sdelay $0x1  }
0x6e6: {  	s20 =	simm.s32 $0x5380;
	v42 =	vperm.xlane v18, v2;
	v21 =	vadd.s32 v4, v41  }
0x6e7: {  	[tilespmem:s20], [sflag:$0x1] =	stream.indirect_vreg.gather [hbm4b:s19+s3], $0x80, v19, vm0, $0xb8;
	[tilespmem:$0xC680] =	vst v63  }
0x6e8: {  	s22 =	simm.s32 $0x5400;
	v43 =	vperm.xlane v18, v7;
	v19 =	vadd.s32 v4, v42  }
0x6e9: {  	[tilespmem:s22], [sflag:$0x1] =	stream.indirect_vreg.gather [hbm4b:s19+s3], $0x80, v20, vm0, $0xb8;
	[tilespmem:$0xC680] =	vst v63  }
0x6ea: {  	s23 =	simm.s32 $0x5480;
	v45 =	vperm.xlane v18, v8;
	v44 =	vadd.s32 v4, v43  }
0x6eb: {  	[tilespmem:s23], [sflag:$0x1] =	stream.indirect_vreg.gather [hbm4b:s19+s3], $0x80, v21, vm0, $0xb8;
	[tilespmem:$0xC680] =	vst v63  }
0x6ec: {  	s18 =	simm.s32 $0x5500;
	v47 =	vperm.xlane v18, v9;
	v46 =	vadd.s32 v4, v45  }
0x6ed: {  	[tilespmem:s18], [sflag:$0x1] =	stream.indirect_vreg.gather [hbm4b:s19+s3], $0x80, v19, vm0, $0xb8;
	[tilespmem:$0xC680] =	vst v63  }
0x6ee: {  	v48 =	vperm.xlane v18, v3;
	s20 =	simm.s32 $0x5580;
	v19 =	vadd.s32 v4, v47  }
0x6ef: {  	[tilespmem:s20], [sflag:$0x1] =	stream.indirect_vreg.gather [hbm4b:s19+s3], $0x80, v44, vm0, $0xb8;
	[tilespmem:$0xC680] =	vst v63  }
0x6f0: {  	v50 =	vperm.xlane v18, v10;
	v49 =	vadd.s32 v4, v48;
	s22 =	simm.s32 $0x5600  }
0x6f1: {  	[tilespmem:s22], [sflag:$0x1] =	stream.indirect_vreg.gather [hbm4b:s19+s3], $0x80, v46, vm0, $0xb8;
	[tilespmem:$0xC680] =	vst v63  }
0x6f2: {  	v52 =	vperm.xlane v18, v11;
	v51 =	vadd.s32 v4, v50;
	s23 =	simm.s32 $0x5680  }
0x6f3: {  	[tilespmem:s23], [sflag:$0x1] =	stream.indirect_vreg.gather [hbm4b:s19+s3], $0x80, v19, vm0, $0xb8;
	[tilespmem:$0xC680] =	vst v63  }
0x6f4: {  	v53 =	vperm.xlane v18, v12;
	s18 =	simm.s32 $0x5700;
	v19 =	vadd.s32 v4, v52  }
0x6f5: {  	[tilespmem:s18], [sflag:$0x1] =	stream.indirect_vreg.gather [hbm4b:s19+s3], $0x80, v49, vm0, $0xb8;
	[tilespmem:$0xC680] =	vst v63  }
0x6f6: {  	v55 =	vperm.xlane v18, v13;
	v54 =	vadd.s32 v4, v53;
	s20 =	simm.s32 $0x5780  }
0x6f7: {  	[tilespmem:s20], [sflag:$0x1] =	stream.indirect_vreg.gather [hbm4b:s19+s3], $0x80, v51, vm0, $0xb8;
	[tilespmem:$0xC680] =	vst v63  }
0x6f8: {  	v57 =	vperm.xlane v18, v14;
	v56 =	vadd.s32 v4, v55;
	s22 =	simm.s32 $0x5800  }
0x6f9: {  	[tilespmem:s22], [sflag:$0x1] =	stream.indirect_vreg.gather [hbm4b:s19+s3], $0x80, v19, vm0, $0xb8;
	[tilespmem:$0xC680] =	vst v63  }
0x6fa: {  	v58 =	vperm.xlane v18, v15;
	s23 =	simm.s32 $0x5880;
	v19 =	vadd.s32 v4, v57  }
0x6fb: {  	[tilespmem:s23], [sflag:$0x1] =	stream.indirect_vreg.gather [hbm4b:s19+s3], $0x80, v54, vm0, $0xb8;
	[tilespmem:$0xC680] =	vst v63  }
0x6fc: {  	v60 =	vperm.xlane v18, v16;
	v59 =	vadd.s32 v4, v58;
	s18 =	simm.s32 $0x5900  }
0x6fd: {  	[tilespmem:s18], [sflag:$0x1] =	stream.indirect_vreg.gather [hbm4b:s19+s3], $0x80, v56, vm0, $0xb8;
	[tilespmem:$0xC680] =	vst v63  }
0x6fe: {  	v18 =	vperm.xlane v18, v17;
	v61 =	vadd.s32 v4, v60;
	s20 =	simm.s32 $0x5980  }
0x6ff: {  	[tilespmem:s20], [sflag:$0x1] =	stream.indirect_vreg.gather [hbm4b:s19+s3], $0x80, v19, vm0, $0xb8;
	[tilespmem:$0xC680] =	vst v63  }
0x700: {  	v18 =	vadd.s32 v4, v18;
	s22 =	simm.s32 $0x5A00  }
0x701: {  	[tilespmem:s22], [sflag:$0x1] =	stream.indirect_vreg.gather [hbm4b:s19+s3], $0x80, v59, vm0, $0xb8;
	[tilespmem:$0xC680] =	vst v63  }
0x702: {  	s23 =	simm.s32 $0x5A80  }
0x703: {  	[tilespmem:s23], [sflag:$0x1] =	stream.indirect_vreg.gather [hbm4b:s19+s3], $0x80, v61, vm0, $0xb8;
	[tilespmem:$0xC680] =	vst v63  }
0x704: {  	s18 =	simm.s32 $0x5B00  }
0x705: {  	[tilespmem:s18], [sflag:$0x1] =	stream.indirect_vreg.gather [hbm4b:s19+s3], $0x80, v18, vm0, $0xb8;
	[tilespmem:$0xC680] =	vst v63  }
0x706: {  	v18 =	vld [tilespmem:$0x3350];
	_ =	sdelay $0x4  }
0x707: {  	v19 =	vshrl.u32 v18, $0x3  }
0x708: {  	v19 =	vmul.u32 $0x38, v19  }
0x709: {  	v18 =	vand.u32 $0x7, v18  }
0x70a: {  	v18 =	vor.u32 v18, v19  }
0x70b: {  	v19 =	vperm.xlane v18, v0;
	_ =	sdelay $0x1  }
0x70c: {  	v62 =	vperm.xlane v18, v5;
	v19 =	vadd.s32 v4, v19;
	_ =	sdelay $0x1  }
0x70d: {  	v63 =	vperm.xlane v18, v6;
	v20 =	vadd.s32 v4, v62;
	_ =	sdelay $0x1  }
0x70e: {  	s20 =	simm.s32 $0x5B80;
	v24 =	vperm.xlane v18, v2;
	v21 =	vadd.s32 v4, v63  }
0x70f: {  	[tilespmem:s20], [sflag:$0x1] =	stream.indirect_vreg.gather [hbm4b:s19+s3], $0x80, v19, vm0, $0xb8;
	[tilespmem:$0xC680] =	vst v63  }
0x710: {  	s22 =	simm.s32 $0x5C00;
	v25 =	vperm.xlane v18, v7;
	v19 =	vadd.s32 v4, v24  }
0x711: {  	[tilespmem:s22], [sflag:$0x1] =	stream.indirect_vreg.gather [hbm4b:s19+s3], $0x80, v20, vm0, $0xb8;
	[tilespmem:$0xC680] =	vst v63  }
0x712: {  	s23 =	simm.s32 $0x5C80;
	v27 =	vperm.xlane v18, v8;
	v26 =	vadd.s32 v4, v25  }
0x713: {  	[tilespmem:s23], [sflag:$0x1] =	stream.indirect_vreg.gather [hbm4b:s19+s3], $0x80, v21, vm0, $0xb8;
	[tilespmem:$0xC680] =	vst v63  }
0x714: {  	s18 =	simm.s32 $0x5D00;
	v29 =	vperm.xlane v18, v9;
	v28 =	vadd.s32 v4, v27  }
0x715: {  	[tilespmem:s18], [sflag:$0x1] =	stream.indirect_vreg.gather [hbm4b:s19+s3], $0x80, v19, vm0, $0xb8;
	[tilespmem:$0xC680] =	vst v63  }
0x716: {  	v30 =	vperm.xlane v18, v3;
	s20 =	simm.s32 $0x5D80;
	v19 =	vadd.s32 v4, v29  }
0x717: {  	[tilespmem:s20], [sflag:$0x1] =	stream.indirect_vreg.gather [hbm4b:s19+s3], $0x80, v26, vm0, $0xb8;
	[tilespmem:$0xC680] =	vst v63  }
0x718: {  	v32 =	vperm.xlane v18, v10;
	v31 =	vadd.s32 v4, v30;
	s22 =	simm.s32 $0x5E00  }
0x719: {  	[tilespmem:s22], [sflag:$0x1] =	stream.indirect_vreg.gather [hbm4b:s19+s3], $0x80, v28, vm0, $0xb8;
	[tilespmem:$0xC680] =	vst v63  }
0x71a: {  	v34 =	vperm.xlane v18, v11;
	v33 =	vadd.s32 v4, v32;
	s23 =	simm.s32 $0x5E80  }
0x71b: {  	[tilespmem:s23], [sflag:$0x1] =	stream.indirect_vreg.gather [hbm4b:s19+s3], $0x80, v19, vm0, $0xb8;
	[tilespmem:$0xC680] =	vst v63  }
0x71c: {  	v35 =	vperm.xlane v18, v12;
	s18 =	simm.s32 $0x5F00;
	v19 =	vadd.s32 v4, v34  }
0x71d: {  	[tilespmem:s18], [sflag:$0x1] =	stream.indirect_vreg.gather [hbm4b:s19+s3], $0x80, v31, vm0, $0xb8;
	[tilespmem:$0xC680] =	vst v63  }
0x71e: {  	v37 =	vperm.xlane v18, v13;
	v36 =	vadd.s32 v4, v35;
	s20 =	simm.s32 $0x5F80  }
0x71f: {  	[tilespmem:s20], [sflag:$0x1] =	stream.indirect_vreg.gather [hbm4b:s19+s3], $0x80, v33, vm0, $0xb8;
	[tilespmem:$0xC680] =	vst v63  }
0x720: {  	v39 =	vperm.xlane v18, v14;
	v38 =	vadd.s32 v4, v37;
	s22 =	simm.s32 $0x6000  }
0x721: {  	[tilespmem:s22], [sflag:$0x1] =	stream.indirect_vreg.gather [hbm4b:s19+s3], $0x80, v19, vm0, $0xb8;
	[tilespmem:$0xC680] =	vst v63  }
0x722: {  	v40 =	vperm.xlane v18, v15;
	s23 =	simm.s32 $0x6080;
	v19 =	vadd.s32 v4, v39  }
0x723: {  	[tilespmem:s23], [sflag:$0x1] =	stream.indirect_vreg.gather [hbm4b:s19+s3], $0x80, v36, vm0, $0xb8;
	[tilespmem:$0xC680] =	vst v63  }
0x724: {  	v42 =	vperm.xlane v18, v16;
	v41 =	vadd.s32 v4, v40;
	s18 =	simm.s32 $0x6100  }
0x725: {  	[tilespmem:s18], [sflag:$0x1] =	stream.indirect_vreg.gather [hbm4b:s19+s3], $0x80, v38, vm0, $0xb8;
	[tilespmem:$0xC680] =	vst v63  }
0x726: {  	v18 =	vperm.xlane v18, v17;
	v43 =	vadd.s32 v4, v42;
	s20 =	simm.s32 $0x6180  }
0x727: {  	[tilespmem:s20], [sflag:$0x1] =	stream.indirect_vreg.gather [hbm4b:s19+s3], $0x80, v19, vm0, $0xb8;
	[tilespmem:$0xC680] =	vst v63  }
0x728: {  	v18 =	vadd.s32 v4, v18;
	s22 =	simm.s32 $0x6200  }
0x729: {  	[tilespmem:s22], [sflag:$0x1] =	stream.indirect_vreg.gather [hbm4b:s19+s3], $0x80, v41, vm0, $0xb8;
	[tilespmem:$0xC680] =	vst v63  }
0x72a: {  	s23 =	simm.s32 $0x6280  }
0x72b: {  	[tilespmem:s23], [sflag:$0x1] =	stream.indirect_vreg.gather [hbm4b:s19+s3], $0x80, v43, vm0, $0xb8;
	[tilespmem:$0xC680] =	vst v63  }
0x72c: {  	s18 =	simm.s32 $0x6300  }
0x72d: {  	[tilespmem:s18], [sflag:$0x1] =	stream.indirect_vreg.gather [hbm4b:s19+s3], $0x80, v18, vm0, $0xb8;
	[tilespmem:$0xC680] =	vst v63  }
0x72e: {  	v18 =	vld [tilespmem:$0x3360];
	_ =	sdelay $0x4  }
0x72f: {  	v19 =	vshrl.u32 v18, $0x3  }
0x730: {  	v19 =	vmul.u32 $0x38, v19  }
0x731: {  	v18 =	vand.u32 $0x7, v18  }
0x732: {  	v18 =	vor.u32 v18, v19  }
0x733: {  	v19 =	vperm.xlane v18, v0;
	_ =	sdelay $0x1  }
0x734: {  	v44 =	vperm.xlane v18, v5;
	v19 =	vadd.s32 v4, v19;
	_ =	sdelay $0x1  }
0x735: {  	v45 =	vperm.xlane v18, v6;
	v20 =	vadd.s32 v4, v44;
	_ =	sdelay $0x1  }
0x736: {  	s20 =	simm.s32 $0x6380;
	v46 =	vperm.xlane v18, v2;
	v21 =	vadd.s32 v4, v45  }
0x737: {  	[tilespmem:s20], [sflag:$0x1] =	stream.indirect_vreg.gather [hbm4b:s19+s3], $0x80, v19, vm0, $0xb8;
	[tilespmem:$0xC680] =	vst v63  }
0x738: {  	s22 =	simm.s32 $0x6400;
	v47 =	vperm.xlane v18, v7;
	v19 =	vadd.s32 v4, v46  }
0x739: {  	[tilespmem:s22], [sflag:$0x1] =	stream.indirect_vreg.gather [hbm4b:s19+s3], $0x80, v20, vm0, $0xb8;
	[tilespmem:$0xC680] =	vst v63  }
0x73a: {  	s23 =	simm.s32 $0x6480;
	v49 =	vperm.xlane v18, v8;
	v48 =	vadd.s32 v4, v47  }
0x73b: {  	[tilespmem:s23], [sflag:$0x1] =	stream.indirect_vreg.gather [hbm4b:s19+s3], $0x80, v21, vm0, $0xb8;
	[tilespmem:$0xC680] =	vst v63  }
0x73c: {  	s18 =	simm.s32 $0x6500;
	v51 =	vperm.xlane v18, v9;
	v50 =	vadd.s32 v4, v49  }
0x73d: {  	[tilespmem:s18], [sflag:$0x1] =	stream.indirect_vreg.gather [hbm4b:s19+s3], $0x80, v19, vm0, $0xb8;
	[tilespmem:$0xC680] =	vst v63  }
0x73e: {  	v52 =	vperm.xlane v18, v3;
	s20 =	simm.s32 $0x6580;
	v19 =	vadd.s32 v4, v51  }
0x73f: {  	[tilespmem:s20], [sflag:$0x1] =	stream.indirect_vreg.gather [hbm4b:s19+s3], $0x80, v48, vm0, $0xb8;
	[tilespmem:$0xC680] =	vst v63  }
0x740: {  	v54 =	vperm.xlane v18, v10;
	v53 =	vadd.s32 v4, v52;
	s22 =	simm.s32 $0x6600  }
0x741: {  	[tilespmem:s22], [sflag:$0x1] =	stream.indirect_vreg.gather [hbm4b:s19+s3], $0x80, v50, vm0, $0xb8;
	[tilespmem:$0xC680] =	vst v63  }
0x742: {  	v56 =	vperm.xlane v18, v11;
	v55 =	vadd.s32 v4, v54;
	s23 =	simm.s32 $0x6680  }
0x743: {  	[tilespmem:s23], [sflag:$0x1] =	stream.indirect_vreg.gather [hbm4b:s19+s3], $0x80, v19, vm0, $0xb8;
	[tilespmem:$0xC680] =	vst v63  }
0x744: {  	v57 =	vperm.xlane v18, v12;
	s18 =	simm.s32 $0x6700;
	v19 =	vadd.s32 v4, v56  }
0x745: {  	[tilespmem:s18], [sflag:$0x1] =	stream.indirect_vreg.gather [hbm4b:s19+s3], $0x80, v53, vm0, $0xb8;
	[tilespmem:$0xC680] =	vst v63  }
0x746: {  	v59 =	vperm.xlane v18, v13;
	v58 =	vadd.s32 v4, v57;
	s20 =	simm.s32 $0x6780  }
0x747: {  	[tilespmem:s20], [sflag:$0x1] =	stream.indirect_vreg.gather [hbm4b:s19+s3], $0x80, v55, vm0, $0xb8;
	[tilespmem:$0xC680] =	vst v63  }
0x748: {  	v61 =	vperm.xlane v18, v14;
	v60 =	vadd.s32 v4, v59;
	s22 =	simm.s32 $0x6800  }
0x749: {  	[tilespmem:s22], [sflag:$0x1] =	stream.indirect_vreg.gather [hbm4b:s19+s3], $0x80, v19, vm0, $0xb8;
	[tilespmem:$0xC680] =	vst v63  }
0x74a: {  	v62 =	vperm.xlane v18, v15;
	s23 =	simm.s32 $0x6880;
	v19 =	vadd.s32 v4, v61  }
0x74b: {  	[tilespmem:s23], [sflag:$0x1] =	stream.indirect_vreg.gather [hbm4b:s19+s3], $0x80, v58, vm0, $0xb8;
	[tilespmem:$0xC680] =	vst v63  }
0x74c: {  	v24 =	vperm.xlane v18, v16;
	v63 =	vadd.s32 v4, v62;
	s18 =	simm.s32 $0x6900  }
0x74d: {  	[tilespmem:s18], [sflag:$0x1] =	stream.indirect_vreg.gather [hbm4b:s19+s3], $0x80, v60, vm0, $0xb8;
	[tilespmem:$0xC680] =	vst v63  }
0x74e: {  	v18 =	vperm.xlane v18, v17;
	v25 =	vadd.s32 v4, v24;
	s20 =	simm.s32 $0x6980  }
0x74f: {  	[tilespmem:s20], [sflag:$0x1] =	stream.indirect_vreg.gather [hbm4b:s19+s3], $0x80, v19, vm0, $0xb8;
	[tilespmem:$0xC680] =	vst v63  }
0x750: {  	v18 =	vadd.s32 v4, v18;
	s22 =	simm.s32 $0x6A00  }
0x751: {  	[tilespmem:s22], [sflag:$0x1] =	stream.indirect_vreg.gather [hbm4b:s19+s3], $0x80, v63, vm0, $0xb8;
	[tilespmem:$0xC680] =	vst v63  }
0x752: {  	s23 =	simm.s32 $0x6A80  }
0x753: {  	[tilespmem:s23], [sflag:$0x1] =	stream.indirect_vreg.gather [hbm4b:s19+s3], $0x80, v25, vm0, $0xb8;
	[tilespmem:$0xC680] =	vst v63  }
0x754: {  	s18 =	simm.s32 $0x6B00  }
0x755: {  	[tilespmem:s18], [sflag:$0x1] =	stream.indirect_vreg.gather [hbm4b:s19+s3], $0x80, v18, vm0, $0xb8;
	[tilespmem:$0xC680] =	vst v63  }
0x756: {  	v18 =	vld [tilespmem:$0x3370];
	_ =	sdelay $0x4  }
0x757: {  	v19 =	vshrl.u32 v18, $0x3  }
0x758: {  	v19 =	vmul.u32 $0x38, v19  }
0x759: {  	v18 =	vand.u32 $0x7, v18  }
0x75a: {  	v18 =	vor.u32 v18, v19  }
0x75b: {  	v19 =	vperm.xlane v18, v0;
	_ =	sdelay $0x1  }
0x75c: {  	v26 =	vperm.xlane v18, v5;
	v19 =	vadd.s32 v4, v19;
	_ =	sdelay $0x1  }
0x75d: {  	v27 =	vperm.xlane v18, v6;
	v20 =	vadd.s32 v4, v26;
	_ =	sdelay $0x1  }
0x75e: {  	s20 =	simm.s32 $0x6B80;
	v28 =	vperm.xlane v18, v2;
	v21 =	vadd.s32 v4, v27  }
0x75f: {  	[tilespmem:s20], [sflag:$0x1] =	stream.indirect_vreg.gather [hbm4b:s19+s3], $0x80, v19, vm0, $0xb8;
	[tilespmem:$0xC680] =	vst v63  }
0x760: {  	s22 =	simm.s32 $0x6C00;
	v29 =	vperm.xlane v18, v7;
	v19 =	vadd.s32 v4, v28  }
0x761: {  	[tilespmem:s22], [sflag:$0x1] =	stream.indirect_vreg.gather [hbm4b:s19+s3], $0x80, v20, vm0, $0xb8;
	[tilespmem:$0xC680] =	vst v63  }
0x762: {  	s23 =	simm.s32 $0x6C80;
	v31 =	vperm.xlane v18, v8;
	v30 =	vadd.s32 v4, v29  }
0x763: {  	[tilespmem:s23], [sflag:$0x1] =	stream.indirect_vreg.gather [hbm4b:s19+s3], $0x80, v21, vm0, $0xb8;
	[tilespmem:$0xC680] =	vst v63  }
0x764: {  	s18 =	simm.s32 $0x6D00;
	v33 =	vperm.xlane v18, v9;
	v32 =	vadd.s32 v4, v31  }
0x765: {  	[tilespmem:s18], [sflag:$0x1] =	stream.indirect_vreg.gather [hbm4b:s19+s3], $0x80, v19, vm0, $0xb8;
	[tilespmem:$0xC680] =	vst v63  }
0x766: {  	v34 =	vperm.xlane v18, v3;
	s20 =	simm.s32 $0x6D80;
	v19 =	vadd.s32 v4, v33  }
0x767: {  	[tilespmem:s20], [sflag:$0x1] =	stream.indirect_vreg.gather [hbm4b:s19+s3], $0x80, v30, vm0, $0xb8;
	[tilespmem:$0xC680] =	vst v63  }
0x768: {  	v36 =	vperm.xlane v18, v10;
	v35 =	vadd.s32 v4, v34;
	s22 =	simm.s32 $0x6E00  }
0x769: {  	[tilespmem:s22], [sflag:$0x1] =	stream.indirect_vreg.gather [hbm4b:s19+s3], $0x80, v32, vm0, $0xb8;
	[tilespmem:$0xC680] =	vst v63  }
0x76a: {  	v38 =	vperm.xlane v18, v11;
	v37 =	vadd.s32 v4, v36;
	s23 =	simm.s32 $0x6E80  }
0x76b: {  	[tilespmem:s23], [sflag:$0x1] =	stream.indirect_vreg.gather [hbm4b:s19+s3], $0x80, v19, vm0, $0xb8;
	[tilespmem:$0xC680] =	vst v63  }
0x76c: {  	v39 =	vperm.xlane v18, v12;
	s18 =	simm.s32 $0x6F00;
	v19 =	vadd.s32 v4, v38  }
0x76d: {  	[tilespmem:s18], [sflag:$0x1] =	stream.indirect_vreg.gather [hbm4b:s19+s3], $0x80, v35, vm0, $0xb8;
	[tilespmem:$0xC680] =	vst v63  }
0x76e: {  	v41 =	vperm.xlane v18, v13;
	v40 =	vadd.s32 v4, v39;
	s20 =	simm.s32 $0x6F80  }
0x76f: {  	[tilespmem:s20], [sflag:$0x1] =	stream.indirect_vreg.gather [hbm4b:s19+s3], $0x80, v37, vm0, $0xb8;
	[tilespmem:$0xC680] =	vst v63  }
0x770: {  	v43 =	vperm.xlane v18, v14;
	v42 =	vadd.s32 v4, v41;
	s22 =	simm.s32 $0x7000  }
0x771: {  	[tilespmem:s22], [sflag:$0x1] =	stream.indirect_vreg.gather [hbm4b:s19+s3], $0x80, v19, vm0, $0xb8;
	[tilespmem:$0xC680] =	vst v63  }
0x772: {  	v44 =	vperm.xlane v18, v15;
	s23 =	simm.s32 $0x7080;
	v19 =	vadd.s32 v4, v43  }
0x773: {  	[tilespmem:s23], [sflag:$0x1] =	stream.indirect_vreg.gather [hbm4b:s19+s3], $0x80, v40, vm0, $0xb8;
	[tilespmem:$0xC680] =	vst v63  }
0x774: {  	v46 =	vperm.xlane v18, v16;
	v45 =	vadd.s32 v4, v44;
	s18 =	simm.s32 $0x7100  }
0x775: {  	[tilespmem:s18], [sflag:$0x1] =	stream.indirect_vreg.gather [hbm4b:s19+s3], $0x80, v42, vm0, $0xb8;
	[tilespmem:$0xC680] =	vst v63  }
0x776: {  	v18 =	vperm.xlane v18, v17;
	v47 =	vadd.s32 v4, v46;
	s20 =	simm.s32 $0x7180  }
0x777: {  	[tilespmem:s20], [sflag:$0x1] =	stream.indirect_vreg.gather [hbm4b:s19+s3], $0x80, v19, vm0, $0xb8;
	[tilespmem:$0xC680] =	vst v63  }
0x778: {  	v18 =	vadd.s32 v4, v18;
	s22 =	simm.s32 $0x7200  }
0x779: {  	[tilespmem:s22], [sflag:$0x1] =	stream.indirect_vreg.gather [hbm4b:s19+s3], $0x80, v45, vm0, $0xb8;
	[tilespmem:$0xC680] =	vst v63  }
0x77a: {  	s23 =	simm.s32 $0x7280  }
0x77b: {  	[tilespmem:s23], [sflag:$0x1] =	stream.indirect_vreg.gather [hbm4b:s19+s3], $0x80, v47, vm0, $0xb8;
	[tilespmem:$0xC680] =	vst v63  }
0x77c: {  	s18 =	simm.s32 $0x7300  }
0x77d: {  	[tilespmem:s18], [sflag:$0x1] =	stream.indirect_vreg.gather [hbm4b:s19+s3], $0x80, v18, vm0, $0xb8;
	[tilespmem:$0xC680] =	vst v63  }
0x77e: {  	_ =	swait.ge [sflag:s13], $0x4000  }
0x77f: {  	[sflag:s13] =	ssyncset.done $0x0  }
0x780: {  	s20 =	rddreg [dreg:$0xe];
	[sflag:s13] =	ssyncadd.s32 $0xFFFFC000  }
0x781: {  	[hbm4b:s20+s0] =	stream.strided.scatter [tilespmem:s4], [sflag:$0x3], $0x4000, s10, s0, $0x38;
	[tilespmem:$0xC680] =	vst v63  }
0x782: {  	_ =	swait.ge [sflag:s28], $0x4000  }
0x783: {  	[sflag:s28] =	ssyncset.done $0x0  }
0x784: {  	[sflag:s28] =	ssyncadd.s32 $0xFFFFC000  }
0x785: {  	v18 =	vld [tilespmem:$0x3300];
	_ =	sdelay $0x4  }
0x786: {  	v19 =	vshrl.u32 v18, $0x3  }
0x787: {  	v19 =	vmul.u32 $0x38, v19  }
0x788: {  	v18 =	vand.u32 $0x7, v18  }
0x789: {  	v18 =	vor.u32 v18, v19  }
0x78a: {  	v19 =	vperm.xlane v18, v0;
	_ =	sdelay $0x1  }
0x78b: {  	v48 =	vperm.xlane v18, v5;
	v19 =	vadd.s32 v4, v19;
	_ =	sdelay $0x1  }
0x78c: {  	v49 =	vperm.xlane v18, v6;
	v20 =	vadd.s32 v4, v48;
	_ =	sdelay $0x1  }
0x78d: {  	v50 =	vperm.xlane v18, v2;
	v21 =	vadd.s32 v4, v49  }
0x78e: {  	[tilespmem:s4], [sflag:$0x2] =	stream.indirect_vreg.gather [hbm4b:s21+s3], $0x80, v19, vm0, $0xb8;
	[tilespmem:$0xC680] =	vst v63  }
0x78f: {  	s22 =	simm.s32 $0x7400;
	v51 =	vperm.xlane v18, v7;
	v19 =	vadd.s32 v4, v50  }
0x790: {  	[tilespmem:s22], [sflag:$0x2] =	stream.indirect_vreg.gather [hbm4b:s21+s3], $0x80, v20, vm0, $0xb8;
	[tilespmem:$0xC680] =	vst v63  }
0x791: {  	s23 =	simm.s32 $0x7480;
	v53 =	vperm.xlane v18, v8;
	v52 =	vadd.s32 v4, v51  }
0x792: {  	[tilespmem:s23], [sflag:$0x2] =	stream.indirect_vreg.gather [hbm4b:s21+s3], $0x80, v21, vm0, $0xb8;
	[tilespmem:$0xC680] =	vst v63  }
0x793: {  	s18 =	simm.s32 $0x7500;
	v55 =	vperm.xlane v18, v9;
	v54 =	vadd.s32 v4, v53  }
0x794: {  	[tilespmem:s18], [sflag:$0x2] =	stream.indirect_vreg.gather [hbm4b:s21+s3], $0x80, v19, vm0, $0xb8;
	[tilespmem:$0xC680] =	vst v63  }
0x795: {  	s20 =	simm.s32 $0x7580;
	v56 =	vperm.xlane v18, v3;
	v19 =	vadd.s32 v4, v55  }
0x796: {  	[tilespmem:s20], [sflag:$0x2] =	stream.indirect_vreg.gather [hbm4b:s21+s3], $0x80, v52, vm0, $0xb8;
	[tilespmem:$0xC680] =	vst v63  }
0x797: {  	v58 =	vperm.xlane v18, v10;
	v57 =	vadd.s32 v4, v56;
	s22 =	simm.s32 $0x7600  }
0x798: {  	[tilespmem:s22], [sflag:$0x2] =	stream.indirect_vreg.gather [hbm4b:s21+s3], $0x80, v54, vm0, $0xb8;
	[tilespmem:$0xC680] =	vst v63  }
0x799: {  	v60 =	vperm.xlane v18, v11;
	v59 =	vadd.s32 v4, v58;
	s23 =	simm.s32 $0x7680  }
0x79a: {  	[tilespmem:s23], [sflag:$0x2] =	stream.indirect_vreg.gather [hbm4b:s21+s3], $0x80, v19, vm0, $0xb8;
	[tilespmem:$0xC680] =	vst v63  }
0x79b: {  	v61 =	vperm.xlane v18, v12;
	s18 =	simm.s32 $0x7700;
	v19 =	vadd.s32 v4, v60  }
0x79c: {  	[tilespmem:s18], [sflag:$0x2] =	stream.indirect_vreg.gather [hbm4b:s21+s3], $0x80, v57, vm0, $0xb8;
	[tilespmem:$0xC680] =	vst v63  }
0x79d: {  	v63 =	vperm.xlane v18, v13;
	v62 =	vadd.s32 v4, v61;
	s20 =	simm.s32 $0x7780  }
0x79e: {  	[tilespmem:s20], [sflag:$0x2] =	stream.indirect_vreg.gather [hbm4b:s21+s3], $0x80, v59, vm0, $0xb8;
	[tilespmem:$0xC680] =	vst v63  }
0x79f: {  	v25 =	vperm.xlane v18, v14;
	v24 =	vadd.s32 v4, v63;
	s22 =	simm.s32 $0x7800  }
0x7a0: {  	[tilespmem:s22], [sflag:$0x2] =	stream.indirect_vreg.gather [hbm4b:s21+s3], $0x80, v19, vm0, $0xb8;
	[tilespmem:$0xC680] =	vst v63  }
0x7a1: {  	v26 =	vperm.xlane v18, v15;
	s23 =	simm.s32 $0x7880;
	v19 =	vadd.s32 v4, v25  }
0x7a2: {  	[tilespmem:s23], [sflag:$0x2] =	stream.indirect_vreg.gather [hbm4b:s21+s3], $0x80, v62, vm0, $0xb8;
	[tilespmem:$0xC680] =	vst v63  }
0x7a3: {  	v28 =	vperm.xlane v18, v16;
	v27 =	vadd.s32 v4, v26;
	s18 =	simm.s32 $0x7900  }
0x7a4: {  	[tilespmem:s18], [sflag:$0x2] =	stream.indirect_vreg.gather [hbm4b:s21+s3], $0x80, v24, vm0, $0xb8;
	[tilespmem:$0xC680] =	vst v63  }
0x7a5: {  	v18 =	vperm.xlane v18, v17;
	v29 =	vadd.s32 v4, v28;
	s20 =	simm.s32 $0x7980  }
0x7a6: {  	[tilespmem:s20], [sflag:$0x2] =	stream.indirect_vreg.gather [hbm4b:s21+s3], $0x80, v19, vm0, $0xb8;
	[tilespmem:$0xC680] =	vst v63  }
0x7a7: {  	v18 =	vadd.s32 v4, v18;
	s22 =	simm.s32 $0x7A00  }
0x7a8: {  	[tilespmem:s22], [sflag:$0x2] =	stream.indirect_vreg.gather [hbm4b:s21+s3], $0x80, v27, vm0, $0xb8;
	[tilespmem:$0xC680] =	vst v63  }
0x7a9: {  	s23 =	simm.s32 $0x7A80  }
0x7aa: {  	[tilespmem:s23], [sflag:$0x2] =	stream.indirect_vreg.gather [hbm4b:s21+s3], $0x80, v29, vm0, $0xb8;
	[tilespmem:$0xC680] =	vst v63  }
0x7ab: {  	s18 =	simm.s32 $0x7B00  }
0x7ac: {  	[tilespmem:s18], [sflag:$0x2] =	stream.indirect_vreg.gather [hbm4b:s21+s3], $0x80, v18, vm0, $0xb8;
	[tilespmem:$0xC680] =	vst v63  }
0x7ad: {  	v18 =	vld [tilespmem:$0x3310];
	_ =	sdelay $0x4  }
0x7ae: {  	v19 =	vshrl.u32 v18, $0x3  }
0x7af: {  	v19 =	vmul.u32 $0x38, v19  }
0x7b0: {  	v18 =	vand.u32 $0x7, v18  }
0x7b1: {  	v18 =	vor.u32 v18, v19  }
0x7b2: {  	v19 =	vperm.xlane v18, v0;
	_ =	sdelay $0x1  }
0x7b3: {  	v30 =	vperm.xlane v18, v5;
	v19 =	vadd.s32 v4, v19;
	_ =	sdelay $0x1  }
0x7b4: {  	v31 =	vperm.xlane v18, v6;
	v20 =	vadd.s32 v4, v30;
	_ =	sdelay $0x1  }
0x7b5: {  	s20 =	simm.s32 $0x7B80;
	v32 =	vperm.xlane v18, v2;
	v21 =	vadd.s32 v4, v31  }
0x7b6: {  	[tilespmem:s20], [sflag:$0x2] =	stream.indirect_vreg.gather [hbm4b:s21+s3], $0x80, v19, vm0, $0xb8;
	[tilespmem:$0xC680] =	vst v63  }
0x7b7: {  	s22 =	simm.s32 $0x7C00;
	v33 =	vperm.xlane v18, v7;
	v19 =	vadd.s32 v4, v32  }
0x7b8: {  	[tilespmem:s22], [sflag:$0x2] =	stream.indirect_vreg.gather [hbm4b:s21+s3], $0x80, v20, vm0, $0xb8;
	[tilespmem:$0xC680] =	vst v63  }
0x7b9: {  	s23 =	simm.s32 $0x7C80;
	v35 =	vperm.xlane v18, v8;
	v34 =	vadd.s32 v4, v33  }
0x7ba: {  	[tilespmem:s23], [sflag:$0x2] =	stream.indirect_vreg.gather [hbm4b:s21+s3], $0x80, v21, vm0, $0xb8;
	[tilespmem:$0xC680] =	vst v63  }
0x7bb: {  	s18 =	simm.s32 $0x7D00;
	v37 =	vperm.xlane v18, v9;
	v36 =	vadd.s32 v4, v35  }
0x7bc: {  	[tilespmem:s18], [sflag:$0x2] =	stream.indirect_vreg.gather [hbm4b:s21+s3], $0x80, v19, vm0, $0xb8;
	[tilespmem:$0xC680] =	vst v63  }
0x7bd: {  	v38 =	vperm.xlane v18, v3;
	s20 =	simm.s32 $0x7D80;
	v19 =	vadd.s32 v4, v37  }
0x7be: {  	[tilespmem:s20], [sflag:$0x2] =	stream.indirect_vreg.gather [hbm4b:s21+s3], $0x80, v34, vm0, $0xb8;
	[tilespmem:$0xC680] =	vst v63  }
0x7bf: {  	v40 =	vperm.xlane v18, v10;
	v39 =	vadd.s32 v4, v38;
	s22 =	simm.s32 $0x7E00  }
0x7c0: {  	[tilespmem:s22], [sflag:$0x2] =	stream.indirect_vreg.gather [hbm4b:s21+s3], $0x80, v36, vm0, $0xb8;
	[tilespmem:$0xC680] =	vst v63  }
0x7c1: {  	v42 =	vperm.xlane v18, v11;
	v41 =	vadd.s32 v4, v40;
	s23 =	simm.s32 $0x7E80  }
0x7c2: {  	[tilespmem:s23], [sflag:$0x2] =	stream.indirect_vreg.gather [hbm4b:s21+s3], $0x80, v19, vm0, $0xb8;
	[tilespmem:$0xC680] =	vst v63  }
0x7c3: {  	v43 =	vperm.xlane v18, v12;
	s18 =	simm.s32 $0x7F00;
	v19 =	vadd.s32 v4, v42  }
0x7c4: {  	[tilespmem:s18], [sflag:$0x2] =	stream.indirect_vreg.gather [hbm4b:s21+s3], $0x80, v39, vm0, $0xb8;
	[tilespmem:$0xC680] =	vst v63  }
0x7c5: {  	v45 =	vperm.xlane v18, v13;
	v44 =	vadd.s32 v4, v43;
	s20 =	simm.s32 $0x7F80  }
0x7c6: {  	[tilespmem:s20], [sflag:$0x2] =	stream.indirect_vreg.gather [hbm4b:s21+s3], $0x80, v41, vm0, $0xb8;
	[tilespmem:$0xC680] =	vst v63  }
0x7c7: {  	v47 =	vperm.xlane v18, v14;
	v46 =	vadd.s32 v4, v45;
	s22 =	simm.s32 $0x8000  }
0x7c8: {  	[tilespmem:s22], [sflag:$0x2] =	stream.indirect_vreg.gather [hbm4b:s21+s3], $0x80, v19, vm0, $0xb8;
	[tilespmem:$0xC680] =	vst v63  }
0x7c9: {  	v48 =	vperm.xlane v18, v15;
	s23 =	simm.s32 $0x8080;
	v19 =	vadd.s32 v4, v47  }
0x7ca: {  	[tilespmem:s23], [sflag:$0x2] =	stream.indirect_vreg.gather [hbm4b:s21+s3], $0x80, v44, vm0, $0xb8;
	[tilespmem:$0xC680] =	vst v63  }
0x7cb: {  	v50 =	vperm.xlane v18, v16;
	v49 =	vadd.s32 v4, v48;
	s18 =	simm.s32 $0x8100  }
0x7cc: {  	[tilespmem:s18], [sflag:$0x2] =	stream.indirect_vreg.gather [hbm4b:s21+s3], $0x80, v46, vm0, $0xb8;
	[tilespmem:$0xC680] =	vst v63  }
0x7cd: {  	v18 =	vperm.xlane v18, v17;
	v51 =	vadd.s32 v4, v50;
	s20 =	simm.s32 $0x8180  }
0x7ce: {  	[tilespmem:s20], [sflag:$0x2] =	stream.indirect_vreg.gather [hbm4b:s21+s3], $0x80, v19, vm0, $0xb8;
	[tilespmem:$0xC680] =	vst v63  }
0x7cf: {  	v18 =	vadd.s32 v4, v18;
	s22 =	simm.s32 $0x8200  }
0x7d0: {  	[tilespmem:s22], [sflag:$0x2] =	stream.indirect_vreg.gather [hbm4b:s21+s3], $0x80, v49, vm0, $0xb8;
	[tilespmem:$0xC680] =	vst v63  }
0x7d1: {  	s23 =	simm.s32 $0x8280  }
0x7d2: {  	[tilespmem:s23], [sflag:$0x2] =	stream.indirect_vreg.gather [hbm4b:s21+s3], $0x80, v51, vm0, $0xb8;
	[tilespmem:$0xC680] =	vst v63  }
0x7d3: {  	s18 =	simm.s32 $0x8300  }
0x7d4: {  	[tilespmem:s18], [sflag:$0x2] =	stream.indirect_vreg.gather [hbm4b:s21+s3], $0x80, v18, vm0, $0xb8;
	[tilespmem:$0xC680] =	vst v63  }
0x7d5: {  	v18 =	vld [tilespmem:$0x3320];
	_ =	sdelay $0x4  }
0x7d6: {  	v19 =	vshrl.u32 v18, $0x3  }
0x7d7: {  	v19 =	vmul.u32 $0x38, v19  }
0x7d8: {  	v18 =	vand.u32 $0x7, v18  }
0x7d9: {  	v18 =	vor.u32 v18, v19  }
0x7da: {  	v19 =	vperm.xlane v18, v0;
	_ =	sdelay $0x1  }
0x7db: {  	v52 =	vperm.xlane v18, v5;
	v19 =	vadd.s32 v4, v19;
	_ =	sdelay $0x1  }
0x7dc: {  	v53 =	vperm.xlane v18, v6;
	v20 =	vadd.s32 v4, v52;
	_ =	sdelay $0x1  }
0x7dd: {  	s20 =	simm.s32 $0x8380;
	v54 =	vperm.xlane v18, v2;
	v21 =	vadd.s32 v4, v53  }
0x7de: {  	[tilespmem:s20], [sflag:$0x2] =	stream.indirect_vreg.gather [hbm4b:s21+s3], $0x80, v19, vm0, $0xb8;
	[tilespmem:$0xC680] =	vst v63  }
0x7df: {  	s22 =	simm.s32 $0x8400;
	v55 =	vperm.xlane v18, v7;
	v19 =	vadd.s32 v4, v54  }
0x7e0: {  	[tilespmem:s22], [sflag:$0x2] =	stream.indirect_vreg.gather [hbm4b:s21+s3], $0x80, v20, vm0, $0xb8;
	[tilespmem:$0xC680] =	vst v63  }
0x7e1: {  	s23 =	simm.s32 $0x8480;
	v57 =	vperm.xlane v18, v8;
	v56 =	vadd.s32 v4, v55  }
0x7e2: {  	[tilespmem:s23], [sflag:$0x2] =	stream.indirect_vreg.gather [hbm4b:s21+s3], $0x80, v21, vm0, $0xb8;
	[tilespmem:$0xC680] =	vst v63  }
0x7e3: {  	s18 =	simm.s32 $0x8500;
	v59 =	vperm.xlane v18, v9;
	v58 =	vadd.s32 v4, v57  }
0x7e4: {  	[tilespmem:s18], [sflag:$0x2] =	stream.indirect_vreg.gather [hbm4b:s21+s3], $0x80, v19, vm0, $0xb8;
	[tilespmem:$0xC680] =	vst v63  }
0x7e5: {  	v60 =	vperm.xlane v18, v3;
	s20 =	simm.s32 $0x8580;
	v19 =	vadd.s32 v4, v59  }
0x7e6: {  	[tilespmem:s20], [sflag:$0x2] =	stream.indirect_vreg.gather [hbm4b:s21+s3], $0x80, v56, vm0, $0xb8;
	[tilespmem:$0xC680] =	vst v63  }
0x7e7: {  	v62 =	vperm.xlane v18, v10;
	v61 =	vadd.s32 v4, v60;
	s22 =	simm.s32 $0x8600  }
0x7e8: {  	[tilespmem:s22], [sflag:$0x2] =	stream.indirect_vreg.gather [hbm4b:s21+s3], $0x80, v58, vm0, $0xb8;
	[tilespmem:$0xC680] =	vst v63  }
0x7e9: {  	v24 =	vperm.xlane v18, v11;
	v63 =	vadd.s32 v4, v62;
	s23 =	simm.s32 $0x8680  }
0x7ea: {  	[tilespmem:s23], [sflag:$0x2] =	stream.indirect_vreg.gather [hbm4b:s21+s3], $0x80, v19, vm0, $0xb8;
	[tilespmem:$0xC680] =	vst v63  }
0x7eb: {  	v25 =	vperm.xlane v18, v12;
	s18 =	simm.s32 $0x8700;
	v19 =	vadd.s32 v4, v24  }
0x7ec: {  	[tilespmem:s18], [sflag:$0x2] =	stream.indirect_vreg.gather [hbm4b:s21+s3], $0x80, v61, vm0, $0xb8;
	[tilespmem:$0xC680] =	vst v63  }
0x7ed: {  	v27 =	vperm.xlane v18, v13;
	v26 =	vadd.s32 v4, v25;
	s20 =	simm.s32 $0x8780  }
0x7ee: {  	[tilespmem:s20], [sflag:$0x2] =	stream.indirect_vreg.gather [hbm4b:s21+s3], $0x80, v63, vm0, $0xb8;
	[tilespmem:$0xC680] =	vst v63  }
0x7ef: {  	v29 =	vperm.xlane v18, v14;
	v28 =	vadd.s32 v4, v27;
	s22 =	simm.s32 $0x8800  }
0x7f0: {  	[tilespmem:s22], [sflag:$0x2] =	stream.indirect_vreg.gather [hbm4b:s21+s3], $0x80, v19, vm0, $0xb8;
	[tilespmem:$0xC680] =	vst v63  }
0x7f1: {  	v30 =	vperm.xlane v18, v15;
	s23 =	simm.s32 $0x8880;
	v19 =	vadd.s32 v4, v29  }
0x7f2: {  	[tilespmem:s23], [sflag:$0x2] =	stream.indirect_vreg.gather [hbm4b:s21+s3], $0x80, v26, vm0, $0xb8;
	[tilespmem:$0xC680] =	vst v63  }
0x7f3: {  	v32 =	vperm.xlane v18, v16;
	v31 =	vadd.s32 v4, v30;
	s18 =	simm.s32 $0x8900  }
0x7f4: {  	[tilespmem:s18], [sflag:$0x2] =	stream.indirect_vreg.gather [hbm4b:s21+s3], $0x80, v28, vm0, $0xb8;
	[tilespmem:$0xC680] =	vst v63  }
0x7f5: {  	v18 =	vperm.xlane v18, v17;
	v33 =	vadd.s32 v4, v32;
	s20 =	simm.s32 $0x8980  }
0x7f6: {  	[tilespmem:s20], [sflag:$0x2] =	stream.indirect_vreg.gather [hbm4b:s21+s3], $0x80, v19, vm0, $0xb8;
	[tilespmem:$0xC680] =	vst v63  }
0x7f7: {  	v18 =	vadd.s32 v4, v18;
	s22 =	simm.s32 $0x8A00  }
0x7f8: {  	[tilespmem:s22], [sflag:$0x2] =	stream.indirect_vreg.gather [hbm4b:s21+s3], $0x80, v31, vm0, $0xb8;
	[tilespmem:$0xC680] =	vst v63  }
0x7f9: {  	s23 =	simm.s32 $0x8A80  }
0x7fa: {  	[tilespmem:s23], [sflag:$0x2] =	stream.indirect_vreg.gather [hbm4b:s21+s3], $0x80, v33, vm0, $0xb8;
	[tilespmem:$0xC680] =	vst v63  }
0x7fb: {  	s18 =	simm.s32 $0x8B00  }
0x7fc: {  	[tilespmem:s18], [sflag:$0x2] =	stream.indirect_vreg.gather [hbm4b:s21+s3], $0x80, v18, vm0, $0xb8;
	[tilespmem:$0xC680] =	vst v63  }
0x7fd: {  	v18 =	vld [tilespmem:$0x3330];
	_ =	sdelay $0x4  }
0x7fe: {  	v19 =	vshrl.u32 v18, $0x3  }
0x7ff: {  	v19 =	vmul.u32 $0x38, v19  }
0x800: {  	v18 =	vand.u32 $0x7, v18  }
0x801: {  	v18 =	vor.u32 v18, v19  }
0x802: {  	v19 =	vperm.xlane v18, v0;
	_ =	sdelay $0x1  }
0x803: {  	v34 =	vperm.xlane v18, v5;
	v19 =	vadd.s32 v4, v19;
	_ =	sdelay $0x1  }
0x804: {  	v35 =	vperm.xlane v18, v6;
	v20 =	vadd.s32 v4, v34;
	_ =	sdelay $0x1  }
0x805: {  	s20 =	simm.s32 $0x8B80;
	v36 =	vperm.xlane v18, v2;
	v21 =	vadd.s32 v4, v35  }
0x806: {  	[tilespmem:s20], [sflag:$0x2] =	stream.indirect_vreg.gather [hbm4b:s21+s3], $0x80, v19, vm0, $0xb8;
	[tilespmem:$0xC680] =	vst v63  }
0x807: {  	s22 =	simm.s32 $0x8C00;
	v37 =	vperm.xlane v18, v7;
	v19 =	vadd.s32 v4, v36  }
0x808: {  	[tilespmem:s22], [sflag:$0x2] =	stream.indirect_vreg.gather [hbm4b:s21+s3], $0x80, v20, vm0, $0xb8;
	[tilespmem:$0xC680] =	vst v63  }
0x809: {  	s23 =	simm.s32 $0x8C80;
	v39 =	vperm.xlane v18, v8;
	v38 =	vadd.s32 v4, v37  }
0x80a: {  	[tilespmem:s23], [sflag:$0x2] =	stream.indirect_vreg.gather [hbm4b:s21+s3], $0x80, v21, vm0, $0xb8;
	[tilespmem:$0xC680] =	vst v63  }
0x80b: {  	s18 =	simm.s32 $0x8D00;
	v41 =	vperm.xlane v18, v9;
	v40 =	vadd.s32 v4, v39  }
0x80c: {  	[tilespmem:s18], [sflag:$0x2] =	stream.indirect_vreg.gather [hbm4b:s21+s3], $0x80, v19, vm0, $0xb8;
	[tilespmem:$0xC680] =	vst v63  }
0x80d: {  	v42 =	vperm.xlane v18, v3;
	s20 =	simm.s32 $0x8D80;
	v19 =	vadd.s32 v4, v41  }
0x80e: {  	[tilespmem:s20], [sflag:$0x2] =	stream.indirect_vreg.gather [hbm4b:s21+s3], $0x80, v38, vm0, $0xb8;
	[tilespmem:$0xC680] =	vst v63  }
0x80f: {  	v44 =	vperm.xlane v18, v10;
	v43 =	vadd.s32 v4, v42;
	s22 =	simm.s32 $0x8E00  }
0x810: {  	[tilespmem:s22], [sflag:$0x2] =	stream.indirect_vreg.gather [hbm4b:s21+s3], $0x80, v40, vm0, $0xb8;
	[tilespmem:$0xC680] =	vst v63  }
0x811: {  	v46 =	vperm.xlane v18, v11;
	v45 =	vadd.s32 v4, v44;
	s23 =	simm.s32 $0x8E80  }
0x812: {  	[tilespmem:s23], [sflag:$0x2] =	stream.indirect_vreg.gather [hbm4b:s21+s3], $0x80, v19, vm0, $0xb8;
	[tilespmem:$0xC680] =	vst v63  }
0x813: {  	v47 =	vperm.xlane v18, v12;
	s18 =	simm.s32 $0x8F00;
	v19 =	vadd.s32 v4, v46  }
0x814: {  	[tilespmem:s18], [sflag:$0x2] =	stream.indirect_vreg.gather [hbm4b:s21+s3], $0x80, v43, vm0, $0xb8;
	[tilespmem:$0xC680] =	vst v63  }
0x815: {  	v49 =	vperm.xlane v18, v13;
	v48 =	vadd.s32 v4, v47;
	s20 =	simm.s32 $0x8F80  }
0x816: {  	[tilespmem:s20], [sflag:$0x2] =	stream.indirect_vreg.gather [hbm4b:s21+s3], $0x80, v45, vm0, $0xb8;
	[tilespmem:$0xC680] =	vst v63  }
0x817: {  	v51 =	vperm.xlane v18, v14;
	v50 =	vadd.s32 v4, v49;
	s22 =	simm.s32 $0x9000  }
0x818: {  	[tilespmem:s22], [sflag:$0x2] =	stream.indirect_vreg.gather [hbm4b:s21+s3], $0x80, v19, vm0, $0xb8;
	[tilespmem:$0xC680] =	vst v63  }
0x819: {  	v52 =	vperm.xlane v18, v15;
	s23 =	simm.s32 $0x9080;
	v19 =	vadd.s32 v4, v51  }
0x81a: {  	[tilespmem:s23], [sflag:$0x2] =	stream.indirect_vreg.gather [hbm4b:s21+s3], $0x80, v48, vm0, $0xb8;
	[tilespmem:$0xC680] =	vst v63  }
0x81b: {  	v54 =	vperm.xlane v18, v16;
	v53 =	vadd.s32 v4, v52;
	s18 =	simm.s32 $0x9100  }
0x81c: {  	[tilespmem:s18], [sflag:$0x2] =	stream.indirect_vreg.gather [hbm4b:s21+s3], $0x80, v50, vm0, $0xb8;
	[tilespmem:$0xC680] =	vst v63  }
0x81d: {  	v18 =	vperm.xlane v18, v17;
	v55 =	vadd.s32 v4, v54;
	s20 =	simm.s32 $0x9180  }
0x81e: {  	[tilespmem:s20], [sflag:$0x2] =	stream.indirect_vreg.gather [hbm4b:s21+s3], $0x80, v19, vm0, $0xb8;
	[tilespmem:$0xC680] =	vst v63  }
0x81f: {  	v18 =	vadd.s32 v4, v18;
	s22 =	simm.s32 $0x9200  }
0x820: {  	[tilespmem:s22], [sflag:$0x2] =	stream.indirect_vreg.gather [hbm4b:s21+s3], $0x80, v53, vm0, $0xb8;
	[tilespmem:$0xC680] =	vst v63  }
0x821: {  	s23 =	simm.s32 $0x9280  }
0x822: {  	[tilespmem:s23], [sflag:$0x2] =	stream.indirect_vreg.gather [hbm4b:s21+s3], $0x80, v55, vm0, $0xb8;
	[tilespmem:$0xC680] =	vst v63  }
0x823: {  	s18 =	simm.s32 $0x9300  }
0x824: {  	[tilespmem:s18], [sflag:$0x2] =	stream.indirect_vreg.gather [hbm4b:s21+s3], $0x80, v18, vm0, $0xb8;
	[tilespmem:$0xC680] =	vst v63  }
0x825: {  	v18 =	vld [tilespmem:$0x3340];
	_ =	sdelay $0x4  }
0x826: {  	v19 =	vshrl.u32 v18, $0x3  }
0x827: {  	v19 =	vmul.u32 $0x38, v19  }
0x828: {  	v18 =	vand.u32 $0x7, v18  }
0x829: {  	v18 =	vor.u32 v18, v19  }
0x82a: {  	v19 =	vperm.xlane v18, v0;
	_ =	sdelay $0x1  }
0x82b: {  	v56 =	vperm.xlane v18, v5;
	v19 =	vadd.s32 v4, v19;
	_ =	sdelay $0x1  }
0x82c: {  	v57 =	vperm.xlane v18, v6;
	v20 =	vadd.s32 v4, v56;
	_ =	sdelay $0x1  }
0x82d: {  	s20 =	simm.s32 $0x9380;
	v58 =	vperm.xlane v18, v2;
	v21 =	vadd.s32 v4, v57  }
0x82e: {  	[tilespmem:s20], [sflag:$0x2] =	stream.indirect_vreg.gather [hbm4b:s21+s3], $0x80, v19, vm0, $0xb8;
	[tilespmem:$0xC680] =	vst v63  }
0x82f: {  	s22 =	simm.s32 $0x9400;
	v59 =	vperm.xlane v18, v7;
	v19 =	vadd.s32 v4, v58  }
0x830: {  	[tilespmem:s22], [sflag:$0x2] =	stream.indirect_vreg.gather [hbm4b:s21+s3], $0x80, v20, vm0, $0xb8;
	[tilespmem:$0xC680] =	vst v63  }
0x831: {  	s23 =	simm.s32 $0x9480;
	v61 =	vperm.xlane v18, v8;
	v60 =	vadd.s32 v4, v59  }
0x832: {  	[tilespmem:s23], [sflag:$0x2] =	stream.indirect_vreg.gather [hbm4b:s21+s3], $0x80, v21, vm0, $0xb8;
	[tilespmem:$0xC680] =	vst v63  }
0x833: {  	s18 =	simm.s32 $0x9500;
	v63 =	vperm.xlane v18, v9;
	v62 =	vadd.s32 v4, v61  }
0x834: {  	[tilespmem:s18], [sflag:$0x2] =	stream.indirect_vreg.gather [hbm4b:s21+s3], $0x80, v19, vm0, $0xb8;
	[tilespmem:$0xC680] =	vst v63  }
0x835: {  	v24 =	vperm.xlane v18, v3;
	s20 =	simm.s32 $0x9580;
	v19 =	vadd.s32 v4, v63  }
0x836: {  	[tilespmem:s20], [sflag:$0x2] =	stream.indirect_vreg.gather [hbm4b:s21+s3], $0x80, v60, vm0, $0xb8;
	[tilespmem:$0xC680] =	vst v63  }
0x837: {  	v26 =	vperm.xlane v18, v10;
	v25 =	vadd.s32 v4, v24;
	s22 =	simm.s32 $0x9600  }
0x838: {  	[tilespmem:s22], [sflag:$0x2] =	stream.indirect_vreg.gather [hbm4b:s21+s3], $0x80, v62, vm0, $0xb8;
	[tilespmem:$0xC680] =	vst v63  }
0x839: {  	v28 =	vperm.xlane v18, v11;
	v27 =	vadd.s32 v4, v26;
	s23 =	simm.s32 $0x9680  }
0x83a: {  	[tilespmem:s23], [sflag:$0x2] =	stream.indirect_vreg.gather [hbm4b:s21+s3], $0x80, v19, vm0, $0xb8;
	[tilespmem:$0xC680] =	vst v63  }
0x83b: {  	v29 =	vperm.xlane v18, v12;
	s18 =	simm.s32 $0x9700;
	v19 =	vadd.s32 v4, v28  }
0x83c: {  	[tilespmem:s18], [sflag:$0x2] =	stream.indirect_vreg.gather [hbm4b:s21+s3], $0x80, v25, vm0, $0xb8;
	[tilespmem:$0xC680] =	vst v63  }
0x83d: {  	v31 =	vperm.xlane v18, v13;
	v30 =	vadd.s32 v4, v29;
	s20 =	simm.s32 $0x9780  }
0x83e: {  	[tilespmem:s20], [sflag:$0x2] =	stream.indirect_vreg.gather [hbm4b:s21+s3], $0x80, v27, vm0, $0xb8;
	[tilespmem:$0xC680] =	vst v63  }
0x83f: {  	v33 =	vperm.xlane v18, v14;
	v32 =	vadd.s32 v4, v31;
	s22 =	simm.s32 $0x9800  }
0x840: {  	[tilespmem:s22], [sflag:$0x2] =	stream.indirect_vreg.gather [hbm4b:s21+s3], $0x80, v19, vm0, $0xb8;
	[tilespmem:$0xC680] =	vst v63  }
0x841: {  	v34 =	vperm.xlane v18, v15;
	s23 =	simm.s32 $0x9880;
	v19 =	vadd.s32 v4, v33  }
0x842: {  	[tilespmem:s23], [sflag:$0x2] =	stream.indirect_vreg.gather [hbm4b:s21+s3], $0x80, v30, vm0, $0xb8;
	[tilespmem:$0xC680] =	vst v63  }
0x843: {  	v36 =	vperm.xlane v18, v16;
	v35 =	vadd.s32 v4, v34;
	s18 =	simm.s32 $0x9900  }
0x844: {  	[tilespmem:s18], [sflag:$0x2] =	stream.indirect_vreg.gather [hbm4b:s21+s3], $0x80, v32, vm0, $0xb8;
	[tilespmem:$0xC680] =	vst v63  }
0x845: {  	v18 =	vperm.xlane v18, v17;
	v37 =	vadd.s32 v4, v36;
	s20 =	simm.s32 $0x9980  }
0x846: {  	[tilespmem:s20], [sflag:$0x2] =	stream.indirect_vreg.gather [hbm4b:s21+s3], $0x80, v19, vm0, $0xb8;
	[tilespmem:$0xC680] =	vst v63  }
0x847: {  	v18 =	vadd.s32 v4, v18;
	s22 =	simm.s32 $0x9A00  }
0x848: {  	[tilespmem:s22], [sflag:$0x2] =	stream.indirect_vreg.gather [hbm4b:s21+s3], $0x80, v35, vm0, $0xb8;
	[tilespmem:$0xC680] =	vst v63  }
0x849: {  	s23 =	simm.s32 $0x9A80  }
0x84a: {  	[tilespmem:s23], [sflag:$0x2] =	stream.indirect_vreg.gather [hbm4b:s21+s3], $0x80, v37, vm0, $0xb8;
	[tilespmem:$0xC680] =	vst v63  }
0x84b: {  	s18 =	simm.s32 $0x9B00  }
0x84c: {  	[tilespmem:s18], [sflag:$0x2] =	stream.indirect_vreg.gather [hbm4b:s21+s3], $0x80, v18, vm0, $0xb8;
	[tilespmem:$0xC680] =	vst v63  }
0x84d: {  	v18 =	vld [tilespmem:$0x3350];
	_ =	sdelay $0x4  }
0x84e: {  	v19 =	vshrl.u32 v18, $0x3  }
0x84f: {  	v19 =	vmul.u32 $0x38, v19  }
0x850: {  	v18 =	vand.u32 $0x7, v18  }
0x851: {  	v18 =	vor.u32 v18, v19  }
0x852: {  	v19 =	vperm.xlane v18, v0;
	_ =	sdelay $0x1  }
0x853: {  	v38 =	vperm.xlane v18, v5;
	v19 =	vadd.s32 v4, v19;
	_ =	sdelay $0x1  }
0x854: {  	v39 =	vperm.xlane v18, v6;
	v20 =	vadd.s32 v4, v38;
	_ =	sdelay $0x1  }
0x855: {  	s20 =	simm.s32 $0x9B80;
	v40 =	vperm.xlane v18, v2;
	v21 =	vadd.s32 v4, v39  }
0x856: {  	[tilespmem:s20], [sflag:$0x2] =	stream.indirect_vreg.gather [hbm4b:s21+s3], $0x80, v19, vm0, $0xb8;
	[tilespmem:$0xC680] =	vst v63  }
0x857: {  	s22 =	simm.s32 $0x9C00;
	v41 =	vperm.xlane v18, v7;
	v19 =	vadd.s32 v4, v40  }
0x858: {  	[tilespmem:s22], [sflag:$0x2] =	stream.indirect_vreg.gather [hbm4b:s21+s3], $0x80, v20, vm0, $0xb8;
	[tilespmem:$0xC680] =	vst v63  }
0x859: {  	s23 =	simm.s32 $0x9C80;
	v43 =	vperm.xlane v18, v8;
	v42 =	vadd.s32 v4, v41  }
0x85a: {  	[tilespmem:s23], [sflag:$0x2] =	stream.indirect_vreg.gather [hbm4b:s21+s3], $0x80, v21, vm0, $0xb8;
	[tilespmem:$0xC680] =	vst v63  }
0x85b: {  	s18 =	simm.s32 $0x9D00;
	v45 =	vperm.xlane v18, v9;
	v44 =	vadd.s32 v4, v43  }
0x85c: {  	[tilespmem:s18], [sflag:$0x2] =	stream.indirect_vreg.gather [hbm4b:s21+s3], $0x80, v19, vm0, $0xb8;
	[tilespmem:$0xC680] =	vst v63  }
0x85d: {  	v46 =	vperm.xlane v18, v3;
	s20 =	simm.s32 $0x9D80;
	v19 =	vadd.s32 v4, v45  }
0x85e: {  	[tilespmem:s20], [sflag:$0x2] =	stream.indirect_vreg.gather [hbm4b:s21+s3], $0x80, v42, vm0, $0xb8;
	[tilespmem:$0xC680] =	vst v63  }
0x85f: {  	v48 =	vperm.xlane v18, v10;
	v47 =	vadd.s32 v4, v46;
	s22 =	simm.s32 $0x9E00  }
0x860: {  	[tilespmem:s22], [sflag:$0x2] =	stream.indirect_vreg.gather [hbm4b:s21+s3], $0x80, v44, vm0, $0xb8;
	[tilespmem:$0xC680] =	vst v63  }
0x861: {  	v50 =	vperm.xlane v18, v11;
	v49 =	vadd.s32 v4, v48;
	s23 =	simm.s32 $0x9E80  }
0x862: {  	[tilespmem:s23], [sflag:$0x2] =	stream.indirect_vreg.gather [hbm4b:s21+s3], $0x80, v19, vm0, $0xb8;
	[tilespmem:$0xC680] =	vst v63  }
0x863: {  	v51 =	vperm.xlane v18, v12;
	s18 =	simm.s32 $0x9F00;
	v19 =	vadd.s32 v4, v50  }
0x864: {  	[tilespmem:s18], [sflag:$0x2] =	stream.indirect_vreg.gather [hbm4b:s21+s3], $0x80, v47, vm0, $0xb8;
	[tilespmem:$0xC680] =	vst v63  }
0x865: {  	v53 =	vperm.xlane v18, v13;
	v52 =	vadd.s32 v4, v51;
	s20 =	simm.s32 $0x9F80  }
0x866: {  	[tilespmem:s20], [sflag:$0x2] =	stream.indirect_vreg.gather [hbm4b:s21+s3], $0x80, v49, vm0, $0xb8;
	[tilespmem:$0xC680] =	vst v63  }
0x867: {  	v55 =	vperm.xlane v18, v14;
	v54 =	vadd.s32 v4, v53;
	s22 =	simm.s32 $0xA000  }
0x868: {  	[tilespmem:s22], [sflag:$0x2] =	stream.indirect_vreg.gather [hbm4b:s21+s3], $0x80, v19, vm0, $0xb8;
	[tilespmem:$0xC680] =	vst v63  }
0x869: {  	v56 =	vperm.xlane v18, v15;
	s23 =	simm.s32 $0xA080;
	v19 =	vadd.s32 v4, v55  }
0x86a: {  	[tilespmem:s23], [sflag:$0x2] =	stream.indirect_vreg.gather [hbm4b:s21+s3], $0x80, v52, vm0, $0xb8;
	[tilespmem:$0xC680] =	vst v63  }
0x86b: {  	v58 =	vperm.xlane v18, v16;
	v57 =	vadd.s32 v4, v56;
	s18 =	simm.s32 $0xA100  }
0x86c: {  	[tilespmem:s18], [sflag:$0x2] =	stream.indirect_vreg.gather [hbm4b:s21+s3], $0x80, v54, vm0, $0xb8;
	[tilespmem:$0xC680] =	vst v63  }
0x86d: {  	v18 =	vperm.xlane v18, v17;
	v59 =	vadd.s32 v4, v58;
	s20 =	simm.s32 $0xA180  }
0x86e: {  	[tilespmem:s20], [sflag:$0x2] =	stream.indirect_vreg.gather [hbm4b:s21+s3], $0x80, v19, vm0, $0xb8;
	[tilespmem:$0xC680] =	vst v63  }
0x86f: {  	v18 =	vadd.s32 v4, v18;
	s22 =	simm.s32 $0xA200  }
0x870: {  	[tilespmem:s22], [sflag:$0x2] =	stream.indirect_vreg.gather [hbm4b:s21+s3], $0x80, v57, vm0, $0xb8;
	[tilespmem:$0xC680] =	vst v63  }
0x871: {  	s23 =	simm.s32 $0xA280  }
0x872: {  	[tilespmem:s23], [sflag:$0x2] =	stream.indirect_vreg.gather [hbm4b:s21+s3], $0x80, v59, vm0, $0xb8;
	[tilespmem:$0xC680] =	vst v63  }
0x873: {  	s18 =	simm.s32 $0xA300  }
0x874: {  	[tilespmem:s18], [sflag:$0x2] =	stream.indirect_vreg.gather [hbm4b:s21+s3], $0x80, v18, vm0, $0xb8;
	[tilespmem:$0xC680] =	vst v63  }
0x875: {  	v18 =	vld [tilespmem:$0x3360];
	_ =	sdelay $0x4  }
0x876: {  	v19 =	vshrl.u32 v18, $0x3  }
0x877: {  	v19 =	vmul.u32 $0x38, v19  }
0x878: {  	v18 =	vand.u32 $0x7, v18  }
0x879: {  	v18 =	vor.u32 v18, v19  }
0x87a: {  	v19 =	vperm.xlane v18, v0;
	_ =	sdelay $0x1  }
0x87b: {  	v60 =	vperm.xlane v18, v5;
	v19 =	vadd.s32 v4, v19;
	_ =	sdelay $0x1  }
0x87c: {  	v61 =	vperm.xlane v18, v6;
	v20 =	vadd.s32 v4, v60;
	_ =	sdelay $0x1  }
0x87d: {  	s20 =	simm.s32 $0xA380;
	v62 =	vperm.xlane v18, v2;
	v21 =	vadd.s32 v4, v61  }
0x87e: {  	[tilespmem:s20], [sflag:$0x2] =	stream.indirect_vreg.gather [hbm4b:s21+s3], $0x80, v19, vm0, $0xb8;
	[tilespmem:$0xC680] =	vst v63  }
0x87f: {  	s22 =	simm.s32 $0xA400;
	v63 =	vperm.xlane v18, v7;
	v19 =	vadd.s32 v4, v62  }
0x880: {  	[tilespmem:s22], [sflag:$0x2] =	stream.indirect_vreg.gather [hbm4b:s21+s3], $0x80, v20, vm0, $0xb8;
	[tilespmem:$0xC680] =	vst v63  }
0x881: {  	s23 =	simm.s32 $0xA480;
	v25 =	vperm.xlane v18, v8;
	v24 =	vadd.s32 v4, v63  }
0x882: {  	[tilespmem:s23], [sflag:$0x2] =	stream.indirect_vreg.gather [hbm4b:s21+s3], $0x80, v21, vm0, $0xb8;
	[tilespmem:$0xC680] =	vst v63  }
0x883: {  	s18 =	simm.s32 $0xA500;
	v27 =	vperm.xlane v18, v9;
	v26 =	vadd.s32 v4, v25  }
0x884: {  	[tilespmem:s18], [sflag:$0x2] =	stream.indirect_vreg.gather [hbm4b:s21+s3], $0x80, v19, vm0, $0xb8;
	[tilespmem:$0xC680] =	vst v63  }
0x885: {  	v28 =	vperm.xlane v18, v3;
	s20 =	simm.s32 $0xA580;
	v19 =	vadd.s32 v4, v27  }
0x886: {  	[tilespmem:s20], [sflag:$0x2] =	stream.indirect_vreg.gather [hbm4b:s21+s3], $0x80, v24, vm0, $0xb8;
	[tilespmem:$0xC680] =	vst v63  }
0x887: {  	v30 =	vperm.xlane v18, v10;
	v29 =	vadd.s32 v4, v28;
	s22 =	simm.s32 $0xA600  }
0x888: {  	[tilespmem:s22], [sflag:$0x2] =	stream.indirect_vreg.gather [hbm4b:s21+s3], $0x80, v26, vm0, $0xb8;
	[tilespmem:$0xC680] =	vst v63  }
0x889: {  	v32 =	vperm.xlane v18, v11;
	v31 =	vadd.s32 v4, v30;
	s23 =	simm.s32 $0xA680  }
0x88a: {  	[tilespmem:s23], [sflag:$0x2] =	stream.indirect_vreg.gather [hbm4b:s21+s3], $0x80, v19, vm0, $0xb8;
	[tilespmem:$0xC680] =	vst v63  }
0x88b: {  	v33 =	vperm.xlane v18, v12;
	s18 =	simm.s32 $0xA700;
	v19 =	vadd.s32 v4, v32  }
0x88c: {  	[tilespmem:s18], [sflag:$0x2] =	stream.indirect_vreg.gather [hbm4b:s21+s3], $0x80, v29, vm0, $0xb8;
	[tilespmem:$0xC680] =	vst v63  }
0x88d: {  	v35 =	vperm.xlane v18, v13;
	v34 =	vadd.s32 v4, v33;
	s20 =	simm.s32 $0xA780  }
0x88e: {  	[tilespmem:s20], [sflag:$0x2] =	stream.indirect_vreg.gather [hbm4b:s21+s3], $0x80, v31, vm0, $0xb8;
	[tilespmem:$0xC680] =	vst v63  }
0x88f: {  	v37 =	vperm.xlane v18, v14;
	v36 =	vadd.s32 v4, v35;
	s22 =	simm.s32 $0xA800  }
0x890: {  	[tilespmem:s22], [sflag:$0x2] =	stream.indirect_vreg.gather [hbm4b:s21+s3], $0x80, v19, vm0, $0xb8;
	[tilespmem:$0xC680] =	vst v63  }
0x891: {  	v38 =	vperm.xlane v18, v15;
	s23 =	simm.s32 $0xA880;
	v19 =	vadd.s32 v4, v37  }
0x892: {  	[tilespmem:s23], [sflag:$0x2] =	stream.indirect_vreg.gather [hbm4b:s21+s3], $0x80, v34, vm0, $0xb8;
	[tilespmem:$0xC680] =	vst v63  }
0x893: {  	v40 =	vperm.xlane v18, v16;
	v39 =	vadd.s32 v4, v38;
	s18 =	simm.s32 $0xA900  }
0x894: {  	[tilespmem:s18], [sflag:$0x2] =	stream.indirect_vreg.gather [hbm4b:s21+s3], $0x80, v36, vm0, $0xb8;
	[tilespmem:$0xC680] =	vst v63  }
0x895: {  	v18 =	vperm.xlane v18, v17;
	v41 =	vadd.s32 v4, v40;
	s20 =	simm.s32 $0xA980  }
0x896: {  	[tilespmem:s20], [sflag:$0x2] =	stream.indirect_vreg.gather [hbm4b:s21+s3], $0x80, v19, vm0, $0xb8;
	[tilespmem:$0xC680] =	vst v63  }
0x897: {  	v18 =	vadd.s32 v4, v18;
	s22 =	simm.s32 $0xAA00  }
0x898: {  	[tilespmem:s22], [sflag:$0x2] =	stream.indirect_vreg.gather [hbm4b:s21+s3], $0x80, v39, vm0, $0xb8;
	[tilespmem:$0xC680] =	vst v63  }
0x899: {  	s23 =	simm.s32 $0xAA80  }
0x89a: {  	[tilespmem:s23], [sflag:$0x2] =	stream.indirect_vreg.gather [hbm4b:s21+s3], $0x80, v41, vm0, $0xb8;
	[tilespmem:$0xC680] =	vst v63  }
0x89b: {  	s18 =	simm.s32 $0xAB00  }
0x89c: {  	[tilespmem:s18], [sflag:$0x2] =	stream.indirect_vreg.gather [hbm4b:s21+s3], $0x80, v18, vm0, $0xb8;
	[tilespmem:$0xC680] =	vst v63  }
0x89d: {  	v18 =	vld [tilespmem:$0x3370];
	_ =	sdelay $0x4  }
0x89e: {  	v19 =	vshrl.u32 v18, $0x3  }
0x89f: {  	v19 =	vmul.u32 $0x38, v19  }
0x8a0: {  	v18 =	vand.u32 $0x7, v18  }
0x8a1: {  	v18 =	vor.u32 v18, v19  }
0x8a2: {  	v19 =	vperm.xlane v18, v0;
	_ =	sdelay $0x1  }
0x8a3: {  	v42 =	vperm.xlane v18, v5;
	v19 =	vadd.s32 v4, v19;
	_ =	sdelay $0x1  }
0x8a4: {  	v43 =	vperm.xlane v18, v6;
	v20 =	vadd.s32 v4, v42;
	_ =	sdelay $0x1  }
0x8a5: {  	s20 =	simm.s32 $0xAB80;
	v44 =	vperm.xlane v18, v2;
	v21 =	vadd.s32 v4, v43  }
0x8a6: {  	[tilespmem:s20], [sflag:$0x2] =	stream.indirect_vreg.gather [hbm4b:s21+s3], $0x80, v19, vm0, $0xb8;
	[tilespmem:$0xC680] =	vst v63  }
0x8a7: {  	s22 =	simm.s32 $0xAC00;
	v45 =	vperm.xlane v18, v7;
	v19 =	vadd.s32 v4, v44  }
0x8a8: {  	[tilespmem:s22], [sflag:$0x2] =	stream.indirect_vreg.gather [hbm4b:s21+s3], $0x80, v20, vm0, $0xb8;
	[tilespmem:$0xC680] =	vst v63  }
0x8a9: {  	s23 =	simm.s32 $0xAC80;
	v47 =	vperm.xlane v18, v8;
	v46 =	vadd.s32 v4, v45  }
0x8aa: {  	[tilespmem:s23], [sflag:$0x2] =	stream.indirect_vreg.gather [hbm4b:s21+s3], $0x80, v21, vm0, $0xb8;
	[tilespmem:$0xC680] =	vst v63  }
0x8ab: {  	s18 =	simm.s32 $0xAD00;
	v49 =	vperm.xlane v18, v9;
	v48 =	vadd.s32 v4, v47  }
0x8ac: {  	[tilespmem:s18], [sflag:$0x2] =	stream.indirect_vreg.gather [hbm4b:s21+s3], $0x80, v19, vm0, $0xb8;
	[tilespmem:$0xC680] =	vst v63  }
0x8ad: {  	v50 =	vperm.xlane v18, v3;
	s20 =	simm.s32 $0xAD80;
	v19 =	vadd.s32 v4, v49  }
0x8ae: {  	[tilespmem:s20], [sflag:$0x2] =	stream.indirect_vreg.gather [hbm4b:s21+s3], $0x80, v46, vm0, $0xb8;
	[tilespmem:$0xC680] =	vst v63  }
0x8af: {  	v52 =	vperm.xlane v18, v10;
	v51 =	vadd.s32 v4, v50;
	s22 =	simm.s32 $0xAE00  }
0x8b0: {  	[tilespmem:s22], [sflag:$0x2] =	stream.indirect_vreg.gather [hbm4b:s21+s3], $0x80, v48, vm0, $0xb8;
	[tilespmem:$0xC680] =	vst v63  }
0x8b1: {  	v54 =	vperm.xlane v18, v11;
	v53 =	vadd.s32 v4, v52;
	s23 =	simm.s32 $0xAE80  }
0x8b2: {  	[tilespmem:s23], [sflag:$0x2] =	stream.indirect_vreg.gather [hbm4b:s21+s3], $0x80, v19, vm0, $0xb8;
	[tilespmem:$0xC680] =	vst v63  }
0x8b3: {  	v55 =	vperm.xlane v18, v12;
	s18 =	simm.s32 $0xAF00;
	v19 =	vadd.s32 v4, v54  }
0x8b4: {  	[tilespmem:s18], [sflag:$0x2] =	stream.indirect_vreg.gather [hbm4b:s21+s3], $0x80, v51, vm0, $0xb8;
	[tilespmem:$0xC680] =	vst v63  }
0x8b5: {  	v57 =	vperm.xlane v18, v13;
	v56 =	vadd.s32 v4, v55;
	s20 =	simm.s32 $0xAF80  }
0x8b6: {  	[tilespmem:s20], [sflag:$0x2] =	stream.indirect_vreg.gather [hbm4b:s21+s3], $0x80, v53, vm0, $0xb8;
	[tilespmem:$0xC680] =	vst v63  }
0x8b7: {  	v59 =	vperm.xlane v18, v14;
	v58 =	vadd.s32 v4, v57;
	s22 =	simm.s32 $0xB000  }
0x8b8: {  	[tilespmem:s22], [sflag:$0x2] =	stream.indirect_vreg.gather [hbm4b:s21+s3], $0x80, v19, vm0, $0xb8;
	[tilespmem:$0xC680] =	vst v63  }
0x8b9: {  	v60 =	vperm.xlane v18, v15;
	s23 =	simm.s32 $0xB080;
	v19 =	vadd.s32 v4, v59  }
0x8ba: {  	[tilespmem:s23], [sflag:$0x2] =	stream.indirect_vreg.gather [hbm4b:s21+s3], $0x80, v56, vm0, $0xb8;
	[tilespmem:$0xC680] =	vst v63  }
0x8bb: {  	v62 =	vperm.xlane v18, v16;
	v61 =	vadd.s32 v4, v60;
	s18 =	simm.s32 $0xB100  }
0x8bc: {  	[tilespmem:s18], [sflag:$0x2] =	stream.indirect_vreg.gather [hbm4b:s21+s3], $0x80, v58, vm0, $0xb8;
	[tilespmem:$0xC680] =	vst v63  }
0x8bd: {  	v18 =	vperm.xlane v18, v17;
	v63 =	vadd.s32 v4, v62;
	s20 =	simm.s32 $0xB180  }
0x8be: {  	[tilespmem:s20], [sflag:$0x2] =	stream.indirect_vreg.gather [hbm4b:s21+s3], $0x80, v19, vm0, $0xb8;
	[tilespmem:$0xC680] =	vst v63  }
0x8bf: {  	v18 =	vadd.s32 v4, v18;
	s22 =	simm.s32 $0xB200  }
0x8c0: {  	[tilespmem:s22], [sflag:$0x2] =	stream.indirect_vreg.gather [hbm4b:s21+s3], $0x80, v61, vm0, $0xb8;
	[tilespmem:$0xC680] =	vst v63  }
0x8c1: {  	s23 =	simm.s32 $0xB280  }
0x8c2: {  	[tilespmem:s23], [sflag:$0x2] =	stream.indirect_vreg.gather [hbm4b:s21+s3], $0x80, v63, vm0, $0xb8;
	[tilespmem:$0xC680] =	vst v63  }
0x8c3: {  	s18 =	simm.s32 $0xB300  }
0x8c4: {  	[tilespmem:s18], [sflag:$0x2] =	stream.indirect_vreg.gather [hbm4b:s21+s3], $0x80, v18, vm0, $0xb8;
	[tilespmem:$0xC680] =	vst v63  }
0x8c5: {  	_ =	swait.ge [sflag:s6], $0x4000  }
0x8c6: {  	[sflag:s6] =	ssyncset.done $0x0  }
0x8c7: {  	s20 =	rddreg [dreg:$0x10];
	[sflag:s6] =	ssyncadd.s32 $0xFFFFC000  }
0x8c8: {  	[hbm4b:s20+s0] =	stream.strided.scatter [tilespmem:s24], [sflag:$0x3], $0x4000, s10, s0, $0x38;
	[tilespmem:$0xC680] =	vst v63  }
0x8c9: {  	_ =	swait.ge [sflag:s28], $0x4000  }
0x8ca: {  	[sflag:s28] =	ssyncset.done $0x0  }
0x8cb: {  	s23 =	simm.s32 $0x3300;
	s22 =	rddreg [dreg:$0x5];
	[sflag:s28] =	ssyncadd.s32 $0xFFFFC000  }
0x8cc: {  	[tilespmem:s24], [sflag:$0x1] =	stream.indirect.gather [hbm4b:s22+s31], $0x80, s23, s31, $0xb8;
	[tilespmem:$0xC680] =	vst v63  }
0x8cd: {  	_ =	swait.ge [sflag:s13], $0x4000  }
0x8ce: {  	[sflag:s13] =	ssyncset.done $0x0  }
0x8cf: {  	s20 =	rddreg [dreg:$0x11];
	[sflag:s13] =	ssyncadd.s32 $0xFFFFC000  }
0x8d0: {  	[hbm4b:s20+s0] =	stream.strided.scatter [tilespmem:s4], [sflag:$0x3], $0x4000, s10, s0, $0x38;
	[tilespmem:$0xC680] =	vst v63  }
0x8d1: {  	_ =	swait.ge [sflag:s28], $0x4000  }
0x8d2: {  	[sflag:s28] =	ssyncset.done $0x0  }
0x8d3: {  	[sflag:s28] =	ssyncadd.s32 $0xFFFFC000  }
0x8d4: {  	_ =	swait.ge [sflag:s6], $0x4000  }
0x8d5: {  	[sflag:s6] =	ssyncset.done $0x0  }
0x8d6: {  	s22 =	rddreg [dreg:$0x12];
	[sflag:s6] =	ssyncadd.s32 $0xFFFFC000  }
0x8d7: {  	[hbm4b:s22+s0] =	stream.strided.scatter [tilespmem:s24], [sflag:$0x3], $0x4000, s10, s0, $0x38;
	[tilespmem:$0xC680] =	vst v63  }
0x8d8: {  	_ =	swait.ge [sflag:s28], $0x4000  }
0x8d9: {  	s14 =	sadd.s32 $0x1, s14;
	s23 =	rddreg [dreg:$0x13]  }
0x8da: {  	p0 =	sne.s32 s14, s23  }
.Ltmp8:
0x8db: {  	_ = 	snop;
	(pc) =	sbr.rel @p0 .LBB2_1-.Ltmp8, $3  }
0x8dc: {  	_ =	sdelay $0x1  }
0x8dd: {  	[sflag:s28] =	ssyncset.done $0x0  }
0x8de: {  	[sflag:s28] =	ssyncadd.s32 $0xFFFFC000  }
0x8df: {  	_ =	sfence.sel $0x180000  }
0x8e0: {  	[bflag:$0x0] =	sbarrier.arrive $0xFFFF  }
0x8e1: {  	_ =	strace $0x9000004A  }
0x8e2: {  	[bflag:$0x2] =	sbarrier.arrive $0xFFFF  }
0x8e3: {  	p0 =	sne.s32 s1, $0x0;
	s0 =	rddreg [dreg:$0x4]  }
0x8e4: {  	s0 =	sadd.s32 @!p0 $0x100000, s0  }
0x8e5: {  	[sflag:s0] =	ssyncadd.tile.s32 @!p0 $0x1;
	_ =	shalt  }
.Lfunc_end2:
_tile_overlayer_lowered:
.L_overlay_start_2:
0x8e6: {  	(tag) =	ssettag $0x2  }
0x8e7: {  	s0 =	rddreg [dreg:$0x0];
	s2 =	stileid.u32  }
0x8e8: {  	s1 =	rddreg [dreg:$0x1];
	p0 =	sne.s32 s2, $0x0  }
0x8e9: {  	s3 =	rddreg [dreg:$0x2];
	[bflag:$0x3] =	sbarrier.arrive $0xFFFF;
	s2 =	simm.s32 @!p0 $0x1C03  }
0x8ea: {  	[timem:s3], [sflag:s2] =	dma.local @!p0 [hbm:s0], s1  }
0x8eb: {  	s0 =	simm.s32 @!p0 $0x3  }
0x8ec: {  	_ =	swait.ge @!p0 [sflag:s0], s1  }
0x8ed: {  	s1 =	ssub.s32 @!p0 $0x0, s1;
	[sflag:s0] =	ssyncset.done @!p0 $0x0  }
0x8ee: {  	[sflag:s0] =	ssyncadd.s32 @!p0 s1  }
0x8ef: {  	[bflag:$0x3] =	sbarrier.arrive $0xFFFF  }
0x8f0: {  	_ =	shalt  }

// kernel: kernel.7.cloned.1.call-start
scs
__scs_entry_jumppad:
0x0: {  	(pc) =	sbr.rel $0x88, $3  }
0x1: {  	(tag) =	ssettag $0x0;
	lr =	simm.s32 $0x1  }
0x2: {  	[smem:$0x3F9F] =	sst lr;
	_ =	strace $0xD0000000  }
0x3: {  	_ = 	snop  }
0x4: {  	_ = 	snop  }
0x5: {  	_ = 	snop  }
0x6: {  	_ = 	snop  }
0x7: {  	_ = 	snop  }
__scs_overlays_trampoline_lowered:
0x8: {  	[smem:$0x3FAE] =	sst s0  }
0x9: {  	[smem:$0x3FAF] =	sst s1  }
0xa: {  	[smem:$0x3FB0] =	sst s2  }
0xb: {  	[smem:$0x3FB1] =	sst s3  }
0xc: {  	[smem:$0x3FB2] =	sst s4  }
0xd: {  	[smem:$0x3FB3] =	sst s5  }
0xe: {  	[smem:$0x3FB4] =	sst s6  }
0xf: {  	[smem:$0x3FB5] =	sst s7  }
0x10: {  	[smem:$0x3FB6] =	sst s8  }
0x11: {  	[smem:$0x3FB7] =	sst s9;
	s0 =	simm.s32 @!p0 $0x0  }
0x12: {  	s1 =	sld [smem:$0x3F9D];
	s0 =	simm.s32 @p0 $0x1  }
0x13: {  	[smem:$0x3FB8] =	sst s0;
	s0 =	simm.s32 @!p1 $0x0  }
0x14: {  	s2 =	sld [smem:$0x3F9C];
	s0 =	simm.s32 @p1 $0x1  }
0x15: {  	[smem:$0x3FB9] =	sst s0;
	s0 =	simm.s32 @!p2 $0x0  }
0x16: {  	s3 =	sld [smem:$0x3FDB];
	s0 =	simm.s32 @p2 $0x1  }
0x17: {  	s4 =	simm.s32 $0x1BF5;
	[smem:$0x3FBB] =	sst s0  }
0x18: {  	s0 =	sld [smem:$0x3F9E];
	_ =	swait.ge [sflag:s4], $0x0  }
0x19: {  	s7 =	sld [smem:$0x3F9F]  }
0x1a: {  	s8 =	sadd.s32 $0xFFFFE003, lr  }
0x1b: {  	s9 =	sadd.s32 $0xFFFFFEF7, lr;
	s5 =	simm.s32 $0xFFFFFFFF;
	p2 =	slt.u32 s8, $0xFFFFF086  }
0x1c: {  	p1 =	slt.u32 s9, $0xF7A;
	s5 =	simm.s32 @!p2 $0x0  }
0x1d: {  	s5 =	simm.s32 @p1 $0x1;
	p0 =	seq.s32 s7, s2  }
0x1e: {  	s7 =	smul.u32 @!p0 $0xF7A, s2;
	p2 =	seq.s32 @!p0 s5, $0x0  }
0x1f: {  	s9 =	smul.u32 $0xF7A, s1;
	s8 =	simm.s32 @!p0 $0x1BF5;
	p2 =	por !p2, p0  }
0x20: {  	[sflag:s8] =	ssyncset.s32 @!p0 $0xFFFFF086;
	s6 =	sadd.s32 @!p0 s3, s7;
	s7 =	simm.s32 @!p0 $0x108  }
0x21: {  	s3 =	sadd.s32 s3, s9;
	s6 =	sadd.s32 @!p0 $0x88, s6;
	s7 =	simm.s32 @p2 $0x1082  }
0x22: {  	[simem:s7], [sflag:s8] =	dma.local @!p0 [hbm:s6], $0xF7A  }
0x23: {  	s9 =	sor.u32 $0xD0000000, s2;
	s6 =	simm.s32 $0x108;
	_ =	swait.ge @!p0 [sflag:s8], $0x0  }
0x24: {  	s3 =	sadd.s32 $0x88, s3;
	s6 =	simm.s32 @!p1 $0x1082;
	[sflag:s4] =	ssyncset.s32 $0xFFFFF086  }
0x25: {  	[simem:s6], [sflag:s4] =	dma.local [hbm:s3], $0xF7A  }
0x26: {  	[smem:$0x3F9F] =	sst s1;
	(tag) =	ssettag s2;
	_ =	strace s9  }
0x27: {  	s1 =	sld [smem:$0x3FAF]  }
0x28: {  	s2 =	sld [smem:$0x3FB0]  }
0x29: {  	s4 =	sld [smem:$0x3FB2]  }
0x2a: {  	p0 =	seq.s32 s5, $0x0;
	s5 =	sld [smem:$0x3FB3]  }
0x2b: {  	s6 =	sld [smem:$0x3FB4]  }
0x2c: {  	s7 =	sld [smem:$0x3FB5]  }
0x2d: {  	s3 =	simm.s32 $0x108;
	s8 =	sld [smem:$0x3FB6]  }
0x2e: {  	s3 =	simm.s32 @!p0 $0x1082;
	s9 =	sld [smem:$0x3FB7]  }
0x2f: {  	lr =	sadd.s32 s0, s3;
	s0 =	sld [smem:$0x3FAE]  }
0x30: {  	s3 =	sld [smem:$0x3FB1]  }
0x31: {  	[smem:$0x3FBA] =	sst s10  }
0x32: {  	s10 =	sld [smem:$0x3FB8];
	_ =	sdelay $0x3  }
0x33: {  	p0 =	seq.s32 s10, $0x1;
	s10 =	sld [smem:$0x3FBA];
	_ =	sdelay $0x3  }
0x34: {  	[smem:$0x3FBA] =	sst s10  }
0x35: {  	s10 =	sld [smem:$0x3FB9];
	_ =	sdelay $0x3  }
0x36: {  	p1 =	seq.s32 s10, $0x1;
	s10 =	sld [smem:$0x3FBA];
	_ =	sdelay $0x3  }
0x37: {  	[smem:$0x3FBA] =	sst s10  }
0x38: {  	s10 =	sld [smem:$0x3FBB]  }
0x39: {  	_ = 	snop;
	(pc) =	sbr.ind lr, $3  }
0x3a: {  	_ = 	snop  }
0x3b: {  	_ = 	snop  }
0x3c: {  	p2 =	seq.s32 s10, $0x1;
	s10 =	sld [smem:$0x3FBA]  }
0x3d: {  	_ =	shalt  }
0x3e: {  	_ =	shalt  }
0x3f: {  	_ =	shalt  }
0x40: {  	_ =	shalt  }
0x41: {  	_ =	shalt  }
0x42: {  	_ =	shalt  }
0x43: {  	_ =	shalt  }
0x44: {  	_ =	shalt  }
0x45: {  	_ =	shalt  }
0x46: {  	_ =	shalt  }
0x47: {  	_ =	shalt  }
0x48: {  	_ =	shalt  }
0x49: {  	_ =	shalt  }
0x4a: {  	_ =	shalt  }
0x4b: {  	_ =	shalt  }
0x4c: {  	_ =	shalt  }
0x4d: {  	_ =	shalt  }
0x4e: {  	_ =	shalt  }
0x4f: {  	_ =	shalt  }
0x50: {  	_ =	shalt  }
0x51: {  	_ =	shalt  }
0x52: {  	_ =	shalt  }
0x53: {  	_ =	shalt  }
0x54: {  	_ =	shalt  }
0x55: {  	_ =	shalt  }
0x56: {  	_ =	shalt  }
0x57: {  	_ =	shalt  }
0x58: {  	_ =	shalt  }
0x59: {  	_ =	shalt  }
0x5a: {  	_ =	shalt  }
0x5b: {  	_ =	shalt  }
0x5c: {  	_ =	shalt  }
0x5d: {  	_ =	shalt  }
0x5e: {  	_ =	shalt  }
0x5f: {  	_ =	shalt  }
0x60: {  	_ =	shalt  }
0x61: {  	_ =	shalt  }
0x62: {  	_ =	shalt  }
0x63: {  	_ =	shalt  }
0x64: {  	_ =	shalt  }
0x65: {  	_ =	shalt  }
0x66: {  	_ =	shalt  }
0x67: {  	_ =	shalt  }
0x68: {  	_ =	shalt  }
0x69: {  	_ =	shalt  }
0x6a: {  	_ =	shalt  }
0x6b: {  	_ =	shalt  }
0x6c: {  	_ =	shalt  }
0x6d: {  	_ =	shalt  }
0x6e: {  	_ =	shalt  }
0x6f: {  	_ =	shalt  }
0x70: {  	_ =	shalt  }
0x71: {  	_ =	shalt  }
0x72: {  	_ =	shalt  }
0x73: {  	_ =	shalt  }
0x74: {  	_ =	shalt  }
0x75: {  	_ =	shalt  }
0x76: {  	_ =	shalt  }
0x77: {  	_ =	shalt  }
0x78: {  	_ =	shalt  }
0x79: {  	_ =	shalt  }
0x7a: {  	_ =	shalt  }
0x7b: {  	_ =	shalt  }
0x7c: {  	_ =	shalt  }
0x7d: {  	_ =	shalt  }
0x7e: {  	_ =	shalt  }
0x7f: {  	_ =	shalt  }
0x80: {  	_ =	shalt  }
0x81: {  	_ =	shalt  }
0x82: {  	_ =	shalt  }
0x83: {  	_ =	shalt  }
0x84: {  	_ =	shalt  }
0x85: {  	_ =	shalt  }
0x86: {  	_ =	shalt  }
0x87: {  	_ =	shalt  }
.Lfunc_end0:
.L_simem_size_0:
called_computation_lowered:
.L_overlay_start_0:
0x88: {  	s2 =	sld [smem:$0x3FD9]  }
0x89: {  	s3 =	sld [smem:$0x3FFE];
	_ =	sdelay $0x1  }
0x8a: {  	s1 =	srdreg.scid  }
0x8b: {  	s0 =	sand.u32 $0x1, s1  }
0x8c: {  	s17 =	sshll.u32 s0, $0xA;
	s2 =	sadd.s32 s3, s2  }
0x8d: {  	s2 =	sadd.s32 s2, s17  }
0x8e: {  	[smem:$0x3FC6] =	sst s2  }
0x8f: {  	_ = 	snop  }
0x90: {  	s2 =	sld [smem:$0x3FD0];
	(tm) =	ssettm $0x1  }
0x91: {  	s18 =	sld [smem:$0x3FFB];
	_ =	sdelay $0x3  }
0x92: {  	_ =	strace s18  }
0x93: {  	s3 =	sld [smem:$0x3FFC];
	_ =	sdelay $0x3  }
0x94: {  	_ =	strace s3  }
0x95: {  	s3 =	sld [smem:$0x3FFD];
	_ =	sdelay $0x3  }
0x96: {  	_ =	strace s3  }
0x97: {  	_ =	strace $0x8FFFFFFF  }
0x98: {  	s19 =	sld [smem:$0x3FDB];
	_ =	sdelay $0x1  }
0x99: {  	s4 =	simm.s32 $_scs_section_size  }
0x9a: {  	s5 =	simm.s32 $_size__tile_overlayer_lowered;
	s6 =	simm.s32 $_tile_overlayer_lowered  }
0x9b: {  	s22 =	simm.s32 $0x1BFF;
	s21 =	sshll.u32 s6, $0x1;
	s3 =	sadd.s32 s4, s19  }
0x9c: {  	s7 =	simm.s32 $0x0;
	s20 =	sshll.u32 s5, $0x1;
	s5 =	sadd.s32 s21, s3  }
0x9d: {  	[timem:s7], [sflag:s22] =	dma.local [hbm:s5], s20  }
0x9e: {  	_ =	swait.ge [sflag:s22], s20  }
0x9f: {  	s4 =	ssub.s32 $0x0, s20;
	[sflag:s22] =	ssyncset.done $0x0  }
0xa0: {  	[sflag:s22] =	ssyncadd.s32 s4;
	_ =	sdelay $0x1  }
0xa1: {  	s23 =	simm.s32 $0x1B8B  }
0xa2: {  	_ =	swait.ge [sflag:s23], $0x1  }
0xa3: {  	[sflag:s23] =	ssyncset.done $0x0  }
0xa4: {  	s25 =	simm.s32 $0x1B8E;
	s24 =	sld [smem:$0x3FFE];
	[sflag:s23] =	ssyncadd.s32 $0xFFFFFFFF  }
0xa5: {  	s26 =	simm.s32 $execute0_lowered;
	[smem:$0x3FD2] =	sst s25  }
0xa6: {  	s5 =	sshll.u32 s26, $0x1;
	_ =	strace $0x80000046;
	[dreg:$0x1] =	wrdreg $0xFFFFFFFF  }
0xa7: {  	s28 =	simm.s32 $_size_execute0_lowered;
	s3 =	sadd.s32 s3, s5;
	[dreg:$0x0] =	wrdreg $0x0  }
0xa8: {  	s5 =	sshll.u32 s28, $0x1;
	[dreg:$0x2] =	wrdreg s3  }
0xa9: {  	[dreg:$0x3] =	wrdreg s5  }
0xaa: {  	[dreg:$0x4] =	wrdreg $0xC0  }
0xab: {  	_ =	task [dreg:s7], $0x5FFFF  }
0xac: {  	[dreg:$0x1] =	wrdreg $0xFFFFFFFF  }
0xad: {  	[dreg:$0x0] =	wrdreg $0x60  }
0xae: {  	[dreg:$0x2] =	wrdreg s2  }
0xaf: {  	[dreg:$0x3] =	wrdreg s24  }
0xb0: {  	[dreg:$0x4] =	wrdreg $0xD1000  }
0xb1: {  	[dreg:$0x5] =	wrdreg $0x9  }
0xb2: {  	_ =	task.clear_ibuf [dreg:s7], $0x6FFFF;
	_ =	strace $0x90000046  }
0xb3: {  	s29 =	simm.s32 $0x9;
	_ =	strace $0x80000048  }
0xb4: {  	_ =	swait.ge [sflag:s29], $0x1  }
0xb5: {  	[sflag:s29] =	ssyncadd.s32 $0xFFFFFFFF  }
0xb6: {  	_ =	strace $0x90000048  }
0xb7: {  	_ =	sfence  }
0xb8: {  	s30 =	sld [smem:$0x0];
	_ =	sdelay $0x2  }
0xb9: {  	s31 =	sshll.u32 s1, $0xD;
	s1 =	sshrl.u32 s1, $0x2  }
0xba: {  	s3 =	sand.u32 $0x4000, s31;
	s1 =	sadd.s32 s1, s30  }
0xbb: {  	s0 =	sor.u32 s3, s0;
	s1 =	sshll.u32 s1, $0x11  }
0xbc: {  	s0 =	sor.u32 s1, s0  }
0xbd: {  	s0 =	sadd.s32 $0x8F2B, s0  }
0xbe: {  	[sflag:s0] =	ssyncadd.remote.s32 $0x1  }
0xbf: {  	_ =	sfence.sel $0xFFFF  }
0xc0: {  	[dreg:$0x0] =	wrdreg $0xFFFFFFFF;
	(pc) =	sbr.abs _section_cstart, $3  }
0xc1: {  	[dreg:$0x1] =	wrdreg $0xFFFFFFFF  }
0xc2: {  	_ =	task.clear_ibuf [dreg:s7], $0x2FFFF;
	_ =	strace $0x9FFFFFFF  }
0xc3: {  	(tm) =	ssettm $0x7FFFFFFF  }
tec
execute0_lowered:
.L_overlay_start_1:
0x0: {  	(tag) =	ssettag $0x1  }
0x1: {  	s5 =	rddreg [dreg:$0x0]  }
0x2: {  	s3 =	rddreg [dreg:$0x1];
	s0 =	srdreg.scid  }
0x3: {  	s8 =	stileid.u32;
	s1 =	rddreg [dreg:$0x2];
	s2 =	simm.s32 $0x0  }
0x4: {  	s11 =	simm.s32 $0xC400;
	s12 =	simm.s32 $0x1;
	s13 =	simm.s32 $0x0  }
0x5: {  	s4 =	sand.u32 $0x1, s0;
	s6 =	smul.u32 $0xC40, s8;
	s0 =	rddreg [dreg:$0x3]  }
0x6: {  	[smem:$0x7FF] =	sst s2;
	p0 =	sne.s32 s8, $0x0;
	s7 =	smul.u32 $0xC400, s4  }
0x7: {  	s9 =	sshll.u32 s4, $0x4;
	s4 =	ssub.s32 $0x2, s4;
	_ =	strace $0x80000047  }
0x8: {  	s9 =	sor.u32 s8, s9;
	s10 =	sshrl.u32 s4, $0x1;
	s7 =	sadd.s32 s6, s7  }
0x9: {  	s8 =	simm.s32 $0xC480;
	s9 =	smul.u32 $0x1880, s9;
	s7 =	sshrl.u32 s7, $0x3  }
0xa: {  	s10 =	ssub.s32 s4, s10;
	s4 =	sadd.s32 $0xC400, s1;
	s7 =	sadd.s32 s7, s3  }
0xb: {  	s3 =	sadd.s32 s6, s1;
	s5 =	sadd.s32 s5, s9;
	s9 =	simm.s32 $0x2  }
0xc: {  	v0 =	vimm.f32 $1.000000000e+00;
	v1 =	vimm.f32 $0.0e+00;
	s6 =	sadd.s32 $0xC00, s7;
	s7 =	smax.u32 s10, $0x1;
	s10 =	simm.s32 $0x80  }
.LBB2_1:
0xd: {  	[tilespmem:$0xC400] =	vst v0  }
0xe: {  	[tilespmem:$0xC410] =	vst v0  }
0xf: {  	[tilespmem:$0xC420] =	vst v0  }
0x10: {  	[tilespmem:$0xC430] =	vst v0  }
0x11: {  	[tilespmem:$0xC440] =	vst v0  }
0x12: {  	[tilespmem:$0xC450] =	vst v0  }
0x13: {  	[tilespmem:$0xC460] =	vst v0  }
0x14: {  	[tilespmem:$0xC470] =	vst v0;
	s14 =	simm.s32 $0x40;
	s15 =	simm.s32 $0x0  }
.LBB2_2:
0x15: {  	p1 =	sne.s32 s14, $0x30C0;
	[tilespmem:s15+$0xC480] =	vst v1;
	s15 =	smov.u32 s14;
	s14 =	sadd.s32 $0x40, s14  }
.Ltmp0:
0x16: {  	(pc) =	sbr.rel @p1 .LBB2_2-.Ltmp0, $2  }
0x17: {  	_ =	sdelay $0x2  }
0x18: {  	s15 =	sshra.s32 s15, $0x2  }
0x19: {  	[tilespmem:s15+$0xC480] =	vst v1  }
0x1a: {  	[spmem:s3] =	stream.linear.scatter [tilespmem:s8], [sflag:$0x2], $0xC40, $0x38;
	[tilespmem:$0xDD48] =	vst v63  }
0x1b: {  	_ =	swait.ge [sflag:s9], $0xC40  }
0x1c: {  	[sflag:s9] =	ssyncset.done $0x0  }
0x1d: {  	s14 =	simm.s32 @!p0 $0xC480;
	[sflag:s9] =	ssyncadd.s32 $0xFFFFF3C0  }
0x1e: {  	[spmem:s4] =	stream.linear.scatter @!p0 [tilespmem:s14], [sflag:$0x2], $0x10, $0x38;
	[tilespmem:$0xDD48] =	vst v63  }
0x1f: {  	s14 =	simm.s32 @!p0 $0x2  }
0x20: {  	_ =	swait.ge @!p0 [sflag:s14], $0x10  }
0x21: {  	[sflag:s14] =	ssyncset.done @!p0 $0x0  }
0x22: {  	[sflag:s14] =	ssyncadd.s32 @!p0 $0xFFFFFFF0  }
0x23: {  	s31 =	simm.s32 $0x0;
	[bflag:$0x0] =	sbarrier.arrive $0xFFFF  }
0x24: {  	[tilespmem:s31], [sflag:$0x2] =	stream.linear.gather [hbm4b:s5+s31], $0xC400, $0x38;
	[tilespmem:$0xDD48] =	vst v63  }
0x25: {  	_ =	swait.ge [sflag:s9], $0xC400  }
0x26: {  	[sflag:s9] =	ssyncset.done $0x0  }
0x27: {  	s15 =	simm.s32 $0x0;
	s14 =	simm.s32 $0x200;
	[sflag:s9] =	ssyncadd.s32 $0xFFFF3C00  }
.LBB2_4:
0x28: {  	[spmem:s1] =	stream.indirect.scatter.add.f32 [tilespmem:s11], [sflag:$0x1], $0x1, s15, s10, $0xb8;
	[tilespmem:$0xDD48] =	vst v63  }
0x29: {  	s15 =	smov.u32 s14;
	p1 =	sne.s32 s14, $0x30E00  }
.Ltmp1:
0x2a: {  	s14 =	sadd.s32 $0x200, s14;
	(pc) =	sbr.rel @p1 .LBB2_4-.Ltmp1, $2  }
0x2b: {  	_ =	sdelay $0x2  }
0x2c: {  	s15 =	sshra.s32 s15, $0x2  }
0x2d: {  	[spmem:s1] =	stream.indirect.scatter.add.f32 [tilespmem:s11], [sflag:$0x1], $0x1, s15, s10, $0xb8;
	[tilespmem:$0xDD48] =	vst v63  }
0x2e: {  	_ =	swait.ge [sflag:s12], $0xC400  }
0x2f: {  	[sflag:s12] =	ssyncset.done $0x0  }
0x30: {  	[sflag:s12] =	ssyncadd.s32 $0xFFFF3C00  }
0x31: {  	[bflag:$0x0] =	sbarrier.arrive $0xFFFF  }
0x32: {  	[tilespmem:s8], [sflag:$0x2] =	stream.linear.gather [spmem:s3], $0xC40, $0x38;
	[tilespmem:$0xDD48] =	vst v63  }
0x33: {  	s13 =	sadd.s32 $0x1, s13;
	_ =	swait.ge [sflag:s9], $0xC40  }
0x34: {  	p1 =	sne.s32 s13, s7;
	[sflag:s9] =	ssyncset.done $0x0  }
.Ltmp2:
0x35: {  	[sflag:s9] =	ssyncadd.s32 $0xFFFFF3C0;
	(pc) =	sbr.rel @p1 .LBB2_1-.Ltmp2, $4  }
0x36: {  	[hbm4b:s6+s2] =	stream.linear.scatter [tilespmem:s8], [sflag:$0x2], $0xC40, $0x38;
	[tilespmem:$0xDD48] =	vst v63  }
0x37: {  	_ =	swait.ge [sflag:s9], $0xC40  }
0x38: {  	[sflag:s9] =	ssyncset.done $0x0  }
0x39: {  	[sflag:s9] =	ssyncadd.s32 $0xFFFFF3C0  }
0x3a: {  	_ =	sfence.sel $0x180000  }
0x3b: {  	[bflag:$0x0] =	sbarrier.arrive $0xFFFF  }
0x3c: {  	_ =	strace $0x90000047  }
0x3d: {  	s0 =	sadd.s32 @!p0 $0x100000, s0;
	[bflag:$0x2] =	sbarrier.arrive $0xFFFF  }
0x3e: {  	[sflag:s0] =	ssyncadd.tile.s32 @!p0 $0x1;
	_ =	shalt  }
.Lfunc_end2:
_tile_overlayer_lowered:
.L_overlay_start_2:
0x3f: {  	(tag) =	ssettag $0x2  }
0x40: {  	s0 =	rddreg [dreg:$0x0];
	s2 =	stileid.u32  }
0x41: {  	s1 =	rddreg [dreg:$0x1];
	p0 =	sne.s32 s2, $0x0  }
0x42: {  	s3 =	rddreg [dreg:$0x2];
	[bflag:$0x3] =	sbarrier.arrive $0xFFFF;
	s2 =	simm.s32 @!p0 $0x1C02  }
0x43: {  	[timem:s3], [sflag:s2] =	dma.local @!p0 [hbm:s0], s1  }
0x44: {  	s0 =	simm.s32 @!p0 $0x2  }
0x45: {  	_ =	swait.ge @!p0 [sflag:s0], s1  }
0x46: {  	s1 =	ssub.s32 @!p0 $0x0, s1;
	[sflag:s0] =	ssyncset.done @!p0 $0x0  }
0x47: {  	[sflag:s0] =	ssyncadd.s32 @!p0 s1  }
0x48: {  	[bflag:$0x3] =	sbarrier.arrive $0xFFFF  }
0x49: {  	_ =	shalt  }

</sc_bundles>
